<compile_context>
chip_gen: v7x
topology: tpu7x:2x2x1
jax: 0.10.2.dev20260603
libtpu: 0.0.44.dev20260713+nightly
codegen_flags: <defaults>
</compile_context>

<pallas_src>
import functools

import jax
import jax.numpy as jnp
from jax import lax
from jax.experimental import pallas as pl
from jax.experimental.pallas import tpu as pltpu
from jax.experimental.pallas import tpu_sc as plsc

N_FACES = 10000
DIM = 192
N_EDGES = 320000
CODEBOOK_SIZE = 1024
NUM_QUANTIZERS = 2

NC = 2
NS = 16
NW = NC * NS

CHUNK = 128
E_PAD = 327680
EPT = E_PAD // NW
EPT_SC = E_PAD // NS
ROWS = 10240
RPT = ROWS // NS
PAD_DST = ROWS - 8
CNTW = 16
HALF = DIM // NC

BLK = 1000
GRID = N_FACES // BLK


NSLOT = 5
NCH = EPT_SC // CHUNK


@functools.lru_cache(maxsize=1)
def _make_sc_segment_sum():
  mesh = plsc.VectorSubcoreMesh(core_axis_name="c", subcore_axis_name="s")

  @functools.partial(
      pl.kernel,
      out_type=jax.ShapeDtypeStruct((NC * ROWS, HALF), jnp.float32),
      mesh=mesh,
      scratch_types=(
          [pltpu.VMEM((CHUNK,), jnp.int32) for _ in range(2 * NSLOT)]
          + [pltpu.VMEM((CHUNK, HALF), jnp.float32) for _ in range(NSLOT)]
          + [pltpu.VMEM_SHARED((ROWS, HALF), jnp.float32)]
          + [pltpu.SemaphoreType.DMA for _ in range(3 * NSLOT)]),
      compiler_params=pltpu.CompilerParams(use_tc_tiling_on_sc=False),
  )
  def agg_kernel(x_hbm, src_hbm, dst_hbm, zero_hbm, out_hbm, *rest):
    sidx = rest[:NSLOT]
    didx = rest[NSLOT:2 * NSLOT]
    bufs = rest[2 * NSLOT:3 * NSLOT]
    acc_sh = rest[3 * NSLOT]
    isem = rest[3 * NSLOT + 1:3 * NSLOT + 1 + NSLOT]
    gsem = rest[3 * NSLOT + 1 + NSLOT:3 * NSLOT + 1 + 2 * NSLOT]
    ssem = rest[3 * NSLOT + 1 + 2 * NSLOT:]
    c = lax.axis_index("c")
    s = lax.axis_index("s")

    pltpu.sync_copy(zero_hbm, bufs[0])
    for z in range(RPT // CHUNK):
      pltpu.sync_copy(bufs[0], acc_sh.at[pl.ds(s * RPT + z * CHUNK, CHUNK)])
    plsc.subcore_barrier()

    def iissue(i, b):
      pltpu.async_copy(
          src_hbm.at[pl.ds(c * E_PAD + s * EPT_SC + i * CHUNK, CHUNK)],
          sidx[b], isem[b])
      pltpu.async_copy(
          dst_hbm.at[pl.ds(s * EPT_SC + i * CHUNK, CHUNK)], didx[b], isem[b])

    def iwait(i, b):
      pltpu.make_async_copy(
          src_hbm.at[pl.ds(c * E_PAD + s * EPT_SC + i * CHUNK, CHUNK)],
          sidx[b], isem[b]).wait()
      pltpu.make_async_copy(
          dst_hbm.at[pl.ds(s * EPT_SC + i * CHUNK, CHUNK)],
          didx[b], isem[b]).wait()

    def gissue(b):
      pltpu.async_copy(x_hbm.at[sidx[b]], bufs[b], gsem[b])

    def gwait(b):
      pltpu.make_async_copy(x_hbm.at[sidx[b]], bufs[b], gsem[b]).wait()

    def sissue(b):
      pltpu.async_copy(bufs[b], acc_sh.at[didx[b]], ssem[b], add=True)

    def swait(b):
      pltpu.make_async_copy(bufs[b], acc_sh.at[didx[b]], ssem[b]).wait()

    def step(i, iv):
      if 3 <= i < NCH + 3:
        swait((i - 3) % NSLOT)
      if i + 2 < NCH:
        iissue(iv + 2, (i + 2) % NSLOT)
      if i < NCH:
        iwait(iv, i % NSLOT)
        gissue(i % NSLOT)
      if 2 <= i < NCH + 2:
        gwait((i - 2) % NSLOT)
        sissue((i - 2) % NSLOT)

    iissue(0, 0)
    iissue(1, 1)
    for i in range(NSLOT):
      step(i, i)

    def steady(o, carry):
      for b in range(NSLOT):
        i = NSLOT + b
        step(i, o * NSLOT + b)
      return carry

    lax.fori_loop(1, NCH // NSLOT - 1, steady, 0)

    for i in range(NCH - NSLOT, NCH + 3):
      step(i, i)
    plsc.subcore_barrier()

    for z in range(RPT // CHUNK):
      row = s * RPT + z * CHUNK
      pltpu.sync_copy(acc_sh.at[pl.ds(row, CHUNK)], bufs[0])
      pltpu.sync_copy(bufs[0], out_hbm.at[pl.ds(c * ROWS + row, CHUNK)])

  return agg_kernel


def _sc_segment_sum(x_split, src_flat2, dst_flat, zeros_chunk):
  return _make_sc_segment_sum()(x_split, src_flat2, dst_flat, zeros_chunk)


def _sc_counts(dst_flat, ones_chunk, zeros_chunk):
  mesh = plsc.VectorSubcoreMesh(core_axis_name="c", subcore_axis_name="s")

  @functools.partial(
      pl.kernel,
      out_type=jax.ShapeDtypeStruct((NC * ROWS, CNTW), jnp.float32),
      mesh=mesh,
      scratch_types=[
          pltpu.VMEM((CHUNK,), jnp.int32),
          pltpu.VMEM((CHUNK, CNTW), jnp.float32),
          pltpu.VMEM((CHUNK, CNTW), jnp.float32),
          pltpu.VMEM_SHARED((ROWS, CNTW), jnp.float32),
      ],
      compiler_params=pltpu.CompilerParams(use_tc_tiling_on_sc=False),
  )
  def cnt_kernel(dst_hbm, ones_hbm, zero_hbm, out_hbm,
                 dst_v, ones_v, buf_v, cnt_sh):
    c = lax.axis_index("c")
    s = lax.axis_index("s")
    t = c * NS + s

    pltpu.sync_copy(zero_hbm, buf_v)
    for z in range(RPT // CHUNK):
      pltpu.sync_copy(buf_v, cnt_sh.at[pl.ds(s * RPT + z * CHUNK, CHUNK)])
    pltpu.sync_copy(ones_hbm, ones_v)
    plsc.subcore_barrier()

    def body(i, carry):
      base = t * EPT + i * CHUNK
      pltpu.sync_copy(dst_hbm.at[pl.ds(base, CHUNK)], dst_v)
      pltpu.sync_copy(ones_v, cnt_sh.at[dst_v], add=True)
      return carry

    lax.fori_loop(0, EPT // CHUNK, body, 0)
    plsc.subcore_barrier()

    for z in range(RPT // CHUNK):
      row = s * RPT + z * CHUNK
      pltpu.sync_copy(cnt_sh.at[pl.ds(row, CHUNK)], buf_v)
      pltpu.sync_copy(buf_v, out_hbm.at[pl.ds(c * ROWS + row, CHUNK)])

  return cnt_kernel(dst_flat, ones_chunk, zeros_chunk)


def _dot_bf16(a, b):
  return jnp.dot(a.astype(jnp.bfloat16), b.astype(jnp.bfloat16),
                 preferred_element_type=jnp.float32)


def _combine_body(x_ref, sl_ref, sr_ref, c_ref, ws_ref, wn_ref, b_ref, o_ref):
  p = jnp.concatenate([sl_ref[0], sr_ref[0]], axis=-1)
  cnt = c_ref[0, :, :1] + c_ref[1, :, :1]
  cnt = jnp.maximum(cnt, 1.0)
  agg = p / cnt
  acc = _dot_bf16(x_ref[...], ws_ref[...])
  acc = acc + _dot_bf16(agg, wn_ref[...])
  o_ref[...] = acc + b_ref[...]


def _tc_combine(x, seg, counts, w_self, w_nb, b):
  return pl.pallas_call(
      _combine_body,
      grid=(GRID,),
      in_specs=[
          pl.BlockSpec((BLK, DIM), lambda i: (i, 0)),
          pl.BlockSpec((1, BLK, HALF), lambda i: (0, i, 0)),
          pl.BlockSpec((1, BLK, HALF), lambda i: (1, i, 0)),
          pl.BlockSpec((NC, BLK, CNTW), lambda i: (0, i, 0)),
          pl.BlockSpec((DIM, DIM), lambda i: (0, 0)),
          pl.BlockSpec((DIM, DIM), lambda i: (0, 0)),
          pl.BlockSpec((1, DIM), lambda i: (0, 0)),
      ],
      out_specs=pl.BlockSpec((BLK, DIM), lambda i: (i, 0)),
      out_shape=jax.ShapeDtypeStruct((N_FACES, DIM), jnp.float32),
  )(x, seg, seg, counts, w_self, w_nb, b.reshape(1, DIM))


def _rvq_body(x_ref, cb_ref, o_ref):
  cb = cb_ref[...]
  cb_sq = jnp.sum(cb * cb, axis=-1)
  x = x_ref[...]
  residual = x
  qtot = jnp.zeros_like(x)
  for _ in range(NUM_QUANTIZERS):
    cross = lax.dot_general(residual.astype(jnp.bfloat16),
                            cb.astype(jnp.bfloat16), (((1,), (1,)), ((), ())),
                            preferred_element_type=jnp.float32)
    dists = (jnp.sum(residual * residual, axis=-1, keepdims=True)
             - 2.0 * cross + cb_sq[None, :])
    idx = jnp.argmin(dists, axis=-1)
    onehot = (idx[:, None]
              == lax.broadcasted_iota(jnp.int32, (BLK, CODEBOOK_SIZE), 1))
    q = jnp.dot(onehot.astype(jnp.float32), cb,
                preferred_element_type=jnp.float32,
                precision=lax.Precision.HIGHEST)
    qtot = qtot + q
    residual = residual - q
  o_ref[...] = x + (qtot - x)


def _tc_rvq(x, codebook):
  return pl.pallas_call(
      _rvq_body,
      grid=(GRID,),
      in_specs=[
          pl.BlockSpec((BLK, DIM), lambda i: (i, 0)),
          pl.BlockSpec((CODEBOOK_SIZE, DIM), lambda i: (0, 0)),
      ],
      out_specs=pl.BlockSpec((BLK, DIM), lambda i: (i, 0)),
      out_shape=jax.ShapeDtypeStruct((N_FACES, DIM), jnp.float32),
  )(x, codebook)


def kernel(vertices, faces, face_edges, W_self_0, W_nb_0, b_0,
           W_self_1, W_nb_1, b_1, codebook):
  del vertices
  src = face_edges[0].astype(jnp.int32)
  dst = face_edges[1].astype(jnp.int32)
  pad = E_PAD - N_EDGES
  src_flat = jnp.concatenate([src, jnp.zeros((pad,), jnp.int32)])
  dst_flat = jnp.concatenate([dst, jnp.full((pad,), PAD_DST, jnp.int32)])
  src_flat2 = jnp.concatenate([src_flat, src_flat + N_FACES])

  zeros_chunk = jnp.zeros((CHUNK, HALF), jnp.float32)
  zeros_cnt = jnp.zeros((CHUNK, CNTW), jnp.float32)
  ones_cnt = jnp.ones((CHUNK, CNTW), jnp.float32)

  counts = _sc_counts(dst_flat, ones_cnt, zeros_cnt).reshape(NC, ROWS, CNTW)

  def split(x):
    return jnp.concatenate([x[:, :HALF], x[:, HALF:]], axis=0)

  seg0 = _sc_segment_sum(split(faces), src_flat2, dst_flat,
                         zeros_chunk).reshape(NC, ROWS, HALF)
  x1 = _tc_combine(faces, seg0, counts, W_self_0, W_nb_0, b_0)

  seg1 = _sc_segment_sum(split(x1), src_flat2, dst_flat,
                         zeros_chunk).reshape(NC, ROWS, HALF)
  x2 = _tc_combine(x1, seg1, counts, W_self_1, W_nb_1, b_1)

  return _tc_rvq(x2, codebook)

# --- scband reference (transcript-rebuilt; emitter-appended) ---
"""Pipeline reference for scband-mesh-autoencoder-14637248544774 (READ-ONLY COPY).

The authoritative reference and input builder live on the scoring server;
editing this copy changes nothing except your own understanding.
"""

import jax, jax.numpy as jnp
import numpy as np

N_FACES = 10000
DIM = 192
N_EDGES = 320000
N_VERTS = 5000
CODEBOOK_SIZE = 1024
NUM_QUANTIZERS = 2
NUM_DISCRETE = 128


def setup_inputs(seed: int = 0) -> dict:
    key = jax.random.key(seed)
    ks = jax.random.split(key, 12)
    inp = {}
    inp['vertices'] = jax.random.uniform(ks[0], (N_VERTS, 3), dtype=jnp.float32)
    inp['faces'] = jax.random.normal(ks[1], (N_FACES, DIM), dtype=jnp.float32)
    inp['face_edges'] = jax.random.randint(ks[2], (2, N_EDGES), 0, N_FACES, dtype=jnp.int64)
    # SAGEConv encoder params (2 layers): out = x @ W_self + mean_agg @ W_nb + b
    inp['W_self_0'] = jax.random.normal(ks[3], (DIM, DIM), dtype=jnp.float32) * 0.05
    inp['W_nb_0'] = jax.random.normal(ks[4], (DIM, DIM), dtype=jnp.float32) * 0.05
    inp['b_0'] = jnp.zeros((DIM,), dtype=jnp.float32)
    inp['W_self_1'] = jax.random.normal(ks[5], (DIM, DIM), dtype=jnp.float32) * 0.05
    inp['W_nb_1'] = jax.random.normal(ks[6], (DIM, DIM), dtype=jnp.float32) * 0.05
    inp['b_1'] = jnp.zeros((DIM,), dtype=jnp.float32)
    # Residual VQ shared codebook
    inp['codebook'] = jax.random.normal(ks[7], (CODEBOOK_SIZE, DIM), dtype=jnp.float32)
    return inp


def _discretize_coors(t, lo=-1.0, hi=1.0, num_discrete=NUM_DISCRETE):
    t = (t - lo) / (hi - lo)
    t = t * num_discrete
    t = t - 0.5
    return jnp.clip(jnp.round(t).astype(jnp.int64), 0, num_discrete - 1)


def _sage_conv(x, edge_index, W_self, W_nb, b):
    src = edge_index[0]
    dst = edge_index[1]
    msgs = jnp.take(x, src, axis=0)
    agg = jax.ops.segment_sum(msgs, dst, num_segments=x.shape[0])
    cnt = jax.ops.segment_sum(jnp.ones((edge_index.shape[1],), dtype=x.dtype), dst, num_segments=x.shape[0])
    agg = agg / jnp.clip(cnt, 1.0, None)[:, None]
    return x @ W_self + agg @ W_nb + b


def _residual_vq(x, codebook, num_quantizers=NUM_QUANTIZERS):
    residual = x
    quantized_out = jnp.zeros_like(x)
    cb_sq = jnp.sum(codebook ** 2, axis=-1)
    for _ in range(num_quantizers):
        dists = jnp.sum(residual ** 2, axis=-1, keepdims=True) - 2.0 * (residual @ codebook.T) + cb_sq[None, :]
        idx = jnp.argmin(dists, axis=-1)
        q = jnp.take(codebook, idx, axis=0)
        quantized_out = quantized_out + q
        residual = residual - q
    # straight-through estimator
    return x + jax.lax.stop_gradient(quantized_out - x)


def reference(vertices, faces, face_edges, W_self_0, W_nb_0, b_0, W_self_1, W_nb_1, b_1, codebook):
    # discretized vertices are computed in the original forward (unused in the
    # return_quantized=True path)
    _ = _discretize_coors(vertices)
    x = faces
    x = _sage_conv(x, face_edges, W_self_0, W_nb_0, b_0)
    x = _sage_conv(x, face_edges, W_self_1, W_nb_1, b_1)
    quantized = _residual_vq(x, codebook)
    return quantized

if __name__ == "__main__":
    import jax
    _d = setup_inputs()
    print(jax.jit(kernel)(*tuple(_d.values())))

</pallas_src>

<mosaic_0001>
#map = affine_map<(d0, d1) -> (0, 0)>
#map1 = affine_map<(d0, d1) -> (0)>
module attributes {stable_mosaic.version = 14 : i64} {
  func.func @agg_kernel(%arg0: i32, %arg1: i32, %arg2: memref<20000x96xf32, #tpu.memory_space<hbm>>, %arg3: memref<655360xi32, #tpu.memory_space<hbm>>, %arg4: memref<327680xi32, #tpu.memory_space<hbm>>, %arg5: memref<128x96xf32, #tpu.memory_space<hbm>>, %arg6: memref<20480x96xf32, #tpu.memory_space<hbm>>, %arg7: memref<128xi32, #tpu.memory_space<vmem>>, %arg8: memref<128xi32, #tpu.memory_space<vmem>>, %arg9: memref<128xi32, #tpu.memory_space<vmem>>, %arg10: memref<128xi32, #tpu.memory_space<vmem>>, %arg11: memref<128xi32, #tpu.memory_space<vmem>>, %arg12: memref<128xi32, #tpu.memory_space<vmem>>, %arg13: memref<128xi32, #tpu.memory_space<vmem>>, %arg14: memref<128xi32, #tpu.memory_space<vmem>>, %arg15: memref<128xi32, #tpu.memory_space<vmem>>, %arg16: memref<128xi32, #tpu.memory_space<vmem>>, %arg17: memref<128x96xf32, #tpu.memory_space<vmem>>, %arg18: memref<128x96xf32, #tpu.memory_space<vmem>>, %arg19: memref<128x96xf32, #tpu.memory_space<vmem>>, %arg20: memref<128x96xf32, #tpu.memory_space<vmem>>, %arg21: memref<128x96xf32, #tpu.memory_space<vmem>>, %arg22: memref<10240x96xf32, #tpu.memory_space<vmem_shared>>, %arg23: memref<!tpu.dma_semaphore, #tpu.memory_space<semaphore_mem>>, %arg24: memref<!tpu.dma_semaphore, #tpu.memory_space<semaphore_mem>>, %arg25: memref<!tpu.dma_semaphore, #tpu.memory_space<semaphore_mem>>, %arg26: memref<!tpu.dma_semaphore, #tpu.memory_space<semaphore_mem>>, %arg27: memref<!tpu.dma_semaphore, #tpu.memory_space<semaphore_mem>>, %arg28: memref<!tpu.dma_semaphore, #tpu.memory_space<semaphore_mem>>, %arg29: memref<!tpu.dma_semaphore, #tpu.memory_space<semaphore_mem>>, %arg30: memref<!tpu.dma_semaphore, #tpu.memory_space<semaphore_mem>>, %arg31: memref<!tpu.dma_semaphore, #tpu.memory_space<semaphore_mem>>, %arg32: memref<!tpu.dma_semaphore, #tpu.memory_space<semaphore_mem>>, %arg33: memref<!tpu.dma_semaphore, #tpu.memory_space<semaphore_mem>>, %arg34: memref<!tpu.dma_semaphore, #tpu.memory_space<semaphore_mem>>, %arg35: memref<!tpu.dma_semaphore, #tpu.memory_space<semaphore_mem>>, %arg36: memref<!tpu.dma_semaphore, #tpu.memory_space<semaphore_mem>>, %arg37: memref<!tpu.dma_semaphore, #tpu.memory_space<semaphore_mem>>) attributes {dimension_semantics = [#tpu.dimension_semantics<core_parallel>, #tpu.dimension_semantics<subcore_parallel>], iteration_bounds = array<i64: 2, 16>, scalar_prefetch = 0 : i64, scratch_operands = 31 : i64, tpu.core_type = #tpu.core_type<sc_vector_subcore>, window_params = [{transform_indices = #map}, {transform_indices = #map1}, {transform_indices = #map1}, {transform_indices = #map}, {transform_indices = #map}]} {
    "tpu.region"() ({
      %run_scoped3A = tpu.sem_alloc : memref<!tpu.dma_semaphore, #tpu.memory_space<semaphore_mem>>
      tpu.enqueue_dma source(%arg5 : memref<128x96xf32, #tpu.memory_space<hbm>>) target(%arg17 : memref<128x96xf32, #tpu.memory_space<vmem>>) target_semaphore(%run_scoped3A : memref<!tpu.dma_semaphore, #tpu.memory_space<semaphore_mem>>)
      tpu.wait_dma2 semaphore(%run_scoped3A : memref<!tpu.dma_semaphore, #tpu.memory_space<semaphore_mem>>) src(%arg5 : memref<128x96xf32, #tpu.memory_space<hbm>>) dst(%arg17 : memref<128x96xf32, #tpu.memory_space<vmem>>)
      tpu.yield
    }) : () -> ()
    %mul3A = arith.constant 640 : i32
    %mul3A_0 = arith.muli %arg1, %mul3A : i32
    %add3A = arith.constant 0 : i32
    %add3A_1 = arith.addi %mul3A_0, %add3A : i32
    "tpu.region"() ({
      %run_scoped3A = tpu.sem_alloc : memref<!tpu.dma_semaphore, #tpu.memory_space<semaphore_mem>>
      %dma_start3A_477 = arith.constant 0 : i32
      %dma_start3A_478 = tpu.memref_slice %arg22[%add3A_1, %dma_start3A_477] : memref<10240x96xf32, #tpu.memory_space<vmem_shared>> -> memref<128x96xf32, #tpu.memory_space<vmem_shared>>
      %dma_start3A_479 = arith.constant 0 : i32
      %dma_start3A_480 = tpu.memref_slice %arg22[%add3A_1, %dma_start3A_479] : memref<10240x96xf32, #tpu.memory_space<vmem_shared>> -> memref<128x96xf32, #tpu.memory_space<vmem_shared>>
      tpu.enqueue_dma source(%arg17 : memref<128x96xf32, #tpu.memory_space<vmem>>) target(%dma_start3A_480 : memref<128x96xf32, #tpu.memory_space<vmem_shared>>) target_semaphore(%run_scoped3A : memref<!tpu.dma_semaphore, #tpu.memory_space<semaphore_mem>>)
      %dma_wait3A_481 = arith.constant 0 : i32
      %dma_wait3A_482 = tpu.memref_slice %arg22[%add3A_1, %dma_wait3A_481] : memref<10240x96xf32, #tpu.memory_space<vmem_shared>> -> memref<128x96xf32, #tpu.memory_space<vmem_shared>>
      %dma_wait3A_483 = arith.constant 0 : i32
      %dma_wait3A_484 = tpu.memref_slice %arg22[%add3A_1, %dma_wait3A_483] : memref<10240x96xf32, #tpu.memory_space<vmem_shared>> -> memref<128x96xf32, #tpu.memory_space<vmem_shared>>
      tpu.wait_dma2 semaphore(%run_scoped3A : memref<!tpu.dma_semaphore, #tpu.memory_space<semaphore_mem>>) src(%arg17 : memref<128x96xf32, #tpu.memory_space<vmem>>) dst(%dma_wait3A_484 : memref<128x96xf32, #tpu.memory_space<vmem_shared>>)
      tpu.yield
    }) : () -> ()
    %mul3A_2 = arith.constant 640 : i32
    %mul3A_3 = arith.muli %arg1, %mul3A_2 : i32
    %add3A_4 = arith.constant 128 : i32
    %add3A_5 = arith.addi %mul3A_3, %add3A_4 : i32
    "tpu.region"() ({
      %run_scoped3A = tpu.sem_alloc : memref<!tpu.dma_semaphore, #tpu.memory_space<semaphore_mem>>
      %dma_start3A_477 = arith.constant 0 : i32
      %dma_start3A_478 = tpu.memref_slice %arg22[%add3A_5, %dma_start3A_477] : memref<10240x96xf32, #tpu.memory_space<vmem_shared>> -> memref<128x96xf32, #tpu.memory_space<vmem_shared>>
      %dma_start3A_479 = arith.constant 0 : i32
      %dma_start3A_480 = tpu.memref_slice %arg22[%add3A_5, %dma_start3A_479] : memref<10240x96xf32, #tpu.memory_space<vmem_shared>> -> memref<128x96xf32, #tpu.memory_space<vmem_shared>>
      tpu.enqueue_dma source(%arg17 : memref<128x96xf32, #tpu.memory_space<vmem>>) target(%dma_start3A_480 : memref<128x96xf32, #tpu.memory_space<vmem_shared>>) target_semaphore(%run_scoped3A : memref<!tpu.dma_semaphore, #tpu.memory_space<semaphore_mem>>)
      %dma_wait3A_481 = arith.constant 0 : i32
      %dma_wait3A_482 = tpu.memref_slice %arg22[%add3A_5, %dma_wait3A_481] : memref<10240x96xf32, #tpu.memory_space<vmem_shared>> -> memref<128x96xf32, #tpu.memory_space<vmem_shared>>
      %dma_wait3A_483 = arith.constant 0 : i32
      %dma_wait3A_484 = tpu.memref_slice %arg22[%add3A_5, %dma_wait3A_483] : memref<10240x96xf32, #tpu.memory_space<vmem_shared>> -> memref<128x96xf32, #tpu.memory_space<vmem_shared>>
      tpu.wait_dma2 semaphore(%run_scoped3A : memref<!tpu.dma_semaphore, #tpu.memory_space<semaphore_mem>>) src(%arg17 : memref<128x96xf32, #tpu.memory_space<vmem>>) dst(%dma_wait3A_484 : memref<128x96xf32, #tpu.memory_space<vmem_shared>>)
      tpu.yield
    }) : () -> ()
    %mul3A_6 = arith.constant 640 : i32
    %mul3A_7 = arith.muli %arg1, %mul3A_6 : i32
    %add3A_8 = arith.constant 256 : i32
    %add3A_9 = arith.addi %mul3A_7, %add3A_8 : i32
    "tpu.region"() ({
      %run_scoped3A = tpu.sem_alloc : memref<!tpu.dma_semaphore, #tpu.memory_space<semaphore_mem>>
      %dma_start3A_477 = arith.constant 0 : i32
      %dma_start3A_478 = tpu.memref_slice %arg22[%add3A_9, %dma_start3A_477] : memref<10240x96xf32, #tpu.memory_space<vmem_shared>> -> memref<128x96xf32, #tpu.memory_space<vmem_shared>>
      %dma_start3A_479 = arith.constant 0 : i32
      %dma_start3A_480 = tpu.memref_slice %arg22[%add3A_9, %dma_start3A_479] : memref<10240x96xf32, #tpu.memory_space<vmem_shared>> -> memref<128x96xf32, #tpu.memory_space<vmem_shared>>
      tpu.enqueue_dma source(%arg17 : memref<128x96xf32, #tpu.memory_space<vmem>>) target(%dma_start3A_480 : memref<128x96xf32, #tpu.memory_space<vmem_shared>>) target_semaphore(%run_scoped3A : memref<!tpu.dma_semaphore, #tpu.memory_space<semaphore_mem>>)
      %dma_wait3A_481 = arith.constant 0 : i32
      %dma_wait3A_482 = tpu.memref_slice %arg22[%add3A_9, %dma_wait3A_481] : memref<10240x96xf32, #tpu.memory_space<vmem_shared>> -> memref<128x96xf32, #tpu.memory_space<vmem_shared>>
      %dma_wait3A_483 = arith.constant 0 : i32
      %dma_wait3A_484 = tpu.memref_slice %arg22[%add3A_9, %dma_wait3A_483] : memref<10240x96xf32, #tpu.memory_space<vmem_shared>> -> memref<128x96xf32, #tpu.memory_space<vmem_shared>>
      tpu.wait_dma2 semaphore(%run_scoped3A : memref<!tpu.dma_semaphore, #tpu.memory_space<semaphore_mem>>) src(%arg17 : memref<128x96xf32, #tpu.memory_space<vmem>>) dst(%dma_wait3A_484 : memref<128x96xf32, #tpu.memory_space<vmem_shared>>)
      tpu.yield
    }) : () -> ()
    %mul3A_10 = arith.constant 640 : i32
    %mul3A_11 = arith.muli %arg1, %mul3A_10 : i32
    %add3A_12 = arith.constant 384 : i32
    %add3A_13 = arith.addi %mul3A_11, %add3A_12 : i32
    "tpu.region"() ({
      %run_scoped3A = tpu.sem_alloc : memref<!tpu.dma_semaphore, #tpu.memory_space<semaphore_mem>>
      %dma_start3A_477 = arith.constant 0 : i32
      %dma_start3A_478 = tpu.memref_slice %arg22[%add3A_13, %dma_start3A_477] : memref<10240x96xf32, #tpu.memory_space<vmem_shared>> -> memref<128x96xf32, #tpu.memory_space<vmem_shared>>
      %dma_start3A_479 = arith.constant 0 : i32
      %dma_start3A_480 = tpu.memref_slice %arg22[%add3A_13, %dma_start3A_479] : memref<10240x96xf32, #tpu.memory_space<vmem_shared>> -> memref<128x96xf32, #tpu.memory_space<vmem_shared>>
      tpu.enqueue_dma source(%arg17 : memref<128x96xf32, #tpu.memory_space<vmem>>) target(%dma_start3A_480 : memref<128x96xf32, #tpu.memory_space<vmem_shared>>) target_semaphore(%run_scoped3A : memref<!tpu.dma_semaphore, #tpu.memory_space<semaphore_mem>>)
      %dma_wait3A_481 = arith.constant 0 : i32
      %dma_wait3A_482 = tpu.memref_slice %arg22[%add3A_13, %dma_wait3A_481] : memref<10240x96xf32, #tpu.memory_space<vmem_shared>> -> memref<128x96xf32, #tpu.memory_space<vmem_shared>>
      %dma_wait3A_483 = arith.constant 0 : i32
      %dma_wait3A_484 = tpu.memref_slice %arg22[%add3A_13, %dma_wait3A_483] : memref<10240x96xf32, #tpu.memory_space<vmem_shared>> -> memref<128x96xf32, #tpu.memory_space<vmem_shared>>
      tpu.wait_dma2 semaphore(%run_scoped3A : memref<!tpu.dma_semaphore, #tpu.memory_space<semaphore_mem>>) src(%arg17 : memref<128x96xf32, #tpu.memory_space<vmem>>) dst(%dma_wait3A_484 : memref<128x96xf32, #tpu.memory_space<vmem_shared>>)
      tpu.yield
    }) : () -> ()
    %mul3A_14 = arith.constant 640 : i32
    %mul3A_15 = arith.muli %arg1, %mul3A_14 : i32
    %add3A_16 = arith.constant 512 : i32
    %add3A_17 = arith.addi %mul3A_15, %add3A_16 : i32
    "tpu.region"() ({
      %run_scoped3A = tpu.sem_alloc : memref<!tpu.dma_semaphore, #tpu.memory_space<semaphore_mem>>
      %dma_start3A_477 = arith.constant 0 : i32
      %dma_start3A_478 = tpu.memref_slice %arg22[%add3A_17, %dma_start3A_477] : memref<10240x96xf32, #tpu.memory_space<vmem_shared>> -> memref<128x96xf32, #tpu.memory_space<vmem_shared>>
      %dma_start3A_479 = arith.constant 0 : i32
      %dma_start3A_480 = tpu.memref_slice %arg22[%add3A_17, %dma_start3A_479] : memref<10240x96xf32, #tpu.memory_space<vmem_shared>> -> memref<128x96xf32, #tpu.memory_space<vmem_shared>>
      tpu.enqueue_dma source(%arg17 : memref<128x96xf32, #tpu.memory_space<vmem>>) target(%dma_start3A_480 : memref<128x96xf32, #tpu.memory_space<vmem_shared>>) target_semaphore(%run_scoped3A : memref<!tpu.dma_semaphore, #tpu.memory_space<semaphore_mem>>)
      %dma_wait3A_481 = arith.constant 0 : i32
      %dma_wait3A_482 = tpu.memref_slice %arg22[%add3A_17, %dma_wait3A_481] : memref<10240x96xf32, #tpu.memory_space<vmem_shared>> -> memref<128x96xf32, #tpu.memory_space<vmem_shared>>
      %dma_wait3A_483 = arith.constant 0 : i32
      %dma_wait3A_484 = tpu.memref_slice %arg22[%add3A_17, %dma_wait3A_483] : memref<10240x96xf32, #tpu.memory_space<vmem_shared>> -> memref<128x96xf32, #tpu.memory_space<vmem_shared>>
      tpu.wait_dma2 semaphore(%run_scoped3A : memref<!tpu.dma_semaphore, #tpu.memory_space<semaphore_mem>>) src(%arg17 : memref<128x96xf32, #tpu.memory_space<vmem>>) dst(%dma_wait3A_484 : memref<128x96xf32, #tpu.memory_space<vmem_shared>>)
      tpu.yield
    }) : () -> ()
    %barrier3A = arith.constant 0 : index
    tpu.barrier barrier_id(%barrier3A)
    %mul3A_18 = arith.constant 327680 : i32
    %mul3A_19 = arith.muli %arg0, %mul3A_18 : i32
    %mul3A_20 = arith.constant 20480 : i32
    %mul3A_21 = arith.muli %arg1, %mul3A_20 : i32
    %add3A_22 = arith.addi %mul3A_19, %mul3A_21 : i32
    %add3A_23 = arith.constant 0 : i32
    %add3A_24 = arith.addi %add3A_22, %add3A_23 : i32
    %dma_start3A = tpu.memref_slice %arg3[%add3A_24] : memref<655360xi32, #tpu.memory_space<hbm>> -> memref<128xi32, #tpu.memory_space<hbm>>
    %dma_start3A_25 = tpu.memref_slice %arg3[%add3A_24] : memref<655360xi32, #tpu.memory_space<hbm>> -> memref<128xi32, #tpu.memory_space<hbm>>
    tpu.enqueue_dma source(%dma_start3A_25 : memref<128xi32, #tpu.memory_space<hbm>>) target(%arg7 : memref<128xi32, #tpu.memory_space<vmem>>) target_semaphore(%arg23 : memref<!tpu.dma_semaphore, #tpu.memory_space<semaphore_mem>>)
    %mul3A_26 = arith.constant 20480 : i32
    %mul3A_27 = arith.muli %arg1, %mul3A_26 : i32
    %add3A_28 = arith.constant 0 : i32
    %add3A_29 = arith.addi %mul3A_27, %add3A_28 : i32
    %dma_start3A_30 = tpu.memref_slice %arg4[%add3A_29] : memref<327680xi32, #tpu.memory_space<hbm>> -> memref<128xi32, #tpu.memory_space<hbm>>
    %dma_start3A_31 = tpu.memref_slice %arg4[%add3A_29] : memref<327680xi32, #tpu.memory_space<hbm>> -> memref<128xi32, #tpu.memory_space<hbm>>
    tpu.enqueue_dma source(%dma_start3A_31 : memref<128xi32, #tpu.memory_space<hbm>>) target(%arg12 : memref<128xi32, #tpu.memory_space<vmem>>) target_semaphore(%arg23 : memref<!tpu.dma_semaphore, #tpu.memory_space<semaphore_mem>>)
    %mul3A_32 = arith.constant 327680 : i32
    %mul3A_33 = arith.muli %arg0, %mul3A_32 : i32
    %mul3A_34 = arith.constant 20480 : i32
    %mul3A_35 = arith.muli %arg1, %mul3A_34 : i32
    %add3A_36 = arith.addi %mul3A_33, %mul3A_35 : i32
    %add3A_37 = arith.constant 128 : i32
    %add3A_38 = arith.addi %add3A_36, %add3A_37 : i32
    %dma_start3A_39 = tpu.memref_slice %arg3[%add3A_38] : memref<655360xi32, #tpu.memory_space<hbm>> -> memref<128xi32, #tpu.memory_space<hbm>>
    %dma_start3A_40 = tpu.memref_slice %arg3[%add3A_38] : memref<655360xi32, #tpu.memory_space<hbm>> -> memref<128xi32, #tpu.memory_space<hbm>>
    tpu.enqueue_dma source(%dma_start3A_40 : memref<128xi32, #tpu.memory_space<hbm>>) target(%arg8 : memref<128xi32, #tpu.memory_space<vmem>>) target_semaphore(%arg24 : memref<!tpu.dma_semaphore, #tpu.memory_space<semaphore_mem>>)
    %mul3A_41 = arith.constant 20480 : i32
    %mul3A_42 = arith.muli %arg1, %mul3A_41 : i32
    %add3A_43 = arith.constant 128 : i32
    %add3A_44 = arith.addi %mul3A_42, %add3A_43 : i32
    %dma_start3A_45 = tpu.memref_slice %arg4[%add3A_44] : memref<327680xi32, #tpu.memory_space<hbm>> -> memref<128xi32, #tpu.memory_space<hbm>>
    %dma_start3A_46 = tpu.memref_slice %arg4[%add3A_44] : memref<327680xi32, #tpu.memory_space<hbm>> -> memref<128xi32, #tpu.memory_space<hbm>>
    tpu.enqueue_dma source(%dma_start3A_46 : memref<128xi32, #tpu.memory_space<hbm>>) target(%arg13 : memref<128xi32, #tpu.memory_space<vmem>>) target_semaphore(%arg24 : memref<!tpu.dma_semaphore, #tpu.memory_space<semaphore_mem>>)
    %mul3A_47 = arith.constant 327680 : i32
    %mul3A_48 = arith.muli %arg0, %mul3A_47 : i32
    %mul3A_49 = arith.constant 20480 : i32
    %mul3A_50 = arith.muli %arg1, %mul3A_49 : i32
    %add3A_51 = arith.addi %mul3A_48, %mul3A_50 : i32
    %add3A_52 = arith.constant 256 : i32
    %add3A_53 = arith.addi %add3A_51, %add3A_52 : i32
    %dma_start3A_54 = tpu.memref_slice %arg3[%add3A_53] : memref<655360xi32, #tpu.memory_space<hbm>> -> memref<128xi32, #tpu.memory_space<hbm>>
    %dma_start3A_55 = tpu.memref_slice %arg3[%add3A_53] : memref<655360xi32, #tpu.memory_space<hbm>> -> memref<128xi32, #tpu.memory_space<hbm>>
    tpu.enqueue_dma source(%dma_start3A_55 : memref<128xi32, #tpu.memory_space<hbm>>) target(%arg9 : memref<128xi32, #tpu.memory_space<vmem>>) target_semaphore(%arg25 : memref<!tpu.dma_semaphore, #tpu.memory_space<semaphore_mem>>)
    %mul3A_56 = arith.constant 20480 : i32
    %mul3A_57 = arith.muli %arg1, %mul3A_56 : i32
    %add3A_58 = arith.constant 256 : i32
    %add3A_59 = arith.addi %mul3A_57, %add3A_58 : i32
    %dma_start3A_60 = tpu.memref_slice %arg4[%add3A_59] : memref<327680xi32, #tpu.memory_space<hbm>> -> memref<128xi32, #tpu.memory_space<hbm>>
    %dma_start3A_61 = tpu.memref_slice %arg4[%add3A_59] : memref<327680xi32, #tpu.memory_space<hbm>> -> memref<128xi32, #tpu.memory_space<hbm>>
    tpu.enqueue_dma source(%dma_start3A_61 : memref<128xi32, #tpu.memory_space<hbm>>) target(%arg14 : memref<128xi32, #tpu.memory_space<vmem>>) target_semaphore(%arg25 : memref<!tpu.dma_semaphore, #tpu.memory_space<semaphore_mem>>)
    %mul3A_62 = arith.constant 327680 : i32
    %mul3A_63 = arith.muli %arg0, %mul3A_62 : i32
    %mul3A_64 = arith.constant 20480 : i32
    %mul3A_65 = arith.muli %arg1, %mul3A_64 : i32
    %add3A_66 = arith.addi %mul3A_63, %mul3A_65 : i32
    %add3A_67 = arith.constant 0 : i32
    %add3A_68 = arith.addi %add3A_66, %add3A_67 : i32
    %dma_wait3A = tpu.memref_slice %arg3[%add3A_68] : memref<655360xi32, #tpu.memory_space<hbm>> -> memref<128xi32, #tpu.memory_space<hbm>>
    %dma_wait3A_69 = tpu.memref_slice %arg3[%add3A_68] : memref<655360xi32, #tpu.memory_space<hbm>> -> memref<128xi32, #tpu.memory_space<hbm>>
    tpu.wait_dma2 semaphore(%arg23 : memref<!tpu.dma_semaphore, #tpu.memory_space<semaphore_mem>>) src(%dma_wait3A_69 : memref<128xi32, #tpu.memory_space<hbm>>) dst(%arg7 : memref<128xi32, #tpu.memory_space<vmem>>)
    %mul3A_70 = arith.constant 20480 : i32
    %mul3A_71 = arith.muli %arg1, %mul3A_70 : i32
    %add3A_72 = arith.constant 0 : i32
    %add3A_73 = arith.addi %mul3A_71, %add3A_72 : i32
    %dma_wait3A_74 = tpu.memref_slice %arg4[%add3A_73] : memref<327680xi32, #tpu.memory_space<hbm>> -> memref<128xi32, #tpu.memory_space<hbm>>
    %dma_wait3A_75 = tpu.memref_slice %arg4[%add3A_73] : memref<327680xi32, #tpu.memory_space<hbm>> -> memref<128xi32, #tpu.memory_space<hbm>>
    tpu.wait_dma2 semaphore(%arg23 : memref<!tpu.dma_semaphore, #tpu.memory_space<semaphore_mem>>) src(%dma_wait3A_75 : memref<128xi32, #tpu.memory_space<hbm>>) dst(%arg12 : memref<128xi32, #tpu.memory_space<vmem>>)
    %dma_start3A_76 = arith.constant 0 : i32
    %dma_start3A_77 = arith.constant 0 : i32
    %dma_start3A_78 = tpu.memref_slice %arg2[%dma_start3A_76, %dma_start3A_77] : memref<20000x96xf32, #tpu.memory_space<hbm>> -> memref<20000x96xf32, #tpu.memory_space<hbm>>
    tpu.enqueue_indirect_dma source(%dma_start3A_78 : memref<20000x96xf32, #tpu.memory_space<hbm>>) target(%arg17 : memref<128x96xf32, #tpu.memory_space<vmem>>) offsets(%arg7 : memref<128xi32, #tpu.memory_space<vmem>>) semaphore(%arg28 : memref<!tpu.dma_semaphore, #tpu.memory_space<semaphore_mem>>)
    %mul3A_79 = arith.constant 327680 : i32
    %mul3A_80 = arith.muli %arg0, %mul3A_79 : i32
    %mul3A_81 = arith.constant 20480 : i32
    %mul3A_82 = arith.muli %arg1, %mul3A_81 : i32
    %add3A_83 = arith.addi %mul3A_80, %mul3A_82 : i32
    %add3A_84 = arith.constant 384 : i32
    %add3A_85 = arith.addi %add3A_83, %add3A_84 : i32
    %dma_start3A_86 = tpu.memref_slice %arg3[%add3A_85] : memref<655360xi32, #tpu.memory_space<hbm>> -> memref<128xi32, #tpu.memory_space<hbm>>
    %dma_start3A_87 = tpu.memref_slice %arg3[%add3A_85] : memref<655360xi32, #tpu.memory_space<hbm>> -> memref<128xi32, #tpu.memory_space<hbm>>
    tpu.enqueue_dma source(%dma_start3A_87 : memref<128xi32, #tpu.memory_space<hbm>>) target(%arg10 : memref<128xi32, #tpu.memory_space<vmem>>) target_semaphore(%arg26 : memref<!tpu.dma_semaphore, #tpu.memory_space<semaphore_mem>>)
    %mul3A_88 = arith.constant 20480 : i32
    %mul3A_89 = arith.muli %arg1, %mul3A_88 : i32
    %add3A_90 = arith.constant 384 : i32
    %add3A_91 = arith.addi %mul3A_89, %add3A_90 : i32
    %dma_start3A_92 = tpu.memref_slice %arg4[%add3A_91] : memref<327680xi32, #tpu.memory_space<hbm>> -> memref<128xi32, #tpu.memory_space<hbm>>
    %dma_start3A_93 = tpu.memref_slice %arg4[%add3A_91] : memref<327680xi32, #tpu.memory_space<hbm>> -> memref<128xi32, #tpu.memory_space<hbm>>
    tpu.enqueue_dma source(%dma_start3A_93 : memref<128xi32, #tpu.memory_space<hbm>>) target(%arg15 : memref<128xi32, #tpu.memory_space<vmem>>) target_semaphore(%arg26 : memref<!tpu.dma_semaphore, #tpu.memory_space<semaphore_mem>>)
    %mul3A_94 = arith.constant 327680 : i32
    %mul3A_95 = arith.muli %arg0, %mul3A_94 : i32
    %mul3A_96 = arith.constant 20480 : i32
    %mul3A_97 = arith.muli %arg1, %mul3A_96 : i32
    %add3A_98 = arith.addi %mul3A_95, %mul3A_97 : i32
    %add3A_99 = arith.constant 128 : i32
    %add3A_100 = arith.addi %add3A_98, %add3A_99 : i32
    %dma_wait3A_101 = tpu.memref_slice %arg3[%add3A_100] : memref<655360xi32, #tpu.memory_space<hbm>> -> memref<128xi32, #tpu.memory_space<hbm>>
    %dma_wait3A_102 = tpu.memref_slice %arg3[%add3A_100] : memref<655360xi32, #tpu.memory_space<hbm>> -> memref<128xi32, #tpu.memory_space<hbm>>
    tpu.wait_dma2 semaphore(%arg24 : memref<!tpu.dma_semaphore, #tpu.memory_space<semaphore_mem>>) src(%dma_wait3A_102 : memref<128xi32, #tpu.memory_space<hbm>>) dst(%arg8 : memref<128xi32, #tpu.memory_space<vmem>>)
    %mul3A_103 = arith.constant 20480 : i32
    %mul3A_104 = arith.muli %arg1, %mul3A_103 : i32
    %add3A_105 = arith.constant 128 : i32
    %add3A_106 = arith.addi %mul3A_104, %add3A_105 : i32
    %dma_wait3A_107 = tpu.memref_slice %arg4[%add3A_106] : memref<327680xi32, #tpu.memory_space<hbm>> -> memref<128xi32, #tpu.memory_space<hbm>>
    %dma_wait3A_108 = tpu.memref_slice %arg4[%add3A_106] : memref<327680xi32, #tpu.memory_space<hbm>> -> memref<128xi32, #tpu.memory_space<hbm>>
    tpu.wait_dma2 semaphore(%arg24 : memref<!tpu.dma_semaphore, #tpu.memory_space<semaphore_mem>>) src(%dma_wait3A_108 : memref<128xi32, #tpu.memory_space<hbm>>) dst(%arg13 : memref<128xi32, #tpu.memory_space<vmem>>)
    %dma_start3A_109 = arith.constant 0 : i32
    %dma_start3A_110 = arith.constant 0 : i32
    %dma_start3A_111 = tpu.memref_slice %arg2[%dma_start3A_109, %dma_start3A_110] : memref<20000x96xf32, #tpu.memory_space<hbm>> -> memref<20000x96xf32, #tpu.memory_space<hbm>>
    tpu.enqueue_indirect_dma source(%dma_start3A_111 : memref<20000x96xf32, #tpu.memory_space<hbm>>) target(%arg18 : memref<128x96xf32, #tpu.memory_space<vmem>>) offsets(%arg8 : memref<128xi32, #tpu.memory_space<vmem>>) semaphore(%arg29 : memref<!tpu.dma_semaphore, #tpu.memory_space<semaphore_mem>>)
    %mul3A_112 = arith.constant 327680 : i32
    %mul3A_113 = arith.muli %arg0, %mul3A_112 : i32
    %mul3A_114 = arith.constant 20480 : i32
    %mul3A_115 = arith.muli %arg1, %mul3A_114 : i32
    %add3A_116 = arith.addi %mul3A_113, %mul3A_115 : i32
    %add3A_117 = arith.constant 512 : i32
    %add3A_118 = arith.addi %add3A_116, %add3A_117 : i32
    %dma_start3A_119 = tpu.memref_slice %arg3[%add3A_118] : memref<655360xi32, #tpu.memory_space<hbm>> -> memref<128xi32, #tpu.memory_space<hbm>>
    %dma_start3A_120 = tpu.memref_slice %arg3[%add3A_118] : memref<655360xi32, #tpu.memory_space<hbm>> -> memref<128xi32, #tpu.memory_space<hbm>>
    tpu.enqueue_dma source(%dma_start3A_120 : memref<128xi32, #tpu.memory_space<hbm>>) target(%arg11 : memref<128xi32, #tpu.memory_space<vmem>>) target_semaphore(%arg27 : memref<!tpu.dma_semaphore, #tpu.memory_space<semaphore_mem>>)
    %mul3A_121 = arith.constant 20480 : i32
    %mul3A_122 = arith.muli %arg1, %mul3A_121 : i32
    %add3A_123 = arith.constant 512 : i32
    %add3A_124 = arith.addi %mul3A_122, %add3A_123 : i32
    %dma_start3A_125 = tpu.memref_slice %arg4[%add3A_124] : memref<327680xi32, #tpu.memory_space<hbm>> -> memref<128xi32, #tpu.memory_space<hbm>>
    %dma_start3A_126 = tpu.memref_slice %arg4[%add3A_124] : memref<327680xi32, #tpu.memory_space<hbm>> -> memref<128xi32, #tpu.memory_space<hbm>>
    tpu.enqueue_dma source(%dma_start3A_126 : memref<128xi32, #tpu.memory_space<hbm>>) target(%arg16 : memref<128xi32, #tpu.memory_space<vmem>>) target_semaphore(%arg27 : memref<!tpu.dma_semaphore, #tpu.memory_space<semaphore_mem>>)
    %mul3A_127 = arith.constant 327680 : i32
    %mul3A_128 = arith.muli %arg0, %mul3A_127 : i32
    %mul3A_129 = arith.constant 20480 : i32
    %mul3A_130 = arith.muli %arg1, %mul3A_129 : i32
    %add3A_131 = arith.addi %mul3A_128, %mul3A_130 : i32
    %add3A_132 = arith.constant 256 : i32
    %add3A_133 = arith.addi %add3A_131, %add3A_132 : i32
    %dma_wait3A_134 = tpu.memref_slice %arg3[%add3A_133] : memref<655360xi32, #tpu.memory_space<hbm>> -> memref<128xi32, #tpu.memory_space<hbm>>
    %dma_wait3A_135 = tpu.memref_slice %arg3[%add3A_133] : memref<655360xi32, #tpu.memory_space<hbm>> -> memref<128xi32, #tpu.memory_space<hbm>>
    tpu.wait_dma2 semaphore(%arg25 : memref<!tpu.dma_semaphore, #tpu.memory_space<semaphore_mem>>) src(%dma_wait3A_135 : memref<128xi32, #tpu.memory_space<hbm>>) dst(%arg9 : memref<128xi32, #tpu.memory_space<vmem>>)
    %mul3A_136 = arith.constant 20480 : i32
    %mul3A_137 = arith.muli %arg1, %mul3A_136 : i32
    %add3A_138 = arith.constant 256 : i32
    %add3A_139 = arith.addi %mul3A_137, %add3A_138 : i32
    %dma_wait3A_140 = tpu.memref_slice %arg4[%add3A_139] : memref<327680xi32, #tpu.memory_space<hbm>> -> memref<128xi32, #tpu.memory_space<hbm>>
    %dma_wait3A_141 = tpu.memref_slice %arg4[%add3A_139] : memref<327680xi32, #tpu.memory_space<hbm>> -> memref<128xi32, #tpu.memory_space<hbm>>
    tpu.wait_dma2 semaphore(%arg25 : memref<!tpu.dma_semaphore, #tpu.memory_space<semaphore_mem>>) src(%dma_wait3A_141 : memref<128xi32, #tpu.memory_space<hbm>>) dst(%arg14 : memref<128xi32, #tpu.memory_space<vmem>>)
    %dma_start3A_142 = arith.constant 0 : i32
    %dma_start3A_143 = arith.constant 0 : i32
    %dma_start3A_144 = tpu.memref_slice %arg2[%dma_start3A_142, %dma_start3A_143] : memref<20000x96xf32, #tpu.memory_space<hbm>> -> memref<20000x96xf32, #tpu.memory_space<hbm>>
    tpu.enqueue_indirect_dma source(%dma_start3A_144 : memref<20000x96xf32, #tpu.memory_space<hbm>>) target(%arg19 : memref<128x96xf32, #tpu.memory_space<vmem>>) offsets(%arg9 : memref<128xi32, #tpu.memory_space<vmem>>) semaphore(%arg30 : memref<!tpu.dma_semaphore, #tpu.memory_space<semaphore_mem>>)
    %dma_wait3A_145 = arith.constant 0 : i32
    %dma_wait3A_146 = arith.constant 0 : i32
    %dma_wait3A_147 = tpu.memref_slice %arg2[%dma_wait3A_145, %dma_wait3A_146] : memref<20000x96xf32, #tpu.memory_space<hbm>> -> memref<20000x96xf32, #tpu.memory_space<hbm>>
    tpu.wait_indirect_dma semaphore(%arg28 : memref<!tpu.dma_semaphore, #tpu.memory_space<semaphore_mem>>) src(%dma_wait3A_147 : memref<20000x96xf32, #tpu.memory_space<hbm>>) dst(%arg17 : memref<128x96xf32, #tpu.memory_space<vmem>>)
    %dma_start3A_148 = arith.constant 0 : i32
    %dma_start3A_149 = arith.constant 0 : i32
    %dma_start3A_150 = tpu.memref_slice %arg22[%dma_start3A_148, %dma_start3A_149] : memref<10240x96xf32, #tpu.memory_space<vmem_shared>> -> memref<10240x96xf32, #tpu.memory_space<vmem_shared>>
    tpu.enqueue_indirect_dma source(%arg17 : memref<128x96xf32, #tpu.memory_space<vmem>>) target(%dma_start3A_150 : memref<10240x96xf32, #tpu.memory_space<vmem_shared>>) offsets(%arg12 : memref<128xi32, #tpu.memory_space<vmem>>) semaphore(%arg33 : memref<!tpu.dma_semaphore, #tpu.memory_space<semaphore_mem>>) {add = true}
    %dma_wait3A_151 = arith.constant 0 : i32
    %dma_wait3A_152 = arith.constant 0 : i32
    %dma_wait3A_153 = tpu.memref_slice %arg22[%dma_wait3A_151, %dma_wait3A_152] : memref<10240x96xf32, #tpu.memory_space<vmem_shared>> -> memref<10240x96xf32, #tpu.memory_space<vmem_shared>>
    tpu.wait_indirect_dma semaphore(%arg33 : memref<!tpu.dma_semaphore, #tpu.memory_space<semaphore_mem>>) src(%arg17 : memref<128x96xf32, #tpu.memory_space<vmem>>) dst(%dma_wait3A_153 : memref<10240x96xf32, #tpu.memory_space<vmem_shared>>)
    %mul3A_154 = arith.constant 327680 : i32
    %mul3A_155 = arith.muli %arg0, %mul3A_154 : i32
    %mul3A_156 = arith.constant 20480 : i32
    %mul3A_157 = arith.muli %arg1, %mul3A_156 : i32
    %add3A_158 = arith.addi %mul3A_155, %mul3A_157 : i32
    %add3A_159 = arith.constant 640 : i32
    %add3A_160 = arith.addi %add3A_158, %add3A_159 : i32
    %dma_start3A_161 = tpu.memref_slice %arg3[%add3A_160] : memref<655360xi32, #tpu.memory_space<hbm>> -> memref<128xi32, #tpu.memory_space<hbm>>
    %dma_start3A_162 = tpu.memref_slice %arg3[%add3A_160] : memref<655360xi32, #tpu.memory_space<hbm>> -> memref<128xi32, #tpu.memory_space<hbm>>
    tpu.enqueue_dma source(%dma_start3A_162 : memref<128xi32, #tpu.memory_space<hbm>>) target(%arg7 : memref<128xi32, #tpu.memory_space<vmem>>) target_semaphore(%arg23 : memref<!tpu.dma_semaphore, #tpu.memory_space<semaphore_mem>>)
    %mul3A_163 = arith.constant 20480 : i32
    %mul3A_164 = arith.muli %arg1, %mul3A_163 : i32
    %add3A_165 = arith.constant 640 : i32
    %add3A_166 = arith.addi %mul3A_164, %add3A_165 : i32
    %dma_start3A_167 = tpu.memref_slice %arg4[%add3A_166] : memref<327680xi32, #tpu.memory_space<hbm>> -> memref<128xi32, #tpu.memory_space<hbm>>
    %dma_start3A_168 = tpu.memref_slice %arg4[%add3A_166] : memref<327680xi32, #tpu.memory_space<hbm>> -> memref<128xi32, #tpu.memory_space<hbm>>
    tpu.enqueue_dma source(%dma_start3A_168 : memref<128xi32, #tpu.memory_space<hbm>>) target(%arg12 : memref<128xi32, #tpu.memory_space<vmem>>) target_semaphore(%arg23 : memref<!tpu.dma_semaphore, #tpu.memory_space<semaphore_mem>>)
    %mul3A_169 = arith.constant 327680 : i32
    %mul3A_170 = arith.muli %arg0, %mul3A_169 : i32
    %mul3A_171 = arith.constant 20480 : i32
    %mul3A_172 = arith.muli %arg1, %mul3A_171 : i32
    %add3A_173 = arith.addi %mul3A_170, %mul3A_172 : i32
    %add3A_174 = arith.constant 384 : i32
    %add3A_175 = arith.addi %add3A_173, %add3A_174 : i32
    %dma_wait3A_176 = tpu.memref_slice %arg3[%add3A_175] : memref<655360xi32, #tpu.memory_space<hbm>> -> memref<128xi32, #tpu.memory_space<hbm>>
    %dma_wait3A_177 = tpu.memref_slice %arg3[%add3A_175] : memref<655360xi32, #tpu.memory_space<hbm>> -> memref<128xi32, #tpu.memory_space<hbm>>
    tpu.wait_dma2 semaphore(%arg26 : memref<!tpu.dma_semaphore, #tpu.memory_space<semaphore_mem>>) src(%dma_wait3A_177 : memref<128xi32, #tpu.memory_space<hbm>>) dst(%arg10 : memref<128xi32, #tpu.memory_space<vmem>>)
    %mul3A_178 = arith.constant 20480 : i32
    %mul3A_179 = arith.muli %arg1, %mul3A_178 : i32
    %add3A_180 = arith.constant 384 : i32
    %add3A_181 = arith.addi %mul3A_179, %add3A_180 : i32
    %dma_wait3A_182 = tpu.memref_slice %arg4[%add3A_181] : memref<327680xi32, #tpu.memory_space<hbm>> -> memref<128xi32, #tpu.memory_space<hbm>>
    %dma_wait3A_183 = tpu.memref_slice %arg4[%add3A_181] : memref<327680xi32, #tpu.memory_space<hbm>> -> memref<128xi32, #tpu.memory_space<hbm>>
    tpu.wait_dma2 semaphore(%arg26 : memref<!tpu.dma_semaphore, #tpu.memory_space<semaphore_mem>>) src(%dma_wait3A_183 : memref<128xi32, #tpu.memory_space<hbm>>) dst(%arg15 : memref<128xi32, #tpu.memory_space<vmem>>)
    %dma_start3A_184 = arith.constant 0 : i32
    %dma_start3A_185 = arith.constant 0 : i32
    %dma_start3A_186 = tpu.memref_slice %arg2[%dma_start3A_184, %dma_start3A_185] : memref<20000x96xf32, #tpu.memory_space<hbm>> -> memref<20000x96xf32, #tpu.memory_space<hbm>>
    tpu.enqueue_indirect_dma source(%dma_start3A_186 : memref<20000x96xf32, #tpu.memory_space<hbm>>) target(%arg20 : memref<128x96xf32, #tpu.memory_space<vmem>>) offsets(%arg10 : memref<128xi32, #tpu.memory_space<vmem>>) semaphore(%arg31 : memref<!tpu.dma_semaphore, #tpu.memory_space<semaphore_mem>>)
    %dma_wait3A_187 = arith.constant 0 : i32
    %dma_wait3A_188 = arith.constant 0 : i32
    %dma_wait3A_189 = tpu.memref_slice %arg2[%dma_wait3A_187, %dma_wait3A_188] : memref<20000x96xf32, #tpu.memory_space<hbm>> -> memref<20000x96xf32, #tpu.memory_space<hbm>>
    tpu.wait_indirect_dma semaphore(%arg29 : memref<!tpu.dma_semaphore, #tpu.memory_space<semaphore_mem>>) src(%dma_wait3A_189 : memref<20000x96xf32, #tpu.memory_space<hbm>>) dst(%arg18 : memref<128x96xf32, #tpu.memory_space<vmem>>)
    %dma_start3A_190 = arith.constant 0 : i32
    %dma_start3A_191 = arith.constant 0 : i32
    %dma_start3A_192 = tpu.memref_slice %arg22[%dma_start3A_190, %dma_start3A_191] : memref<10240x96xf32, #tpu.memory_space<vmem_shared>> -> memref<10240x96xf32, #tpu.memory_space<vmem_shared>>
    tpu.enqueue_indirect_dma source(%arg18 : memref<128x96xf32, #tpu.memory_space<vmem>>) target(%dma_start3A_192 : memref<10240x96xf32, #tpu.memory_space<vmem_shared>>) offsets(%arg13 : memref<128xi32, #tpu.memory_space<vmem>>) semaphore(%arg34 : memref<!tpu.dma_semaphore, #tpu.memory_space<semaphore_mem>>) {add = true}
    %dma_wait3A_193 = arith.constant 0 : i32
    %dma_wait3A_194 = arith.constant 0 : i32
    %dma_wait3A_195 = tpu.memref_slice %arg22[%dma_wait3A_193, %dma_wait3A_194] : memref<10240x96xf32, #tpu.memory_space<vmem_shared>> -> memref<10240x96xf32, #tpu.memory_space<vmem_shared>>
    tpu.wait_indirect_dma semaphore(%arg34 : memref<!tpu.dma_semaphore, #tpu.memory_space<semaphore_mem>>) src(%arg18 : memref<128x96xf32, #tpu.memory_space<vmem>>) dst(%dma_wait3A_195 : memref<10240x96xf32, #tpu.memory_space<vmem_shared>>)
    %mul3A_196 = arith.constant 327680 : i32
    %mul3A_197 = arith.muli %arg0, %mul3A_196 : i32
    %mul3A_198 = arith.constant 20480 : i32
    %mul3A_199 = arith.muli %arg1, %mul3A_198 : i32
    %add3A_200 = arith.addi %mul3A_197, %mul3A_199 : i32
    %add3A_201 = arith.constant 768 : i32
    %add3A_202 = arith.addi %add3A_200, %add3A_201 : i32
    %dma_start3A_203 = tpu.memref_slice %arg3[%add3A_202] : memref<655360xi32, #tpu.memory_space<hbm>> -> memref<128xi32, #tpu.memory_space<hbm>>
    %dma_start3A_204 = tpu.memref_slice %arg3[%add3A_202] : memref<655360xi32, #tpu.memory_space<hbm>> -> memref<128xi32, #tpu.memory_space<hbm>>
    tpu.enqueue_dma source(%dma_start3A_204 : memref<128xi32, #tpu.memory_space<hbm>>) target(%arg8 : memref<128xi32, #tpu.memory_space<vmem>>) target_semaphore(%arg24 : memref<!tpu.dma_semaphore, #tpu.memory_space<semaphore_mem>>)
    %mul3A_205 = arith.constant 20480 : i32
    %mul3A_206 = arith.muli %arg1, %mul3A_205 : i32
    %add3A_207 = arith.constant 768 : i32
    %add3A_208 = arith.addi %mul3A_206, %add3A_207 : i32
    %dma_start3A_209 = tpu.memref_slice %arg4[%add3A_208] : memref<327680xi32, #tpu.memory_space<hbm>> -> memref<128xi32, #tpu.memory_space<hbm>>
    %dma_start3A_210 = tpu.memref_slice %arg4[%add3A_208] : memref<327680xi32, #tpu.memory_space<hbm>> -> memref<128xi32, #tpu.memory_space<hbm>>
    tpu.enqueue_dma source(%dma_start3A_210 : memref<128xi32, #tpu.memory_space<hbm>>) target(%arg13 : memref<128xi32, #tpu.memory_space<vmem>>) target_semaphore(%arg24 : memref<!tpu.dma_semaphore, #tpu.memory_space<semaphore_mem>>)
    %mul3A_211 = arith.constant 327680 : i32
    %mul3A_212 = arith.muli %arg0, %mul3A_211 : i32
    %mul3A_213 = arith.constant 20480 : i32
    %mul3A_214 = arith.muli %arg1, %mul3A_213 : i32
    %add3A_215 = arith.addi %mul3A_212, %mul3A_214 : i32
    %add3A_216 = arith.constant 512 : i32
    %add3A_217 = arith.addi %add3A_215, %add3A_216 : i32
    %dma_wait3A_218 = tpu.memref_slice %arg3[%add3A_217] : memref<655360xi32, #tpu.memory_space<hbm>> -> memref<128xi32, #tpu.memory_space<hbm>>
    %dma_wait3A_219 = tpu.memref_slice %arg3[%add3A_217] : memref<655360xi32, #tpu.memory_space<hbm>> -> memref<128xi32, #tpu.memory_space<hbm>>
    tpu.wait_dma2 semaphore(%arg27 : memref<!tpu.dma_semaphore, #tpu.memory_space<semaphore_mem>>) src(%dma_wait3A_219 : memref<128xi32, #tpu.memory_space<hbm>>) dst(%arg11 : memref<128xi32, #tpu.memory_space<vmem>>)
    %mul3A_220 = arith.constant 20480 : i32
    %mul3A_221 = arith.muli %arg1, %mul3A_220 : i32
    %add3A_222 = arith.constant 512 : i32
    %add3A_223 = arith.addi %mul3A_221, %add3A_222 : i32
    %dma_wait3A_224 = tpu.memref_slice %arg4[%add3A_223] : memref<327680xi32, #tpu.memory_space<hbm>> -> memref<128xi32, #tpu.memory_space<hbm>>
    %dma_wait3A_225 = tpu.memref_slice %arg4[%add3A_223] : memref<327680xi32, #tpu.memory_space<hbm>> -> memref<128xi32, #tpu.memory_space<hbm>>
    tpu.wait_dma2 semaphore(%arg27 : memref<!tpu.dma_semaphore, #tpu.memory_space<semaphore_mem>>) src(%dma_wait3A_225 : memref<128xi32, #tpu.memory_space<hbm>>) dst(%arg16 : memref<128xi32, #tpu.memory_space<vmem>>)
    %dma_start3A_226 = arith.constant 0 : i32
    %dma_start3A_227 = arith.constant 0 : i32
    %dma_start3A_228 = tpu.memref_slice %arg2[%dma_start3A_226, %dma_start3A_227] : memref<20000x96xf32, #tpu.memory_space<hbm>> -> memref<20000x96xf32, #tpu.memory_space<hbm>>
    tpu.enqueue_indirect_dma source(%dma_start3A_228 : memref<20000x96xf32, #tpu.memory_space<hbm>>) target(%arg21 : memref<128x96xf32, #tpu.memory_space<vmem>>) offsets(%arg11 : memref<128xi32, #tpu.memory_space<vmem>>) semaphore(%arg32 : memref<!tpu.dma_semaphore, #tpu.memory_space<semaphore_mem>>)
    %dma_wait3A_229 = arith.constant 0 : i32
    %dma_wait3A_230 = arith.constant 0 : i32
    %dma_wait3A_231 = tpu.memref_slice %arg2[%dma_wait3A_229, %dma_wait3A_230] : memref<20000x96xf32, #tpu.memory_space<hbm>> -> memref<20000x96xf32, #tpu.memory_space<hbm>>
    tpu.wait_indirect_dma semaphore(%arg30 : memref<!tpu.dma_semaphore, #tpu.memory_space<semaphore_mem>>) src(%dma_wait3A_231 : memref<20000x96xf32, #tpu.memory_space<hbm>>) dst(%arg19 : memref<128x96xf32, #tpu.memory_space<vmem>>)
    %dma_start3A_232 = arith.constant 0 : i32
    %dma_start3A_233 = arith.constant 0 : i32
    %dma_start3A_234 = tpu.memref_slice %arg22[%dma_start3A_232, %dma_start3A_233] : memref<10240x96xf32, #tpu.memory_space<vmem_shared>> -> memref<10240x96xf32, #tpu.memory_space<vmem_shared>>
    tpu.enqueue_indirect_dma source(%arg19 : memref<128x96xf32, #tpu.memory_space<vmem>>) target(%dma_start3A_234 : memref<10240x96xf32, #tpu.memory_space<vmem_shared>>) offsets(%arg14 : memref<128xi32, #tpu.memory_space<vmem>>) semaphore(%arg35 : memref<!tpu.dma_semaphore, #tpu.memory_space<semaphore_mem>>) {add = true}
    %scan3A = arith.constant 0 : i32
    %scan3A_235 = arith.constant 1 : i32
    %scan3A_236 = arith.constant 30 : i32
    %scan3A_237 = arith.addi %scan3A_235, %scan3A_236 : i32
    %scan3A_238 = arith.constant 1 : i32
    scf.for %scan3A_477 = %scan3A_235 to %scan3A_237 step %scan3A_238  : i32 {
      %mul3A_478 = arith.constant 5 : i32
      %mul3A_479 = arith.muli %scan3A_477, %mul3A_478 : i32
      %add3A_480 = arith.constant 0 : i32
      %add3A_481 = arith.addi %mul3A_479, %add3A_480 : i32
      %dma_wait3A_482 = arith.constant 0 : i32
      %dma_wait3A_483 = arith.constant 0 : i32
      %dma_wait3A_484 = tpu.memref_slice %arg22[%dma_wait3A_482, %dma_wait3A_483] : memref<10240x96xf32, #tpu.memory_space<vmem_shared>> -> memref<10240x96xf32, #tpu.memory_space<vmem_shared>>
      tpu.wait_indirect_dma semaphore(%arg35 : memref<!tpu.dma_semaphore, #tpu.memory_space<semaphore_mem>>) src(%arg19 : memref<128x96xf32, #tpu.memory_space<vmem>>) dst(%dma_wait3A_484 : memref<10240x96xf32, #tpu.memory_space<vmem_shared>>)
      %add3A_485 = arith.constant 2 : i32
      %add3A_486 = arith.addi %add3A_481, %add3A_485 : i32
      %mul3A_487 = arith.constant 327680 : i32
      %mul3A_488 = arith.muli %arg0, %mul3A_487 : i32
      %mul3A_489 = arith.constant 20480 : i32
      %mul3A_490 = arith.muli %arg1, %mul3A_489 : i32
      %add3A_491 = arith.addi %mul3A_488, %mul3A_490 : i32
      %mul3A_492 = arith.constant 128 : i32
      %mul3A_493 = arith.muli %add3A_486, %mul3A_492 : i32
      %add3A_494 = arith.addi %add3A_491, %mul3A_493 : i32
      %dma_start3A_495 = tpu.memref_slice %arg3[%add3A_494] : memref<655360xi32, #tpu.memory_space<hbm>> -> memref<128xi32, #tpu.memory_space<hbm>>
      %dma_start3A_496 = tpu.memref_slice %arg3[%add3A_494] : memref<655360xi32, #tpu.memory_space<hbm>> -> memref<128xi32, #tpu.memory_space<hbm>>
      tpu.enqueue_dma source(%dma_start3A_496 : memref<128xi32, #tpu.memory_space<hbm>>) target(%arg9 : memref<128xi32, #tpu.memory_space<vmem>>) target_semaphore(%arg25 : memref<!tpu.dma_semaphore, #tpu.memory_space<semaphore_mem>>)
      %mul3A_497 = arith.constant 20480 : i32
      %mul3A_498 = arith.muli %arg1, %mul3A_497 : i32
      %mul3A_499 = arith.constant 128 : i32
      %mul3A_500 = arith.muli %add3A_486, %mul3A_499 : i32
      %add3A_501 = arith.addi %mul3A_498, %mul3A_500 : i32
      %dma_start3A_502 = tpu.memref_slice %arg4[%add3A_501] : memref<327680xi32, #tpu.memory_space<hbm>> -> memref<128xi32, #tpu.memory_space<hbm>>
      %dma_start3A_503 = tpu.memref_slice %arg4[%add3A_501] : memref<327680xi32, #tpu.memory_space<hbm>> -> memref<128xi32, #tpu.memory_space<hbm>>
      tpu.enqueue_dma source(%dma_start3A_503 : memref<128xi32, #tpu.memory_space<hbm>>) target(%arg14 : memref<128xi32, #tpu.memory_space<vmem>>) target_semaphore(%arg25 : memref<!tpu.dma_semaphore, #tpu.memory_space<semaphore_mem>>)
      %mul3A_504 = arith.constant 327680 : i32
      %mul3A_505 = arith.muli %arg0, %mul3A_504 : i32
      %mul3A_506 = arith.constant 20480 : i32
      %mul3A_507 = arith.muli %arg1, %mul3A_506 : i32
      %add3A_508 = arith.addi %mul3A_505, %mul3A_507 : i32
      %mul3A_509 = arith.constant 128 : i32
      %mul3A_510 = arith.muli %add3A_481, %mul3A_509 : i32
      %add3A_511 = arith.addi %add3A_508, %mul3A_510 : i32
      %dma_wait3A_512 = tpu.memref_slice %arg3[%add3A_511] : memref<655360xi32, #tpu.memory_space<hbm>> -> memref<128xi32, #tpu.memory_space<hbm>>
      %dma_wait3A_513 = tpu.memref_slice %arg3[%add3A_511] : memref<655360xi32, #tpu.memory_space<hbm>> -> memref<128xi32, #tpu.memory_space<hbm>>
      tpu.wait_dma2 semaphore(%arg23 : memref<!tpu.dma_semaphore, #tpu.memory_space<semaphore_mem>>) src(%dma_wait3A_513 : memref<128xi32, #tpu.memory_space<hbm>>) dst(%arg7 : memref<128xi32, #tpu.memory_space<vmem>>)
      %mul3A_514 = arith.constant 20480 : i32
      %mul3A_515 = arith.muli %arg1, %mul3A_514 : i32
      %mul3A_516 = arith.constant 128 : i32
      %mul3A_517 = arith.muli %add3A_481, %mul3A_516 : i32
      %add3A_518 = arith.addi %mul3A_515, %mul3A_517 : i32
      %dma_wait3A_519 = tpu.memref_slice %arg4[%add3A_518] : memref<327680xi32, #tpu.memory_space<hbm>> -> memref<128xi32, #tpu.memory_space<hbm>>
      %dma_wait3A_520 = tpu.memref_slice %arg4[%add3A_518] : memref<327680xi32, #tpu.memory_space<hbm>> -> memref<128xi32, #tpu.memory_space<hbm>>
      tpu.wait_dma2 semaphore(%arg23 : memref<!tpu.dma_semaphore, #tpu.memory_space<semaphore_mem>>) src(%dma_wait3A_520 : memref<128xi32, #tpu.memory_space<hbm>>) dst(%arg12 : memref<128xi32, #tpu.memory_space<vmem>>)
      %dma_start3A_521 = arith.constant 0 : i32
      %dma_start3A_522 = arith.constant 0 : i32
      %dma_start3A_523 = tpu.memref_slice %arg2[%dma_start3A_521, %dma_start3A_522] : memref<20000x96xf32, #tpu.memory_space<hbm>> -> memref<20000x96xf32, #tpu.memory_space<hbm>>
      tpu.enqueue_indirect_dma source(%dma_start3A_523 : memref<20000x96xf32, #tpu.memory_space<hbm>>) target(%arg17 : memref<128x96xf32, #tpu.memory_space<vmem>>) offsets(%arg7 : memref<128xi32, #tpu.memory_space<vmem>>) semaphore(%arg28 : memref<!tpu.dma_semaphore, #tpu.memory_space<semaphore_mem>>)
      %dma_wait3A_524 = arith.constant 0 : i32
      %dma_wait3A_525 = arith.constant 0 : i32
      %dma_wait3A_526 = tpu.memref_slice %arg2[%dma_wait3A_524, %dma_wait3A_525] : memref<20000x96xf32, #tpu.memory_space<hbm>> -> memref<20000x96xf32, #tpu.memory_space<hbm>>
      tpu.wait_indirect_dma semaphore(%arg31 : memref<!tpu.dma_semaphore, #tpu.memory_space<semaphore_mem>>) src(%dma_wait3A_526 : memref<20000x96xf32, #tpu.memory_space<hbm>>) dst(%arg20 : memref<128x96xf32, #tpu.memory_space<vmem>>)
      %dma_start3A_527 = arith.constant 0 : i32
      %dma_start3A_528 = arith.constant 0 : i32
      %dma_start3A_529 = tpu.memref_slice %arg22[%dma_start3A_527, %dma_start3A_528] : memref<10240x96xf32, #tpu.memory_space<vmem_shared>> -> memref<10240x96xf32, #tpu.memory_space<vmem_shared>>
      tpu.enqueue_indirect_dma source(%arg20 : memref<128x96xf32, #tpu.memory_space<vmem>>) target(%dma_start3A_529 : memref<10240x96xf32, #tpu.memory_space<vmem_shared>>) offsets(%arg15 : memref<128xi32, #tpu.memory_space<vmem>>) semaphore(%arg36 : memref<!tpu.dma_semaphore, #tpu.memory_space<semaphore_mem>>) {add = true}
      %mul3A_530 = arith.constant 5 : i32
      %mul3A_531 = arith.muli %scan3A_477, %mul3A_530 : i32
      %add3A_532 = arith.constant 1 : i32
      %add3A_533 = arith.addi %mul3A_531, %add3A_532 : i32
      %dma_wait3A_534 = arith.constant 0 : i32
      %dma_wait3A_535 = arith.constant 0 : i32
      %dma_wait3A_536 = tpu.memref_slice %arg22[%dma_wait3A_534, %dma_wait3A_535] : memref<10240x96xf32, #tpu.memory_space<vmem_shared>> -> memref<10240x96xf32, #tpu.memory_space<vmem_shared>>
      tpu.wait_indirect_dma semaphore(%arg36 : memref<!tpu.dma_semaphore, #tpu.memory_space<semaphore_mem>>) src(%arg20 : memref<128x96xf32, #tpu.memory_space<vmem>>) dst(%dma_wait3A_536 : memref<10240x96xf32, #tpu.memory_space<vmem_shared>>)
      %add3A_537 = arith.constant 2 : i32
      %add3A_538 = arith.addi %add3A_533, %add3A_537 : i32
      %mul3A_539 = arith.constant 327680 : i32
      %mul3A_540 = arith.muli %arg0, %mul3A_539 : i32
      %mul3A_541 = arith.constant 20480 : i32
      %mul3A_542 = arith.muli %arg1, %mul3A_541 : i32
      %add3A_543 = arith.addi %mul3A_540, %mul3A_542 : i32
      %mul3A_544 = arith.constant 128 : i32
      %mul3A_545 = arith.muli %add3A_538, %mul3A_544 : i32
      %add3A_546 = arith.addi %add3A_543, %mul3A_545 : i32
      %dma_start3A_547 = tpu.memref_slice %arg3[%add3A_546] : memref<655360xi32, #tpu.memory_space<hbm>> -> memref<128xi32, #tpu.memory_space<hbm>>
      %dma_start3A_548 = tpu.memref_slice %arg3[%add3A_546] : memref<655360xi32, #tpu.memory_space<hbm>> -> memref<128xi32, #tpu.memory_space<hbm>>
      tpu.enqueue_dma source(%dma_start3A_548 : memref<128xi32, #tpu.memory_space<hbm>>) target(%arg10 : memref<128xi32, #tpu.memory_space<vmem>>) target_semaphore(%arg26 : memref<!tpu.dma_semaphore, #tpu.memory_space<semaphore_mem>>)
      %mul3A_549 = arith.constant 20480 : i32
      %mul3A_550 = arith.muli %arg1, %mul3A_549 : i32
      %mul3A_551 = arith.constant 128 : i32
      %mul3A_552 = arith.muli %add3A_538, %mul3A_551 : i32
      %add3A_553 = arith.addi %mul3A_550, %mul3A_552 : i32
      %dma_start3A_554 = tpu.memref_slice %arg4[%add3A_553] : memref<327680xi32, #tpu.memory_space<hbm>> -> memref<128xi32, #tpu.memory_space<hbm>>
      %dma_start3A_555 = tpu.memref_slice %arg4[%add3A_553] : memref<327680xi32, #tpu.memory_space<hbm>> -> memref<128xi32, #tpu.memory_space<hbm>>
      tpu.enqueue_dma source(%dma_start3A_555 : memref<128xi32, #tpu.memory_space<hbm>>) target(%arg15 : memref<128xi32, #tpu.memory_space<vmem>>) target_semaphore(%arg26 : memref<!tpu.dma_semaphore, #tpu.memory_space<semaphore_mem>>)
      %mul3A_556 = arith.constant 327680 : i32
      %mul3A_557 = arith.muli %arg0, %mul3A_556 : i32
      %mul3A_558 = arith.constant 20480 : i32
      %mul3A_559 = arith.muli %arg1, %mul3A_558 : i32
      %add3A_560 = arith.addi %mul3A_557, %mul3A_559 : i32
      %mul3A_561 = arith.constant 128 : i32
      %mul3A_562 = arith.muli %add3A_533, %mul3A_561 : i32
      %add3A_563 = arith.addi %add3A_560, %mul3A_562 : i32
      %dma_wait3A_564 = tpu.memref_slice %arg3[%add3A_563] : memref<655360xi32, #tpu.memory_space<hbm>> -> memref<128xi32, #tpu.memory_space<hbm>>
      %dma_wait3A_565 = tpu.memref_slice %arg3[%add3A_563] : memref<655360xi32, #tpu.memory_space<hbm>> -> memref<128xi32, #tpu.memory_space<hbm>>
      tpu.wait_dma2 semaphore(%arg24 : memref<!tpu.dma_semaphore, #tpu.memory_space<semaphore_mem>>) src(%dma_wait3A_565 : memref<128xi32, #tpu.memory_space<hbm>>) dst(%arg8 : memref<128xi32, #tpu.memory_space<vmem>>)
      %mul3A_566 = arith.constant 20480 : i32
      %mul3A_567 = arith.muli %arg1, %mul3A_566 : i32
      %mul3A_568 = arith.constant 128 : i32
      %mul3A_569 = arith.muli %add3A_533, %mul3A_568 : i32
      %add3A_570 = arith.addi %mul3A_567, %mul3A_569 : i32
      %dma_wait3A_571 = tpu.memref_slice %arg4[%add3A_570] : memref<327680xi32, #tpu.memory_space<hbm>> -> memref<128xi32, #tpu.memory_space<hbm>>
      %dma_wait3A_572 = tpu.memref_slice %arg4[%add3A_570] : memref<327680xi32, #tpu.memory_space<hbm>> -> memref<128xi32, #tpu.memory_space<hbm>>
      tpu.wait_dma2 semaphore(%arg24 : memref<!tpu.dma_semaphore, #tpu.memory_space<semaphore_mem>>) src(%dma_wait3A_572 : memref<128xi32, #tpu.memory_space<hbm>>) dst(%arg13 : memref<128xi32, #tpu.memory_space<vmem>>)
      %dma_start3A_573 = arith.constant 0 : i32
      %dma_start3A_574 = arith.constant 0 : i32
      %dma_start3A_575 = tpu.memref_slice %arg2[%dma_start3A_573, %dma_start3A_574] : memref<20000x96xf32, #tpu.memory_space<hbm>> -> memref<20000x96xf32, #tpu.memory_space<hbm>>
      tpu.enqueue_indirect_dma source(%dma_start3A_575 : memref<20000x96xf32, #tpu.memory_space<hbm>>) target(%arg18 : memref<128x96xf32, #tpu.memory_space<vmem>>) offsets(%arg8 : memref<128xi32, #tpu.memory_space<vmem>>) semaphore(%arg29 : memref<!tpu.dma_semaphore, #tpu.memory_space<semaphore_mem>>)
      %dma_wait3A_576 = arith.constant 0 : i32
      %dma_wait3A_577 = arith.constant 0 : i32
      %dma_wait3A_578 = tpu.memref_slice %arg2[%dma_wait3A_576, %dma_wait3A_577] : memref<20000x96xf32, #tpu.memory_space<hbm>> -> memref<20000x96xf32, #tpu.memory_space<hbm>>
      tpu.wait_indirect_dma semaphore(%arg32 : memref<!tpu.dma_semaphore, #tpu.memory_space<semaphore_mem>>) src(%dma_wait3A_578 : memref<20000x96xf32, #tpu.memory_space<hbm>>) dst(%arg21 : memref<128x96xf32, #tpu.memory_space<vmem>>)
      %dma_start3A_579 = arith.constant 0 : i32
      %dma_start3A_580 = arith.constant 0 : i32
      %dma_start3A_581 = tpu.memref_slice %arg22[%dma_start3A_579, %dma_start3A_580] : memref<10240x96xf32, #tpu.memory_space<vmem_shared>> -> memref<10240x96xf32, #tpu.memory_space<vmem_shared>>
      tpu.enqueue_indirect_dma source(%arg21 : memref<128x96xf32, #tpu.memory_space<vmem>>) target(%dma_start3A_581 : memref<10240x96xf32, #tpu.memory_space<vmem_shared>>) offsets(%arg16 : memref<128xi32, #tpu.memory_space<vmem>>) semaphore(%arg37 : memref<!tpu.dma_semaphore, #tpu.memory_space<semaphore_mem>>) {add = true}
      %mul3A_582 = arith.constant 5 : i32
      %mul3A_583 = arith.muli %scan3A_477, %mul3A_582 : i32
      %add3A_584 = arith.constant 2 : i32
      %add3A_585 = arith.addi %mul3A_583, %add3A_584 : i32
      %dma_wait3A_586 = arith.constant 0 : i32
      %dma_wait3A_587 = arith.constant 0 : i32
      %dma_wait3A_588 = tpu.memref_slice %arg22[%dma_wait3A_586, %dma_wait3A_587] : memref<10240x96xf32, #tpu.memory_space<vmem_shared>> -> memref<10240x96xf32, #tpu.memory_space<vmem_shared>>
      tpu.wait_indirect_dma semaphore(%arg37 : memref<!tpu.dma_semaphore, #tpu.memory_space<semaphore_mem>>) src(%arg21 : memref<128x96xf32, #tpu.memory_space<vmem>>) dst(%dma_wait3A_588 : memref<10240x96xf32, #tpu.memory_space<vmem_shared>>)
      %add3A_589 = arith.constant 2 : i32
      %add3A_590 = arith.addi %add3A_585, %add3A_589 : i32
      %mul3A_591 = arith.constant 327680 : i32
      %mul3A_592 = arith.muli %arg0, %mul3A_591 : i32
      %mul3A_593 = arith.constant 20480 : i32
      %mul3A_594 = arith.muli %arg1, %mul3A_593 : i32
      %add3A_595 = arith.addi %mul3A_592, %mul3A_594 : i32
      %mul3A_596 = arith.constant 128 : i32
      %mul3A_597 = arith.muli %add3A_590, %mul3A_596 : i32
      %add3A_598 = arith.addi %add3A_595, %mul3A_597 : i32
      %dma_start3A_599 = tpu.memref_slice %arg3[%add3A_598] : memref<655360xi32, #tpu.memory_space<hbm>> -> memref<128xi32, #tpu.memory_space<hbm>>
      %dma_start3A_600 = tpu.memref_slice %arg3[%add3A_598] : memref<655360xi32, #tpu.memory_space<hbm>> -> memref<128xi32, #tpu.memory_space<hbm>>
      tpu.enqueue_dma source(%dma_start3A_600 : memref<128xi32, #tpu.memory_space<hbm>>) target(%arg11 : memref<128xi32, #tpu.memory_space<vmem>>) target_semaphore(%arg27 : memref<!tpu.dma_semaphore, #tpu.memory_space<semaphore_mem>>)
      %mul3A_601 = arith.constant 20480 : i32
      %mul3A_602 = arith.muli %arg1, %mul3A_601 : i32
      %mul3A_603 = arith.constant 128 : i32
      %mul3A_604 = arith.muli %add3A_590, %mul3A_603 : i32
      %add3A_605 = arith.addi %mul3A_602, %mul3A_604 : i32
      %dma_start3A_606 = tpu.memref_slice %arg4[%add3A_605] : memref<327680xi32, #tpu.memory_space<hbm>> -> memref<128xi32, #tpu.memory_space<hbm>>
      %dma_start3A_607 = tpu.memref_slice %arg4[%add3A_605] : memref<327680xi32, #tpu.memory_space<hbm>> -> memref<128xi32, #tpu.memory_space<hbm>>
      tpu.enqueue_dma source(%dma_start3A_607 : memref<128xi32, #tpu.memory_space<hbm>>) target(%arg16 : memref<128xi32, #tpu.memory_space<vmem>>) target_semaphore(%arg27 : memref<!tpu.dma_semaphore, #tpu.memory_space<semaphore_mem>>)
      %mul3A_608 = arith.constant 327680 : i32
      %mul3A_609 = arith.muli %arg0, %mul3A_608 : i32
      %mul3A_610 = arith.constant 20480 : i32
      %mul3A_611 = arith.muli %arg1, %mul3A_610 : i32
      %add3A_612 = arith.addi %mul3A_609, %mul3A_611 : i32
      %mul3A_613 = arith.constant 128 : i32
      %mul3A_614 = arith.muli %add3A_585, %mul3A_613 : i32
      %add3A_615 = arith.addi %add3A_612, %mul3A_614 : i32
      %dma_wait3A_616 = tpu.memref_slice %arg3[%add3A_615] : memref<655360xi32, #tpu.memory_space<hbm>> -> memref<128xi32, #tpu.memory_space<hbm>>
      %dma_wait3A_617 = tpu.memref_slice %arg3[%add3A_615] : memref<655360xi32, #tpu.memory_space<hbm>> -> memref<128xi32, #tpu.memory_space<hbm>>
      tpu.wait_dma2 semaphore(%arg25 : memref<!tpu.dma_semaphore, #tpu.memory_space<semaphore_mem>>) src(%dma_wait3A_617 : memref<128xi32, #tpu.memory_space<hbm>>) dst(%arg9 : memref<128xi32, #tpu.memory_space<vmem>>)
      %mul3A_618 = arith.constant 20480 : i32
      %mul3A_619 = arith.muli %arg1, %mul3A_618 : i32
      %mul3A_620 = arith.constant 128 : i32
      %mul3A_621 = arith.muli %add3A_585, %mul3A_620 : i32
      %add3A_622 = arith.addi %mul3A_619, %mul3A_621 : i32
      %dma_wait3A_623 = tpu.memref_slice %arg4[%add3A_622] : memref<327680xi32, #tpu.memory_space<hbm>> -> memref<128xi32, #tpu.memory_space<hbm>>
      %dma_wait3A_624 = tpu.memref_slice %arg4[%add3A_622] : memref<327680xi32, #tpu.memory_space<hbm>> -> memref<128xi32, #tpu.memory_space<hbm>>
      tpu.wait_dma2 semaphore(%arg25 : memref<!tpu.dma_semaphore, #tpu.memory_space<semaphore_mem>>) src(%dma_wait3A_624 : memref<128xi32, #tpu.memory_space<hbm>>) dst(%arg14 : memref<128xi32, #tpu.memory_space<vmem>>)
      %dma_start3A_625 = arith.constant 0 : i32
      %dma_start3A_626 = arith.constant 0 : i32
      %dma_start3A_627 = tpu.memref_slice %arg2[%dma_start3A_625, %dma_start3A_626] : memref<20000x96xf32, #tpu.memory_space<hbm>> -> memref<20000x96xf32, #tpu.memory_space<hbm>>
      tpu.enqueue_indirect_dma source(%dma_start3A_627 : memref<20000x96xf32, #tpu.memory_space<hbm>>) target(%arg19 : memref<128x96xf32, #tpu.memory_space<vmem>>) offsets(%arg9 : memref<128xi32, #tpu.memory_space<vmem>>) semaphore(%arg30 : memref<!tpu.dma_semaphore, #tpu.memory_space<semaphore_mem>>)
      %dma_wait3A_628 = arith.constant 0 : i32
      %dma_wait3A_629 = arith.constant 0 : i32
      %dma_wait3A_630 = tpu.memref_slice %arg2[%dma_wait3A_628, %dma_wait3A_629] : memref<20000x96xf32, #tpu.memory_space<hbm>> -> memref<20000x96xf32, #tpu.memory_space<hbm>>
      tpu.wait_indirect_dma semaphore(%arg28 : memref<!tpu.dma_semaphore, #tpu.memory_space<semaphore_mem>>) src(%dma_wait3A_630 : memref<20000x96xf32, #tpu.memory_space<hbm>>) dst(%arg17 : memref<128x96xf32, #tpu.memory_space<vmem>>)
      %dma_start3A_631 = arith.constant 0 : i32
      %dma_start3A_632 = arith.constant 0 : i32
      %dma_start3A_633 = tpu.memref_slice %arg22[%dma_start3A_631, %dma_start3A_632] : memref<10240x96xf32, #tpu.memory_space<vmem_shared>> -> memref<10240x96xf32, #tpu.memory_space<vmem_shared>>
      tpu.enqueue_indirect_dma source(%arg17 : memref<128x96xf32, #tpu.memory_space<vmem>>) target(%dma_start3A_633 : memref<10240x96xf32, #tpu.memory_space<vmem_shared>>) offsets(%arg12 : memref<128xi32, #tpu.memory_space<vmem>>) semaphore(%arg33 : memref<!tpu.dma_semaphore, #tpu.memory_space<semaphore_mem>>) {add = true}
      %mul3A_634 = arith.constant 5 : i32
      %mul3A_635 = arith.muli %scan3A_477, %mul3A_634 : i32
      %add3A_636 = arith.constant 3 : i32
      %add3A_637 = arith.addi %mul3A_635, %add3A_636 : i32
      %dma_wait3A_638 = arith.constant 0 : i32
      %dma_wait3A_639 = arith.constant 0 : i32
      %dma_wait3A_640 = tpu.memref_slice %arg22[%dma_wait3A_638, %dma_wait3A_639] : memref<10240x96xf32, #tpu.memory_space<vmem_shared>> -> memref<10240x96xf32, #tpu.memory_space<vmem_shared>>
      tpu.wait_indirect_dma semaphore(%arg33 : memref<!tpu.dma_semaphore, #tpu.memory_space<semaphore_mem>>) src(%arg17 : memref<128x96xf32, #tpu.memory_space<vmem>>) dst(%dma_wait3A_640 : memref<10240x96xf32, #tpu.memory_space<vmem_shared>>)
      %add3A_641 = arith.constant 2 : i32
      %add3A_642 = arith.addi %add3A_637, %add3A_641 : i32
      %mul3A_643 = arith.constant 327680 : i32
      %mul3A_644 = arith.muli %arg0, %mul3A_643 : i32
      %mul3A_645 = arith.constant 20480 : i32
      %mul3A_646 = arith.muli %arg1, %mul3A_645 : i32
      %add3A_647 = arith.addi %mul3A_644, %mul3A_646 : i32
      %mul3A_648 = arith.constant 128 : i32
      %mul3A_649 = arith.muli %add3A_642, %mul3A_648 : i32
      %add3A_650 = arith.addi %add3A_647, %mul3A_649 : i32
      %dma_start3A_651 = tpu.memref_slice %arg3[%add3A_650] : memref<655360xi32, #tpu.memory_space<hbm>> -> memref<128xi32, #tpu.memory_space<hbm>>
      %dma_start3A_652 = tpu.memref_slice %arg3[%add3A_650] : memref<655360xi32, #tpu.memory_space<hbm>> -> memref<128xi32, #tpu.memory_space<hbm>>
      tpu.enqueue_dma source(%dma_start3A_652 : memref<128xi32, #tpu.memory_space<hbm>>) target(%arg7 : memref<128xi32, #tpu.memory_space<vmem>>) target_semaphore(%arg23 : memref<!tpu.dma_semaphore, #tpu.memory_space<semaphore_mem>>)
      %mul3A_653 = arith.constant 20480 : i32
      %mul3A_654 = arith.muli %arg1, %mul3A_653 : i32
      %mul3A_655 = arith.constant 128 : i32
      %mul3A_656 = arith.muli %add3A_642, %mul3A_655 : i32
      %add3A_657 = arith.addi %mul3A_654, %mul3A_656 : i32
      %dma_start3A_658 = tpu.memref_slice %arg4[%add3A_657] : memref<327680xi32, #tpu.memory_space<hbm>> -> memref<128xi32, #tpu.memory_space<hbm>>
      %dma_start3A_659 = tpu.memref_slice %arg4[%add3A_657] : memref<327680xi32, #tpu.memory_space<hbm>> -> memref<128xi32, #tpu.memory_space<hbm>>
      tpu.enqueue_dma source(%dma_start3A_659 : memref<128xi32, #tpu.memory_space<hbm>>) target(%arg12 : memref<128xi32, #tpu.memory_space<vmem>>) target_semaphore(%arg23 : memref<!tpu.dma_semaphore, #tpu.memory_space<semaphore_mem>>)
      %mul3A_660 = arith.constant 327680 : i32
      %mul3A_661 = arith.muli %arg0, %mul3A_660 : i32
      %mul3A_662 = arith.constant 20480 : i32
      %mul3A_663 = arith.muli %arg1, %mul3A_662 : i32
      %add3A_664 = arith.addi %mul3A_661, %mul3A_663 : i32
      %mul3A_665 = arith.constant 128 : i32
      %mul3A_666 = arith.muli %add3A_637, %mul3A_665 : i32
      %add3A_667 = arith.addi %add3A_664, %mul3A_666 : i32
      %dma_wait3A_668 = tpu.memref_slice %arg3[%add3A_667] : memref<655360xi32, #tpu.memory_space<hbm>> -> memref<128xi32, #tpu.memory_space<hbm>>
      %dma_wait3A_669 = tpu.memref_slice %arg3[%add3A_667] : memref<655360xi32, #tpu.memory_space<hbm>> -> memref<128xi32, #tpu.memory_space<hbm>>
      tpu.wait_dma2 semaphore(%arg26 : memref<!tpu.dma_semaphore, #tpu.memory_space<semaphore_mem>>) src(%dma_wait3A_669 : memref<128xi32, #tpu.memory_space<hbm>>) dst(%arg10 : memref<128xi32, #tpu.memory_space<vmem>>)
      %mul3A_670 = arith.constant 20480 : i32
      %mul3A_671 = arith.muli %arg1, %mul3A_670 : i32
      %mul3A_672 = arith.constant 128 : i32
      %mul3A_673 = arith.muli %add3A_637, %mul3A_672 : i32
      %add3A_674 = arith.addi %mul3A_671, %mul3A_673 : i32
      %dma_wait3A_675 = tpu.memref_slice %arg4[%add3A_674] : memref<327680xi32, #tpu.memory_space<hbm>> -> memref<128xi32, #tpu.memory_space<hbm>>
      %dma_wait3A_676 = tpu.memref_slice %arg4[%add3A_674] : memref<327680xi32, #tpu.memory_space<hbm>> -> memref<128xi32, #tpu.memory_space<hbm>>
      tpu.wait_dma2 semaphore(%arg26 : memref<!tpu.dma_semaphore, #tpu.memory_space<semaphore_mem>>) src(%dma_wait3A_676 : memref<128xi32, #tpu.memory_space<hbm>>) dst(%arg15 : memref<128xi32, #tpu.memory_space<vmem>>)
      %dma_start3A_677 = arith.constant 0 : i32
      %dma_start3A_678 = arith.constant 0 : i32
      %dma_start3A_679 = tpu.memref_slice %arg2[%dma_start3A_677, %dma_start3A_678] : memref<20000x96xf32, #tpu.memory_space<hbm>> -> memref<20000x96xf32, #tpu.memory_space<hbm>>
      tpu.enqueue_indirect_dma source(%dma_start3A_679 : memref<20000x96xf32, #tpu.memory_space<hbm>>) target(%arg20 : memref<128x96xf32, #tpu.memory_space<vmem>>) offsets(%arg10 : memref<128xi32, #tpu.memory_space<vmem>>) semaphore(%arg31 : memref<!tpu.dma_semaphore, #tpu.memory_space<semaphore_mem>>)
      %dma_wait3A_680 = arith.constant 0 : i32
      %dma_wait3A_681 = arith.constant 0 : i32
      %dma_wait3A_682 = tpu.memref_slice %arg2[%dma_wait3A_680, %dma_wait3A_681] : memref<20000x96xf32, #tpu.memory_space<hbm>> -> memref<20000x96xf32, #tpu.memory_space<hbm>>
      tpu.wait_indirect_dma semaphore(%arg29 : memref<!tpu.dma_semaphore, #tpu.memory_space<semaphore_mem>>) src(%dma_wait3A_682 : memref<20000x96xf32, #tpu.memory_space<hbm>>) dst(%arg18 : memref<128x96xf32, #tpu.memory_space<vmem>>)
      %dma_start3A_683 = arith.constant 0 : i32
      %dma_start3A_684 = arith.constant 0 : i32
      %dma_start3A_685 = tpu.memref_slice %arg22[%dma_start3A_683, %dma_start3A_684] : memref<10240x96xf32, #tpu.memory_space<vmem_shared>> -> memref<10240x96xf32, #tpu.memory_space<vmem_shared>>
      tpu.enqueue_indirect_dma source(%arg18 : memref<128x96xf32, #tpu.memory_space<vmem>>) target(%dma_start3A_685 : memref<10240x96xf32, #tpu.memory_space<vmem_shared>>) offsets(%arg13 : memref<128xi32, #tpu.memory_space<vmem>>) semaphore(%arg34 : memref<!tpu.dma_semaphore, #tpu.memory_space<semaphore_mem>>) {add = true}
      %mul3A_686 = arith.constant 5 : i32
      %mul3A_687 = arith.muli %scan3A_477, %mul3A_686 : i32
      %add3A_688 = arith.constant 4 : i32
      %add3A_689 = arith.addi %mul3A_687, %add3A_688 : i32
      %dma_wait3A_690 = arith.constant 0 : i32
      %dma_wait3A_691 = arith.constant 0 : i32
      %dma_wait3A_692 = tpu.memref_slice %arg22[%dma_wait3A_690, %dma_wait3A_691] : memref<10240x96xf32, #tpu.memory_space<vmem_shared>> -> memref<10240x96xf32, #tpu.memory_space<vmem_shared>>
      tpu.wait_indirect_dma semaphore(%arg34 : memref<!tpu.dma_semaphore, #tpu.memory_space<semaphore_mem>>) src(%arg18 : memref<128x96xf32, #tpu.memory_space<vmem>>) dst(%dma_wait3A_692 : memref<10240x96xf32, #tpu.memory_space<vmem_shared>>)
      %add3A_693 = arith.constant 2 : i32
      %add3A_694 = arith.addi %add3A_689, %add3A_693 : i32
      %mul3A_695 = arith.constant 327680 : i32
      %mul3A_696 = arith.muli %arg0, %mul3A_695 : i32
      %mul3A_697 = arith.constant 20480 : i32
      %mul3A_698 = arith.muli %arg1, %mul3A_697 : i32
      %add3A_699 = arith.addi %mul3A_696, %mul3A_698 : i32
      %mul3A_700 = arith.constant 128 : i32
      %mul3A_701 = arith.muli %add3A_694, %mul3A_700 : i32
      %add3A_702 = arith.addi %add3A_699, %mul3A_701 : i32
      %dma_start3A_703 = tpu.memref_slice %arg3[%add3A_702] : memref<655360xi32, #tpu.memory_space<hbm>> -> memref<128xi32, #tpu.memory_space<hbm>>
      %dma_start3A_704 = tpu.memref_slice %arg3[%add3A_702] : memref<655360xi32, #tpu.memory_space<hbm>> -> memref<128xi32, #tpu.memory_space<hbm>>
      tpu.enqueue_dma source(%dma_start3A_704 : memref<128xi32, #tpu.memory_space<hbm>>) target(%arg8 : memref<128xi32, #tpu.memory_space<vmem>>) target_semaphore(%arg24 : memref<!tpu.dma_semaphore, #tpu.memory_space<semaphore_mem>>)
      %mul3A_705 = arith.constant 20480 : i32
      %mul3A_706 = arith.muli %arg1, %mul3A_705 : i32
      %mul3A_707 = arith.constant 128 : i32
      %mul3A_708 = arith.muli %add3A_694, %mul3A_707 : i32
      %add3A_709 = arith.addi %mul3A_706, %mul3A_708 : i32
      %dma_start3A_710 = tpu.memref_slice %arg4[%add3A_709] : memref<327680xi32, #tpu.memory_space<hbm>> -> memref<128xi32, #tpu.memory_space<hbm>>
      %dma_start3A_711 = tpu.memref_slice %arg4[%add3A_709] : memref<327680xi32, #tpu.memory_space<hbm>> -> memref<128xi32, #tpu.memory_space<hbm>>
      tpu.enqueue_dma source(%dma_start3A_711 : memref<128xi32, #tpu.memory_space<hbm>>) target(%arg13 : memref<128xi32, #tpu.memory_space<vmem>>) target_semaphore(%arg24 : memref<!tpu.dma_semaphore, #tpu.memory_space<semaphore_mem>>)
      %mul3A_712 = arith.constant 327680 : i32
      %mul3A_713 = arith.muli %arg0, %mul3A_712 : i32
      %mul3A_714 = arith.constant 20480 : i32
      %mul3A_715 = arith.muli %arg1, %mul3A_714 : i32
      %add3A_716 = arith.addi %mul3A_713, %mul3A_715 : i32
      %mul3A_717 = arith.constant 128 : i32
      %mul3A_718 = arith.muli %add3A_689, %mul3A_717 : i32
      %add3A_719 = arith.addi %add3A_716, %mul3A_718 : i32
      %dma_wait3A_720 = tpu.memref_slice %arg3[%add3A_719] : memref<655360xi32, #tpu.memory_space<hbm>> -> memref<128xi32, #tpu.memory_space<hbm>>
      %dma_wait3A_721 = tpu.memref_slice %arg3[%add3A_719] : memref<655360xi32, #tpu.memory_space<hbm>> -> memref<128xi32, #tpu.memory_space<hbm>>
      tpu.wait_dma2 semaphore(%arg27 : memref<!tpu.dma_semaphore, #tpu.memory_space<semaphore_mem>>) src(%dma_wait3A_721 : memref<128xi32, #tpu.memory_space<hbm>>) dst(%arg11 : memref<128xi32, #tpu.memory_space<vmem>>)
      %mul3A_722 = arith.constant 20480 : i32
      %mul3A_723 = arith.muli %arg1, %mul3A_722 : i32
      %mul3A_724 = arith.constant 128 : i32
      %mul3A_725 = arith.muli %add3A_689, %mul3A_724 : i32
      %add3A_726 = arith.addi %mul3A_723, %mul3A_725 : i32
      %dma_wait3A_727 = tpu.memref_slice %arg4[%add3A_726] : memref<327680xi32, #tpu.memory_space<hbm>> -> memref<128xi32, #tpu.memory_space<hbm>>
      %dma_wait3A_728 = tpu.memref_slice %arg4[%add3A_726] : memref<327680xi32, #tpu.memory_space<hbm>> -> memref<128xi32, #tpu.memory_space<hbm>>
      tpu.wait_dma2 semaphore(%arg27 : memref<!tpu.dma_semaphore, #tpu.memory_space<semaphore_mem>>) src(%dma_wait3A_728 : memref<128xi32, #tpu.memory_space<hbm>>) dst(%arg16 : memref<128xi32, #tpu.memory_space<vmem>>)
      %dma_start3A_729 = arith.constant 0 : i32
      %dma_start3A_730 = arith.constant 0 : i32
      %dma_start3A_731 = tpu.memref_slice %arg2[%dma_start3A_729, %dma_start3A_730] : memref<20000x96xf32, #tpu.memory_space<hbm>> -> memref<20000x96xf32, #tpu.memory_space<hbm>>
      tpu.enqueue_indirect_dma source(%dma_start3A_731 : memref<20000x96xf32, #tpu.memory_space<hbm>>) target(%arg21 : memref<128x96xf32, #tpu.memory_space<vmem>>) offsets(%arg11 : memref<128xi32, #tpu.memory_space<vmem>>) semaphore(%arg32 : memref<!tpu.dma_semaphore, #tpu.memory_space<semaphore_mem>>)
      %dma_wait3A_732 = arith.constant 0 : i32
      %dma_wait3A_733 = arith.constant 0 : i32
      %dma_wait3A_734 = tpu.memref_slice %arg2[%dma_wait3A_732, %dma_wait3A_733] : memref<20000x96xf32, #tpu.memory_space<hbm>> -> memref<20000x96xf32, #tpu.memory_space<hbm>>
      tpu.wait_indirect_dma semaphore(%arg30 : memref<!tpu.dma_semaphore, #tpu.memory_space<semaphore_mem>>) src(%dma_wait3A_734 : memref<20000x96xf32, #tpu.memory_space<hbm>>) dst(%arg19 : memref<128x96xf32, #tpu.memory_space<vmem>>)
      %dma_start3A_735 = arith.constant 0 : i32
      %dma_start3A_736 = arith.constant 0 : i32
      %dma_start3A_737 = tpu.memref_slice %arg22[%dma_start3A_735, %dma_start3A_736] : memref<10240x96xf32, #tpu.memory_space<vmem_shared>> -> memref<10240x96xf32, #tpu.memory_space<vmem_shared>>
      tpu.enqueue_indirect_dma source(%arg19 : memref<128x96xf32, #tpu.memory_space<vmem>>) target(%dma_start3A_737 : memref<10240x96xf32, #tpu.memory_space<vmem_shared>>) offsets(%arg14 : memref<128xi32, #tpu.memory_space<vmem>>) semaphore(%arg35 : memref<!tpu.dma_semaphore, #tpu.memory_space<semaphore_mem>>) {add = true}
    }
    %scan3A_239 = arith.constant 30 : i32
    %dma_wait3A_240 = arith.constant 0 : i32
    %dma_wait3A_241 = arith.constant 0 : i32
    %dma_wait3A_242 = tpu.memref_slice %arg22[%dma_wait3A_240, %dma_wait3A_241] : memref<10240x96xf32, #tpu.memory_space<vmem_shared>> -> memref<10240x96xf32, #tpu.memory_space<vmem_shared>>
    tpu.wait_indirect_dma semaphore(%arg35 : memref<!tpu.dma_semaphore, #tpu.memory_space<semaphore_mem>>) src(%arg19 : memref<128x96xf32, #tpu.memory_space<vmem>>) dst(%dma_wait3A_242 : memref<10240x96xf32, #tpu.memory_space<vmem_shared>>)
    %mul3A_243 = arith.constant 327680 : i32
    %mul3A_244 = arith.muli %arg0, %mul3A_243 : i32
    %mul3A_245 = arith.constant 20480 : i32
    %mul3A_246 = arith.muli %arg1, %mul3A_245 : i32
    %add3A_247 = arith.addi %mul3A_244, %mul3A_246 : i32
    %add3A_248 = arith.constant 20096 : i32
    %add3A_249 = arith.addi %add3A_247, %add3A_248 : i32
    %dma_start3A_250 = tpu.memref_slice %arg3[%add3A_249] : memref<655360xi32, #tpu.memory_space<hbm>> -> memref<128xi32, #tpu.memory_space<hbm>>
    %dma_start3A_251 = tpu.memref_slice %arg3[%add3A_249] : memref<655360xi32, #tpu.memory_space<hbm>> -> memref<128xi32, #tpu.memory_space<hbm>>
    tpu.enqueue_dma source(%dma_start3A_251 : memref<128xi32, #tpu.memory_space<hbm>>) target(%arg9 : memref<128xi32, #tpu.memory_space<vmem>>) target_semaphore(%arg25 : memref<!tpu.dma_semaphore, #tpu.memory_space<semaphore_mem>>)
    %mul3A_252 = arith.constant 20480 : i32
    %mul3A_253 = arith.muli %arg1, %mul3A_252 : i32
    %add3A_254 = arith.constant 20096 : i32
    %add3A_255 = arith.addi %mul3A_253, %add3A_254 : i32
    %dma_start3A_256 = tpu.memref_slice %arg4[%add3A_255] : memref<327680xi32, #tpu.memory_space<hbm>> -> memref<128xi32, #tpu.memory_space<hbm>>
    %dma_start3A_257 = tpu.memref_slice %arg4[%add3A_255] : memref<327680xi32, #tpu.memory_space<hbm>> -> memref<128xi32, #tpu.memory_space<hbm>>
    tpu.enqueue_dma source(%dma_start3A_257 : memref<128xi32, #tpu.memory_space<hbm>>) target(%arg14 : memref<128xi32, #tpu.memory_space<vmem>>) target_semaphore(%arg25 : memref<!tpu.dma_semaphore, #tpu.memory_space<semaphore_mem>>)
    %mul3A_258 = arith.constant 327680 : i32
    %mul3A_259 = arith.muli %arg0, %mul3A_258 : i32
    %mul3A_260 = arith.constant 20480 : i32
    %mul3A_261 = arith.muli %arg1, %mul3A_260 : i32
    %add3A_262 = arith.addi %mul3A_259, %mul3A_261 : i32
    %add3A_263 = arith.constant 19840 : i32
    %add3A_264 = arith.addi %add3A_262, %add3A_263 : i32
    %dma_wait3A_265 = tpu.memref_slice %arg3[%add3A_264] : memref<655360xi32, #tpu.memory_space<hbm>> -> memref<128xi32, #tpu.memory_space<hbm>>
    %dma_wait3A_266 = tpu.memref_slice %arg3[%add3A_264] : memref<655360xi32, #tpu.memory_space<hbm>> -> memref<128xi32, #tpu.memory_space<hbm>>
    tpu.wait_dma2 semaphore(%arg23 : memref<!tpu.dma_semaphore, #tpu.memory_space<semaphore_mem>>) src(%dma_wait3A_266 : memref<128xi32, #tpu.memory_space<hbm>>) dst(%arg7 : memref<128xi32, #tpu.memory_space<vmem>>)
    %mul3A_267 = arith.constant 20480 : i32
    %mul3A_268 = arith.muli %arg1, %mul3A_267 : i32
    %add3A_269 = arith.constant 19840 : i32
    %add3A_270 = arith.addi %mul3A_268, %add3A_269 : i32
    %dma_wait3A_271 = tpu.memref_slice %arg4[%add3A_270] : memref<327680xi32, #tpu.memory_space<hbm>> -> memref<128xi32, #tpu.memory_space<hbm>>
    %dma_wait3A_272 = tpu.memref_slice %arg4[%add3A_270] : memref<327680xi32, #tpu.memory_space<hbm>> -> memref<128xi32, #tpu.memory_space<hbm>>
    tpu.wait_dma2 semaphore(%arg23 : memref<!tpu.dma_semaphore, #tpu.memory_space<semaphore_mem>>) src(%dma_wait3A_272 : memref<128xi32, #tpu.memory_space<hbm>>) dst(%arg12 : memref<128xi32, #tpu.memory_space<vmem>>)
    %dma_start3A_273 = arith.constant 0 : i32
    %dma_start3A_274 = arith.constant 0 : i32
    %dma_start3A_275 = tpu.memref_slice %arg2[%dma_start3A_273, %dma_start3A_274] : memref<20000x96xf32, #tpu.memory_space<hbm>> -> memref<20000x96xf32, #tpu.memory_space<hbm>>
    tpu.enqueue_indirect_dma source(%dma_start3A_275 : memref<20000x96xf32, #tpu.memory_space<hbm>>) target(%arg17 : memref<128x96xf32, #tpu.memory_space<vmem>>) offsets(%arg7 : memref<128xi32, #tpu.memory_space<vmem>>) semaphore(%arg28 : memref<!tpu.dma_semaphore, #tpu.memory_space<semaphore_mem>>)
    %dma_wait3A_276 = arith.constant 0 : i32
    %dma_wait3A_277 = arith.constant 0 : i32
    %dma_wait3A_278 = tpu.memref_slice %arg2[%dma_wait3A_276, %dma_wait3A_277] : memref<20000x96xf32, #tpu.memory_space<hbm>> -> memref<20000x96xf32, #tpu.memory_space<hbm>>
    tpu.wait_indirect_dma semaphore(%arg31 : memref<!tpu.dma_semaphore, #tpu.memory_space<semaphore_mem>>) src(%dma_wait3A_278 : memref<20000x96xf32, #tpu.memory_space<hbm>>) dst(%arg20 : memref<128x96xf32, #tpu.memory_space<vmem>>)
    %dma_start3A_279 = arith.constant 0 : i32
    %dma_start3A_280 = arith.constant 0 : i32
    %dma_start3A_281 = tpu.memref_slice %arg22[%dma_start3A_279, %dma_start3A_280] : memref<10240x96xf32, #tpu.memory_space<vmem_shared>> -> memref<10240x96xf32, #tpu.memory_space<vmem_shared>>
    tpu.enqueue_indirect_dma source(%arg20 : memref<128x96xf32, #tpu.memory_space<vmem>>) target(%dma_start3A_281 : memref<10240x96xf32, #tpu.memory_space<vmem_shared>>) offsets(%arg15 : memref<128xi32, #tpu.memory_space<vmem>>) semaphore(%arg36 : memref<!tpu.dma_semaphore, #tpu.memory_space<semaphore_mem>>) {add = true}
    %dma_wait3A_282 = arith.constant 0 : i32
    %dma_wait3A_283 = arith.constant 0 : i32
    %dma_wait3A_284 = tpu.memref_slice %arg22[%dma_wait3A_282, %dma_wait3A_283] : memref<10240x96xf32, #tpu.memory_space<vmem_shared>> -> memref<10240x96xf32, #tpu.memory_space<vmem_shared>>
    tpu.wait_indirect_dma semaphore(%arg36 : memref<!tpu.dma_semaphore, #tpu.memory_space<semaphore_mem>>) src(%arg20 : memref<128x96xf32, #tpu.memory_space<vmem>>) dst(%dma_wait3A_284 : memref<10240x96xf32, #tpu.memory_space<vmem_shared>>)
    %mul3A_285 = arith.constant 327680 : i32
    %mul3A_286 = arith.muli %arg0, %mul3A_285 : i32
    %mul3A_287 = arith.constant 20480 : i32
    %mul3A_288 = arith.muli %arg1, %mul3A_287 : i32
    %add3A_289 = arith.addi %mul3A_286, %mul3A_288 : i32
    %add3A_290 = arith.constant 20224 : i32
    %add3A_291 = arith.addi %add3A_289, %add3A_290 : i32
    %dma_start3A_292 = tpu.memref_slice %arg3[%add3A_291] : memref<655360xi32, #tpu.memory_space<hbm>> -> memref<128xi32, #tpu.memory_space<hbm>>
    %dma_start3A_293 = tpu.memref_slice %arg3[%add3A_291] : memref<655360xi32, #tpu.memory_space<hbm>> -> memref<128xi32, #tpu.memory_space<hbm>>
    tpu.enqueue_dma source(%dma_start3A_293 : memref<128xi32, #tpu.memory_space<hbm>>) target(%arg10 : memref<128xi32, #tpu.memory_space<vmem>>) target_semaphore(%arg26 : memref<!tpu.dma_semaphore, #tpu.memory_space<semaphore_mem>>)
    %mul3A_294 = arith.constant 20480 : i32
    %mul3A_295 = arith.muli %arg1, %mul3A_294 : i32
    %add3A_296 = arith.constant 20224 : i32
    %add3A_297 = arith.addi %mul3A_295, %add3A_296 : i32
    %dma_start3A_298 = tpu.memref_slice %arg4[%add3A_297] : memref<327680xi32, #tpu.memory_space<hbm>> -> memref<128xi32, #tpu.memory_space<hbm>>
    %dma_start3A_299 = tpu.memref_slice %arg4[%add3A_297] : memref<327680xi32, #tpu.memory_space<hbm>> -> memref<128xi32, #tpu.memory_space<hbm>>
    tpu.enqueue_dma source(%dma_start3A_299 : memref<128xi32, #tpu.memory_space<hbm>>) target(%arg15 : memref<128xi32, #tpu.memory_space<vmem>>) target_semaphore(%arg26 : memref<!tpu.dma_semaphore, #tpu.memory_space<semaphore_mem>>)
    %mul3A_300 = arith.constant 327680 : i32
    %mul3A_301 = arith.muli %arg0, %mul3A_300 : i32
    %mul3A_302 = arith.constant 20480 : i32
    %mul3A_303 = arith.muli %arg1, %mul3A_302 : i32
    %add3A_304 = arith.addi %mul3A_301, %mul3A_303 : i32
    %add3A_305 = arith.constant 19968 : i32
    %add3A_306 = arith.addi %add3A_304, %add3A_305 : i32
    %dma_wait3A_307 = tpu.memref_slice %arg3[%add3A_306] : memref<655360xi32, #tpu.memory_space<hbm>> -> memref<128xi32, #tpu.memory_space<hbm>>
    %dma_wait3A_308 = tpu.memref_slice %arg3[%add3A_306] : memref<655360xi32, #tpu.memory_space<hbm>> -> memref<128xi32, #tpu.memory_space<hbm>>
    tpu.wait_dma2 semaphore(%arg24 : memref<!tpu.dma_semaphore, #tpu.memory_space<semaphore_mem>>) src(%dma_wait3A_308 : memref<128xi32, #tpu.memory_space<hbm>>) dst(%arg8 : memref<128xi32, #tpu.memory_space<vmem>>)
    %mul3A_309 = arith.constant 20480 : i32
    %mul3A_310 = arith.muli %arg1, %mul3A_309 : i32
    %add3A_311 = arith.constant 19968 : i32
    %add3A_312 = arith.addi %mul3A_310, %add3A_311 : i32
    %dma_wait3A_313 = tpu.memref_slice %arg4[%add3A_312] : memref<327680xi32, #tpu.memory_space<hbm>> -> memref<128xi32, #tpu.memory_space<hbm>>
    %dma_wait3A_314 = tpu.memref_slice %arg4[%add3A_312] : memref<327680xi32, #tpu.memory_space<hbm>> -> memref<128xi32, #tpu.memory_space<hbm>>
    tpu.wait_dma2 semaphore(%arg24 : memref<!tpu.dma_semaphore, #tpu.memory_space<semaphore_mem>>) src(%dma_wait3A_314 : memref<128xi32, #tpu.memory_space<hbm>>) dst(%arg13 : memref<128xi32, #tpu.memory_space<vmem>>)
    %dma_start3A_315 = arith.constant 0 : i32
    %dma_start3A_316 = arith.constant 0 : i32
    %dma_start3A_317 = tpu.memref_slice %arg2[%dma_start3A_315, %dma_start3A_316] : memref<20000x96xf32, #tpu.memory_space<hbm>> -> memref<20000x96xf32, #tpu.memory_space<hbm>>
    tpu.enqueue_indirect_dma source(%dma_start3A_317 : memref<20000x96xf32, #tpu.memory_space<hbm>>) target(%arg18 : memref<128x96xf32, #tpu.memory_space<vmem>>) offsets(%arg8 : memref<128xi32, #tpu.memory_space<vmem>>) semaphore(%arg29 : memref<!tpu.dma_semaphore, #tpu.memory_space<semaphore_mem>>)
    %dma_wait3A_318 = arith.constant 0 : i32
    %dma_wait3A_319 = arith.constant 0 : i32
    %dma_wait3A_320 = tpu.memref_slice %arg2[%dma_wait3A_318, %dma_wait3A_319] : memref<20000x96xf32, #tpu.memory_space<hbm>> -> memref<20000x96xf32, #tpu.memory_space<hbm>>
    tpu.wait_indirect_dma semaphore(%arg32 : memref<!tpu.dma_semaphore, #tpu.memory_space<semaphore_mem>>) src(%dma_wait3A_320 : memref<20000x96xf32, #tpu.memory_space<hbm>>) dst(%arg21 : memref<128x96xf32, #tpu.memory_space<vmem>>)
    %dma_start3A_321 = arith.constant 0 : i32
    %dma_start3A_322 = arith.constant 0 : i32
    %dma_start3A_323 = tpu.memref_slice %arg22[%dma_start3A_321, %dma_start3A_322] : memref<10240x96xf32, #tpu.memory_space<vmem_shared>> -> memref<10240x96xf32, #tpu.memory_space<vmem_shared>>
    tpu.enqueue_indirect_dma source(%arg21 : memref<128x96xf32, #tpu.memory_space<vmem>>) target(%dma_start3A_323 : memref<10240x96xf32, #tpu.memory_space<vmem_shared>>) offsets(%arg16 : memref<128xi32, #tpu.memory_space<vmem>>) semaphore(%arg37 : memref<!tpu.dma_semaphore, #tpu.memory_space<semaphore_mem>>) {add = true}
    %dma_wait3A_324 = arith.constant 0 : i32
    %dma_wait3A_325 = arith.constant 0 : i32
    %dma_wait3A_326 = tpu.memref_slice %arg22[%dma_wait3A_324, %dma_wait3A_325] : memref<10240x96xf32, #tpu.memory_space<vmem_shared>> -> memref<10240x96xf32, #tpu.memory_space<vmem_shared>>
    tpu.wait_indirect_dma semaphore(%arg37 : memref<!tpu.dma_semaphore, #tpu.memory_space<semaphore_mem>>) src(%arg21 : memref<128x96xf32, #tpu.memory_space<vmem>>) dst(%dma_wait3A_326 : memref<10240x96xf32, #tpu.memory_space<vmem_shared>>)
    %mul3A_327 = arith.constant 327680 : i32
    %mul3A_328 = arith.muli %arg0, %mul3A_327 : i32
    %mul3A_329 = arith.constant 20480 : i32
    %mul3A_330 = arith.muli %arg1, %mul3A_329 : i32
    %add3A_331 = arith.addi %mul3A_328, %mul3A_330 : i32
    %add3A_332 = arith.constant 20352 : i32
    %add3A_333 = arith.addi %add3A_331, %add3A_332 : i32
    %dma_start3A_334 = tpu.memref_slice %arg3[%add3A_333] : memref<655360xi32, #tpu.memory_space<hbm>> -> memref<128xi32, #tpu.memory_space<hbm>>
    %dma_start3A_335 = tpu.memref_slice %arg3[%add3A_333] : memref<655360xi32, #tpu.memory_space<hbm>> -> memref<128xi32, #tpu.memory_space<hbm>>
    tpu.enqueue_dma source(%dma_start3A_335 : memref<128xi32, #tpu.memory_space<hbm>>) target(%arg11 : memref<128xi32, #tpu.memory_space<vmem>>) target_semaphore(%arg27 : memref<!tpu.dma_semaphore, #tpu.memory_space<semaphore_mem>>)
    %mul3A_336 = arith.constant 20480 : i32
    %mul3A_337 = arith.muli %arg1, %mul3A_336 : i32
    %add3A_338 = arith.constant 20352 : i32
    %add3A_339 = arith.addi %mul3A_337, %add3A_338 : i32
    %dma_start3A_340 = tpu.memref_slice %arg4[%add3A_339] : memref<327680xi32, #tpu.memory_space<hbm>> -> memref<128xi32, #tpu.memory_space<hbm>>
    %dma_start3A_341 = tpu.memref_slice %arg4[%add3A_339] : memref<327680xi32, #tpu.memory_space<hbm>> -> memref<128xi32, #tpu.memory_space<hbm>>
    tpu.enqueue_dma source(%dma_start3A_341 : memref<128xi32, #tpu.memory_space<hbm>>) target(%arg16 : memref<128xi32, #tpu.memory_space<vmem>>) target_semaphore(%arg27 : memref<!tpu.dma_semaphore, #tpu.memory_space<semaphore_mem>>)
    %mul3A_342 = arith.constant 327680 : i32
    %mul3A_343 = arith.muli %arg0, %mul3A_342 : i32
    %mul3A_344 = arith.constant 20480 : i32
    %mul3A_345 = arith.muli %arg1, %mul3A_344 : i32
    %add3A_346 = arith.addi %mul3A_343, %mul3A_345 : i32
    %add3A_347 = arith.constant 20096 : i32
    %add3A_348 = arith.addi %add3A_346, %add3A_347 : i32
    %dma_wait3A_349 = tpu.memref_slice %arg3[%add3A_348] : memref<655360xi32, #tpu.memory_space<hbm>> -> memref<128xi32, #tpu.memory_space<hbm>>
    %dma_wait3A_350 = tpu.memref_slice %arg3[%add3A_348] : memref<655360xi32, #tpu.memory_space<hbm>> -> memref<128xi32, #tpu.memory_space<hbm>>
    tpu.wait_dma2 semaphore(%arg25 : memref<!tpu.dma_semaphore, #tpu.memory_space<semaphore_mem>>) src(%dma_wait3A_350 : memref<128xi32, #tpu.memory_space<hbm>>) dst(%arg9 : memref<128xi32, #tpu.memory_space<vmem>>)
    %mul3A_351 = arith.constant 20480 : i32
    %mul3A_352 = arith.muli %arg1, %mul3A_351 : i32
    %add3A_353 = arith.constant 20096 : i32
    %add3A_354 = arith.addi %mul3A_352, %add3A_353 : i32
    %dma_wait3A_355 = tpu.memref_slice %arg4[%add3A_354] : memref<327680xi32, #tpu.memory_space<hbm>> -> memref<128xi32, #tpu.memory_space<hbm>>
    %dma_wait3A_356 = tpu.memref_slice %arg4[%add3A_354] : memref<327680xi32, #tpu.memory_space<hbm>> -> memref<128xi32, #tpu.memory_space<hbm>>
    tpu.wait_dma2 semaphore(%arg25 : memref<!tpu.dma_semaphore, #tpu.memory_space<semaphore_mem>>) src(%dma_wait3A_356 : memref<128xi32, #tpu.memory_space<hbm>>) dst(%arg14 : memref<128xi32, #tpu.memory_space<vmem>>)
    %dma_start3A_357 = arith.constant 0 : i32
    %dma_start3A_358 = arith.constant 0 : i32
    %dma_start3A_359 = tpu.memref_slice %arg2[%dma_start3A_357, %dma_start3A_358] : memref<20000x96xf32, #tpu.memory_space<hbm>> -> memref<20000x96xf32, #tpu.memory_space<hbm>>
    tpu.enqueue_indirect_dma source(%dma_start3A_359 : memref<20000x96xf32, #tpu.memory_space<hbm>>) target(%arg19 : memref<128x96xf32, #tpu.memory_space<vmem>>) offsets(%arg9 : memref<128xi32, #tpu.memory_space<vmem>>) semaphore(%arg30 : memref<!tpu.dma_semaphore, #tpu.memory_space<semaphore_mem>>)
    %dma_wait3A_360 = arith.constant 0 : i32
    %dma_wait3A_361 = arith.constant 0 : i32
    %dma_wait3A_362 = tpu.memref_slice %arg2[%dma_wait3A_360, %dma_wait3A_361] : memref<20000x96xf32, #tpu.memory_space<hbm>> -> memref<20000x96xf32, #tpu.memory_space<hbm>>
    tpu.wait_indirect_dma semaphore(%arg28 : memref<!tpu.dma_semaphore, #tpu.memory_space<semaphore_mem>>) src(%dma_wait3A_362 : memref<20000x96xf32, #tpu.memory_space<hbm>>) dst(%arg17 : memref<128x96xf32, #tpu.memory_space<vmem>>)
    %dma_start3A_363 = arith.constant 0 : i32
    %dma_start3A_364 = arith.constant 0 : i32
    %dma_start3A_365 = tpu.memref_slice %arg22[%dma_start3A_363, %dma_start3A_364] : memref<10240x96xf32, #tpu.memory_space<vmem_shared>> -> memref<10240x96xf32, #tpu.memory_space<vmem_shared>>
    tpu.enqueue_indirect_dma source(%arg17 : memref<128x96xf32, #tpu.memory_space<vmem>>) target(%dma_start3A_365 : memref<10240x96xf32, #tpu.memory_space<vmem_shared>>) offsets(%arg12 : memref<128xi32, #tpu.memory_space<vmem>>) semaphore(%arg33 : memref<!tpu.dma_semaphore, #tpu.memory_space<semaphore_mem>>) {add = true}
    %dma_wait3A_366 = arith.constant 0 : i32
    %dma_wait3A_367 = arith.constant 0 : i32
    %dma_wait3A_368 = tpu.memref_slice %arg22[%dma_wait3A_366, %dma_wait3A_367] : memref<10240x96xf32, #tpu.memory_space<vmem_shared>> -> memref<10240x96xf32, #tpu.memory_space<vmem_shared>>
    tpu.wait_indirect_dma semaphore(%arg33 : memref<!tpu.dma_semaphore, #tpu.memory_space<semaphore_mem>>) src(%arg17 : memref<128x96xf32, #tpu.memory_space<vmem>>) dst(%dma_wait3A_368 : memref<10240x96xf32, #tpu.memory_space<vmem_shared>>)
    %mul3A_369 = arith.constant 327680 : i32
    %mul3A_370 = arith.muli %arg0, %mul3A_369 : i32
    %mul3A_371 = arith.constant 20480 : i32
    %mul3A_372 = arith.muli %arg1, %mul3A_371 : i32
    %add3A_373 = arith.addi %mul3A_370, %mul3A_372 : i32
    %add3A_374 = arith.constant 20224 : i32
    %add3A_375 = arith.addi %add3A_373, %add3A_374 : i32
    %dma_wait3A_376 = tpu.memref_slice %arg3[%add3A_375] : memref<655360xi32, #tpu.memory_space<hbm>> -> memref<128xi32, #tpu.memory_space<hbm>>
    %dma_wait3A_377 = tpu.memref_slice %arg3[%add3A_375] : memref<655360xi32, #tpu.memory_space<hbm>> -> memref<128xi32, #tpu.memory_space<hbm>>
    tpu.wait_dma2 semaphore(%arg26 : memref<!tpu.dma_semaphore, #tpu.memory_space<semaphore_mem>>) src(%dma_wait3A_377 : memref<128xi32, #tpu.memory_space<hbm>>) dst(%arg10 : memref<128xi32, #tpu.memory_space<vmem>>)
    %mul3A_378 = arith.constant 20480 : i32
    %mul3A_379 = arith.muli %arg1, %mul3A_378 : i32
    %add3A_380 = arith.constant 20224 : i32
    %add3A_381 = arith.addi %mul3A_379, %add3A_380 : i32
    %dma_wait3A_382 = tpu.memref_slice %arg4[%add3A_381] : memref<327680xi32, #tpu.memory_space<hbm>> -> memref<128xi32, #tpu.memory_space<hbm>>
    %dma_wait3A_383 = tpu.memref_slice %arg4[%add3A_381] : memref<327680xi32, #tpu.memory_space<hbm>> -> memref<128xi32, #tpu.memory_space<hbm>>
    tpu.wait_dma2 semaphore(%arg26 : memref<!tpu.dma_semaphore, #tpu.memory_space<semaphore_mem>>) src(%dma_wait3A_383 : memref<128xi32, #tpu.memory_space<hbm>>) dst(%arg15 : memref<128xi32, #tpu.memory_space<vmem>>)
    %dma_start3A_384 = arith.constant 0 : i32
    %dma_start3A_385 = arith.constant 0 : i32
    %dma_start3A_386 = tpu.memref_slice %arg2[%dma_start3A_384, %dma_start3A_385] : memref<20000x96xf32, #tpu.memory_space<hbm>> -> memref<20000x96xf32, #tpu.memory_space<hbm>>
    tpu.enqueue_indirect_dma source(%dma_start3A_386 : memref<20000x96xf32, #tpu.memory_space<hbm>>) target(%arg20 : memref<128x96xf32, #tpu.memory_space<vmem>>) offsets(%arg10 : memref<128xi32, #tpu.memory_space<vmem>>) semaphore(%arg31 : memref<!tpu.dma_semaphore, #tpu.memory_space<semaphore_mem>>)
    %dma_wait3A_387 = arith.constant 0 : i32
    %dma_wait3A_388 = arith.constant 0 : i32
    %dma_wait3A_389 = tpu.memref_slice %arg2[%dma_wait3A_387, %dma_wait3A_388] : memref<20000x96xf32, #tpu.memory_space<hbm>> -> memref<20000x96xf32, #tpu.memory_space<hbm>>
    tpu.wait_indirect_dma semaphore(%arg29 : memref<!tpu.dma_semaphore, #tpu.memory_space<semaphore_mem>>) src(%dma_wait3A_389 : memref<20000x96xf32, #tpu.memory_space<hbm>>) dst(%arg18 : memref<128x96xf32, #tpu.memory_space<vmem>>)
    %dma_start3A_390 = arith.constant 0 : i32
    %dma_start3A_391 = arith.constant 0 : i32
    %dma_start3A_392 = tpu.memref_slice %arg22[%dma_start3A_390, %dma_start3A_391] : memref<10240x96xf32, #tpu.memory_space<vmem_shared>> -> memref<10240x96xf32, #tpu.memory_space<vmem_shared>>
    tpu.enqueue_indirect_dma source(%arg18 : memref<128x96xf32, #tpu.memory_space<vmem>>) target(%dma_start3A_392 : memref<10240x96xf32, #tpu.memory_space<vmem_shared>>) offsets(%arg13 : memref<128xi32, #tpu.memory_space<vmem>>) semaphore(%arg34 : memref<!tpu.dma_semaphore, #tpu.memory_space<semaphore_mem>>) {add = true}
    %dma_wait3A_393 = arith.constant 0 : i32
    %dma_wait3A_394 = arith.constant 0 : i32
    %dma_wait3A_395 = tpu.memref_slice %arg22[%dma_wait3A_393, %dma_wait3A_394] : memref<10240x96xf32, #tpu.memory_space<vmem_shared>> -> memref<10240x96xf32, #tpu.memory_space<vmem_shared>>
    tpu.wait_indirect_dma semaphore(%arg34 : memref<!tpu.dma_semaphore, #tpu.memory_space<semaphore_mem>>) src(%arg18 : memref<128x96xf32, #tpu.memory_space<vmem>>) dst(%dma_wait3A_395 : memref<10240x96xf32, #tpu.memory_space<vmem_shared>>)
    %mul3A_396 = arith.constant 327680 : i32
    %mul3A_397 = arith.muli %arg0, %mul3A_396 : i32
    %mul3A_398 = arith.constant 20480 : i32
    %mul3A_399 = arith.muli %arg1, %mul3A_398 : i32
    %add3A_400 = arith.addi %mul3A_397, %mul3A_399 : i32
    %add3A_401 = arith.constant 20352 : i32
    %add3A_402 = arith.addi %add3A_400, %add3A_401 : i32
    %dma_wait3A_403 = tpu.memref_slice %arg3[%add3A_402] : memref<655360xi32, #tpu.memory_space<hbm>> -> memref<128xi32, #tpu.memory_space<hbm>>
    %dma_wait3A_404 = tpu.memref_slice %arg3[%add3A_402] : memref<655360xi32, #tpu.memory_space<hbm>> -> memref<128xi32, #tpu.memory_space<hbm>>
    tpu.wait_dma2 semaphore(%arg27 : memref<!tpu.dma_semaphore, #tpu.memory_space<semaphore_mem>>) src(%dma_wait3A_404 : memref<128xi32, #tpu.memory_space<hbm>>) dst(%arg11 : memref<128xi32, #tpu.memory_space<vmem>>)
    %mul3A_405 = arith.constant 20480 : i32
    %mul3A_406 = arith.muli %arg1, %mul3A_405 : i32
    %add3A_407 = arith.constant 20352 : i32
    %add3A_408 = arith.addi %mul3A_406, %add3A_407 : i32
    %dma_wait3A_409 = tpu.memref_slice %arg4[%add3A_408] : memref<327680xi32, #tpu.memory_space<hbm>> -> memref<128xi32, #tpu.memory_space<hbm>>
    %dma_wait3A_410 = tpu.memref_slice %arg4[%add3A_408] : memref<327680xi32, #tpu.memory_space<hbm>> -> memref<128xi32, #tpu.memory_space<hbm>>
    tpu.wait_dma2 semaphore(%arg27 : memref<!tpu.dma_semaphore, #tpu.memory_space<semaphore_mem>>) src(%dma_wait3A_410 : memref<128xi32, #tpu.memory_space<hbm>>) dst(%arg16 : memref<128xi32, #tpu.memory_space<vmem>>)
    %dma_start3A_411 = arith.constant 0 : i32
    %dma_start3A_412 = arith.constant 0 : i32
    %dma_start3A_413 = tpu.memref_slice %arg2[%dma_start3A_411, %dma_start3A_412] : memref<20000x96xf32, #tpu.memory_space<hbm>> -> memref<20000x96xf32, #tpu.memory_space<hbm>>
    tpu.enqueue_indirect_dma source(%dma_start3A_413 : memref<20000x96xf32, #tpu.memory_space<hbm>>) target(%arg21 : memref<128x96xf32, #tpu.memory_space<vmem>>) offsets(%arg11 : memref<128xi32, #tpu.memory_space<vmem>>) semaphore(%arg32 : memref<!tpu.dma_semaphore, #tpu.memory_space<semaphore_mem>>)
    %dma_wait3A_414 = arith.constant 0 : i32
    %dma_wait3A_415 = arith.constant 0 : i32
    %dma_wait3A_416 = tpu.memref_slice %arg2[%dma_wait3A_414, %dma_wait3A_415] : memref<20000x96xf32, #tpu.memory_space<hbm>> -> memref<20000x96xf32, #tpu.memory_space<hbm>>
    tpu.wait_indirect_dma semaphore(%arg30 : memref<!tpu.dma_semaphore, #tpu.memory_space<semaphore_mem>>) src(%dma_wait3A_416 : memref<20000x96xf32, #tpu.memory_space<hbm>>) dst(%arg19 : memref<128x96xf32, #tpu.memory_space<vmem>>)
    %dma_start3A_417 = arith.constant 0 : i32
    %dma_start3A_418 = arith.constant 0 : i32
    %dma_start3A_419 = tpu.memref_slice %arg22[%dma_start3A_417, %dma_start3A_418] : memref<10240x96xf32, #tpu.memory_space<vmem_shared>> -> memref<10240x96xf32, #tpu.memory_space<vmem_shared>>
    tpu.enqueue_indirect_dma source(%arg19 : memref<128x96xf32, #tpu.memory_space<vmem>>) target(%dma_start3A_419 : memref<10240x96xf32, #tpu.memory_space<vmem_shared>>) offsets(%arg14 : memref<128xi32, #tpu.memory_space<vmem>>) semaphore(%arg35 : memref<!tpu.dma_semaphore, #tpu.memory_space<semaphore_mem>>) {add = true}
    %dma_wait3A_420 = arith.constant 0 : i32
    %dma_wait3A_421 = arith.constant 0 : i32
    %dma_wait3A_422 = tpu.memref_slice %arg22[%dma_wait3A_420, %dma_wait3A_421] : memref<10240x96xf32, #tpu.memory_space<vmem_shared>> -> memref<10240x96xf32, #tpu.memory_space<vmem_shared>>
    tpu.wait_indirect_dma semaphore(%arg35 : memref<!tpu.dma_semaphore, #tpu.memory_space<semaphore_mem>>) src(%arg19 : memref<128x96xf32, #tpu.memory_space<vmem>>) dst(%dma_wait3A_422 : memref<10240x96xf32, #tpu.memory_space<vmem_shared>>)
    %dma_wait3A_423 = arith.constant 0 : i32
    %dma_wait3A_424 = arith.constant 0 : i32
    %dma_wait3A_425 = tpu.memref_slice %arg2[%dma_wait3A_423, %dma_wait3A_424] : memref<20000x96xf32, #tpu.memory_space<hbm>> -> memref<20000x96xf32, #tpu.memory_space<hbm>>
    tpu.wait_indirect_dma semaphore(%arg31 : memref<!tpu.dma_semaphore, #tpu.memory_space<semaphore_mem>>) src(%dma_wait3A_425 : memref<20000x96xf32, #tpu.memory_space<hbm>>) dst(%arg20 : memref<128x96xf32, #tpu.memory_space<vmem>>)
    %dma_start3A_426 = arith.constant 0 : i32
    %dma_start3A_427 = arith.constant 0 : i32
    %dma_start3A_428 = tpu.memref_slice %arg22[%dma_start3A_426, %dma_start3A_427] : memref<10240x96xf32, #tpu.memory_space<vmem_shared>> -> memref<10240x96xf32, #tpu.memory_space<vmem_shared>>
    tpu.enqueue_indirect_dma source(%arg20 : memref<128x96xf32, #tpu.memory_space<vmem>>) target(%dma_start3A_428 : memref<10240x96xf32, #tpu.memory_space<vmem_shared>>) offsets(%arg15 : memref<128xi32, #tpu.memory_space<vmem>>) semaphore(%arg36 : memref<!tpu.dma_semaphore, #tpu.memory_space<semaphore_mem>>) {add = true}
    %dma_wait3A_429 = arith.constant 0 : i32
    %dma_wait3A_430 = arith.constant 0 : i32
    %dma_wait3A_431 = tpu.memref_slice %arg22[%dma_wait3A_429, %dma_wait3A_430] : memref<10240x96xf32, #tpu.memory_space<vmem_shared>> -> memref<10240x96xf32, #tpu.memory_space<vmem_shared>>
    tpu.wait_indirect_dma semaphore(%arg36 : memref<!tpu.dma_semaphore, #tpu.memory_space<semaphore_mem>>) src(%arg20 : memref<128x96xf32, #tpu.memory_space<vmem>>) dst(%dma_wait3A_431 : memref<10240x96xf32, #tpu.memory_space<vmem_shared>>)
    %dma_wait3A_432 = arith.constant 0 : i32
    %dma_wait3A_433 = arith.constant 0 : i32
    %dma_wait3A_434 = tpu.memref_slice %arg2[%dma_wait3A_432, %dma_wait3A_433] : memref<20000x96xf32, #tpu.memory_space<hbm>> -> memref<20000x96xf32, #tpu.memory_space<hbm>>
    tpu.wait_indirect_dma semaphore(%arg32 : memref<!tpu.dma_semaphore, #tpu.memory_space<semaphore_mem>>) src(%dma_wait3A_434 : memref<20000x96xf32, #tpu.memory_space<hbm>>) dst(%arg21 : memref<128x96xf32, #tpu.memory_space<vmem>>)
    %dma_start3A_435 = arith.constant 0 : i32
    %dma_start3A_436 = arith.constant 0 : i32
    %dma_start3A_437 = tpu.memref_slice %arg22[%dma_start3A_435, %dma_start3A_436] : memref<10240x96xf32, #tpu.memory_space<vmem_shared>> -> memref<10240x96xf32, #tpu.memory_space<vmem_shared>>
    tpu.enqueue_indirect_dma source(%arg21 : memref<128x96xf32, #tpu.memory_space<vmem>>) target(%dma_start3A_437 : memref<10240x96xf32, #tpu.memory_space<vmem_shared>>) offsets(%arg16 : memref<128xi32, #tpu.memory_space<vmem>>) semaphore(%arg37 : memref<!tpu.dma_semaphore, #tpu.memory_space<semaphore_mem>>) {add = true}
    %dma_wait3A_438 = arith.constant 0 : i32
    %dma_wait3A_439 = arith.constant 0 : i32
    %dma_wait3A_440 = tpu.memref_slice %arg22[%dma_wait3A_438, %dma_wait3A_439] : memref<10240x96xf32, #tpu.memory_space<vmem_shared>> -> memref<10240x96xf32, #tpu.memory_space<vmem_shared>>
    tpu.wait_indirect_dma semaphore(%arg37 : memref<!tpu.dma_semaphore, #tpu.memory_space<semaphore_mem>>) src(%arg21 : memref<128x96xf32, #tpu.memory_space<vmem>>) dst(%dma_wait3A_440 : memref<10240x96xf32, #tpu.memory_space<vmem_shared>>)
    %barrier3A_441 = arith.constant 0 : index
    tpu.barrier barrier_id(%barrier3A_441)
    %mul3A_442 = arith.constant 640 : i32
    %mul3A_443 = arith.muli %arg1, %mul3A_442 : i32
    %add3A_444 = arith.constant 0 : i32
    %add3A_445 = arith.addi %mul3A_443, %add3A_444 : i32
    "tpu.region"() ({
      %run_scoped3A = tpu.sem_alloc : memref<!tpu.dma_semaphore, #tpu.memory_space<semaphore_mem>>
      %dma_start3A_477 = arith.constant 0 : i32
      %dma_start3A_478 = tpu.memref_slice %arg22[%add3A_445, %dma_start3A_477] : memref<10240x96xf32, #tpu.memory_space<vmem_shared>> -> memref<128x96xf32, #tpu.memory_space<vmem_shared>>
      %dma_start3A_479 = arith.constant 0 : i32
      %dma_start3A_480 = tpu.memref_slice %arg22[%add3A_445, %dma_start3A_479] : memref<10240x96xf32, #tpu.memory_space<vmem_shared>> -> memref<128x96xf32, #tpu.memory_space<vmem_shared>>
      tpu.enqueue_dma source(%dma_start3A_480 : memref<128x96xf32, #tpu.memory_space<vmem_shared>>) target(%arg17 : memref<128x96xf32, #tpu.memory_space<vmem>>) target_semaphore(%run_scoped3A : memref<!tpu.dma_semaphore, #tpu.memory_space<semaphore_mem>>)
      %dma_wait3A_481 = arith.constant 0 : i32
      %dma_wait3A_482 = tpu.memref_slice %arg22[%add3A_445, %dma_wait3A_481] : memref<10240x96xf32, #tpu.memory_space<vmem_shared>> -> memref<128x96xf32, #tpu.memory_space<vmem_shared>>
      %dma_wait3A_483 = arith.constant 0 : i32
      %dma_wait3A_484 = tpu.memref_slice %arg22[%add3A_445, %dma_wait3A_483] : memref<10240x96xf32, #tpu.memory_space<vmem_shared>> -> memref<128x96xf32, #tpu.memory_space<vmem_shared>>
      tpu.wait_dma2 semaphore(%run_scoped3A : memref<!tpu.dma_semaphore, #tpu.memory_space<semaphore_mem>>) src(%dma_wait3A_484 : memref<128x96xf32, #tpu.memory_space<vmem_shared>>) dst(%arg17 : memref<128x96xf32, #tpu.memory_space<vmem>>)
      tpu.yield
    }) : () -> ()
    %mul3A_446 = arith.constant 10240 : i32
    %mul3A_447 = arith.muli %arg0, %mul3A_446 : i32
    %add3A_448 = arith.addi %mul3A_447, %add3A_445 : i32
    "tpu.region"() ({
      %run_scoped3A = tpu.sem_alloc : memref<!tpu.dma_semaphore, #tpu.memory_space<semaphore_mem>>
      %dma_start3A_477 = arith.constant 0 : i32
      %dma_start3A_478 = tpu.memref_slice %arg6[%add3A_448, %dma_start3A_477] : memref<20480x96xf32, #tpu.memory_space<hbm>> -> memref<128x96xf32, #tpu.memory_space<hbm>>
      %dma_start3A_479 = arith.constant 0 : i32
      %dma_start3A_480 = tpu.memref_slice %arg6[%add3A_448, %dma_start3A_479] : memref<20480x96xf32, #tpu.memory_space<hbm>> -> memref<128x96xf32, #tpu.memory_space<hbm>>
      tpu.enqueue_dma source(%arg17 : memref<128x96xf32, #tpu.memory_space<vmem>>) target(%dma_start3A_480 : memref<128x96xf32, #tpu.memory_space<hbm>>) target_semaphore(%run_scoped3A : memref<!tpu.dma_semaphore, #tpu.memory_space<semaphore_mem>>)
      %dma_wait3A_481 = arith.constant 0 : i32
      %dma_wait3A_482 = tpu.memref_slice %arg6[%add3A_448, %dma_wait3A_481] : memref<20480x96xf32, #tpu.memory_space<hbm>> -> memref<128x96xf32, #tpu.memory_space<hbm>>
      %dma_wait3A_483 = arith.constant 0 : i32
      %dma_wait3A_484 = tpu.memref_slice %arg6[%add3A_448, %dma_wait3A_483] : memref<20480x96xf32, #tpu.memory_space<hbm>> -> memref<128x96xf32, #tpu.memory_space<hbm>>
      tpu.wait_dma2 semaphore(%run_scoped3A : memref<!tpu.dma_semaphore, #tpu.memory_space<semaphore_mem>>) src(%arg17 : memref<128x96xf32, #tpu.memory_space<vmem>>) dst(%dma_wait3A_484 : memref<128x96xf32, #tpu.memory_space<hbm>>)
      tpu.yield
    }) : () -> ()
    %mul3A_449 = arith.constant 640 : i32
    %mul3A_450 = arith.muli %arg1, %mul3A_449 : i32
    %add3A_451 = arith.constant 128 : i32
    %add3A_452 = arith.addi %mul3A_450, %add3A_451 : i32
    "tpu.region"() ({
      %run_scoped3A = tpu.sem_alloc : memref<!tpu.dma_semaphore, #tpu.memory_space<semaphore_mem>>
      %dma_start3A_477 = arith.constant 0 : i32
      %dma_start3A_478 = tpu.memref_slice %arg22[%add3A_452, %dma_start3A_477] : memref<10240x96xf32, #tpu.memory_space<vmem_shared>> -> memref<128x96xf32, #tpu.memory_space<vmem_shared>>
      %dma_start3A_479 = arith.constant 0 : i32
      %dma_start3A_480 = tpu.memref_slice %arg22[%add3A_452, %dma_start3A_479] : memref<10240x96xf32, #tpu.memory_space<vmem_shared>> -> memref<128x96xf32, #tpu.memory_space<vmem_shared>>
      tpu.enqueue_dma source(%dma_start3A_480 : memref<128x96xf32, #tpu.memory_space<vmem_shared>>) target(%arg17 : memref<128x96xf32, #tpu.memory_space<vmem>>) target_semaphore(%run_scoped3A : memref<!tpu.dma_semaphore, #tpu.memory_space<semaphore_mem>>)
      %dma_wait3A_481 = arith.constant 0 : i32
      %dma_wait3A_482 = tpu.memref_slice %arg22[%add3A_452, %dma_wait3A_481] : memref<10240x96xf32, #tpu.memory_space<vmem_shared>> -> memref<128x96xf32, #tpu.memory_space<vmem_shared>>
      %dma_wait3A_483 = arith.constant 0 : i32
      %dma_wait3A_484 = tpu.memref_slice %arg22[%add3A_452, %dma_wait3A_483] : memref<10240x96xf32, #tpu.memory_space<vmem_shared>> -> memref<128x96xf32, #tpu.memory_space<vmem_shared>>
      tpu.wait_dma2 semaphore(%run_scoped3A : memref<!tpu.dma_semaphore, #tpu.memory_space<semaphore_mem>>) src(%dma_wait3A_484 : memref<128x96xf32, #tpu.memory_space<vmem_shared>>) dst(%arg17 : memref<128x96xf32, #tpu.memory_space<vmem>>)
      tpu.yield
    }) : () -> ()
    %mul3A_453 = arith.constant 10240 : i32
    %mul3A_454 = arith.muli %arg0, %mul3A_453 : i32
    %add3A_455 = arith.addi %mul3A_454, %add3A_452 : i32
    "tpu.region"() ({
      %run_scoped3A = tpu.sem_alloc : memref<!tpu.dma_semaphore, #tpu.memory_space<semaphore_mem>>
      %dma_start3A_477 = arith.constant 0 : i32
      %dma_start3A_478 = tpu.memref_slice %arg6[%add3A_455, %dma_start3A_477] : memref<20480x96xf32, #tpu.memory_space<hbm>> -> memref<128x96xf32, #tpu.memory_space<hbm>>
      %dma_start3A_479 = arith.constant 0 : i32
      %dma_start3A_480 = tpu.memref_slice %arg6[%add3A_455, %dma_start3A_479] : memref<20480x96xf32, #tpu.memory_space<hbm>> -> memref<128x96xf32, #tpu.memory_space<hbm>>
      tpu.enqueue_dma source(%arg17 : memref<128x96xf32, #tpu.memory_space<vmem>>) target(%dma_start3A_480 : memref<128x96xf32, #tpu.memory_space<hbm>>) target_semaphore(%run_scoped3A : memref<!tpu.dma_semaphore, #tpu.memory_space<semaphore_mem>>)
      %dma_wait3A_481 = arith.constant 0 : i32
      %dma_wait3A_482 = tpu.memref_slice %arg6[%add3A_455, %dma_wait3A_481] : memref<20480x96xf32, #tpu.memory_space<hbm>> -> memref<128x96xf32, #tpu.memory_space<hbm>>
      %dma_wait3A_483 = arith.constant 0 : i32
      %dma_wait3A_484 = tpu.memref_slice %arg6[%add3A_455, %dma_wait3A_483] : memref<20480x96xf32, #tpu.memory_space<hbm>> -> memref<128x96xf32, #tpu.memory_space<hbm>>
      tpu.wait_dma2 semaphore(%run_scoped3A : memref<!tpu.dma_semaphore, #tpu.memory_space<semaphore_mem>>) src(%arg17 : memref<128x96xf32, #tpu.memory_space<vmem>>) dst(%dma_wait3A_484 : memref<128x96xf32, #tpu.memory_space<hbm>>)
      tpu.yield
    }) : () -> ()
    %mul3A_456 = arith.constant 640 : i32
    %mul3A_457 = arith.muli %arg1, %mul3A_456 : i32
    %add3A_458 = arith.constant 256 : i32
    %add3A_459 = arith.addi %mul3A_457, %add3A_458 : i32
    "tpu.region"() ({
      %run_scoped3A = tpu.sem_alloc : memref<!tpu.dma_semaphore, #tpu.memory_space<semaphore_mem>>
      %dma_start3A_477 = arith.constant 0 : i32
      %dma_start3A_478 = tpu.memref_slice %arg22[%add3A_459, %dma_start3A_477] : memref<10240x96xf32, #tpu.memory_space<vmem_shared>> -> memref<128x96xf32, #tpu.memory_space<vmem_shared>>
      %dma_start3A_479 = arith.constant 0 : i32
      %dma_start3A_480 = tpu.memref_slice %arg22[%add3A_459, %dma_start3A_479] : memref<10240x96xf32, #tpu.memory_space<vmem_shared>> -> memref<128x96xf32, #tpu.memory_space<vmem_shared>>
      tpu.enqueue_dma source(%dma_start3A_480 : memref<128x96xf32, #tpu.memory_space<vmem_shared>>) target(%arg17 : memref<128x96xf32, #tpu.memory_space<vmem>>) target_semaphore(%run_scoped3A : memref<!tpu.dma_semaphore, #tpu.memory_space<semaphore_mem>>)
      %dma_wait3A_481 = arith.constant 0 : i32
      %dma_wait3A_482 = tpu.memref_slice %arg22[%add3A_459, %dma_wait3A_481] : memref<10240x96xf32, #tpu.memory_space<vmem_shared>> -> memref<128x96xf32, #tpu.memory_space<vmem_shared>>
      %dma_wait3A_483 = arith.constant 0 : i32
      %dma_wait3A_484 = tpu.memref_slice %arg22[%add3A_459, %dma_wait3A_483] : memref<10240x96xf32, #tpu.memory_space<vmem_shared>> -> memref<128x96xf32, #tpu.memory_space<vmem_shared>>
      tpu.wait_dma2 semaphore(%run_scoped3A : memref<!tpu.dma_semaphore, #tpu.memory_space<semaphore_mem>>) src(%dma_wait3A_484 : memref<128x96xf32, #tpu.memory_space<vmem_shared>>) dst(%arg17 : memref<128x96xf32, #tpu.memory_space<vmem>>)
      tpu.yield
    }) : () -> ()
    %mul3A_460 = arith.constant 10240 : i32
    %mul3A_461 = arith.muli %arg0, %mul3A_460 : i32
    %add3A_462 = arith.addi %mul3A_461, %add3A_459 : i32
    "tpu.region"() ({
      %run_scoped3A = tpu.sem_alloc : memref<!tpu.dma_semaphore, #tpu.memory_space<semaphore_mem>>
      %dma_start3A_477 = arith.constant 0 : i32
      %dma_start3A_478 = tpu.memref_slice %arg6[%add3A_462, %dma_start3A_477] : memref<20480x96xf32, #tpu.memory_space<hbm>> -> memref<128x96xf32, #tpu.memory_space<hbm>>
      %dma_start3A_479 = arith.constant 0 : i32
      %dma_start3A_480 = tpu.memref_slice %arg6[%add3A_462, %dma_start3A_479] : memref<20480x96xf32, #tpu.memory_space<hbm>> -> memref<128x96xf32, #tpu.memory_space<hbm>>
      tpu.enqueue_dma source(%arg17 : memref<128x96xf32, #tpu.memory_space<vmem>>) target(%dma_start3A_480 : memref<128x96xf32, #tpu.memory_space<hbm>>) target_semaphore(%run_scoped3A : memref<!tpu.dma_semaphore, #tpu.memory_space<semaphore_mem>>)
      %dma_wait3A_481 = arith.constant 0 : i32
      %dma_wait3A_482 = tpu.memref_slice %arg6[%add3A_462, %dma_wait3A_481] : memref<20480x96xf32, #tpu.memory_space<hbm>> -> memref<128x96xf32, #tpu.memory_space<hbm>>
      %dma_wait3A_483 = arith.constant 0 : i32
      %dma_wait3A_484 = tpu.memref_slice %arg6[%add3A_462, %dma_wait3A_483] : memref<20480x96xf32, #tpu.memory_space<hbm>> -> memref<128x96xf32, #tpu.memory_space<hbm>>
      tpu.wait_dma2 semaphore(%run_scoped3A : memref<!tpu.dma_semaphore, #tpu.memory_space<semaphore_mem>>) src(%arg17 : memref<128x96xf32, #tpu.memory_space<vmem>>) dst(%dma_wait3A_484 : memref<128x96xf32, #tpu.memory_space<hbm>>)
      tpu.yield
    }) : () -> ()
    %mul3A_463 = arith.constant 640 : i32
    %mul3A_464 = arith.muli %arg1, %mul3A_463 : i32
    %add3A_465 = arith.constant 384 : i32
    %add3A_466 = arith.addi %mul3A_464, %add3A_465 : i32
    "tpu.region"() ({
      %run_scoped3A = tpu.sem_alloc : memref<!tpu.dma_semaphore, #tpu.memory_space<semaphore_mem>>
      %dma_start3A_477 = arith.constant 0 : i32
      %dma_start3A_478 = tpu.memref_slice %arg22[%add3A_466, %dma_start3A_477] : memref<10240x96xf32, #tpu.memory_space<vmem_shared>> -> memref<128x96xf32, #tpu.memory_space<vmem_shared>>
      %dma_start3A_479 = arith.constant 0 : i32
      %dma_start3A_480 = tpu.memref_slice %arg22[%add3A_466, %dma_start3A_479] : memref<10240x96xf32, #tpu.memory_space<vmem_shared>> -> memref<128x96xf32, #tpu.memory_space<vmem_shared>>
      tpu.enqueue_dma source(%dma_start3A_480 : memref<128x96xf32, #tpu.memory_space<vmem_shared>>) target(%arg17 : memref<128x96xf32, #tpu.memory_space<vmem>>) target_semaphore(%run_scoped3A : memref<!tpu.dma_semaphore, #tpu.memory_space<semaphore_mem>>)
      %dma_wait3A_481 = arith.constant 0 : i32
      %dma_wait3A_482 = tpu.memref_slice %arg22[%add3A_466, %dma_wait3A_481] : memref<10240x96xf32, #tpu.memory_space<vmem_shared>> -> memref<128x96xf32, #tpu.memory_space<vmem_shared>>
      %dma_wait3A_483 = arith.constant 0 : i32
      %dma_wait3A_484 = tpu.memref_slice %arg22[%add3A_466, %dma_wait3A_483] : memref<10240x96xf32, #tpu.memory_space<vmem_shared>> -> memref<128x96xf32, #tpu.memory_space<vmem_shared>>
      tpu.wait_dma2 semaphore(%run_scoped3A : memref<!tpu.dma_semaphore, #tpu.memory_space<semaphore_mem>>) src(%dma_wait3A_484 : memref<128x96xf32, #tpu.memory_space<vmem_shared>>) dst(%arg17 : memref<128x96xf32, #tpu.memory_space<vmem>>)
      tpu.yield
    }) : () -> ()
    %mul3A_467 = arith.constant 10240 : i32
    %mul3A_468 = arith.muli %arg0, %mul3A_467 : i32
    %add3A_469 = arith.addi %mul3A_468, %add3A_466 : i32
    "tpu.region"() ({
      %run_scoped3A = tpu.sem_alloc : memref<!tpu.dma_semaphore, #tpu.memory_space<semaphore_mem>>
      %dma_start3A_477 = arith.constant 0 : i32
      %dma_start3A_478 = tpu.memref_slice %arg6[%add3A_469, %dma_start3A_477] : memref<20480x96xf32, #tpu.memory_space<hbm>> -> memref<128x96xf32, #tpu.memory_space<hbm>>
      %dma_start3A_479 = arith.constant 0 : i32
      %dma_start3A_480 = tpu.memref_slice %arg6[%add3A_469, %dma_start3A_479] : memref<20480x96xf32, #tpu.memory_space<hbm>> -> memref<128x96xf32, #tpu.memory_space<hbm>>
      tpu.enqueue_dma source(%arg17 : memref<128x96xf32, #tpu.memory_space<vmem>>) target(%dma_start3A_480 : memref<128x96xf32, #tpu.memory_space<hbm>>) target_semaphore(%run_scoped3A : memref<!tpu.dma_semaphore, #tpu.memory_space<semaphore_mem>>)
      %dma_wait3A_481 = arith.constant 0 : i32
      %dma_wait3A_482 = tpu.memref_slice %arg6[%add3A_469, %dma_wait3A_481] : memref<20480x96xf32, #tpu.memory_space<hbm>> -> memref<128x96xf32, #tpu.memory_space<hbm>>
      %dma_wait3A_483 = arith.constant 0 : i32
      %dma_wait3A_484 = tpu.memref_slice %arg6[%add3A_469, %dma_wait3A_483] : memref<20480x96xf32, #tpu.memory_space<hbm>> -> memref<128x96xf32, #tpu.memory_space<hbm>>
      tpu.wait_dma2 semaphore(%run_scoped3A : memref<!tpu.dma_semaphore, #tpu.memory_space<semaphore_mem>>) src(%arg17 : memref<128x96xf32, #tpu.memory_space<vmem>>) dst(%dma_wait3A_484 : memref<128x96xf32, #tpu.memory_space<hbm>>)
      tpu.yield
    }) : () -> ()
    %mul3A_470 = arith.constant 640 : i32
    %mul3A_471 = arith.muli %arg1, %mul3A_470 : i32
    %add3A_472 = arith.constant 512 : i32
    %add3A_473 = arith.addi %mul3A_471, %add3A_472 : i32
    "tpu.region"() ({
      %run_scoped3A = tpu.sem_alloc : memref<!tpu.dma_semaphore, #tpu.memory_space<semaphore_mem>>
      %dma_start3A_477 = arith.constant 0 : i32
      %dma_start3A_478 = tpu.memref_slice %arg22[%add3A_473, %dma_start3A_477] : memref<10240x96xf32, #tpu.memory_space<vmem_shared>> -> memref<128x96xf32, #tpu.memory_space<vmem_shared>>
      %dma_start3A_479 = arith.constant 0 : i32
      %dma_start3A_480 = tpu.memref_slice %arg22[%add3A_473, %dma_start3A_479] : memref<10240x96xf32, #tpu.memory_space<vmem_shared>> -> memref<128x96xf32, #tpu.memory_space<vmem_shared>>
      tpu.enqueue_dma source(%dma_start3A_480 : memref<128x96xf32, #tpu.memory_space<vmem_shared>>) target(%arg17 : memref<128x96xf32, #tpu.memory_space<vmem>>) target_semaphore(%run_scoped3A : memref<!tpu.dma_semaphore, #tpu.memory_space<semaphore_mem>>)
      %dma_wait3A_481 = arith.constant 0 : i32
      %dma_wait3A_482 = tpu.memref_slice %arg22[%add3A_473, %dma_wait3A_481] : memref<10240x96xf32, #tpu.memory_space<vmem_shared>> -> memref<128x96xf32, #tpu.memory_space<vmem_shared>>
      %dma_wait3A_483 = arith.constant 0 : i32
      %dma_wait3A_484 = tpu.memref_slice %arg22[%add3A_473, %dma_wait3A_483] : memref<10240x96xf32, #tpu.memory_space<vmem_shared>> -> memref<128x96xf32, #tpu.memory_space<vmem_shared>>
      tpu.wait_dma2 semaphore(%run_scoped3A : memref<!tpu.dma_semaphore, #tpu.memory_space<semaphore_mem>>) src(%dma_wait3A_484 : memref<128x96xf32, #tpu.memory_space<vmem_shared>>) dst(%arg17 : memref<128x96xf32, #tpu.memory_space<vmem>>)
      tpu.yield
    }) : () -> ()
    %mul3A_474 = arith.constant 10240 : i32
    %mul3A_475 = arith.muli %arg0, %mul3A_474 : i32
    %add3A_476 = arith.addi %mul3A_475, %add3A_473 : i32
    "tpu.region"() ({
      %run_scoped3A = tpu.sem_alloc : memref<!tpu.dma_semaphore, #tpu.memory_space<semaphore_mem>>
      %dma_start3A_477 = arith.constant 0 : i32
      %dma_start3A_478 = tpu.memref_slice %arg6[%add3A_476, %dma_start3A_477] : memref<20480x96xf32, #tpu.memory_space<hbm>> -> memref<128x96xf32, #tpu.memory_space<hbm>>
      %dma_start3A_479 = arith.constant 0 : i32
      %dma_start3A_480 = tpu.memref_slice %arg6[%add3A_476, %dma_start3A_479] : memref<20480x96xf32, #tpu.memory_space<hbm>> -> memref<128x96xf32, #tpu.memory_space<hbm>>
      tpu.enqueue_dma source(%arg17 : memref<128x96xf32, #tpu.memory_space<vmem>>) target(%dma_start3A_480 : memref<128x96xf32, #tpu.memory_space<hbm>>) target_semaphore(%run_scoped3A : memref<!tpu.dma_semaphore, #tpu.memory_space<semaphore_mem>>)
      %dma_wait3A_481 = arith.constant 0 : i32
      %dma_wait3A_482 = tpu.memref_slice %arg6[%add3A_476, %dma_wait3A_481] : memref<20480x96xf32, #tpu.memory_space<hbm>> -> memref<128x96xf32, #tpu.memory_space<hbm>>
      %dma_wait3A_483 = arith.constant 0 : i32
      %dma_wait3A_484 = tpu.memref_slice %arg6[%add3A_476, %dma_wait3A_483] : memref<20480x96xf32, #tpu.memory_space<hbm>> -> memref<128x96xf32, #tpu.memory_space<hbm>>
      tpu.wait_dma2 semaphore(%run_scoped3A : memref<!tpu.dma_semaphore, #tpu.memory_space<semaphore_mem>>) src(%arg17 : memref<128x96xf32, #tpu.memory_space<vmem>>) dst(%dma_wait3A_484 : memref<128x96xf32, #tpu.memory_space<hbm>>)
      tpu.yield
    }) : () -> ()
    return
  }
}

#map = affine_map<(d0, d1) -> (0, 0)>
#map1 = affine_map<(d0, d1) -> (0)>
module attributes {stable_mosaic.version = 14 : i64} {
  func.func @agg_kernel(%arg0: i32, %arg1: i32, %arg2: memref<20000x96xf32, #tpu.memory_space<hbm>>, %arg3: memref<655360xi32, #tpu.memory_space<hbm>>, %arg4: memref<327680xi32, #tpu.memory_space<hbm>>, %arg5: memref<128x96xf32, #tpu.memory_space<hbm>>, %arg6: memref<20480x96xf32, #tpu.memory_space<hbm>>, %arg7: memref<128xi32, #tpu.memory_space<vmem>>, %arg8: memref<128xi32, #tpu.memory_space<vmem>>, %arg9: memref<128xi32, #tpu.memory_space<vmem>>, %arg10: memref<128xi32, #tpu.memory_space<vmem>>, %arg11: memref<128xi32, #tpu.memory_space<vmem>>, %arg12: memref<128xi32, #tpu.memory_space<vmem>>, %arg13: memref<128xi32, #tpu.memory_space<vmem>>, %arg14: memref<128xi32, #tpu.memory_space<vmem>>, %arg15: memref<128xi32, #tpu.memory_space<vmem>>, %arg16: memref<128xi32, #tpu.memory_space<vmem>>, %arg17: memref<128x96xf32, #tpu.memory_space<vmem>>, %arg18: memref<128x96xf32, #tpu.memory_space<vmem>>, %arg19: memref<128x96xf32, #tpu.memory_space<vmem>>, %arg20: memref<128x96xf32, #tpu.memory_space<vmem>>, %arg21: memref<128x96xf32, #tpu.memory_space<vmem>>, %arg22: memref<10240x96xf32, #tpu.memory_space<vmem_shared>>, %arg23: memref<!tpu.dma_semaphore, #tpu.memory_space<semaphore_mem>>, %arg24: memref<!tpu.dma_semaphore, #tpu.memory_space<semaphore_mem>>, %arg25: memref<!tpu.dma_semaphore, #tpu.memory_space<semaphore_mem>>, %arg26: memref<!tpu.dma_semaphore, #tpu.memory_space<semaphore_mem>>, %arg27: memref<!tpu.dma_semaphore, #tpu.memory_space<semaphore_mem>>, %arg28: memref<!tpu.dma_semaphore, #tpu.memory_space<semaphore_mem>>, %arg29: memref<!tpu.dma_semaphore, #tpu.memory_space<semaphore_mem>>, %arg30: memref<!tpu.dma_semaphore, #tpu.memory_space<semaphore_mem>>, %arg31: memref<!tpu.dma_semaphore, #tpu.memory_space<semaphore_mem>>, %arg32: memref<!tpu.dma_semaphore, #tpu.memory_space<semaphore_mem>>, %arg33: memref<!tpu.dma_semaphore, #tpu.memory_space<semaphore_mem>>, %arg34: memref<!tpu.dma_semaphore, #tpu.memory_space<semaphore_mem>>, %arg35: memref<!tpu.dma_semaphore, #tpu.memory_space<semaphore_mem>>, %arg36: memref<!tpu.dma_semaphore, #tpu.memory_space<semaphore_mem>>, %arg37: memref<!tpu.dma_semaphore, #tpu.memory_space<semaphore_mem>>) attributes {dimension_semantics = [#tpu.dimension_semantics<core_parallel>, #tpu.dimension_semantics<subcore_parallel>], iteration_bounds = array<i64: 2, 16>, scalar_prefetch = 0 : i64, scratch_operands = 31 : i64, tpu.core_type = #tpu.core_type<sc_vector_subcore>, window_params = [{transform_indices = #map}, {transform_indices = #map1}, {transform_indices = #map1}, {transform_indices = #map}, {transform_indices = #map}]} {
    "tpu.region"() ({
      %run_scoped3A = tpu.sem_alloc : memref<!tpu.dma_semaphore, #tpu.memory_space<semaphore_mem>>
      tpu.enqueue_dma source(%arg5 : memref<128x96xf32, #tpu.memory_space<hbm>>) target(%arg17 : memref<128x96xf32, #tpu.memory_space<vmem>>) target_semaphore(%run_scoped3A : memref<!tpu.dma_semaphore, #tpu.memory_space<semaphore_mem>>)
      tpu.wait_dma2 semaphore(%run_scoped3A : memref<!tpu.dma_semaphore, #tpu.memory_space<semaphore_mem>>) src(%arg5 : memref<128x96xf32, #tpu.memory_space<hbm>>) dst(%arg17 : memref<128x96xf32, #tpu.memory_space<vmem>>)
      tpu.yield
    }) : () -> ()
    %mul3A = arith.constant 640 : i32
    %mul3A_0 = arith.muli %arg1, %mul3A : i32
    %add3A = arith.constant 0 : i32
    %add3A_1 = arith.addi %mul3A_0, %add3A : i32
    "tpu.region"() ({
      %run_scoped3A = tpu.sem_alloc : memref<!tpu.dma_semaphore, #tpu.memory_space<semaphore_mem>>
      %dma_start3A_477 = arith.constant 0 : i32
      %dma_start3A_478 = tpu.memref_slice %arg22[%add3A_1, %dma_start3A_477] : memref<10240x96xf32, #tpu.memory_space<vmem_shared>> -> memref<128x96xf32, #tpu.memory_space<vmem_shared>>
      %dma_start3A_479 = arith.constant 0 : i32
      %dma_start3A_480 = tpu.memref_slice %arg22[%add3A_1, %dma_start3A_479] : memref<10240x96xf32, #tpu.memory_space<vmem_shared>> -> memref<128x96xf32, #tpu.memory_space<vmem_shared>>
      tpu.enqueue_dma source(%arg17 : memref<128x96xf32, #tpu.memory_space<vmem>>) target(%dma_start3A_480 : memref<128x96xf32, #tpu.memory_space<vmem_shared>>) target_semaphore(%run_scoped3A : memref<!tpu.dma_semaphore, #tpu.memory_space<semaphore_mem>>)
      %dma_wait3A_481 = arith.constant 0 : i32
      %dma_wait3A_482 = tpu.memref_slice %arg22[%add3A_1, %dma_wait3A_481] : memref<10240x96xf32, #tpu.memory_space<vmem_shared>> -> memref<128x96xf32, #tpu.memory_space<vmem_shared>>
      %dma_wait3A_483 = arith.constant 0 : i32
      %dma_wait3A_484 = tpu.memref_slice %arg22[%add3A_1, %dma_wait3A_483] : memref<10240x96xf32, #tpu.memory_space<vmem_shared>> -> memref<128x96xf32, #tpu.memory_space<vmem_shared>>
      tpu.wait_dma2 semaphore(%run_scoped3A : memref<!tpu.dma_semaphore, #tpu.memory_space<semaphore_mem>>) src(%arg17 : memref<128x96xf32, #tpu.memory_space<vmem>>) dst(%dma_wait3A_484 : memref<128x96xf32, #tpu.memory_space<vmem_shared>>)
      tpu.yield
    }) : () -> ()
    %mul3A_2 = arith.constant 640 : i32
    %mul3A_3 = arith.muli %arg1, %mul3A_2 : i32
    %add3A_4 = arith.constant 128 : i32
    %add3A_5 = arith.addi %mul3A_3, %add3A_4 : i32
    "tpu.region"() ({
      %run_scoped3A = tpu.sem_alloc : memref<!tpu.dma_semaphore, #tpu.memory_space<semaphore_mem>>
      %dma_start3A_477 = arith.constant 0 : i32
      %dma_start3A_478 = tpu.memref_slice %arg22[%add3A_5, %dma_start3A_477] : memref<10240x96xf32, #tpu.memory_space<vmem_shared>> -> memref<128x96xf32, #tpu.memory_space<vmem_shared>>
      %dma_start3A_479 = arith.constant 0 : i32
      %dma_start3A_480 = tpu.memref_slice %arg22[%add3A_5, %dma_start3A_479] : memref<10240x96xf32, #tpu.memory_space<vmem_shared>> -> memref<128x96xf32, #tpu.memory_space<vmem_shared>>
      tpu.enqueue_dma source(%arg17 : memref<128x96xf32, #tpu.memory_space<vmem>>) target(%dma_start3A_480 : memref<128x96xf32, #tpu.memory_space<vmem_shared>>) target_semaphore(%run_scoped3A : memref<!tpu.dma_semaphore, #tpu.memory_space<semaphore_mem>>)
      %dma_wait3A_481 = arith.constant 0 : i32
      %dma_wait3A_482 = tpu.memref_slice %arg22[%add3A_5, %dma_wait3A_481] : memref<10240x96xf32, #tpu.memory_space<vmem_shared>> -> memref<128x96xf32, #tpu.memory_space<vmem_shared>>
      %dma_wait3A_483 = arith.constant 0 : i32
      %dma_wait3A_484 = tpu.memref_slice %arg22[%add3A_5, %dma_wait3A_483] : memref<10240x96xf32, #tpu.memory_space<vmem_shared>> -> memref<128x96xf32, #tpu.memory_space<vmem_shared>>
      tpu.wait_dma2 semaphore(%run_scoped3A : memref<!tpu.dma_semaphore, #tpu.memory_space<semaphore_mem>>) src(%arg17 : memref<128x96xf32, #tpu.memory_space<vmem>>) dst(%dma_wait3A_484 : memref<128x96xf32, #tpu.memory_space<vmem_shared>>)
      tpu.yield
    }) : () -> ()
    %mul3A_6 = arith.constant 640 : i32
    %mul3A_7 = arith.muli %arg1, %mul3A_6 : i32
    %add3A_8 = arith.constant 256 : i32
    %add3A_9 = arith.addi %mul3A_7, %add3A_8 : i32
    "tpu.region"() ({
      %run_scoped3A = tpu.sem_alloc : memref<!tpu.dma_semaphore, #tpu.memory_space<semaphore_mem>>
      %dma_start3A_477 = arith.constant 0 : i32
      %dma_start3A_478 = tpu.memref_slice %arg22[%add3A_9, %dma_start3A_477] : memref<10240x96xf32, #tpu.memory_space<vmem_shared>> -> memref<128x96xf32, #tpu.memory_space<vmem_shared>>
      %dma_start3A_479 = arith.constant 0 : i32
      %dma_start3A_480 = tpu.memref_slice %arg22[%add3A_9, %dma_start3A_479] : memref<10240x96xf32, #tpu.memory_space<vmem_shared>> -> memref<128x96xf32, #tpu.memory_space<vmem_shared>>
      tpu.enqueue_dma source(%arg17 : memref<128x96xf32, #tpu.memory_space<vmem>>) target(%dma_start3A_480 : memref<128x96xf32, #tpu.memory_space<vmem_shared>>) target_semaphore(%run_scoped3A : memref<!tpu.dma_semaphore, #tpu.memory_space<semaphore_mem>>)
      %dma_wait3A_481 = arith.constant 0 : i32
      %dma_wait3A_482 = tpu.memref_slice %arg22[%add3A_9, %dma_wait3A_481] : memref<10240x96xf32, #tpu.memory_space<vmem_shared>> -> memref<128x96xf32, #tpu.memory_space<vmem_shared>>
      %dma_wait3A_483 = arith.constant 0 : i32
      %dma_wait3A_484 = tpu.memref_slice %arg22[%add3A_9, %dma_wait3A_483] : memref<10240x96xf32, #tpu.memory_space<vmem_shared>> -> memref<128x96xf32, #tpu.memory_space<vmem_shared>>
      tpu.wait_dma2 semaphore(%run_scoped3A : memref<!tpu.dma_semaphore, #tpu.memory_space<semaphore_mem>>) src(%arg17 : memref<128x96xf32, #tpu.memory_space<vmem>>) dst(%dma_wait3A_484 : memref<128x96xf32, #tpu.memory_space<vmem_shared>>)
      tpu.yield
    }) : () -> ()
    %mul3A_10 = arith.constant 640 : i32
    %mul3A_11 = arith.muli %arg1, %mul3A_10 : i32
    %add3A_12 = arith.constant 384 : i32
    %add3A_13 = arith.addi %mul3A_11, %add3A_12 : i32
    "tpu.region"() ({
      %run_scoped3A = tpu.sem_alloc : memref<!tpu.dma_semaphore, #tpu.memory_space<semaphore_mem>>
      %dma_start3A_477 = arith.constant 0 : i32
      %dma_start3A_478 = tpu.memref_slice %arg22[%add3A_13, %dma_start3A_477] : memref<10240x96xf32, #tpu.memory_space<vmem_shared>> -> memref<128x96xf32, #tpu.memory_space<vmem_shared>>
      %dma_start3A_479 = arith.constant 0 : i32
      %dma_start3A_480 = tpu.memref_slice %arg22[%add3A_13, %dma_start3A_479] : memref<10240x96xf32, #tpu.memory_space<vmem_shared>> -> memref<128x96xf32, #tpu.memory_space<vmem_shared>>
      tpu.enqueue_dma source(%arg17 : memref<128x96xf32, #tpu.memory_space<vmem>>) target(%dma_start3A_480 : memref<128x96xf32, #tpu.memory_space<vmem_shared>>) target_semaphore(%run_scoped3A : memref<!tpu.dma_semaphore, #tpu.memory_space<semaphore_mem>>)
      %dma_wait3A_481 = arith.constant 0 : i32
      %dma_wait3A_482 = tpu.memref_slice %arg22[%add3A_13, %dma_wait3A_481] : memref<10240x96xf32, #tpu.memory_space<vmem_shared>> -> memref<128x96xf32, #tpu.memory_space<vmem_shared>>
      %dma_wait3A_483 = arith.constant 0 : i32
      %dma_wait3A_484 = tpu.memref_slice %arg22[%add3A_13, %dma_wait3A_483] : memref<10240x96xf32, #tpu.memory_space<vmem_shared>> -> memref<128x96xf32, #tpu.memory_space<vmem_shared>>
      tpu.wait_dma2 semaphore(%run_scoped3A : memref<!tpu.dma_semaphore, #tpu.memory_space<semaphore_mem>>) src(%arg17 : memref<128x96xf32, #tpu.memory_space<vmem>>) dst(%dma_wait3A_484 : memref<128x96xf32, #tpu.memory_space<vmem_shared>>)
      tpu.yield
    }) : () -> ()
    %mul3A_14 = arith.constant 640 : i32
    %mul3A_15 = arith.muli %arg1, %mul3A_14 : i32
    %add3A_16 = arith.constant 512 : i32
    %add3A_17 = arith.addi %mul3A_15, %add3A_16 : i32
    "tpu.region"() ({
      %run_scoped3A = tpu.sem_alloc : memref<!tpu.dma_semaphore, #tpu.memory_space<semaphore_mem>>
      %dma_start3A_477 = arith.constant 0 : i32
      %dma_start3A_478 = tpu.memref_slice %arg22[%add3A_17, %dma_start3A_477] : memref<10240x96xf32, #tpu.memory_space<vmem_shared>> -> memref<128x96xf32, #tpu.memory_space<vmem_shared>>
      %dma_start3A_479 = arith.constant 0 : i32
      %dma_start3A_480 = tpu.memref_slice %arg22[%add3A_17, %dma_start3A_479] : memref<10240x96xf32, #tpu.memory_space<vmem_shared>> -> memref<128x96xf32, #tpu.memory_space<vmem_shared>>
      tpu.enqueue_dma source(%arg17 : memref<128x96xf32, #tpu.memory_space<vmem>>) target(%dma_start3A_480 : memref<128x96xf32, #tpu.memory_space<vmem_shared>>) target_semaphore(%run_scoped3A : memref<!tpu.dma_semaphore, #tpu.memory_space<semaphore_mem>>)
      %dma_wait3A_481 = arith.constant 0 : i32
      %dma_wait3A_482 = tpu.memref_slice %arg22[%add3A_17, %dma_wait3A_481] : memref<10240x96xf32, #tpu.memory_space<vmem_shared>> -> memref<128x96xf32, #tpu.memory_space<vmem_shared>>
      %dma_wait3A_483 = arith.constant 0 : i32
      %dma_wait3A_484 = tpu.memref_slice %arg22[%add3A_17, %dma_wait3A_483] : memref<10240x96xf32, #tpu.memory_space<vmem_shared>> -> memref<128x96xf32, #tpu.memory_space<vmem_shared>>
      tpu.wait_dma2 semaphore(%run_scoped3A : memref<!tpu.dma_semaphore, #tpu.memory_space<semaphore_mem>>) src(%arg17 : memref<128x96xf32, #tpu.memory_space<vmem>>) dst(%dma_wait3A_484 : memref<128x96xf32, #tpu.memory_space<vmem_shared>>)
      tpu.yield
    }) : () -> ()
    %barrier3A = arith.constant 0 : index
    tpu.barrier barrier_id(%barrier3A)
    %mul3A_18 = arith.constant 327680 : i32
    %mul3A_19 = arith.muli %arg0, %mul3A_18 : i32
    %mul3A_20 = arith.constant 20480 : i32
    %mul3A_21 = arith.muli %arg1, %mul3A_20 : i32
    %add3A_22 = arith.addi %mul3A_19, %mul3A_21 : i32
    %add3A_23 = arith.constant 0 : i32
    %add3A_24 = arith.addi %add3A_22, %add3A_23 : i32
    %dma_start3A = tpu.memref_slice %arg3[%add3A_24] : memref<655360xi32, #tpu.memory_space<hbm>> -> memref<128xi32, #tpu.memory_space<hbm>>
    %dma_start3A_25 = tpu.memref_slice %arg3[%add3A_24] : memref<655360xi32, #tpu.memory_space<hbm>> -> memref<128xi32, #tpu.memory_space<hbm>>
    tpu.enqueue_dma source(%dma_start3A_25 : memref<128xi32, #tpu.memory_space<hbm>>) target(%arg7 : memref<128xi32, #tpu.memory_space<vmem>>) target_semaphore(%arg23 : memref<!tpu.dma_semaphore, #tpu.memory_space<semaphore_mem>>)
    %mul3A_26 = arith.constant 20480 : i32
    %mul3A_27 = arith.muli %arg1, %mul3A_26 : i32
    %add3A_28 = arith.constant 0 : i32
    %add3A_29 = arith.addi %mul3A_27, %add3A_28 : i32
    %dma_start3A_30 = tpu.memref_slice %arg4[%add3A_29] : memref<327680xi32, #tpu.memory_space<hbm>> -> memref<128xi32, #tpu.memory_space<hbm>>
    %dma_start3A_31 = tpu.memref_slice %arg4[%add3A_29] : memref<327680xi32, #tpu.memory_space<hbm>> -> memref<128xi32, #tpu.memory_space<hbm>>
    tpu.enqueue_dma source(%dma_start3A_31 : memref<128xi32, #tpu.memory_space<hbm>>) target(%arg12 : memref<128xi32, #tpu.memory_space<vmem>>) target_semaphore(%arg23 : memref<!tpu.dma_semaphore, #tpu.memory_space<semaphore_mem>>)
    %mul3A_32 = arith.constant 327680 : i32
    %mul3A_33 = arith.muli %arg0, %mul3A_32 : i32
    %mul3A_34 = arith.constant 20480 : i32
    %mul3A_35 = arith.muli %arg1, %mul3A_34 : i32
    %add3A_36 = arith.addi %mul3A_33, %mul3A_35 : i32
    %add3A_37 = arith.constant 128 : i32
    %add3A_38 = arith.addi %add3A_36, %add3A_37 : i32
    %dma_start3A_39 = tpu.memref_slice %arg3[%add3A_38] : memref<655360xi32, #tpu.memory_space<hbm>> -> memref<128xi32, #tpu.memory_space<hbm>>
    %dma_start3A_40 = tpu.memref_slice %arg3[%add3A_38] : memref<655360xi32, #tpu.memory_space<hbm>> -> memref<128xi32, #tpu.memory_space<hbm>>
    tpu.enqueue_dma source(%dma_start3A_40 : memref<128xi32, #tpu.memory_space<hbm>>) target(%arg8 : memref<128xi32, #tpu.memory_space<vmem>>) target_semaphore(%arg24 : memref<!tpu.dma_semaphore, #tpu.memory_space<semaphore_mem>>)
    %mul3A_41 = arith.constant 20480 : i32
    %mul3A_42 = arith.muli %arg1, %mul3A_41 : i32
    %add3A_43 = arith.constant 128 : i32
    %add3A_44 = arith.addi %mul3A_42, %add3A_43 : i32
    %dma_start3A_45 = tpu.memref_slice %arg4[%add3A_44] : memref<327680xi32, #tpu.memory_space<hbm>> -> memref<128xi32, #tpu.memory_space<hbm>>
    %dma_start3A_46 = tpu.memref_slice %arg4[%add3A_44] : memref<327680xi32, #tpu.memory_space<hbm>> -> memref<128xi32, #tpu.memory_space<hbm>>
    tpu.enqueue_dma source(%dma_start3A_46 : memref<128xi32, #tpu.memory_space<hbm>>) target(%arg13 : memref<128xi32, #tpu.memory_space<vmem>>) target_semaphore(%arg24 : memref<!tpu.dma_semaphore, #tpu.memory_space<semaphore_mem>>)
    %mul3A_47 = arith.constant 327680 : i32
    %mul3A_48 = arith.muli %arg0, %mul3A_47 : i32
    %mul3A_49 = arith.constant 20480 : i32
    %mul3A_50 = arith.muli %arg1, %mul3A_49 : i32
    %add3A_51 = arith.addi %mul3A_48, %mul3A_50 : i32
    %add3A_52 = arith.constant 256 : i32
    %add3A_53 = arith.addi %add3A_51, %add3A_52 : i32
    %dma_start3A_54 = tpu.memref_slice %arg3[%add3A_53] : memref<655360xi32, #tpu.memory_space<hbm>> -> memref<128xi32, #tpu.memory_space<hbm>>
    %dma_start3A_55 = tpu.memref_slice %arg3[%add3A_53] : memref<655360xi32, #tpu.memory_space<hbm>> -> memref<128xi32, #tpu.memory_space<hbm>>
    tpu.enqueue_dma source(%dma_start3A_55 : memref<128xi32, #tpu.memory_space<hbm>>) target(%arg9 : memref<128xi32, #tpu.memory_space<vmem>>) target_semaphore(%arg25 : memref<!tpu.dma_semaphore, #tpu.memory_space<semaphore_mem>>)
    %mul3A_56 = arith.constant 20480 : i32
    %mul3A_57 = arith.muli %arg1, %mul3A_56 : i32
    %add3A_58 = arith.constant 256 : i32
    %add3A_59 = arith.addi %mul3A_57, %add3A_58 : i32
    %dma_start3A_60 = tpu.memref_slice %arg4[%add3A_59] : memref<327680xi32, #tpu.memory_space<hbm>> -> memref<128xi32, #tpu.memory_space<hbm>>
    %dma_start3A_61 = tpu.memref_slice %arg4[%add3A_59] : memref<327680xi32, #tpu.memory_space<hbm>> -> memref<128xi32, #tpu.memory_space<hbm>>
    tpu.enqueue_dma source(%dma_start3A_61 : memref<128xi32, #tpu.memory_space<hbm>>) target(%arg14 : memref<128xi32, #tpu.memory_space<vmem>>) target_semaphore(%arg25 : memref<!tpu.dma_semaphore, #tpu.memory_space<semaphore_mem>>)
    %mul3A_62 = arith.constant 327680 : i32
    %mul3A_63 = arith.muli %arg0, %mul3A_62 : i32
    %mul3A_64 = arith.constant 20480 : i32
    %mul3A_65 = arith.muli %arg1, %mul3A_64 : i32
    %add3A_66 = arith.addi %mul3A_63, %mul3A_65 : i32
    %add3A_67 = arith.constant 0 : i32
    %add3A_68 = arith.addi %add3A_66, %add3A_67 : i32
    %dma_wait3A = tpu.memref_slice %arg3[%add3A_68] : memref<655360xi32, #tpu.memory_space<hbm>> -> memref<128xi32, #tpu.memory_space<hbm>>
    %dma_wait3A_69 = tpu.memref_slice %arg3[%add3A_68] : memref<655360xi32, #tpu.memory_space<hbm>> -> memref<128xi32, #tpu.memory_space<hbm>>
    tpu.wait_dma2 semaphore(%arg23 : memref<!tpu.dma_semaphore, #tpu.memory_space<semaphore_mem>>) src(%dma_wait3A_69 : memref<128xi32, #tpu.memory_space<hbm>>) dst(%arg7 : memref<128xi32, #tpu.memory_space<vmem>>)
    %mul3A_70 = arith.constant 20480 : i32
    %mul3A_71 = arith.muli %arg1, %mul3A_70 : i32
    %add3A_72 = arith.constant 0 : i32
    %add3A_73 = arith.addi %mul3A_71, %add3A_72 : i32
    %dma_wait3A_74 = tpu.memref_slice %arg4[%add3A_73] : memref<327680xi32, #tpu.memory_space<hbm>> -> memref<128xi32, #tpu.memory_space<hbm>>
    %dma_wait3A_75 = tpu.memref_slice %arg4[%add3A_73] : memref<327680xi32, #tpu.memory_space<hbm>> -> memref<128xi32, #tpu.memory_space<hbm>>
    tpu.wait_dma2 semaphore(%arg23 : memref<!tpu.dma_semaphore, #tpu.memory_space<semaphore_mem>>) src(%dma_wait3A_75 : memref<128xi32, #tpu.memory_space<hbm>>) dst(%arg12 : memref<128xi32, #tpu.memory_space<vmem>>)
    %dma_start3A_76 = arith.constant 0 : i32
    %dma_start3A_77 = arith.constant 0 : i32
    %dma_start3A_78 = tpu.memref_slice %arg2[%dma_start3A_76, %dma_start3A_77] : memref<20000x96xf32, #tpu.memory_space<hbm>> -> memref<20000x96xf32, #tpu.memory_space<hbm>>
    tpu.enqueue_indirect_dma source(%dma_start3A_78 : memref<20000x96xf32, #tpu.memory_space<hbm>>) target(%arg17 : memref<128x96xf32, #tpu.memory_space<vmem>>) offsets(%arg7 : memref<128xi32, #tpu.memory_space<vmem>>) semaphore(%arg28 : memref<!tpu.dma_semaphore, #tpu.memory_space<semaphore_mem>>)
    %mul3A_79 = arith.constant 327680 : i32
    %mul3A_80 = arith.muli %arg0, %mul3A_79 : i32
    %mul3A_81 = arith.constant 20480 : i32
    %mul3A_82 = arith.muli %arg1, %mul3A_81 : i32
    %add3A_83 = arith.addi %mul3A_80, %mul3A_82 : i32
    %add3A_84 = arith.constant 384 : i32
    %add3A_85 = arith.addi %add3A_83, %add3A_84 : i32
    %dma_start3A_86 = tpu.memref_slice %arg3[%add3A_85] : memref<655360xi32, #tpu.memory_space<hbm>> -> memref<128xi32, #tpu.memory_space<hbm>>
    %dma_start3A_87 = tpu.memref_slice %arg3[%add3A_85] : memref<655360xi32, #tpu.memory_space<hbm>> -> memref<128xi32, #tpu.memory_space<hbm>>
    tpu.enqueue_dma source(%dma_start3A_87 : memref<128xi32, #tpu.memory_space<hbm>>) target(%arg10 : memref<128xi32, #tpu.memory_space<vmem>>) target_semaphore(%arg26 : memref<!tpu.dma_semaphore, #tpu.memory_space<semaphore_mem>>)
    %mul3A_88 = arith.constant 20480 : i32
    %mul3A_89 = arith.muli %arg1, %mul3A_88 : i32
    %add3A_90 = arith.constant 384 : i32
    %add3A_91 = arith.addi %mul3A_89, %add3A_90 : i32
    %dma_start3A_92 = tpu.memref_slice %arg4[%add3A_91] : memref<327680xi32, #tpu.memory_space<hbm>> -> memref<128xi32, #tpu.memory_space<hbm>>
    %dma_start3A_93 = tpu.memref_slice %arg4[%add3A_91] : memref<327680xi32, #tpu.memory_space<hbm>> -> memref<128xi32, #tpu.memory_space<hbm>>
    tpu.enqueue_dma source(%dma_start3A_93 : memref<128xi32, #tpu.memory_space<hbm>>) target(%arg15 : memref<128xi32, #tpu.memory_space<vmem>>) target_semaphore(%arg26 : memref<!tpu.dma_semaphore, #tpu.memory_space<semaphore_mem>>)
    %mul3A_94 = arith.constant 327680 : i32
    %mul3A_95 = arith.muli %arg0, %mul3A_94 : i32
    %mul3A_96 = arith.constant 20480 : i32
    %mul3A_97 = arith.muli %arg1, %mul3A_96 : i32
    %add3A_98 = arith.addi %mul3A_95, %mul3A_97 : i32
    %add3A_99 = arith.constant 128 : i32
    %add3A_100 = arith.addi %add3A_98, %add3A_99 : i32
    %dma_wait3A_101 = tpu.memref_slice %arg3[%add3A_100] : memref<655360xi32, #tpu.memory_space<hbm>> -> memref<128xi32, #tpu.memory_space<hbm>>
    %dma_wait3A_102 = tpu.memref_slice %arg3[%add3A_100] : memref<655360xi32, #tpu.memory_space<hbm>> -> memref<128xi32, #tpu.memory_space<hbm>>
    tpu.wait_dma2 semaphore(%arg24 : memref<!tpu.dma_semaphore, #tpu.memory_space<semaphore_mem>>) src(%dma_wait3A_102 : memref<128xi32, #tpu.memory_space<hbm>>) dst(%arg8 : memref<128xi32, #tpu.memory_space<vmem>>)
    %mul3A_103 = arith.constant 20480 : i32
    %mul3A_104 = arith.muli %arg1, %mul3A_103 : i32
    %add3A_105 = arith.constant 128 : i32
    %add3A_106 = arith.addi %mul3A_104, %add3A_105 : i32
    %dma_wait3A_107 = tpu.memref_slice %arg4[%add3A_106] : memref<327680xi32, #tpu.memory_space<hbm>> -> memref<128xi32, #tpu.memory_space<hbm>>
    %dma_wait3A_108 = tpu.memref_slice %arg4[%add3A_106] : memref<327680xi32, #tpu.memory_space<hbm>> -> memref<128xi32, #tpu.memory_space<hbm>>
    tpu.wait_dma2 semaphore(%arg24 : memref<!tpu.dma_semaphore, #tpu.memory_space<semaphore_mem>>) src(%dma_wait3A_108 : memref<128xi32, #tpu.memory_space<hbm>>) dst(%arg13 : memref<128xi32, #tpu.memory_space<vmem>>)
    %dma_start3A_109 = arith.constant 0 : i32
    %dma_start3A_110 = arith.constant 0 : i32
    %dma_start3A_111 = tpu.memref_slice %arg2[%dma_start3A_109, %dma_start3A_110] : memref<20000x96xf32, #tpu.memory_space<hbm>> -> memref<20000x96xf32, #tpu.memory_space<hbm>>
    tpu.enqueue_indirect_dma source(%dma_start3A_111 : memref<20000x96xf32, #tpu.memory_space<hbm>>) target(%arg18 : memref<128x96xf32, #tpu.memory_space<vmem>>) offsets(%arg8 : memref<128xi32, #tpu.memory_space<vmem>>) semaphore(%arg29 : memref<!tpu.dma_semaphore, #tpu.memory_space<semaphore_mem>>)
    %mul3A_112 = arith.constant 327680 : i32
    %mul3A_113 = arith.muli %arg0, %mul3A_112 : i32
    %mul3A_114 = arith.constant 20480 : i32
    %mul3A_115 = arith.muli %arg1, %mul3A_114 : i32
    %add3A_116 = arith.addi %mul3A_113, %mul3A_115 : i32
    %add3A_117 = arith.constant 512 : i32
    %add3A_118 = arith.addi %add3A_116, %add3A_117 : i32
    %dma_start3A_119 = tpu.memref_slice %arg3[%add3A_118] : memref<655360xi32, #tpu.memory_space<hbm>> -> memref<128xi32, #tpu.memory_space<hbm>>
    %dma_start3A_120 = tpu.memref_slice %arg3[%add3A_118] : memref<655360xi32, #tpu.memory_space<hbm>> -> memref<128xi32, #tpu.memory_space<hbm>>
    tpu.enqueue_dma source(%dma_start3A_120 : memref<128xi32, #tpu.memory_space<hbm>>) target(%arg11 : memref<128xi32, #tpu.memory_space<vmem>>) target_semaphore(%arg27 : memref<!tpu.dma_semaphore, #tpu.memory_space<semaphore_mem>>)
    %mul3A_121 = arith.constant 20480 : i32
    %mul3A_122 = arith.muli %arg1, %mul3A_121 : i32
    %add3A_123 = arith.constant 512 : i32
    %add3A_124 = arith.addi %mul3A_122, %add3A_123 : i32
    %dma_start3A_125 = tpu.memref_slice %arg4[%add3A_124] : memref<327680xi32, #tpu.memory_space<hbm>> -> memref<128xi32, #tpu.memory_space<hbm>>
    %dma_start3A_126 = tpu.memref_slice %arg4[%add3A_124] : memref<327680xi32, #tpu.memory_space<hbm>> -> memref<128xi32, #tpu.memory_space<hbm>>
    tpu.enqueue_dma source(%dma_start3A_126 : memref<128xi32, #tpu.memory_space<hbm>>) target(%arg16 : memref<128xi32, #tpu.memory_space<vmem>>) target_semaphore(%arg27 : memref<!tpu.dma_semaphore, #tpu.memory_space<semaphore_mem>>)
    %mul3A_127 = arith.constant 327680 : i32
    %mul3A_128 = arith.muli %arg0, %mul3A_127 : i32
    %mul3A_129 = arith.constant 20480 : i32
    %mul3A_130 = arith.muli %arg1, %mul3A_129 : i32
    %add3A_131 = arith.addi %mul3A_128, %mul3A_130 : i32
    %add3A_132 = arith.constant 256 : i32
    %add3A_133 = arith.addi %add3A_131, %add3A_132 : i32
    %dma_wait3A_134 = tpu.memref_slice %arg3[%add3A_133] : memref<655360xi32, #tpu.memory_space<hbm>> -> memref<128xi32, #tpu.memory_space<hbm>>
    %dma_wait3A_135 = tpu.memref_slice %arg3[%add3A_133] : memref<655360xi32, #tpu.memory_space<hbm>> -> memref<128xi32, #tpu.memory_space<hbm>>
    tpu.wait_dma2 semaphore(%arg25 : memref<!tpu.dma_semaphore, #tpu.memory_space<semaphore_mem>>) src(%dma_wait3A_135 : memref<128xi32, #tpu.memory_space<hbm>>) dst(%arg9 : memref<128xi32, #tpu.memory_space<vmem>>)
    %mul3A_136 = arith.constant 20480 : i32
    %mul3A_137 = arith.muli %arg1, %mul3A_136 : i32
    %add3A_138 = arith.constant 256 : i32
    %add3A_139 = arith.addi %mul3A_137, %add3A_138 : i32
    %dma_wait3A_140 = tpu.memref_slice %arg4[%add3A_139] : memref<327680xi32, #tpu.memory_space<hbm>> -> memref<128xi32, #tpu.memory_space<hbm>>
    %dma_wait3A_141 = tpu.memref_slice %arg4[%add3A_139] : memref<327680xi32, #tpu.memory_space<hbm>> -> memref<128xi32, #tpu.memory_space<hbm>>
    tpu.wait_dma2 semaphore(%arg25 : memref<!tpu.dma_semaphore, #tpu.memory_space<semaphore_mem>>) src(%dma_wait3A_141 : memref<128xi32, #tpu.memory_space<hbm>>) dst(%arg14 : memref<128xi32, #tpu.memory_space<vmem>>)
    %dma_start3A_142 = arith.constant 0 : i32
    %dma_start3A_143 = arith.constant 0 : i32
    %dma_start3A_144 = tpu.memref_slice %arg2[%dma_start3A_142, %dma_start3A_143] : memref<20000x96xf32, #tpu.memory_space<hbm>> -> memref<20000x96xf32, #tpu.memory_space<hbm>>
    tpu.enqueue_indirect_dma source(%dma_start3A_144 : memref<20000x96xf32, #tpu.memory_space<hbm>>) target(%arg19 : memref<128x96xf32, #tpu.memory_space<vmem>>) offsets(%arg9 : memref<128xi32, #tpu.memory_space<vmem>>) semaphore(%arg30 : memref<!tpu.dma_semaphore, #tpu.memory_space<semaphore_mem>>)
    %dma_wait3A_145 = arith.constant 0 : i32
    %dma_wait3A_146 = arith.constant 0 : i32
    %dma_wait3A_147 = tpu.memref_slice %arg2[%dma_wait3A_145, %dma_wait3A_146] : memref<20000x96xf32, #tpu.memory_space<hbm>> -> memref<20000x96xf32, #tpu.memory_space<hbm>>
    tpu.wait_indirect_dma semaphore(%arg28 : memref<!tpu.dma_semaphore, #tpu.memory_space<semaphore_mem>>) src(%dma_wait3A_147 : memref<20000x96xf32, #tpu.memory_space<hbm>>) dst(%arg17 : memref<128x96xf32, #tpu.memory_space<vmem>>)
    %dma_start3A_148 = arith.constant 0 : i32
    %dma_start3A_149 = arith.constant 0 : i32
    %dma_start3A_150 = tpu.memref_slice %arg22[%dma_start3A_148, %dma_start3A_149] : memref<10240x96xf32, #tpu.memory_space<vmem_shared>> -> memref<10240x96xf32, #tpu.memory_space<vmem_shared>>
    tpu.enqueue_indirect_dma source(%arg17 : memref<128x96xf32, #tpu.memory_space<vmem>>) target(%dma_start3A_150 : memref<10240x96xf32, #tpu.memory_space<vmem_shared>>) offsets(%arg12 : memref<128xi32, #tpu.memory_space<vmem>>) semaphore(%arg33 : memref<!tpu.dma_semaphore, #tpu.memory_space<semaphore_mem>>) {add = true}
    %dma_wait3A_151 = arith.constant 0 : i32
    %dma_wait3A_152 = arith.constant 0 : i32
    %dma_wait3A_153 = tpu.memref_slice %arg22[%dma_wait3A_151, %dma_wait3A_152] : memref<10240x96xf32, #tpu.memory_space<vmem_shared>> -> memref<10240x96xf32, #tpu.memory_space<vmem_shared>>
    tpu.wait_indirect_dma semaphore(%arg33 : memref<!tpu.dma_semaphore, #tpu.memory_space<semaphore_mem>>) src(%arg17 : memref<128x96xf32, #tpu.memory_space<vmem>>) dst(%dma_wait3A_153 : memref<10240x96xf32, #tpu.memory_space<vmem_shared>>)
    %mul3A_154 = arith.constant 327680 : i32
    %mul3A_155 = arith.muli %arg0, %mul3A_154 : i32
    %mul3A_156 = arith.constant 20480 : i32
    %mul3A_157 = arith.muli %arg1, %mul3A_156 : i32
    %add3A_158 = arith.addi %mul3A_155, %mul3A_157 : i32
    %add3A_159 = arith.constant 640 : i32
    %add3A_160 = arith.addi %add3A_158, %add3A_159 : i32
    %dma_start3A_161 = tpu.memref_slice %arg3[%add3A_160] : memref<655360xi32, #tpu.memory_space<hbm>> -> memref<128xi32, #tpu.memory_space<hbm>>
    %dma_start3A_162 = tpu.memref_slice %arg3[%add3A_160] : memref<655360xi32, #tpu.memory_space<hbm>> -> memref<128xi32, #tpu.memory_space<hbm>>
    tpu.enqueue_dma source(%dma_start3A_162 : memref<128xi32, #tpu.memory_space<hbm>>) target(%arg7 : memref<128xi32, #tpu.memory_space<vmem>>) target_semaphore(%arg23 : memref<!tpu.dma_semaphore, #tpu.memory_space<semaphore_mem>>)
    %mul3A_163 = arith.constant 20480 : i32
    %mul3A_164 = arith.muli %arg1, %mul3A_163 : i32
    %add3A_165 = arith.constant 640 : i32
    %add3A_166 = arith.addi %mul3A_164, %add3A_165 : i32
    %dma_start3A_167 = tpu.memref_slice %arg4[%add3A_166] : memref<327680xi32, #tpu.memory_space<hbm>> -> memref<128xi32, #tpu.memory_space<hbm>>
    %dma_start3A_168 = tpu.memref_slice %arg4[%add3A_166] : memref<327680xi32, #tpu.memory_space<hbm>> -> memref<128xi32, #tpu.memory_space<hbm>>
    tpu.enqueue_dma source(%dma_start3A_168 : memref<128xi32, #tpu.memory_space<hbm>>) target(%arg12 : memref<128xi32, #tpu.memory_space<vmem>>) target_semaphore(%arg23 : memref<!tpu.dma_semaphore, #tpu.memory_space<semaphore_mem>>)
    %mul3A_169 = arith.constant 327680 : i32
    %mul3A_170 = arith.muli %arg0, %mul3A_169 : i32
    %mul3A_171 = arith.constant 20480 : i32
    %mul3A_172 = arith.muli %arg1, %mul3A_171 : i32
    %add3A_173 = arith.addi %mul3A_170, %mul3A_172 : i32
    %add3A_174 = arith.constant 384 : i32
    %add3A_175 = arith.addi %add3A_173, %add3A_174 : i32
    %dma_wait3A_176 = tpu.memref_slice %arg3[%add3A_175] : memref<655360xi32, #tpu.memory_space<hbm>> -> memref<128xi32, #tpu.memory_space<hbm>>
    %dma_wait3A_177 = tpu.memref_slice %arg3[%add3A_175] : memref<655360xi32, #tpu.memory_space<hbm>> -> memref<128xi32, #tpu.memory_space<hbm>>
    tpu.wait_dma2 semaphore(%arg26 : memref<!tpu.dma_semaphore, #tpu.memory_space<semaphore_mem>>) src(%dma_wait3A_177 : memref<128xi32, #tpu.memory_space<hbm>>) dst(%arg10 : memref<128xi32, #tpu.memory_space<vmem>>)
    %mul3A_178 = arith.constant 20480 : i32
    %mul3A_179 = arith.muli %arg1, %mul3A_178 : i32
    %add3A_180 = arith.constant 384 : i32
    %add3A_181 = arith.addi %mul3A_179, %add3A_180 : i32
    %dma_wait3A_182 = tpu.memref_slice %arg4[%add3A_181] : memref<327680xi32, #tpu.memory_space<hbm>> -> memref<128xi32, #tpu.memory_space<hbm>>
    %dma_wait3A_183 = tpu.memref_slice %arg4[%add3A_181] : memref<327680xi32, #tpu.memory_space<hbm>> -> memref<128xi32, #tpu.memory_space<hbm>>
    tpu.wait_dma2 semaphore(%arg26 : memref<!tpu.dma_semaphore, #tpu.memory_space<semaphore_mem>>) src(%dma_wait3A_183 : memref<128xi32, #tpu.memory_space<hbm>>) dst(%arg15 : memref<128xi32, #tpu.memory_space<vmem>>)
    %dma_start3A_184 = arith.constant 0 : i32
    %dma_start3A_185 = arith.constant 0 : i32
    %dma_start3A_186 = tpu.memref_slice %arg2[%dma_start3A_184, %dma_start3A_185] : memref<20000x96xf32, #tpu.memory_space<hbm>> -> memref<20000x96xf32, #tpu.memory_space<hbm>>
    tpu.enqueue_indirect_dma source(%dma_start3A_186 : memref<20000x96xf32, #tpu.memory_space<hbm>>) target(%arg20 : memref<128x96xf32, #tpu.memory_space<vmem>>) offsets(%arg10 : memref<128xi32, #tpu.memory_space<vmem>>) semaphore(%arg31 : memref<!tpu.dma_semaphore, #tpu.memory_space<semaphore_mem>>)
    %dma_wait3A_187 = arith.constant 0 : i32
    %dma_wait3A_188 = arith.constant 0 : i32
    %dma_wait3A_189 = tpu.memref_slice %arg2[%dma_wait3A_187, %dma_wait3A_188] : memref<20000x96xf32, #tpu.memory_space<hbm>> -> memref<20000x96xf32, #tpu.memory_space<hbm>>
    tpu.wait_indirect_dma semaphore(%arg29 : memref<!tpu.dma_semaphore, #tpu.memory_space<semaphore_mem>>) src(%dma_wait3A_189 : memref<20000x96xf32, #tpu.memory_space<hbm>>) dst(%arg18 : memref<128x96xf32, #tpu.memory_space<vmem>>)
    %dma_start3A_190 = arith.constant 0 : i32
    %dma_start3A_191 = arith.constant 0 : i32
    %dma_start3A_192 = tpu.memref_slice %arg22[%dma_start3A_190, %dma_start3A_191] : memref<10240x96xf32, #tpu.memory_space<vmem_shared>> -> memref<10240x96xf32, #tpu.memory_space<vmem_shared>>
    tpu.enqueue_indirect_dma source(%arg18 : memref<128x96xf32, #tpu.memory_space<vmem>>) target(%dma_start3A_192 : memref<10240x96xf32, #tpu.memory_space<vmem_shared>>) offsets(%arg13 : memref<128xi32, #tpu.memory_space<vmem>>) semaphore(%arg34 : memref<!tpu.dma_semaphore, #tpu.memory_space<semaphore_mem>>) {add = true}
    %dma_wait3A_193 = arith.constant 0 : i32
    %dma_wait3A_194 = arith.constant 0 : i32
    %dma_wait3A_195 = tpu.memref_slice %arg22[%dma_wait3A_193, %dma_wait3A_194] : memref<10240x96xf32, #tpu.memory_space<vmem_shared>> -> memref<10240x96xf32, #tpu.memory_space<vmem_shared>>
    tpu.wait_indirect_dma semaphore(%arg34 : memref<!tpu.dma_semaphore, #tpu.memory_space<semaphore_mem>>) src(%arg18 : memref<128x96xf32, #tpu.memory_space<vmem>>) dst(%dma_wait3A_195 : memref<10240x96xf32, #tpu.memory_space<vmem_shared>>)
    %mul3A_196 = arith.constant 327680 : i32
    %mul3A_197 = arith.muli %arg0, %mul3A_196 : i32
    %mul3A_198 = arith.constant 20480 : i32
    %mul3A_199 = arith.muli %arg1, %mul3A_198 : i32
    %add3A_200 = arith.addi %mul3A_197, %mul3A_199 : i32
    %add3A_201 = arith.constant 768 : i32
    %add3A_202 = arith.addi %add3A_200, %add3A_201 : i32
    %dma_start3A_203 = tpu.memref_slice %arg3[%add3A_202] : memref<655360xi32, #tpu.memory_space<hbm>> -> memref<128xi32, #tpu.memory_space<hbm>>
    %dma_start3A_204 = tpu.memref_slice %arg3[%add3A_202] : memref<655360xi32, #tpu.memory_space<hbm>> -> memref<128xi32, #tpu.memory_space<hbm>>
    tpu.enqueue_dma source(%dma_start3A_204 : memref<128xi32, #tpu.memory_space<hbm>>) target(%arg8 : memref<128xi32, #tpu.memory_space<vmem>>) target_semaphore(%arg24 : memref<!tpu.dma_semaphore, #tpu.memory_space<semaphore_mem>>)
    %mul3A_205 = arith.constant 20480 : i32
    %mul3A_206 = arith.muli %arg1, %mul3A_205 : i32
    %add3A_207 = arith.constant 768 : i32
    %add3A_208 = arith.addi %mul3A_206, %add3A_207 : i32
    %dma_start3A_209 = tpu.memref_slice %arg4[%add3A_208] : memref<327680xi32, #tpu.memory_space<hbm>> -> memref<128xi32, #tpu.memory_space<hbm>>
    %dma_start3A_210 = tpu.memref_slice %arg4[%add3A_208] : memref<327680xi32, #tpu.memory_space<hbm>> -> memref<128xi32, #tpu.memory_space<hbm>>
    tpu.enqueue_dma source(%dma_start3A_210 : memref<128xi32, #tpu.memory_space<hbm>>) target(%arg13 : memref<128xi32, #tpu.memory_space<vmem>>) target_semaphore(%arg24 : memref<!tpu.dma_semaphore, #tpu.memory_space<semaphore_mem>>)
    %mul3A_211 = arith.constant 327680 : i32
    %mul3A_212 = arith.muli %arg0, %mul3A_211 : i32
    %mul3A_213 = arith.constant 20480 : i32
    %mul3A_214 = arith.muli %arg1, %mul3A_213 : i32
    %add3A_215 = arith.addi %mul3A_212, %mul3A_214 : i32
    %add3A_216 = arith.constant 512 : i32
    %add3A_217 = arith.addi %add3A_215, %add3A_216 : i32
    %dma_wait3A_218 = tpu.memref_slice %arg3[%add3A_217] : memref<655360xi32, #tpu.memory_space<hbm>> -> memref<128xi32, #tpu.memory_space<hbm>>
    %dma_wait3A_219 = tpu.memref_slice %arg3[%add3A_217] : memref<655360xi32, #tpu.memory_space<hbm>> -> memref<128xi32, #tpu.memory_space<hbm>>
    tpu.wait_dma2 semaphore(%arg27 : memref<!tpu.dma_semaphore, #tpu.memory_space<semaphore_mem>>) src(%dma_wait3A_219 : memref<128xi32, #tpu.memory_space<hbm>>) dst(%arg11 : memref<128xi32, #tpu.memory_space<vmem>>)
    %mul3A_220 = arith.constant 20480 : i32
    %mul3A_221 = arith.muli %arg1, %mul3A_220 : i32
    %add3A_222 = arith.constant 512 : i32
    %add3A_223 = arith.addi %mul3A_221, %add3A_222 : i32
    %dma_wait3A_224 = tpu.memref_slice %arg4[%add3A_223] : memref<327680xi32, #tpu.memory_space<hbm>> -> memref<128xi32, #tpu.memory_space<hbm>>
    %dma_wait3A_225 = tpu.memref_slice %arg4[%add3A_223] : memref<327680xi32, #tpu.memory_space<hbm>> -> memref<128xi32, #tpu.memory_space<hbm>>
    tpu.wait_dma2 semaphore(%arg27 : memref<!tpu.dma_semaphore, #tpu.memory_space<semaphore_mem>>) src(%dma_wait3A_225 : memref<128xi32, #tpu.memory_space<hbm>>) dst(%arg16 : memref<128xi32, #tpu.memory_space<vmem>>)
    %dma_start3A_226 = arith.constant 0 : i32
    %dma_start3A_227 = arith.constant 0 : i32
    %dma_start3A_228 = tpu.memref_slice %arg2[%dma_start3A_226, %dma_start3A_227] : memref<20000x96xf32, #tpu.memory_space<hbm>> -> memref<20000x96xf32, #tpu.memory_space<hbm>>
    tpu.enqueue_indirect_dma source(%dma_start3A_228 : memref<20000x96xf32, #tpu.memory_space<hbm>>) target(%arg21 : memref<128x96xf32, #tpu.memory_space<vmem>>) offsets(%arg11 : memref<128xi32, #tpu.memory_space<vmem>>) semaphore(%arg32 : memref<!tpu.dma_semaphore, #tpu.memory_space<semaphore_mem>>)
    %dma_wait3A_229 = arith.constant 0 : i32
    %dma_wait3A_230 = arith.constant 0 : i32
    %dma_wait3A_231 = tpu.memref_slice %arg2[%dma_wait3A_229, %dma_wait3A_230] : memref<20000x96xf32, #tpu.memory_space<hbm>> -> memref<20000x96xf32, #tpu.memory_space<hbm>>
    tpu.wait_indirect_dma semaphore(%arg30 : memref<!tpu.dma_semaphore, #tpu.memory_space<semaphore_mem>>) src(%dma_wait3A_231 : memref<20000x96xf32, #tpu.memory_space<hbm>>) dst(%arg19 : memref<128x96xf32, #tpu.memory_space<vmem>>)
    %dma_start3A_232 = arith.constant 0 : i32
    %dma_start3A_233 = arith.constant 0 : i32
    %dma_start3A_234 = tpu.memref_slice %arg22[%dma_start3A_232, %dma_start3A_233] : memref<10240x96xf32, #tpu.memory_space<vmem_shared>> -> memref<10240x96xf32, #tpu.memory_space<vmem_shared>>
    tpu.enqueue_indirect_dma source(%arg19 : memref<128x96xf32, #tpu.memory_space<vmem>>) target(%dma_start3A_234 : memref<10240x96xf32, #tpu.memory_space<vmem_shared>>) offsets(%arg14 : memref<128xi32, #tpu.memory_space<vmem>>) semaphore(%arg35 : memref<!tpu.dma_semaphore, #tpu.memory_space<semaphore_mem>>) {add = true}
    %scan3A = arith.constant 0 : i32
    %scan3A_235 = arith.constant 1 : i32
    %scan3A_236 = arith.constant 30 : i32
    %scan3A_237 = arith.addi %scan3A_235, %scan3A_236 : i32
    %scan3A_238 = arith.constant 1 : i32
    scf.for %scan3A_477 = %scan3A_235 to %scan3A_237 step %scan3A_238  : i32 {
      %mul3A_478 = arith.constant 5 : i32
      %mul3A_479 = arith.muli %scan3A_477, %mul3A_478 : i32
      %add3A_480 = arith.constant 0 : i32
      %add3A_481 = arith.addi %mul3A_479, %add3A_480 : i32
      %dma_wait3A_482 = arith.constant 0 : i32
      %dma_wait3A_483 = arith.constant 0 : i32
      %dma_wait3A_484 = tpu.memref_slice %arg22[%dma_wait3A_482, %dma_wait3A_483] : memref<10240x96xf32, #tpu.memory_space<vmem_shared>> -> memref<10240x96xf32, #tpu.memory_space<vmem_shared>>
      tpu.wait_indirect_dma semaphore(%arg35 : memref<!tpu.dma_semaphore, #tpu.memory_space<semaphore_mem>>) src(%arg19 : memref<128x96xf32, #tpu.memory_space<vmem>>) dst(%dma_wait3A_484 : memref<10240x96xf32, #tpu.memory_space<vmem_shared>>)
      %add3A_485 = arith.constant 2 : i32
      %add3A_486 = arith.addi %add3A_481, %add3A_485 : i32
      %mul3A_487 = arith.constant 327680 : i32
      %mul3A_488 = arith.muli %arg0, %mul3A_487 : i32
      %mul3A_489 = arith.constant 20480 : i32
      %mul3A_490 = arith.muli %arg1, %mul3A_489 : i32
      %add3A_491 = arith.addi %mul3A_488, %mul3A_490 : i32
      %mul3A_492 = arith.constant 128 : i32
      %mul3A_493 = arith.muli %add3A_486, %mul3A_492 : i32
      %add3A_494 = arith.addi %add3A_491, %mul3A_493 : i32
      %dma_start3A_495 = tpu.memref_slice %arg3[%add3A_494] : memref<655360xi32, #tpu.memory_space<hbm>> -> memref<128xi32, #tpu.memory_space<hbm>>
      %dma_start3A_496 = tpu.memref_slice %arg3[%add3A_494] : memref<655360xi32, #tpu.memory_space<hbm>> -> memref<128xi32, #tpu.memory_space<hbm>>
      tpu.enqueue_dma source(%dma_start3A_496 : memref<128xi32, #tpu.memory_space<hbm>>) target(%arg9 : memref<128xi32, #tpu.memory_space<vmem>>) target_semaphore(%arg25 : memref<!tpu.dma_semaphore, #tpu.memory_space<semaphore_mem>>)
      %mul3A_497 = arith.constant 20480 : i32
      %mul3A_498 = arith.muli %arg1, %mul3A_497 : i32
      %mul3A_499 = arith.constant 128 : i32
      %mul3A_500 = arith.muli %add3A_486, %mul3A_499 : i32
      %add3A_501 = arith.addi %mul3A_498, %mul3A_500 : i32
      %dma_start3A_502 = tpu.memref_slice %arg4[%add3A_501] : memref<327680xi32, #tpu.memory_space<hbm>> -> memref<128xi32, #tpu.memory_space<hbm>>
      %dma_start3A_503 = tpu.memref_slice %arg4[%add3A_501] : memref<327680xi32, #tpu.memory_space<hbm>> -> memref<128xi32, #tpu.memory_space<hbm>>
      tpu.enqueue_dma source(%dma_start3A_503 : memref<128xi32, #tpu.memory_space<hbm>>) target(%arg14 : memref<128xi32, #tpu.memory_space<vmem>>) target_semaphore(%arg25 : memref<!tpu.dma_semaphore, #tpu.memory_space<semaphore_mem>>)
      %mul3A_504 = arith.constant 327680 : i32
      %mul3A_505 = arith.muli %arg0, %mul3A_504 : i32
      %mul3A_506 = arith.constant 20480 : i32
      %mul3A_507 = arith.muli %arg1, %mul3A_506 : i32
      %add3A_508 = arith.addi %mul3A_505, %mul3A_507 : i32
      %mul3A_509 = arith.constant 128 : i32
      %mul3A_510 = arith.muli %add3A_481, %mul3A_509 : i32
      %add3A_511 = arith.addi %add3A_508, %mul3A_510 : i32
      %dma_wait3A_512 = tpu.memref_slice %arg3[%add3A_511] : memref<655360xi32, #tpu.memory_space<hbm>> -> memref<128xi32, #tpu.memory_space<hbm>>
      %dma_wait3A_513 = tpu.memref_slice %arg3[%add3A_511] : memref<655360xi32, #tpu.memory_space<hbm>> -> memref<128xi32, #tpu.memory_space<hbm>>
      tpu.wait_dma2 semaphore(%arg23 : memref<!tpu.dma_semaphore, #tpu.memory_space<semaphore_mem>>) src(%dma_wait3A_513 : memref<128xi32, #tpu.memory_space<hbm>>) dst(%arg7 : memref<128xi32, #tpu.memory_space<vmem>>)
      %mul3A_514 = arith.constant 20480 : i32
      %mul3A_515 = arith.muli %arg1, %mul3A_514 : i32
      %mul3A_516 = arith.constant 128 : i32
      %mul3A_517 = arith.muli %add3A_481, %mul3A_516 : i32
      %add3A_518 = arith.addi %mul3A_515, %mul3A_517 : i32
      %dma_wait3A_519 = tpu.memref_slice %arg4[%add3A_518] : memref<327680xi32, #tpu.memory_space<hbm>> -> memref<128xi32, #tpu.memory_space<hbm>>
      %dma_wait3A_520 = tpu.memref_slice %arg4[%add3A_518] : memref<327680xi32, #tpu.memory_space<hbm>> -> memref<128xi32, #tpu.memory_space<hbm>>
      tpu.wait_dma2 semaphore(%arg23 : memref<!tpu.dma_semaphore, #tpu.memory_space<semaphore_mem>>) src(%dma_wait3A_520 : memref<128xi32, #tpu.memory_space<hbm>>) dst(%arg12 : memref<128xi32, #tpu.memory_space<vmem>>)
      %dma_start3A_521 = arith.constant 0 : i32
      %dma_start3A_522 = arith.constant 0 : i32
      %dma_start3A_523 = tpu.memref_slice %arg2[%dma_start3A_521, %dma_start3A_522] : memref<20000x96xf32, #tpu.memory_space<hbm>> -> memref<20000x96xf32, #tpu.memory_space<hbm>>
      tpu.enqueue_indirect_dma source(%dma_start3A_523 : memref<20000x96xf32, #tpu.memory_space<hbm>>) target(%arg17 : memref<128x96xf32, #tpu.memory_space<vmem>>) offsets(%arg7 : memref<128xi32, #tpu.memory_space<vmem>>) semaphore(%arg28 : memref<!tpu.dma_semaphore, #tpu.memory_space<semaphore_mem>>)
      %dma_wait3A_524 = arith.constant 0 : i32
      %dma_wait3A_525 = arith.constant 0 : i32
      %dma_wait3A_526 = tpu.memref_slice %arg2[%dma_wait3A_524, %dma_wait3A_525] : memref<20000x96xf32, #tpu.memory_space<hbm>> -> memref<20000x96xf32, #tpu.memory_space<hbm>>
      tpu.wait_indirect_dma semaphore(%arg31 : memref<!tpu.dma_semaphore, #tpu.memory_space<semaphore_mem>>) src(%dma_wait3A_526 : memref<20000x96xf32, #tpu.memory_space<hbm>>) dst(%arg20 : memref<128x96xf32, #tpu.memory_space<vmem>>)
      %dma_start3A_527 = arith.constant 0 : i32
      %dma_start3A_528 = arith.constant 0 : i32
      %dma_start3A_529 = tpu.memref_slice %arg22[%dma_start3A_527, %dma_start3A_528] : memref<10240x96xf32, #tpu.memory_space<vmem_shared>> -> memref<10240x96xf32, #tpu.memory_space<vmem_shared>>
      tpu.enqueue_indirect_dma source(%arg20 : memref<128x96xf32, #tpu.memory_space<vmem>>) target(%dma_start3A_529 : memref<10240x96xf32, #tpu.memory_space<vmem_shared>>) offsets(%arg15 : memref<128xi32, #tpu.memory_space<vmem>>) semaphore(%arg36 : memref<!tpu.dma_semaphore, #tpu.memory_space<semaphore_mem>>) {add = true}
      %mul3A_530 = arith.constant 5 : i32
      %mul3A_531 = arith.muli %scan3A_477, %mul3A_530 : i32
      %add3A_532 = arith.constant 1 : i32
      %add3A_533 = arith.addi %mul3A_531, %add3A_532 : i32
      %dma_wait3A_534 = arith.constant 0 : i32
      %dma_wait3A_535 = arith.constant 0 : i32
      %dma_wait3A_536 = tpu.memref_slice %arg22[%dma_wait3A_534, %dma_wait3A_535] : memref<10240x96xf32, #tpu.memory_space<vmem_shared>> -> memref<10240x96xf32, #tpu.memory_space<vmem_shared>>
      tpu.wait_indirect_dma semaphore(%arg36 : memref<!tpu.dma_semaphore, #tpu.memory_space<semaphore_mem>>) src(%arg20 : memref<128x96xf32, #tpu.memory_space<vmem>>) dst(%dma_wait3A_536 : memref<10240x96xf32, #tpu.memory_space<vmem_shared>>)
      %add3A_537 = arith.constant 2 : i32
      %add3A_538 = arith.addi %add3A_533, %add3A_537 : i32
      %mul3A_539 = arith.constant 327680 : i32
      %mul3A_540 = arith.muli %arg0, %mul3A_539 : i32
      %mul3A_541 = arith.constant 20480 : i32
      %mul3A_542 = arith.muli %arg1, %mul3A_541 : i32
      %add3A_543 = arith.addi %mul3A_540, %mul3A_542 : i32
      %mul3A_544 = arith.constant 128 : i32
      %mul3A_545 = arith.muli %add3A_538, %mul3A_544 : i32
      %add3A_546 = arith.addi %add3A_543, %mul3A_545 : i32
      %dma_start3A_547 = tpu.memref_slice %arg3[%add3A_546] : memref<655360xi32, #tpu.memory_space<hbm>> -> memref<128xi32, #tpu.memory_space<hbm>>
      %dma_start3A_548 = tpu.memref_slice %arg3[%add3A_546] : memref<655360xi32, #tpu.memory_space<hbm>> -> memref<128xi32, #tpu.memory_space<hbm>>
      tpu.enqueue_dma source(%dma_start3A_548 : memref<128xi32, #tpu.memory_space<hbm>>) target(%arg10 : memref<128xi32, #tpu.memory_space<vmem>>) target_semaphore(%arg26 : memref<!tpu.dma_semaphore, #tpu.memory_space<semaphore_mem>>)
      %mul3A_549 = arith.constant 20480 : i32
      %mul3A_550 = arith.muli %arg1, %mul3A_549 : i32
      %mul3A_551 = arith.constant 128 : i32
      %mul3A_552 = arith.muli %add3A_538, %mul3A_551 : i32
      %add3A_553 = arith.addi %mul3A_550, %mul3A_552 : i32
      %dma_start3A_554 = tpu.memref_slice %arg4[%add3A_553] : memref<327680xi32, #tpu.memory_space<hbm>> -> memref<128xi32, #tpu.memory_space<hbm>>
      %dma_start3A_555 = tpu.memref_slice %arg4[%add3A_553] : memref<327680xi32, #tpu.memory_space<hbm>> -> memref<128xi32, #tpu.memory_space<hbm>>
      tpu.enqueue_dma source(%dma_start3A_555 : memref<128xi32, #tpu.memory_space<hbm>>) target(%arg15 : memref<128xi32, #tpu.memory_space<vmem>>) target_semaphore(%arg26 : memref<!tpu.dma_semaphore, #tpu.memory_space<semaphore_mem>>)
      %mul3A_556 = arith.constant 327680 : i32
      %mul3A_557 = arith.muli %arg0, %mul3A_556 : i32
      %mul3A_558 = arith.constant 20480 : i32
      %mul3A_559 = arith.muli %arg1, %mul3A_558 : i32
      %add3A_560 = arith.addi %mul3A_557, %mul3A_559 : i32
      %mul3A_561 = arith.constant 128 : i32
      %mul3A_562 = arith.muli %add3A_533, %mul3A_561 : i32
      %add3A_563 = arith.addi %add3A_560, %mul3A_562 : i32
      %dma_wait3A_564 = tpu.memref_slice %arg3[%add3A_563] : memref<655360xi32, #tpu.memory_space<hbm>> -> memref<128xi32, #tpu.memory_space<hbm>>
      %dma_wait3A_565 = tpu.memref_slice %arg3[%add3A_563] : memref<655360xi32, #tpu.memory_space<hbm>> -> memref<128xi32, #tpu.memory_space<hbm>>
      tpu.wait_dma2 semaphore(%arg24 : memref<!tpu.dma_semaphore, #tpu.memory_space<semaphore_mem>>) src(%dma_wait3A_565 : memref<128xi32, #tpu.memory_space<hbm>>) dst(%arg8 : memref<128xi32, #tpu.memory_space<vmem>>)
      %mul3A_566 = arith.constant 20480 : i32
      %mul3A_567 = arith.muli %arg1, %mul3A_566 : i32
      %mul3A_568 = arith.constant 128 : i32
      %mul3A_569 = arith.muli %add3A_533, %mul3A_568 : i32
      %add3A_570 = arith.addi %mul3A_567, %mul3A_569 : i32
      %dma_wait3A_571 = tpu.memref_slice %arg4[%add3A_570] : memref<327680xi32, #tpu.memory_space<hbm>> -> memref<128xi32, #tpu.memory_space<hbm>>
      %dma_wait3A_572 = tpu.memref_slice %arg4[%add3A_570] : memref<327680xi32, #tpu.memory_space<hbm>> -> memref<128xi32, #tpu.memory_space<hbm>>
      tpu.wait_dma2 semaphore(%arg24 : memref<!tpu.dma_semaphore, #tpu.memory_space<semaphore_mem>>) src(%dma_wait3A_572 : memref<128xi32, #tpu.memory_space<hbm>>) dst(%arg13 : memref<128xi32, #tpu.memory_space<vmem>>)
      %dma_start3A_573 = arith.constant 0 : i32
      %dma_start3A_574 = arith.constant 0 : i32
      %dma_start3A_575 = tpu.memref_slice %arg2[%dma_start3A_573, %dma_start3A_574] : memref<20000x96xf32, #tpu.memory_space<hbm>> -> memref<20000x96xf32, #tpu.memory_space<hbm>>
      tpu.enqueue_indirect_dma source(%dma_start3A_575 : memref<20000x96xf32, #tpu.memory_space<hbm>>) target(%arg18 : memref<128x96xf32, #tpu.memory_space<vmem>>) offsets(%arg8 : memref<128xi32, #tpu.memory_space<vmem>>) semaphore(%arg29 : memref<!tpu.dma_semaphore, #tpu.memory_space<semaphore_mem>>)
      %dma_wait3A_576 = arith.constant 0 : i32
      %dma_wait3A_577 = arith.constant 0 : i32
      %dma_wait3A_578 = tpu.memref_slice %arg2[%dma_wait3A_576, %dma_wait3A_577] : memref<20000x96xf32, #tpu.memory_space<hbm>> -> memref<20000x96xf32, #tpu.memory_space<hbm>>
      tpu.wait_indirect_dma semaphore(%arg32 : memref<!tpu.dma_semaphore, #tpu.memory_space<semaphore_mem>>) src(%dma_wait3A_578 : memref<20000x96xf32, #tpu.memory_space<hbm>>) dst(%arg21 : memref<128x96xf32, #tpu.memory_space<vmem>>)
      %dma_start3A_579 = arith.constant 0 : i32
      %dma_start3A_580 = arith.constant 0 : i32
      %dma_start3A_581 = tpu.memref_slice %arg22[%dma_start3A_579, %dma_start3A_580] : memref<10240x96xf32, #tpu.memory_space<vmem_shared>> -> memref<10240x96xf32, #tpu.memory_space<vmem_shared>>
      tpu.enqueue_indirect_dma source(%arg21 : memref<128x96xf32, #tpu.memory_space<vmem>>) target(%dma_start3A_581 : memref<10240x96xf32, #tpu.memory_space<vmem_shared>>) offsets(%arg16 : memref<128xi32, #tpu.memory_space<vmem>>) semaphore(%arg37 : memref<!tpu.dma_semaphore, #tpu.memory_space<semaphore_mem>>) {add = true}
      %mul3A_582 = arith.constant 5 : i32
      %mul3A_583 = arith.muli %scan3A_477, %mul3A_582 : i32
      %add3A_584 = arith.constant 2 : i32
      %add3A_585 = arith.addi %mul3A_583, %add3A_584 : i32
      %dma_wait3A_586 = arith.constant 0 : i32
      %dma_wait3A_587 = arith.constant 0 : i32
      %dma_wait3A_588 = tpu.memref_slice %arg22[%dma_wait3A_586, %dma_wait3A_587] : memref<10240x96xf32, #tpu.memory_space<vmem_shared>> -> memref<10240x96xf32, #tpu.memory_space<vmem_shared>>
      tpu.wait_indirect_dma semaphore(%arg37 : memref<!tpu.dma_semaphore, #tpu.memory_space<semaphore_mem>>) src(%arg21 : memref<128x96xf32, #tpu.memory_space<vmem>>) dst(%dma_wait3A_588 : memref<10240x96xf32, #tpu.memory_space<vmem_shared>>)
      %add3A_589 = arith.constant 2 : i32
      %add3A_590 = arith.addi %add3A_585, %add3A_589 : i32
      %mul3A_591 = arith.constant 327680 : i32
      %mul3A_592 = arith.muli %arg0, %mul3A_591 : i32
      %mul3A_593 = arith.constant 20480 : i32
      %mul3A_594 = arith.muli %arg1, %mul3A_593 : i32
      %add3A_595 = arith.addi %mul3A_592, %mul3A_594 : i32
      %mul3A_596 = arith.constant 128 : i32
      %mul3A_597 = arith.muli %add3A_590, %mul3A_596 : i32
      %add3A_598 = arith.addi %add3A_595, %mul3A_597 : i32
      %dma_start3A_599 = tpu.memref_slice %arg3[%add3A_598] : memref<655360xi32, #tpu.memory_space<hbm>> -> memref<128xi32, #tpu.memory_space<hbm>>
      %dma_start3A_600 = tpu.memref_slice %arg3[%add3A_598] : memref<655360xi32, #tpu.memory_space<hbm>> -> memref<128xi32, #tpu.memory_space<hbm>>
      tpu.enqueue_dma source(%dma_start3A_600 : memref<128xi32, #tpu.memory_space<hbm>>) target(%arg11 : memref<128xi32, #tpu.memory_space<vmem>>) target_semaphore(%arg27 : memref<!tpu.dma_semaphore, #tpu.memory_space<semaphore_mem>>)
      %mul3A_601 = arith.constant 20480 : i32
      %mul3A_602 = arith.muli %arg1, %mul3A_601 : i32
      %mul3A_603 = arith.constant 128 : i32
      %mul3A_604 = arith.muli %add3A_590, %mul3A_603 : i32
      %add3A_605 = arith.addi %mul3A_602, %mul3A_604 : i32
      %dma_start3A_606 = tpu.memref_slice %arg4[%add3A_605] : memref<327680xi32, #tpu.memory_space<hbm>> -> memref<128xi32, #tpu.memory_space<hbm>>
      %dma_start3A_607 = tpu.memref_slice %arg4[%add3A_605] : memref<327680xi32, #tpu.memory_space<hbm>> -> memref<128xi32, #tpu.memory_space<hbm>>
      tpu.enqueue_dma source(%dma_start3A_607 : memref<128xi32, #tpu.memory_space<hbm>>) target(%arg16 : memref<128xi32, #tpu.memory_space<vmem>>) target_semaphore(%arg27 : memref<!tpu.dma_semaphore, #tpu.memory_space<semaphore_mem>>)
      %mul3A_608 = arith.constant 327680 : i32
      %mul3A_609 = arith.muli %arg0, %mul3A_608 : i32
      %mul3A_610 = arith.constant 20480 : i32
      %mul3A_611 = arith.muli %arg1, %mul3A_610 : i32
      %add3A_612 = arith.addi %mul3A_609, %mul3A_611 : i32
      %mul3A_613 = arith.constant 128 : i32
      %mul3A_614 = arith.muli %add3A_585, %mul3A_613 : i32
      %add3A_615 = arith.addi %add3A_612, %mul3A_614 : i32
      %dma_wait3A_616 = tpu.memref_slice %arg3[%add3A_615] : memref<655360xi32, #tpu.memory_space<hbm>> -> memref<128xi32, #tpu.memory_space<hbm>>
      %dma_wait3A_617 = tpu.memref_slice %arg3[%add3A_615] : memref<655360xi32, #tpu.memory_space<hbm>> -> memref<128xi32, #tpu.memory_space<hbm>>
      tpu.wait_dma2 semaphore(%arg25 : memref<!tpu.dma_semaphore, #tpu.memory_space<semaphore_mem>>) src(%dma_wait3A_617 : memref<128xi32, #tpu.memory_space<hbm>>) dst(%arg9 : memref<128xi32, #tpu.memory_space<vmem>>)
      %mul3A_618 = arith.constant 20480 : i32
      %mul3A_619 = arith.muli %arg1, %mul3A_618 : i32
      %mul3A_620 = arith.constant 128 : i32
      %mul3A_621 = arith.muli %add3A_585, %mul3A_620 : i32
      %add3A_622 = arith.addi %mul3A_619, %mul3A_621 : i32
      %dma_wait3A_623 = tpu.memref_slice %arg4[%add3A_622] : memref<327680xi32, #tpu.memory_space<hbm>> -> memref<128xi32, #tpu.memory_space<hbm>>
      %dma_wait3A_624 = tpu.memref_slice %arg4[%add3A_622] : memref<327680xi32, #tpu.memory_space<hbm>> -> memref<128xi32, #tpu.memory_space<hbm>>
      tpu.wait_dma2 semaphore(%arg25 : memref<!tpu.dma_semaphore, #tpu.memory_space<semaphore_mem>>) src(%dma_wait3A_624 : memref<128xi32, #tpu.memory_space<hbm>>) dst(%arg14 : memref<128xi32, #tpu.memory_space<vmem>>)
      %dma_start3A_625 = arith.constant 0 : i32
      %dma_start3A_626 = arith.constant 0 : i32
      %dma_start3A_627 = tpu.memref_slice %arg2[%dma_start3A_625, %dma_start3A_626] : memref<20000x96xf32, #tpu.memory_space<hbm>> -> memref<20000x96xf32, #tpu.memory_space<hbm>>
      tpu.enqueue_indirect_dma source(%dma_start3A_627 : memref<20000x96xf32, #tpu.memory_space<hbm>>) target(%arg19 : memref<128x96xf32, #tpu.memory_space<vmem>>) offsets(%arg9 : memref<128xi32, #tpu.memory_space<vmem>>) semaphore(%arg30 : memref<!tpu.dma_semaphore, #tpu.memory_space<semaphore_mem>>)
      %dma_wait3A_628 = arith.constant 0 : i32
      %dma_wait3A_629 = arith.constant 0 : i32
      %dma_wait3A_630 = tpu.memref_slice %arg2[%dma_wait3A_628, %dma_wait3A_629] : memref<20000x96xf32, #tpu.memory_space<hbm>> -> memref<20000x96xf32, #tpu.memory_space<hbm>>
      tpu.wait_indirect_dma semaphore(%arg28 : memref<!tpu.dma_semaphore, #tpu.memory_space<semaphore_mem>>) src(%dma_wait3A_630 : memref<20000x96xf32, #tpu.memory_space<hbm>>) dst(%arg17 : memref<128x96xf32, #tpu.memory_space<vmem>>)
      %dma_start3A_631 = arith.constant 0 : i32
      %dma_start3A_632 = arith.constant 0 : i32
      %dma_start3A_633 = tpu.memref_slice %arg22[%dma_start3A_631, %dma_start3A_632] : memref<10240x96xf32, #tpu.memory_space<vmem_shared>> -> memref<10240x96xf32, #tpu.memory_space<vmem_shared>>
      tpu.enqueue_indirect_dma source(%arg17 : memref<128x96xf32, #tpu.memory_space<vmem>>) target(%dma_start3A_633 : memref<10240x96xf32, #tpu.memory_space<vmem_shared>>) offsets(%arg12 : memref<128xi32, #tpu.memory_space<vmem>>) semaphore(%arg33 : memref<!tpu.dma_semaphore, #tpu.memory_space<semaphore_mem>>) {add = true}
      %mul3A_634 = arith.constant 5 : i32
      %mul3A_635 = arith.muli %scan3A_477, %mul3A_634 : i32
      %add3A_636 = arith.constant 3 : i32
      %add3A_637 = arith.addi %mul3A_635, %add3A_636 : i32
      %dma_wait3A_638 = arith.constant 0 : i32
      %dma_wait3A_639 = arith.constant 0 : i32
      %dma_wait3A_640 = tpu.memref_slice %arg22[%dma_wait3A_638, %dma_wait3A_639] : memref<10240x96xf32, #tpu.memory_space<vmem_shared>> -> memref<10240x96xf32, #tpu.memory_space<vmem_shared>>
      tpu.wait_indirect_dma semaphore(%arg33 : memref<!tpu.dma_semaphore, #tpu.memory_space<semaphore_mem>>) src(%arg17 : memref<128x96xf32, #tpu.memory_space<vmem>>) dst(%dma_wait3A_640 : memref<10240x96xf32, #tpu.memory_space<vmem_shared>>)
      %add3A_641 = arith.constant 2 : i32
      %add3A_642 = arith.addi %add3A_637, %add3A_641 : i32
      %mul3A_643 = arith.constant 327680 : i32
      %mul3A_644 = arith.muli %arg0, %mul3A_643 : i32
      %mul3A_645 = arith.constant 20480 : i32
      %mul3A_646 = arith.muli %arg1, %mul3A_645 : i32
      %add3A_647 = arith.addi %mul3A_644, %mul3A_646 : i32
      %mul3A_648 = arith.constant 128 : i32
      %mul3A_649 = arith.muli %add3A_642, %mul3A_648 : i32
      %add3A_650 = arith.addi %add3A_647, %mul3A_649 : i32
      %dma_start3A_651 = tpu.memref_slice %arg3[%add3A_650] : memref<655360xi32, #tpu.memory_space<hbm>> -> memref<128xi32, #tpu.memory_space<hbm>>
      %dma_start3A_652 = tpu.memref_slice %arg3[%add3A_650] : memref<655360xi32, #tpu.memory_space<hbm>> -> memref<128xi32, #tpu.memory_space<hbm>>
      tpu.enqueue_dma source(%dma_start3A_652 : memref<128xi32, #tpu.memory_space<hbm>>) target(%arg7 : memref<128xi32, #tpu.memory_space<vmem>>) target_semaphore(%arg23 : memref<!tpu.dma_semaphore, #tpu.memory_space<semaphore_mem>>)
      %mul3A_653 = arith.constant 20480 : i32
      %mul3A_654 = arith.muli %arg1, %mul3A_653 : i32
      %mul3A_655 = arith.constant 128 : i32
      %mul3A_656 = arith.muli %add3A_642, %mul3A_655 : i32
      %add3A_657 = arith.addi %mul3A_654, %mul3A_656 : i32
      %dma_start3A_658 = tpu.memref_slice %arg4[%add3A_657] : memref<327680xi32, #tpu.memory_space<hbm>> -> memref<128xi32, #tpu.memory_space<hbm>>
      %dma_start3A_659 = tpu.memref_slice %arg4[%add3A_657] : memref<327680xi32, #tpu.memory_space<hbm>> -> memref<128xi32, #tpu.memory_space<hbm>>
      tpu.enqueue_dma source(%dma_start3A_659 : memref<128xi32, #tpu.memory_space<hbm>>) target(%arg12 : memref<128xi32, #tpu.memory_space<vmem>>) target_semaphore(%arg23 : memref<!tpu.dma_semaphore, #tpu.memory_space<semaphore_mem>>)
      %mul3A_660 = arith.constant 327680 : i32
      %mul3A_661 = arith.muli %arg0, %mul3A_660 : i32
      %mul3A_662 = arith.constant 20480 : i32
      %mul3A_663 = arith.muli %arg1, %mul3A_662 : i32
      %add3A_664 = arith.addi %mul3A_661, %mul3A_663 : i32
      %mul3A_665 = arith.constant 128 : i32
      %mul3A_666 = arith.muli %add3A_637, %mul3A_665 : i32
      %add3A_667 = arith.addi %add3A_664, %mul3A_666 : i32
      %dma_wait3A_668 = tpu.memref_slice %arg3[%add3A_667] : memref<655360xi32, #tpu.memory_space<hbm>> -> memref<128xi32, #tpu.memory_space<hbm>>
      %dma_wait3A_669 = tpu.memref_slice %arg3[%add3A_667] : memref<655360xi32, #tpu.memory_space<hbm>> -> memref<128xi32, #tpu.memory_space<hbm>>
      tpu.wait_dma2 semaphore(%arg26 : memref<!tpu.dma_semaphore, #tpu.memory_space<semaphore_mem>>) src(%dma_wait3A_669 : memref<128xi32, #tpu.memory_space<hbm>>) dst(%arg10 : memref<128xi32, #tpu.memory_space<vmem>>)
      %mul3A_670 = arith.constant 20480 : i32
      %mul3A_671 = arith.muli %arg1, %mul3A_670 : i32
      %mul3A_672 = arith.constant 128 : i32
      %mul3A_673 = arith.muli %add3A_637, %mul3A_672 : i32
      %add3A_674 = arith.addi %mul3A_671, %mul3A_673 : i32
      %dma_wait3A_675 = tpu.memref_slice %arg4[%add3A_674] : memref<327680xi32, #tpu.memory_space<hbm>> -> memref<128xi32, #tpu.memory_space<hbm>>
      %dma_wait3A_676 = tpu.memref_slice %arg4[%add3A_674] : memref<327680xi32, #tpu.memory_space<hbm>> -> memref<128xi32, #tpu.memory_space<hbm>>
      tpu.wait_dma2 semaphore(%arg26 : memref<!tpu.dma_semaphore, #tpu.memory_space<semaphore_mem>>) src(%dma_wait3A_676 : memref<128xi32, #tpu.memory_space<hbm>>) dst(%arg15 : memref<128xi32, #tpu.memory_space<vmem>>)
      %dma_start3A_677 = arith.constant 0 : i32
      %dma_start3A_678 = arith.constant 0 : i32
      %dma_start3A_679 = tpu.memref_slice %arg2[%dma_start3A_677, %dma_start3A_678] : memref<20000x96xf32, #tpu.memory_space<hbm>> -> memref<20000x96xf32, #tpu.memory_space<hbm>>
      tpu.enqueue_indirect_dma source(%dma_start3A_679 : memref<20000x96xf32, #tpu.memory_space<hbm>>) target(%arg20 : memref<128x96xf32, #tpu.memory_space<vmem>>) offsets(%arg10 : memref<128xi32, #tpu.memory_space<vmem>>) semaphore(%arg31 : memref<!tpu.dma_semaphore, #tpu.memory_space<semaphore_mem>>)
      %dma_wait3A_680 = arith.constant 0 : i32
      %dma_wait3A_681 = arith.constant 0 : i32
      %dma_wait3A_682 = tpu.memref_slice %arg2[%dma_wait3A_680, %dma_wait3A_681] : memref<20000x96xf32, #tpu.memory_space<hbm>> -> memref<20000x96xf32, #tpu.memory_space<hbm>>
      tpu.wait_indirect_dma semaphore(%arg29 : memref<!tpu.dma_semaphore, #tpu.memory_space<semaphore_mem>>) src(%dma_wait3A_682 : memref<20000x96xf32, #tpu.memory_space<hbm>>) dst(%arg18 : memref<128x96xf32, #tpu.memory_space<vmem>>)
      %dma_start3A_683 = arith.constant 0 : i32
      %dma_start3A_684 = arith.constant 0 : i32
      %dma_start3A_685 = tpu.memref_slice %arg22[%dma_start3A_683, %dma_start3A_684] : memref<10240x96xf32, #tpu.memory_space<vmem_shared>> -> memref<10240x96xf32, #tpu.memory_space<vmem_shared>>
      tpu.enqueue_indirect_dma source(%arg18 : memref<128x96xf32, #tpu.memory_space<vmem>>) target(%dma_start3A_685 : memref<10240x96xf32, #tpu.memory_space<vmem_shared>>) offsets(%arg13 : memref<128xi32, #tpu.memory_space<vmem>>) semaphore(%arg34 : memref<!tpu.dma_semaphore, #tpu.memory_space<semaphore_mem>>) {add = true}
      %mul3A_686 = arith.constant 5 : i32
      %mul3A_687 = arith.muli %scan3A_477, %mul3A_686 : i32
      %add3A_688 = arith.constant 4 : i32
      %add3A_689 = arith.addi %mul3A_687, %add3A_688 : i32
      %dma_wait3A_690 = arith.constant 0 : i32
      %dma_wait3A_691 = arith.constant 0 : i32
      %dma_wait3A_692 = tpu.memref_slice %arg22[%dma_wait3A_690, %dma_wait3A_691] : memref<10240x96xf32, #tpu.memory_space<vmem_shared>> -> memref<10240x96xf32, #tpu.memory_space<vmem_shared>>
      tpu.wait_indirect_dma semaphore(%arg34 : memref<!tpu.dma_semaphore, #tpu.memory_space<semaphore_mem>>) src(%arg18 : memref<128x96xf32, #tpu.memory_space<vmem>>) dst(%dma_wait3A_692 : memref<10240x96xf32, #tpu.memory_space<vmem_shared>>)
      %add3A_693 = arith.constant 2 : i32
      %add3A_694 = arith.addi %add3A_689, %add3A_693 : i32
      %mul3A_695 = arith.constant 327680 : i32
      %mul3A_696 = arith.muli %arg0, %mul3A_695 : i32
      %mul3A_697 = arith.constant 20480 : i32
      %mul3A_698 = arith.muli %arg1, %mul3A_697 : i32
      %add3A_699 = arith.addi %mul3A_696, %mul3A_698 : i32
      %mul3A_700 = arith.constant 128 : i32
      %mul3A_701 = arith.muli %add3A_694, %mul3A_700 : i32
      %add3A_702 = arith.addi %add3A_699, %mul3A_701 : i32
      %dma_start3A_703 = tpu.memref_slice %arg3[%add3A_702] : memref<655360xi32, #tpu.memory_space<hbm>> -> memref<128xi32, #tpu.memory_space<hbm>>
      %dma_start3A_704 = tpu.memref_slice %arg3[%add3A_702] : memref<655360xi32, #tpu.memory_space<hbm>> -> memref<128xi32, #tpu.memory_space<hbm>>
      tpu.enqueue_dma source(%dma_start3A_704 : memref<128xi32, #tpu.memory_space<hbm>>) target(%arg8 : memref<128xi32, #tpu.memory_space<vmem>>) target_semaphore(%arg24 : memref<!tpu.dma_semaphore, #tpu.memory_space<semaphore_mem>>)
      %mul3A_705 = arith.constant 20480 : i32
      %mul3A_706 = arith.muli %arg1, %mul3A_705 : i32
      %mul3A_707 = arith.constant 128 : i32
      %mul3A_708 = arith.muli %add3A_694, %mul3A_707 : i32
      %add3A_709 = arith.addi %mul3A_706, %mul3A_708 : i32
      %dma_start3A_710 = tpu.memref_slice %arg4[%add3A_709] : memref<327680xi32, #tpu.memory_space<hbm>> -> memref<128xi32, #tpu.memory_space<hbm>>
      %dma_start3A_711 = tpu.memref_slice %arg4[%add3A_709] : memref<327680xi32, #tpu.memory_space<hbm>> -> memref<128xi32, #tpu.memory_space<hbm>>
      tpu.enqueue_dma source(%dma_start3A_711 : memref<128xi32, #tpu.memory_space<hbm>>) target(%arg13 : memref<128xi32, #tpu.memory_space<vmem>>) target_semaphore(%arg24 : memref<!tpu.dma_semaphore, #tpu.memory_space<semaphore_mem>>)
      %mul3A_712 = arith.constant 327680 : i32
      %mul3A_713 = arith.muli %arg0, %mul3A_712 : i32
      %mul3A_714 = arith.constant 20480 : i32
      %mul3A_715 = arith.muli %arg1, %mul3A_714 : i32
      %add3A_716 = arith.addi %mul3A_713, %mul3A_715 : i32
      %mul3A_717 = arith.constant 128 : i32
      %mul3A_718 = arith.muli %add3A_689, %mul3A_717 : i32
      %add3A_719 = arith.addi %add3A_716, %mul3A_718 : i32
      %dma_wait3A_720 = tpu.memref_slice %arg3[%add3A_719] : memref<655360xi32, #tpu.memory_space<hbm>> -> memref<128xi32, #tpu.memory_space<hbm>>
      %dma_wait3A_721 = tpu.memref_slice %arg3[%add3A_719] : memref<655360xi32, #tpu.memory_space<hbm>> -> memref<128xi32, #tpu.memory_space<hbm>>
      tpu.wait_dma2 semaphore(%arg27 : memref<!tpu.dma_semaphore, #tpu.memory_space<semaphore_mem>>) src(%dma_wait3A_721 : memref<128xi32, #tpu.memory_space<hbm>>) dst(%arg11 : memref<128xi32, #tpu.memory_space<vmem>>)
      %mul3A_722 = arith.constant 20480 : i32
      %mul3A_723 = arith.muli %arg1, %mul3A_722 : i32
      %mul3A_724 = arith.constant 128 : i32
      %mul3A_725 = arith.muli %add3A_689, %mul3A_724 : i32
      %add3A_726 = arith.addi %mul3A_723, %mul3A_725 : i32
      %dma_wait3A_727 = tpu.memref_slice %arg4[%add3A_726] : memref<327680xi32, #tpu.memory_space<hbm>> -> memref<128xi32, #tpu.memory_space<hbm>>
      %dma_wait3A_728 = tpu.memref_slice %arg4[%add3A_726] : memref<327680xi32, #tpu.memory_space<hbm>> -> memref<128xi32, #tpu.memory_space<hbm>>
      tpu.wait_dma2 semaphore(%arg27 : memref<!tpu.dma_semaphore, #tpu.memory_space<semaphore_mem>>) src(%dma_wait3A_728 : memref<128xi32, #tpu.memory_space<hbm>>) dst(%arg16 : memref<128xi32, #tpu.memory_space<vmem>>)
      %dma_start3A_729 = arith.constant 0 : i32
      %dma_start3A_730 = arith.constant 0 : i32
      %dma_start3A_731 = tpu.memref_slice %arg2[%dma_start3A_729, %dma_start3A_730] : memref<20000x96xf32, #tpu.memory_space<hbm>> -> memref<20000x96xf32, #tpu.memory_space<hbm>>
      tpu.enqueue_indirect_dma source(%dma_start3A_731 : memref<20000x96xf32, #tpu.memory_space<hbm>>) target(%arg21 : memref<128x96xf32, #tpu.memory_space<vmem>>) offsets(%arg11 : memref<128xi32, #tpu.memory_space<vmem>>) semaphore(%arg32 : memref<!tpu.dma_semaphore, #tpu.memory_space<semaphore_mem>>)
      %dma_wait3A_732 = arith.constant 0 : i32
      %dma_wait3A_733 = arith.constant 0 : i32
      %dma_wait3A_734 = tpu.memref_slice %arg2[%dma_wait3A_732, %dma_wait3A_733] : memref<20000x96xf32, #tpu.memory_space<hbm>> -> memref<20000x96xf32, #tpu.memory_space<hbm>>
      tpu.wait_indirect_dma semaphore(%arg30 : memref<!tpu.dma_semaphore, #tpu.memory_space<semaphore_mem>>) src(%dma_wait3A_734 : memref<20000x96xf32, #tpu.memory_space<hbm>>) dst(%arg19 : memref<128x96xf32, #tpu.memory_space<vmem>>)
      %dma_start3A_735 = arith.constant 0 : i32
      %dma_start3A_736 = arith.constant 0 : i32
      %dma_start3A_737 = tpu.memref_slice %arg22[%dma_start3A_735, %dma_start3A_736] : memref<10240x96xf32, #tpu.memory_space<vmem_shared>> -> memref<10240x96xf32, #tpu.memory_space<vmem_shared>>
      tpu.enqueue_indirect_dma source(%arg19 : memref<128x96xf32, #tpu.memory_space<vmem>>) target(%dma_start3A_737 : memref<10240x96xf32, #tpu.memory_space<vmem_shared>>) offsets(%arg14 : memref<128xi32, #tpu.memory_space<vmem>>) semaphore(%arg35 : memref<!tpu.dma_semaphore, #tpu.memory_space<semaphore_mem>>) {add = true}
    }
    %scan3A_239 = arith.constant 30 : i32
    %dma_wait3A_240 = arith.constant 0 : i32
    %dma_wait3A_241 = arith.constant 0 : i32
    %dma_wait3A_242 = tpu.memref_slice %arg22[%dma_wait3A_240, %dma_wait3A_241] : memref<10240x96xf32, #tpu.memory_space<vmem_shared>> -> memref<10240x96xf32, #tpu.memory_space<vmem_shared>>
    tpu.wait_indirect_dma semaphore(%arg35 : memref<!tpu.dma_semaphore, #tpu.memory_space<semaphore_mem>>) src(%arg19 : memref<128x96xf32, #tpu.memory_space<vmem>>) dst(%dma_wait3A_242 : memref<10240x96xf32, #tpu.memory_space<vmem_shared>>)
    %mul3A_243 = arith.constant 327680 : i32
    %mul3A_244 = arith.muli %arg0, %mul3A_243 : i32
    %mul3A_245 = arith.constant 20480 : i32
    %mul3A_246 = arith.muli %arg1, %mul3A_245 : i32
    %add3A_247 = arith.addi %mul3A_244, %mul3A_246 : i32
    %add3A_248 = arith.constant 20096 : i32
    %add3A_249 = arith.addi %add3A_247, %add3A_248 : i32
    %dma_start3A_250 = tpu.memref_slice %arg3[%add3A_249] : memref<655360xi32, #tpu.memory_space<hbm>> -> memref<128xi32, #tpu.memory_space<hbm>>
    %dma_start3A_251 = tpu.memref_slice %arg3[%add3A_249] : memref<655360xi32, #tpu.memory_space<hbm>> -> memref<128xi32, #tpu.memory_space<hbm>>
    tpu.enqueue_dma source(%dma_start3A_251 : memref<128xi32, #tpu.memory_space<hbm>>) target(%arg9 : memref<128xi32, #tpu.memory_space<vmem>>) target_semaphore(%arg25 : memref<!tpu.dma_semaphore, #tpu.memory_space<semaphore_mem>>)
    %mul3A_252 = arith.constant 20480 : i32
    %mul3A_253 = arith.muli %arg1, %mul3A_252 : i32
    %add3A_254 = arith.constant 20096 : i32
    %add3A_255 = arith.addi %mul3A_253, %add3A_254 : i32
    %dma_start3A_256 = tpu.memref_slice %arg4[%add3A_255] : memref<327680xi32, #tpu.memory_space<hbm>> -> memref<128xi32, #tpu.memory_space<hbm>>
    %dma_start3A_257 = tpu.memref_slice %arg4[%add3A_255] : memref<327680xi32, #tpu.memory_space<hbm>> -> memref<128xi32, #tpu.memory_space<hbm>>
    tpu.enqueue_dma source(%dma_start3A_257 : memref<128xi32, #tpu.memory_space<hbm>>) target(%arg14 : memref<128xi32, #tpu.memory_space<vmem>>) target_semaphore(%arg25 : memref<!tpu.dma_semaphore, #tpu.memory_space<semaphore_mem>>)
    %mul3A_258 = arith.constant 327680 : i32
    %mul3A_259 = arith.muli %arg0, %mul3A_258 : i32
    %mul3A_260 = arith.constant 20480 : i32
    %mul3A_261 = arith.muli %arg1, %mul3A_260 : i32
    %add3A_262 = arith.addi %mul3A_259, %mul3A_261 : i32
    %add3A_263 = arith.constant 19840 : i32
    %add3A_264 = arith.addi %add3A_262, %add3A_263 : i32
    %dma_wait3A_265 = tpu.memref_slice %arg3[%add3A_264] : memref<655360xi32, #tpu.memory_space<hbm>> -> memref<128xi32, #tpu.memory_space<hbm>>
    %dma_wait3A_266 = tpu.memref_slice %arg3[%add3A_264] : memref<655360xi32, #tpu.memory_space<hbm>> -> memref<128xi32, #tpu.memory_space<hbm>>
    tpu.wait_dma2 semaphore(%arg23 : memref<!tpu.dma_semaphore, #tpu.memory_space<semaphore_mem>>) src(%dma_wait3A_266 : memref<128xi32, #tpu.memory_space<hbm>>) dst(%arg7 : memref<128xi32, #tpu.memory_space<vmem>>)
    %mul3A_267 = arith.constant 20480 : i32
    %mul3A_268 = arith.muli %arg1, %mul3A_267 : i32
    %add3A_269 = arith.constant 19840 : i32
    %add3A_270 = arith.addi %mul3A_268, %add3A_269 : i32
    %dma_wait3A_271 = tpu.memref_slice %arg4[%add3A_270] : memref<327680xi32, #tpu.memory_space<hbm>> -> memref<128xi32, #tpu.memory_space<hbm>>
    %dma_wait3A_272 = tpu.memref_slice %arg4[%add3A_270] : memref<327680xi32, #tpu.memory_space<hbm>> -> memref<128xi32, #tpu.memory_space<hbm>>
    tpu.wait_dma2 semaphore(%arg23 : memref<!tpu.dma_semaphore, #tpu.memory_space<semaphore_mem>>) src(%dma_wait3A_272 : memref<128xi32, #tpu.memory_space<hbm>>) dst(%arg12 : memref<128xi32, #tpu.memory_space<vmem>>)
    %dma_start3A_273 = arith.constant 0 : i32
    %dma_start3A_274 = arith.constant 0 : i32
    %dma_start3A_275 = tpu.memref_slice %arg2[%dma_start3A_273, %dma_start3A_274] : memref<20000x96xf32, #tpu.memory_space<hbm>> -> memref<20000x96xf32, #tpu.memory_space<hbm>>
    tpu.enqueue_indirect_dma source(%dma_start3A_275 : memref<20000x96xf32, #tpu.memory_space<hbm>>) target(%arg17 : memref<128x96xf32, #tpu.memory_space<vmem>>) offsets(%arg7 : memref<128xi32, #tpu.memory_space<vmem>>) semaphore(%arg28 : memref<!tpu.dma_semaphore, #tpu.memory_space<semaphore_mem>>)
    %dma_wait3A_276 = arith.constant 0 : i32
    %dma_wait3A_277 = arith.constant 0 : i32
    %dma_wait3A_278 = tpu.memref_slice %arg2[%dma_wait3A_276, %dma_wait3A_277] : memref<20000x96xf32, #tpu.memory_space<hbm>> -> memref<20000x96xf32, #tpu.memory_space<hbm>>
    tpu.wait_indirect_dma semaphore(%arg31 : memref<!tpu.dma_semaphore, #tpu.memory_space<semaphore_mem>>) src(%dma_wait3A_278 : memref<20000x96xf32, #tpu.memory_space<hbm>>) dst(%arg20 : memref<128x96xf32, #tpu.memory_space<vmem>>)
    %dma_start3A_279 = arith.constant 0 : i32
    %dma_start3A_280 = arith.constant 0 : i32
    %dma_start3A_281 = tpu.memref_slice %arg22[%dma_start3A_279, %dma_start3A_280] : memref<10240x96xf32, #tpu.memory_space<vmem_shared>> -> memref<10240x96xf32, #tpu.memory_space<vmem_shared>>
    tpu.enqueue_indirect_dma source(%arg20 : memref<128x96xf32, #tpu.memory_space<vmem>>) target(%dma_start3A_281 : memref<10240x96xf32, #tpu.memory_space<vmem_shared>>) offsets(%arg15 : memref<128xi32, #tpu.memory_space<vmem>>) semaphore(%arg36 : memref<!tpu.dma_semaphore, #tpu.memory_space<semaphore_mem>>) {add = true}
    %dma_wait3A_282 = arith.constant 0 : i32
    %dma_wait3A_283 = arith.constant 0 : i32
    %dma_wait3A_284 = tpu.memref_slice %arg22[%dma_wait3A_282, %dma_wait3A_283] : memref<10240x96xf32, #tpu.memory_space<vmem_shared>> -> memref<10240x96xf32, #tpu.memory_space<vmem_shared>>
    tpu.wait_indirect_dma semaphore(%arg36 : memref<!tpu.dma_semaphore, #tpu.memory_space<semaphore_mem>>) src(%arg20 : memref<128x96xf32, #tpu.memory_space<vmem>>) dst(%dma_wait3A_284 : memref<10240x96xf32, #tpu.memory_space<vmem_shared>>)
    %mul3A_285 = arith.constant 327680 : i32
    %mul3A_286 = arith.muli %arg0, %mul3A_285 : i32
    %mul3A_287 = arith.constant 20480 : i32
    %mul3A_288 = arith.muli %arg1, %mul3A_287 : i32
    %add3A_289 = arith.addi %mul3A_286, %mul3A_288 : i32
    %add3A_290 = arith.constant 20224 : i32
    %add3A_291 = arith.addi %add3A_289, %add3A_290 : i32
    %dma_start3A_292 = tpu.memref_slice %arg3[%add3A_291] : memref<655360xi32, #tpu.memory_space<hbm>> -> memref<128xi32, #tpu.memory_space<hbm>>
    %dma_start3A_293 = tpu.memref_slice %arg3[%add3A_291] : memref<655360xi32, #tpu.memory_space<hbm>> -> memref<128xi32, #tpu.memory_space<hbm>>
    tpu.enqueue_dma source(%dma_start3A_293 : memref<128xi32, #tpu.memory_space<hbm>>) target(%arg10 : memref<128xi32, #tpu.memory_space<vmem>>) target_semaphore(%arg26 : memref<!tpu.dma_semaphore, #tpu.memory_space<semaphore_mem>>)
    %mul3A_294 = arith.constant 20480 : i32
    %mul3A_295 = arith.muli %arg1, %mul3A_294 : i32
    %add3A_296 = arith.constant 20224 : i32
    %add3A_297 = arith.addi %mul3A_295, %add3A_296 : i32
    %dma_start3A_298 = tpu.memref_slice %arg4[%add3A_297] : memref<327680xi32, #tpu.memory_space<hbm>> -> memref<128xi32, #tpu.memory_space<hbm>>
    %dma_start3A_299 = tpu.memref_slice %arg4[%add3A_297] : memref<327680xi32, #tpu.memory_space<hbm>> -> memref<128xi32, #tpu.memory_space<hbm>>
    tpu.enqueue_dma source(%dma_start3A_299 : memref<128xi32, #tpu.memory_space<hbm>>) target(%arg15 : memref<128xi32, #tpu.memory_space<vmem>>) target_semaphore(%arg26 : memref<!tpu.dma_semaphore, #tpu.memory_space<semaphore_mem>>)
    %mul3A_300 = arith.constant 327680 : i32
    %mul3A_301 = arith.muli %arg0, %mul3A_300 : i32
    %mul3A_302 = arith.constant 20480 : i32
    %mul3A_303 = arith.muli %arg1, %mul3A_302 : i32
    %add3A_304 = arith.addi %mul3A_301, %mul3A_303 : i32
    %add3A_305 = arith.constant 19968 : i32
    %add3A_306 = arith.addi %add3A_304, %add3A_305 : i32
    %dma_wait3A_307 = tpu.memref_slice %arg3[%add3A_306] : memref<655360xi32, #tpu.memory_space<hbm>> -> memref<128xi32, #tpu.memory_space<hbm>>
    %dma_wait3A_308 = tpu.memref_slice %arg3[%add3A_306] : memref<655360xi32, #tpu.memory_space<hbm>> -> memref<128xi32, #tpu.memory_space<hbm>>
    tpu.wait_dma2 semaphore(%arg24 : memref<!tpu.dma_semaphore, #tpu.memory_space<semaphore_mem>>) src(%dma_wait3A_308 : memref<128xi32, #tpu.memory_space<hbm>>) dst(%arg8 : memref<128xi32, #tpu.memory_space<vmem>>)
    %mul3A_309 = arith.constant 20480 : i32
    %mul3A_310 = arith.muli %arg1, %mul3A_309 : i32
    %add3A_311 = arith.constant 19968 : i32
    %add3A_312 = arith.addi %mul3A_310, %add3A_311 : i32
    %dma_wait3A_313 = tpu.memref_slice %arg4[%add3A_312] : memref<327680xi32, #tpu.memory_space<hbm>> -> memref<128xi32, #tpu.memory_space<hbm>>
    %dma_wait3A_314 = tpu.memref_slice %arg4[%add3A_312] : memref<327680xi32, #tpu.memory_space<hbm>> -> memref<128xi32, #tpu.memory_space<hbm>>
    tpu.wait_dma2 semaphore(%arg24 : memref<!tpu.dma_semaphore, #tpu.memory_space<semaphore_mem>>) src(%dma_wait3A_314 : memref<128xi32, #tpu.memory_space<hbm>>) dst(%arg13 : memref<128xi32, #tpu.memory_space<vmem>>)
    %dma_start3A_315 = arith.constant 0 : i32
    %dma_start3A_316 = arith.constant 0 : i32
    %dma_start3A_317 = tpu.memref_slice %arg2[%dma_start3A_315, %dma_start3A_316] : memref<20000x96xf32, #tpu.memory_space<hbm>> -> memref<20000x96xf32, #tpu.memory_space<hbm>>
    tpu.enqueue_indirect_dma source(%dma_start3A_317 : memref<20000x96xf32, #tpu.memory_space<hbm>>) target(%arg18 : memref<128x96xf32, #tpu.memory_space<vmem>>) offsets(%arg8 : memref<128xi32, #tpu.memory_space<vmem>>) semaphore(%arg29 : memref<!tpu.dma_semaphore, #tpu.memory_space<semaphore_mem>>)
    %dma_wait3A_318 = arith.constant 0 : i32
    %dma_wait3A_319 = arith.constant 0 : i32
    %dma_wait3A_320 = tpu.memref_slice %arg2[%dma_wait3A_318, %dma_wait3A_319] : memref<20000x96xf32, #tpu.memory_space<hbm>> -> memref<20000x96xf32, #tpu.memory_space<hbm>>
    tpu.wait_indirect_dma semaphore(%arg32 : memref<!tpu.dma_semaphore, #tpu.memory_space<semaphore_mem>>) src(%dma_wait3A_320 : memref<20000x96xf32, #tpu.memory_space<hbm>>) dst(%arg21 : memref<128x96xf32, #tpu.memory_space<vmem>>)
    %dma_start3A_321 = arith.constant 0 : i32
    %dma_start3A_322 = arith.constant 0 : i32
    %dma_start3A_323 = tpu.memref_slice %arg22[%dma_start3A_321, %dma_start3A_322] : memref<10240x96xf32, #tpu.memory_space<vmem_shared>> -> memref<10240x96xf32, #tpu.memory_space<vmem_shared>>
    tpu.enqueue_indirect_dma source(%arg21 : memref<128x96xf32, #tpu.memory_space<vmem>>) target(%dma_start3A_323 : memref<10240x96xf32, #tpu.memory_space<vmem_shared>>) offsets(%arg16 : memref<128xi32, #tpu.memory_space<vmem>>) semaphore(%arg37 : memref<!tpu.dma_semaphore, #tpu.memory_space<semaphore_mem>>) {add = true}
    %dma_wait3A_324 = arith.constant 0 : i32
    %dma_wait3A_325 = arith.constant 0 : i32
    %dma_wait3A_326 = tpu.memref_slice %arg22[%dma_wait3A_324, %dma_wait3A_325] : memref<10240x96xf32, #tpu.memory_space<vmem_shared>> -> memref<10240x96xf32, #tpu.memory_space<vmem_shared>>
    tpu.wait_indirect_dma semaphore(%arg37 : memref<!tpu.dma_semaphore, #tpu.memory_space<semaphore_mem>>) src(%arg21 : memref<128x96xf32, #tpu.memory_space<vmem>>) dst(%dma_wait3A_326 : memref<10240x96xf32, #tpu.memory_space<vmem_shared>>)
    %mul3A_327 = arith.constant 327680 : i32
    %mul3A_328 = arith.muli %arg0, %mul3A_327 : i32
    %mul3A_329 = arith.constant 20480 : i32
    %mul3A_330 = arith.muli %arg1, %mul3A_329 : i32
    %add3A_331 = arith.addi %mul3A_328, %mul3A_330 : i32
    %add3A_332 = arith.constant 20352 : i32
    %add3A_333 = arith.addi %add3A_331, %add3A_332 : i32
    %dma_start3A_334 = tpu.memref_slice %arg3[%add3A_333] : memref<655360xi32, #tpu.memory_space<hbm>> -> memref<128xi32, #tpu.memory_space<hbm>>
    %dma_start3A_335 = tpu.memref_slice %arg3[%add3A_333] : memref<655360xi32, #tpu.memory_space<hbm>> -> memref<128xi32, #tpu.memory_space<hbm>>
    tpu.enqueue_dma source(%dma_start3A_335 : memref<128xi32, #tpu.memory_space<hbm>>) target(%arg11 : memref<128xi32, #tpu.memory_space<vmem>>) target_semaphore(%arg27 : memref<!tpu.dma_semaphore, #tpu.memory_space<semaphore_mem>>)
    %mul3A_336 = arith.constant 20480 : i32
    %mul3A_337 = arith.muli %arg1, %mul3A_336 : i32
    %add3A_338 = arith.constant 20352 : i32
    %add3A_339 = arith.addi %mul3A_337, %add3A_338 : i32
    %dma_start3A_340 = tpu.memref_slice %arg4[%add3A_339] : memref<327680xi32, #tpu.memory_space<hbm>> -> memref<128xi32, #tpu.memory_space<hbm>>
    %dma_start3A_341 = tpu.memref_slice %arg4[%add3A_339] : memref<327680xi32, #tpu.memory_space<hbm>> -> memref<128xi32, #tpu.memory_space<hbm>>
    tpu.enqueue_dma source(%dma_start3A_341 : memref<128xi32, #tpu.memory_space<hbm>>) target(%arg16 : memref<128xi32, #tpu.memory_space<vmem>>) target_semaphore(%arg27 : memref<!tpu.dma_semaphore, #tpu.memory_space<semaphore_mem>>)
    %mul3A_342 = arith.constant 327680 : i32
    %mul3A_343 = arith.muli %arg0, %mul3A_342 : i32
    %mul3A_344 = arith.constant 20480 : i32
    %mul3A_345 = arith.muli %arg1, %mul3A_344 : i32
    %add3A_346 = arith.addi %mul3A_343, %mul3A_345 : i32
    %add3A_347 = arith.constant 20096 : i32
    %add3A_348 = arith.addi %add3A_346, %add3A_347 : i32
    %dma_wait3A_349 = tpu.memref_slice %arg3[%add3A_348] : memref<655360xi32, #tpu.memory_space<hbm>> -> memref<128xi32, #tpu.memory_space<hbm>>
    %dma_wait3A_350 = tpu.memref_slice %arg3[%add3A_348] : memref<655360xi32, #tpu.memory_space<hbm>> -> memref<128xi32, #tpu.memory_space<hbm>>
    tpu.wait_dma2 semaphore(%arg25 : memref<!tpu.dma_semaphore, #tpu.memory_space<semaphore_mem>>) src(%dma_wait3A_350 : memref<128xi32, #tpu.memory_space<hbm>>) dst(%arg9 : memref<128xi32, #tpu.memory_space<vmem>>)
    %mul3A_351 = arith.constant 20480 : i32
    %mul3A_352 = arith.muli %arg1, %mul3A_351 : i32
    %add3A_353 = arith.constant 20096 : i32
    %add3A_354 = arith.addi %mul3A_352, %add3A_353 : i32
    %dma_wait3A_355 = tpu.memref_slice %arg4[%add3A_354] : memref<327680xi32, #tpu.memory_space<hbm>> -> memref<128xi32, #tpu.memory_space<hbm>>
    %dma_wait3A_356 = tpu.memref_slice %arg4[%add3A_354] : memref<327680xi32, #tpu.memory_space<hbm>> -> memref<128xi32, #tpu.memory_space<hbm>>
    tpu.wait_dma2 semaphore(%arg25 : memref<!tpu.dma_semaphore, #tpu.memory_space<semaphore_mem>>) src(%dma_wait3A_356 : memref<128xi32, #tpu.memory_space<hbm>>) dst(%arg14 : memref<128xi32, #tpu.memory_space<vmem>>)
    %dma_start3A_357 = arith.constant 0 : i32
    %dma_start3A_358 = arith.constant 0 : i32
    %dma_start3A_359 = tpu.memref_slice %arg2[%dma_start3A_357, %dma_start3A_358] : memref<20000x96xf32, #tpu.memory_space<hbm>> -> memref<20000x96xf32, #tpu.memory_space<hbm>>
    tpu.enqueue_indirect_dma source(%dma_start3A_359 : memref<20000x96xf32, #tpu.memory_space<hbm>>) target(%arg19 : memref<128x96xf32, #tpu.memory_space<vmem>>) offsets(%arg9 : memref<128xi32, #tpu.memory_space<vmem>>) semaphore(%arg30 : memref<!tpu.dma_semaphore, #tpu.memory_space<semaphore_mem>>)
    %dma_wait3A_360 = arith.constant 0 : i32
    %dma_wait3A_361 = arith.constant 0 : i32
    %dma_wait3A_362 = tpu.memref_slice %arg2[%dma_wait3A_360, %dma_wait3A_361] : memref<20000x96xf32, #tpu.memory_space<hbm>> -> memref<20000x96xf32, #tpu.memory_space<hbm>>
    tpu.wait_indirect_dma semaphore(%arg28 : memref<!tpu.dma_semaphore, #tpu.memory_space<semaphore_mem>>) src(%dma_wait3A_362 : memref<20000x96xf32, #tpu.memory_space<hbm>>) dst(%arg17 : memref<128x96xf32, #tpu.memory_space<vmem>>)
    %dma_start3A_363 = arith.constant 0 : i32
    %dma_start3A_364 = arith.constant 0 : i32
    %dma_start3A_365 = tpu.memref_slice %arg22[%dma_start3A_363, %dma_start3A_364] : memref<10240x96xf32, #tpu.memory_space<vmem_shared>> -> memref<10240x96xf32, #tpu.memory_space<vmem_shared>>
    tpu.enqueue_indirect_dma source(%arg17 : memref<128x96xf32, #tpu.memory_space<vmem>>) target(%dma_start3A_365 : memref<10240x96xf32, #tpu.memory_space<vmem_shared>>) offsets(%arg12 : memref<128xi32, #tpu.memory_space<vmem>>) semaphore(%arg33 : memref<!tpu.dma_semaphore, #tpu.memory_space<semaphore_mem>>) {add = true}
    %dma_wait3A_366 = arith.constant 0 : i32
    %dma_wait3A_367 = arith.constant 0 : i32
    %dma_wait3A_368 = tpu.memref_slice %arg22[%dma_wait3A_366, %dma_wait3A_367] : memref<10240x96xf32, #tpu.memory_space<vmem_shared>> -> memref<10240x96xf32, #tpu.memory_space<vmem_shared>>
    tpu.wait_indirect_dma semaphore(%arg33 : memref<!tpu.dma_semaphore, #tpu.memory_space<semaphore_mem>>) src(%arg17 : memref<128x96xf32, #tpu.memory_space<vmem>>) dst(%dma_wait3A_368 : memref<10240x96xf32, #tpu.memory_space<vmem_shared>>)
    %mul3A_369 = arith.constant 327680 : i32
    %mul3A_370 = arith.muli %arg0, %mul3A_369 : i32
    %mul3A_371 = arith.constant 20480 : i32
    %mul3A_372 = arith.muli %arg1, %mul3A_371 : i32
    %add3A_373 = arith.addi %mul3A_370, %mul3A_372 : i32
    %add3A_374 = arith.constant 20224 : i32
    %add3A_375 = arith.addi %add3A_373, %add3A_374 : i32
    %dma_wait3A_376 = tpu.memref_slice %arg3[%add3A_375] : memref<655360xi32, #tpu.memory_space<hbm>> -> memref<128xi32, #tpu.memory_space<hbm>>
    %dma_wait3A_377 = tpu.memref_slice %arg3[%add3A_375] : memref<655360xi32, #tpu.memory_space<hbm>> -> memref<128xi32, #tpu.memory_space<hbm>>
    tpu.wait_dma2 semaphore(%arg26 : memref<!tpu.dma_semaphore, #tpu.memory_space<semaphore_mem>>) src(%dma_wait3A_377 : memref<128xi32, #tpu.memory_space<hbm>>) dst(%arg10 : memref<128xi32, #tpu.memory_space<vmem>>)
    %mul3A_378 = arith.constant 20480 : i32
    %mul3A_379 = arith.muli %arg1, %mul3A_378 : i32
    %add3A_380 = arith.constant 20224 : i32
    %add3A_381 = arith.addi %mul3A_379, %add3A_380 : i32
    %dma_wait3A_382 = tpu.memref_slice %arg4[%add3A_381] : memref<327680xi32, #tpu.memory_space<hbm>> -> memref<128xi32, #tpu.memory_space<hbm>>
    %dma_wait3A_383 = tpu.memref_slice %arg4[%add3A_381] : memref<327680xi32, #tpu.memory_space<hbm>> -> memref<128xi32, #tpu.memory_space<hbm>>
    tpu.wait_dma2 semaphore(%arg26 : memref<!tpu.dma_semaphore, #tpu.memory_space<semaphore_mem>>) src(%dma_wait3A_383 : memref<128xi32, #tpu.memory_space<hbm>>) dst(%arg15 : memref<128xi32, #tpu.memory_space<vmem>>)
    %dma_start3A_384 = arith.constant 0 : i32
    %dma_start3A_385 = arith.constant 0 : i32
    %dma_start3A_386 = tpu.memref_slice %arg2[%dma_start3A_384, %dma_start3A_385] : memref<20000x96xf32, #tpu.memory_space<hbm>> -> memref<20000x96xf32, #tpu.memory_space<hbm>>
    tpu.enqueue_indirect_dma source(%dma_start3A_386 : memref<20000x96xf32, #tpu.memory_space<hbm>>) target(%arg20 : memref<128x96xf32, #tpu.memory_space<vmem>>) offsets(%arg10 : memref<128xi32, #tpu.memory_space<vmem>>) semaphore(%arg31 : memref<!tpu.dma_semaphore, #tpu.memory_space<semaphore_mem>>)
    %dma_wait3A_387 = arith.constant 0 : i32
    %dma_wait3A_388 = arith.constant 0 : i32
    %dma_wait3A_389 = tpu.memref_slice %arg2[%dma_wait3A_387, %dma_wait3A_388] : memref<20000x96xf32, #tpu.memory_space<hbm>> -> memref<20000x96xf32, #tpu.memory_space<hbm>>
    tpu.wait_indirect_dma semaphore(%arg29 : memref<!tpu.dma_semaphore, #tpu.memory_space<semaphore_mem>>) src(%dma_wait3A_389 : memref<20000x96xf32, #tpu.memory_space<hbm>>) dst(%arg18 : memref<128x96xf32, #tpu.memory_space<vmem>>)
    %dma_start3A_390 = arith.constant 0 : i32
    %dma_start3A_391 = arith.constant 0 : i32
    %dma_start3A_392 = tpu.memref_slice %arg22[%dma_start3A_390, %dma_start3A_391] : memref<10240x96xf32, #tpu.memory_space<vmem_shared>> -> memref<10240x96xf32, #tpu.memory_space<vmem_shared>>
    tpu.enqueue_indirect_dma source(%arg18 : memref<128x96xf32, #tpu.memory_space<vmem>>) target(%dma_start3A_392 : memref<10240x96xf32, #tpu.memory_space<vmem_shared>>) offsets(%arg13 : memref<128xi32, #tpu.memory_space<vmem>>) semaphore(%arg34 : memref<!tpu.dma_semaphore, #tpu.memory_space<semaphore_mem>>) {add = true}
    %dma_wait3A_393 = arith.constant 0 : i32
    %dma_wait3A_394 = arith.constant 0 : i32
    %dma_wait3A_395 = tpu.memref_slice %arg22[%dma_wait3A_393, %dma_wait3A_394] : memref<10240x96xf32, #tpu.memory_space<vmem_shared>> -> memref<10240x96xf32, #tpu.memory_space<vmem_shared>>
    tpu.wait_indirect_dma semaphore(%arg34 : memref<!tpu.dma_semaphore, #tpu.memory_space<semaphore_mem>>) src(%arg18 : memref<128x96xf32, #tpu.memory_space<vmem>>) dst(%dma_wait3A_395 : memref<10240x96xf32, #tpu.memory_space<vmem_shared>>)
    %mul3A_396 = arith.constant 327680 : i32
    %mul3A_397 = arith.muli %arg0, %mul3A_396 : i32
    %mul3A_398 = arith.constant 20480 : i32
    %mul3A_399 = arith.muli %arg1, %mul3A_398 : i32
    %add3A_400 = arith.addi %mul3A_397, %mul3A_399 : i32
    %add3A_401 = arith.constant 20352 : i32
    %add3A_402 = arith.addi %add3A_400, %add3A_401 : i32
    %dma_wait3A_403 = tpu.memref_slice %arg3[%add3A_402] : memref<655360xi32, #tpu.memory_space<hbm>> -> memref<128xi32, #tpu.memory_space<hbm>>
    %dma_wait3A_404 = tpu.memref_slice %arg3[%add3A_402] : memref<655360xi32, #tpu.memory_space<hbm>> -> memref<128xi32, #tpu.memory_space<hbm>>
    tpu.wait_dma2 semaphore(%arg27 : memref<!tpu.dma_semaphore, #tpu.memory_space<semaphore_mem>>) src(%dma_wait3A_404 : memref<128xi32, #tpu.memory_space<hbm>>) dst(%arg11 : memref<128xi32, #tpu.memory_space<vmem>>)
    %mul3A_405 = arith.constant 20480 : i32
    %mul3A_406 = arith.muli %arg1, %mul3A_405 : i32
    %add3A_407 = arith.constant 20352 : i32
    %add3A_408 = arith.addi %mul3A_406, %add3A_407 : i32
    %dma_wait3A_409 = tpu.memref_slice %arg4[%add3A_408] : memref<327680xi32, #tpu.memory_space<hbm>> -> memref<128xi32, #tpu.memory_space<hbm>>
    %dma_wait3A_410 = tpu.memref_slice %arg4[%add3A_408] : memref<327680xi32, #tpu.memory_space<hbm>> -> memref<128xi32, #tpu.memory_space<hbm>>
    tpu.wait_dma2 semaphore(%arg27 : memref<!tpu.dma_semaphore, #tpu.memory_space<semaphore_mem>>) src(%dma_wait3A_410 : memref<128xi32, #tpu.memory_space<hbm>>) dst(%arg16 : memref<128xi32, #tpu.memory_space<vmem>>)
    %dma_start3A_411 = arith.constant 0 : i32
    %dma_start3A_412 = arith.constant 0 : i32
    %dma_start3A_413 = tpu.memref_slice %arg2[%dma_start3A_411, %dma_start3A_412] : memref<20000x96xf32, #tpu.memory_space<hbm>> -> memref<20000x96xf32, #tpu.memory_space<hbm>>
    tpu.enqueue_indirect_dma source(%dma_start3A_413 : memref<20000x96xf32, #tpu.memory_space<hbm>>) target(%arg21 : memref<128x96xf32, #tpu.memory_space<vmem>>) offsets(%arg11 : memref<128xi32, #tpu.memory_space<vmem>>) semaphore(%arg32 : memref<!tpu.dma_semaphore, #tpu.memory_space<semaphore_mem>>)
    %dma_wait3A_414 = arith.constant 0 : i32
    %dma_wait3A_415 = arith.constant 0 : i32
    %dma_wait3A_416 = tpu.memref_slice %arg2[%dma_wait3A_414, %dma_wait3A_415] : memref<20000x96xf32, #tpu.memory_space<hbm>> -> memref<20000x96xf32, #tpu.memory_space<hbm>>
    tpu.wait_indirect_dma semaphore(%arg30 : memref<!tpu.dma_semaphore, #tpu.memory_space<semaphore_mem>>) src(%dma_wait3A_416 : memref<20000x96xf32, #tpu.memory_space<hbm>>) dst(%arg19 : memref<128x96xf32, #tpu.memory_space<vmem>>)
    %dma_start3A_417 = arith.constant 0 : i32
    %dma_start3A_418 = arith.constant 0 : i32
    %dma_start3A_419 = tpu.memref_slice %arg22[%dma_start3A_417, %dma_start3A_418] : memref<10240x96xf32, #tpu.memory_space<vmem_shared>> -> memref<10240x96xf32, #tpu.memory_space<vmem_shared>>
    tpu.enqueue_indirect_dma source(%arg19 : memref<128x96xf32, #tpu.memory_space<vmem>>) target(%dma_start3A_419 : memref<10240x96xf32, #tpu.memory_space<vmem_shared>>) offsets(%arg14 : memref<128xi32, #tpu.memory_space<vmem>>) semaphore(%arg35 : memref<!tpu.dma_semaphore, #tpu.memory_space<semaphore_mem>>) {add = true}
    %dma_wait3A_420 = arith.constant 0 : i32
    %dma_wait3A_421 = arith.constant 0 : i32
    %dma_wait3A_422 = tpu.memref_slice %arg22[%dma_wait3A_420, %dma_wait3A_421] : memref<10240x96xf32, #tpu.memory_space<vmem_shared>> -> memref<10240x96xf32, #tpu.memory_space<vmem_shared>>
    tpu.wait_indirect_dma semaphore(%arg35 : memref<!tpu.dma_semaphore, #tpu.memory_space<semaphore_mem>>) src(%arg19 : memref<128x96xf32, #tpu.memory_space<vmem>>) dst(%dma_wait3A_422 : memref<10240x96xf32, #tpu.memory_space<vmem_shared>>)
    %dma_wait3A_423 = arith.constant 0 : i32
    %dma_wait3A_424 = arith.constant 0 : i32
    %dma_wait3A_425 = tpu.memref_slice %arg2[%dma_wait3A_423, %dma_wait3A_424] : memref<20000x96xf32, #tpu.memory_space<hbm>> -> memref<20000x96xf32, #tpu.memory_space<hbm>>
    tpu.wait_indirect_dma semaphore(%arg31 : memref<!tpu.dma_semaphore, #tpu.memory_space<semaphore_mem>>) src(%dma_wait3A_425 : memref<20000x96xf32, #tpu.memory_space<hbm>>) dst(%arg20 : memref<128x96xf32, #tpu.memory_space<vmem>>)
    %dma_start3A_426 = arith.constant 0 : i32
    %dma_start3A_427 = arith.constant 0 : i32
    %dma_start3A_428 = tpu.memref_slice %arg22[%dma_start3A_426, %dma_start3A_427] : memref<10240x96xf32, #tpu.memory_space<vmem_shared>> -> memref<10240x96xf32, #tpu.memory_space<vmem_shared>>
    tpu.enqueue_indirect_dma source(%arg20 : memref<128x96xf32, #tpu.memory_space<vmem>>) target(%dma_start3A_428 : memref<10240x96xf32, #tpu.memory_space<vmem_shared>>) offsets(%arg15 : memref<128xi32, #tpu.memory_space<vmem>>) semaphore(%arg36 : memref<!tpu.dma_semaphore, #tpu.memory_space<semaphore_mem>>) {add = true}
    %dma_wait3A_429 = arith.constant 0 : i32
    %dma_wait3A_430 = arith.constant 0 : i32
    %dma_wait3A_431 = tpu.memref_slice %arg22[%dma_wait3A_429, %dma_wait3A_430] : memref<10240x96xf32, #tpu.memory_space<vmem_shared>> -> memref<10240x96xf32, #tpu.memory_space<vmem_shared>>
    tpu.wait_indirect_dma semaphore(%arg36 : memref<!tpu.dma_semaphore, #tpu.memory_space<semaphore_mem>>) src(%arg20 : memref<128x96xf32, #tpu.memory_space<vmem>>) dst(%dma_wait3A_431 : memref<10240x96xf32, #tpu.memory_space<vmem_shared>>)
    %dma_wait3A_432 = arith.constant 0 : i32
    %dma_wait3A_433 = arith.constant 0 : i32
    %dma_wait3A_434 = tpu.memref_slice %arg2[%dma_wait3A_432, %dma_wait3A_433] : memref<20000x96xf32, #tpu.memory_space<hbm>> -> memref<20000x96xf32, #tpu.memory_space<hbm>>
    tpu.wait_indirect_dma semaphore(%arg32 : memref<!tpu.dma_semaphore, #tpu.memory_space<semaphore_mem>>) src(%dma_wait3A_434 : memref<20000x96xf32, #tpu.memory_space<hbm>>) dst(%arg21 : memref<128x96xf32, #tpu.memory_space<vmem>>)
    %dma_start3A_435 = arith.constant 0 : i32
    %dma_start3A_436 = arith.constant 0 : i32
    %dma_start3A_437 = tpu.memref_slice %arg22[%dma_start3A_435, %dma_start3A_436] : memref<10240x96xf32, #tpu.memory_space<vmem_shared>> -> memref<10240x96xf32, #tpu.memory_space<vmem_shared>>
    tpu.enqueue_indirect_dma source(%arg21 : memref<128x96xf32, #tpu.memory_space<vmem>>) target(%dma_start3A_437 : memref<10240x96xf32, #tpu.memory_space<vmem_shared>>) offsets(%arg16 : memref<128xi32, #tpu.memory_space<vmem>>) semaphore(%arg37 : memref<!tpu.dma_semaphore, #tpu.memory_space<semaphore_mem>>) {add = true}
    %dma_wait3A_438 = arith.constant 0 : i32
    %dma_wait3A_439 = arith.constant 0 : i32
    %dma_wait3A_440 = tpu.memref_slice %arg22[%dma_wait3A_438, %dma_wait3A_439] : memref<10240x96xf32, #tpu.memory_space<vmem_shared>> -> memref<10240x96xf32, #tpu.memory_space<vmem_shared>>
    tpu.wait_indirect_dma semaphore(%arg37 : memref<!tpu.dma_semaphore, #tpu.memory_space<semaphore_mem>>) src(%arg21 : memref<128x96xf32, #tpu.memory_space<vmem>>) dst(%dma_wait3A_440 : memref<10240x96xf32, #tpu.memory_space<vmem_shared>>)
    %barrier3A_441 = arith.constant 0 : index
    tpu.barrier barrier_id(%barrier3A_441)
    %mul3A_442 = arith.constant 640 : i32
    %mul3A_443 = arith.muli %arg1, %mul3A_442 : i32
    %add3A_444 = arith.constant 0 : i32
    %add3A_445 = arith.addi %mul3A_443, %add3A_444 : i32
    "tpu.region"() ({
      %run_scoped3A = tpu.sem_alloc : memref<!tpu.dma_semaphore, #tpu.memory_space<semaphore_mem>>
      %dma_start3A_477 = arith.constant 0 : i32
      %dma_start3A_478 = tpu.memref_slice %arg22[%add3A_445, %dma_start3A_477] : memref<10240x96xf32, #tpu.memory_space<vmem_shared>> -> memref<128x96xf32, #tpu.memory_space<vmem_shared>>
      %dma_start3A_479 = arith.constant 0 : i32
      %dma_start3A_480 = tpu.memref_slice %arg22[%add3A_445, %dma_start3A_479] : memref<10240x96xf32, #tpu.memory_space<vmem_shared>> -> memref<128x96xf32, #tpu.memory_space<vmem_shared>>
      tpu.enqueue_dma source(%dma_start3A_480 : memref<128x96xf32, #tpu.memory_space<vmem_shared>>) target(%arg17 : memref<128x96xf32, #tpu.memory_space<vmem>>) target_semaphore(%run_scoped3A : memref<!tpu.dma_semaphore, #tpu.memory_space<semaphore_mem>>)
      %dma_wait3A_481 = arith.constant 0 : i32
      %dma_wait3A_482 = tpu.memref_slice %arg22[%add3A_445, %dma_wait3A_481] : memref<10240x96xf32, #tpu.memory_space<vmem_shared>> -> memref<128x96xf32, #tpu.memory_space<vmem_shared>>
      %dma_wait3A_483 = arith.constant 0 : i32
      %dma_wait3A_484 = tpu.memref_slice %arg22[%add3A_445, %dma_wait3A_483] : memref<10240x96xf32, #tpu.memory_space<vmem_shared>> -> memref<128x96xf32, #tpu.memory_space<vmem_shared>>
      tpu.wait_dma2 semaphore(%run_scoped3A : memref<!tpu.dma_semaphore, #tpu.memory_space<semaphore_mem>>) src(%dma_wait3A_484 : memref<128x96xf32, #tpu.memory_space<vmem_shared>>) dst(%arg17 : memref<128x96xf32, #tpu.memory_space<vmem>>)
      tpu.yield
    }) : () -> ()
    %mul3A_446 = arith.constant 10240 : i32
    %mul3A_447 = arith.muli %arg0, %mul3A_446 : i32
    %add3A_448 = arith.addi %mul3A_447, %add3A_445 : i32
    "tpu.region"() ({
      %run_scoped3A = tpu.sem_alloc : memref<!tpu.dma_semaphore, #tpu.memory_space<semaphore_mem>>
      %dma_start3A_477 = arith.constant 0 : i32
      %dma_start3A_478 = tpu.memref_slice %arg6[%add3A_448, %dma_start3A_477] : memref<20480x96xf32, #tpu.memory_space<hbm>> -> memref<128x96xf32, #tpu.memory_space<hbm>>
      %dma_start3A_479 = arith.constant 0 : i32
      %dma_start3A_480 = tpu.memref_slice %arg6[%add3A_448, %dma_start3A_479] : memref<20480x96xf32, #tpu.memory_space<hbm>> -> memref<128x96xf32, #tpu.memory_space<hbm>>
      tpu.enqueue_dma source(%arg17 : memref<128x96xf32, #tpu.memory_space<vmem>>) target(%dma_start3A_480 : memref<128x96xf32, #tpu.memory_space<hbm>>) target_semaphore(%run_scoped3A : memref<!tpu.dma_semaphore, #tpu.memory_space<semaphore_mem>>)
      %dma_wait3A_481 = arith.constant 0 : i32
      %dma_wait3A_482 = tpu.memref_slice %arg6[%add3A_448, %dma_wait3A_481] : memref<20480x96xf32, #tpu.memory_space<hbm>> -> memref<128x96xf32, #tpu.memory_space<hbm>>
      %dma_wait3A_483 = arith.constant 0 : i32
      %dma_wait3A_484 = tpu.memref_slice %arg6[%add3A_448, %dma_wait3A_483] : memref<20480x96xf32, #tpu.memory_space<hbm>> -> memref<128x96xf32, #tpu.memory_space<hbm>>
      tpu.wait_dma2 semaphore(%run_scoped3A : memref<!tpu.dma_semaphore, #tpu.memory_space<semaphore_mem>>) src(%arg17 : memref<128x96xf32, #tpu.memory_space<vmem>>) dst(%dma_wait3A_484 : memref<128x96xf32, #tpu.memory_space<hbm>>)
      tpu.yield
    }) : () -> ()
    %mul3A_449 = arith.constant 640 : i32
    %mul3A_450 = arith.muli %arg1, %mul3A_449 : i32
    %add3A_451 = arith.constant 128 : i32
    %add3A_452 = arith.addi %mul3A_450, %add3A_451 : i32
    "tpu.region"() ({
      %run_scoped3A = tpu.sem_alloc : memref<!tpu.dma_semaphore, #tpu.memory_space<semaphore_mem>>
      %dma_start3A_477 = arith.constant 0 : i32
      %dma_start3A_478 = tpu.memref_slice %arg22[%add3A_452, %dma_start3A_477] : memref<10240x96xf32, #tpu.memory_space<vmem_shared>> -> memref<128x96xf32, #tpu.memory_space<vmem_shared>>
      %dma_start3A_479 = arith.constant 0 : i32
      %dma_start3A_480 = tpu.memref_slice %arg22[%add3A_452, %dma_start3A_479] : memref<10240x96xf32, #tpu.memory_space<vmem_shared>> -> memref<128x96xf32, #tpu.memory_space<vmem_shared>>
      tpu.enqueue_dma source(%dma_start3A_480 : memref<128x96xf32, #tpu.memory_space<vmem_shared>>) target(%arg17 : memref<128x96xf32, #tpu.memory_space<vmem>>) target_semaphore(%run_scoped3A : memref<!tpu.dma_semaphore, #tpu.memory_space<semaphore_mem>>)
      %dma_wait3A_481 = arith.constant 0 : i32
      %dma_wait3A_482 = tpu.memref_slice %arg22[%add3A_452, %dma_wait3A_481] : memref<10240x96xf32, #tpu.memory_space<vmem_shared>> -> memref<128x96xf32, #tpu.memory_space<vmem_shared>>
      %dma_wait3A_483 = arith.constant 0 : i32
      %dma_wait3A_484 = tpu.memref_slice %arg22[%add3A_452, %dma_wait3A_483] : memref<10240x96xf32, #tpu.memory_space<vmem_shared>> -> memref<128x96xf32, #tpu.memory_space<vmem_shared>>
      tpu.wait_dma2 semaphore(%run_scoped3A : memref<!tpu.dma_semaphore, #tpu.memory_space<semaphore_mem>>) src(%dma_wait3A_484 : memref<128x96xf32, #tpu.memory_space<vmem_shared>>) dst(%arg17 : memref<128x96xf32, #tpu.memory_space<vmem>>)
      tpu.yield
    }) : () -> ()
    %mul3A_453 = arith.constant 10240 : i32
    %mul3A_454 = arith.muli %arg0, %mul3A_453 : i32
    %add3A_455 = arith.addi %mul3A_454, %add3A_452 : i32
    "tpu.region"() ({
      %run_scoped3A = tpu.sem_alloc : memref<!tpu.dma_semaphore, #tpu.memory_space<semaphore_mem>>
      %dma_start3A_477 = arith.constant 0 : i32
      %dma_start3A_478 = tpu.memref_slice %arg6[%add3A_455, %dma_start3A_477] : memref<20480x96xf32, #tpu.memory_space<hbm>> -> memref<128x96xf32, #tpu.memory_space<hbm>>
      %dma_start3A_479 = arith.constant 0 : i32
      %dma_start3A_480 = tpu.memref_slice %arg6[%add3A_455, %dma_start3A_479] : memref<20480x96xf32, #tpu.memory_space<hbm>> -> memref<128x96xf32, #tpu.memory_space<hbm>>
      tpu.enqueue_dma source(%arg17 : memref<128x96xf32, #tpu.memory_space<vmem>>) target(%dma_start3A_480 : memref<128x96xf32, #tpu.memory_space<hbm>>) target_semaphore(%run_scoped3A : memref<!tpu.dma_semaphore, #tpu.memory_space<semaphore_mem>>)
      %dma_wait3A_481 = arith.constant 0 : i32
      %dma_wait3A_482 = tpu.memref_slice %arg6[%add3A_455, %dma_wait3A_481] : memref<20480x96xf32, #tpu.memory_space<hbm>> -> memref<128x96xf32, #tpu.memory_space<hbm>>
      %dma_wait3A_483 = arith.constant 0 : i32
      %dma_wait3A_484 = tpu.memref_slice %arg6[%add3A_455, %dma_wait3A_483] : memref<20480x96xf32, #tpu.memory_space<hbm>> -> memref<128x96xf32, #tpu.memory_space<hbm>>
      tpu.wait_dma2 semaphore(%run_scoped3A : memref<!tpu.dma_semaphore, #tpu.memory_space<semaphore_mem>>) src(%arg17 : memref<128x96xf32, #tpu.memory_space<vmem>>) dst(%dma_wait3A_484 : memref<128x96xf32, #tpu.memory_space<hbm>>)
      tpu.yield
    }) : () -> ()
    %mul3A_456 = arith.constant 640 : i32
    %mul3A_457 = arith.muli %arg1, %mul3A_456 : i32
    %add3A_458 = arith.constant 256 : i32
    %add3A_459 = arith.addi %mul3A_457, %add3A_458 : i32
    "tpu.region"() ({
      %run_scoped3A = tpu.sem_alloc : memref<!tpu.dma_semaphore, #tpu.memory_space<semaphore_mem>>
      %dma_start3A_477 = arith.constant 0 : i32
      %dma_start3A_478 = tpu.memref_slice %arg22[%add3A_459, %dma_start3A_477] : memref<10240x96xf32, #tpu.memory_space<vmem_shared>> -> memref<128x96xf32, #tpu.memory_space<vmem_shared>>
      %dma_start3A_479 = arith.constant 0 : i32
      %dma_start3A_480 = tpu.memref_slice %arg22[%add3A_459, %dma_start3A_479] : memref<10240x96xf32, #tpu.memory_space<vmem_shared>> -> memref<128x96xf32, #tpu.memory_space<vmem_shared>>
      tpu.enqueue_dma source(%dma_start3A_480 : memref<128x96xf32, #tpu.memory_space<vmem_shared>>) target(%arg17 : memref<128x96xf32, #tpu.memory_space<vmem>>) target_semaphore(%run_scoped3A : memref<!tpu.dma_semaphore, #tpu.memory_space<semaphore_mem>>)
      %dma_wait3A_481 = arith.constant 0 : i32
      %dma_wait3A_482 = tpu.memref_slice %arg22[%add3A_459, %dma_wait3A_481] : memref<10240x96xf32, #tpu.memory_space<vmem_shared>> -> memref<128x96xf32, #tpu.memory_space<vmem_shared>>
      %dma_wait3A_483 = arith.constant 0 : i32
      %dma_wait3A_484 = tpu.memref_slice %arg22[%add3A_459, %dma_wait3A_483] : memref<10240x96xf32, #tpu.memory_space<vmem_shared>> -> memref<128x96xf32, #tpu.memory_space<vmem_shared>>
      tpu.wait_dma2 semaphore(%run_scoped3A : memref<!tpu.dma_semaphore, #tpu.memory_space<semaphore_mem>>) src(%dma_wait3A_484 : memref<128x96xf32, #tpu.memory_space<vmem_shared>>) dst(%arg17 : memref<128x96xf32, #tpu.memory_space<vmem>>)
      tpu.yield
    }) : () -> ()
    %mul3A_460 = arith.constant 10240 : i32
    %mul3A_461 = arith.muli %arg0, %mul3A_460 : i32
    %add3A_462 = arith.addi %mul3A_461, %add3A_459 : i32
    "tpu.region"() ({
      %run_scoped3A = tpu.sem_alloc : memref<!tpu.dma_semaphore, #tpu.memory_space<semaphore_mem>>
      %dma_start3A_477 = arith.constant 0 : i32
      %dma_start3A_478 = tpu.memref_slice %arg6[%add3A_462, %dma_start3A_477] : memref<20480x96xf32, #tpu.memory_space<hbm>> -> memref<128x96xf32, #tpu.memory_space<hbm>>
      %dma_start3A_479 = arith.constant 0 : i32
      %dma_start3A_480 = tpu.memref_slice %arg6[%add3A_462, %dma_start3A_479] : memref<20480x96xf32, #tpu.memory_space<hbm>> -> memref<128x96xf32, #tpu.memory_space<hbm>>
      tpu.enqueue_dma source(%arg17 : memref<128x96xf32, #tpu.memory_space<vmem>>) target(%dma_start3A_480 : memref<128x96xf32, #tpu.memory_space<hbm>>) target_semaphore(%run_scoped3A : memref<!tpu.dma_semaphore, #tpu.memory_space<semaphore_mem>>)
      %dma_wait3A_481 = arith.constant 0 : i32
      %dma_wait3A_482 = tpu.memref_slice %arg6[%add3A_462, %dma_wait3A_481] : memref<20480x96xf32, #tpu.memory_space<hbm>> -> memref<128x96xf32, #tpu.memory_space<hbm>>
      %dma_wait3A_483 = arith.constant 0 : i32
      %dma_wait3A_484 = tpu.memref_slice %arg6[%add3A_462, %dma_wait3A_483] : memref<20480x96xf32, #tpu.memory_space<hbm>> -> memref<128x96xf32, #tpu.memory_space<hbm>>
      tpu.wait_dma2 semaphore(%run_scoped3A : memref<!tpu.dma_semaphore, #tpu.memory_space<semaphore_mem>>) src(%arg17 : memref<128x96xf32, #tpu.memory_space<vmem>>) dst(%dma_wait3A_484 : memref<128x96xf32, #tpu.memory_space<hbm>>)
      tpu.yield
    }) : () -> ()
    %mul3A_463 = arith.constant 640 : i32
    %mul3A_464 = arith.muli %arg1, %mul3A_463 : i32
    %add3A_465 = arith.constant 384 : i32
    %add3A_466 = arith.addi %mul3A_464, %add3A_465 : i32
    "tpu.region"() ({
      %run_scoped3A = tpu.sem_alloc : memref<!tpu.dma_semaphore, #tpu.memory_space<semaphore_mem>>
      %dma_start3A_477 = arith.constant 0 : i32
      %dma_start3A_478 = tpu.memref_slice %arg22[%add3A_466, %dma_start3A_477] : memref<10240x96xf32, #tpu.memory_space<vmem_shared>> -> memref<128x96xf32, #tpu.memory_space<vmem_shared>>
      %dma_start3A_479 = arith.constant 0 : i32
      %dma_start3A_480 = tpu.memref_slice %arg22[%add3A_466, %dma_start3A_479] : memref<10240x96xf32, #tpu.memory_space<vmem_shared>> -> memref<128x96xf32, #tpu.memory_space<vmem_shared>>
      tpu.enqueue_dma source(%dma_start3A_480 : memref<128x96xf32, #tpu.memory_space<vmem_shared>>) target(%arg17 : memref<128x96xf32, #tpu.memory_space<vmem>>) target_semaphore(%run_scoped3A : memref<!tpu.dma_semaphore, #tpu.memory_space<semaphore_mem>>)
      %dma_wait3A_481 = arith.constant 0 : i32
      %dma_wait3A_482 = tpu.memref_slice %arg22[%add3A_466, %dma_wait3A_481] : memref<10240x96xf32, #tpu.memory_space<vmem_shared>> -> memref<128x96xf32, #tpu.memory_space<vmem_shared>>
      %dma_wait3A_483 = arith.constant 0 : i32
      %dma_wait3A_484 = tpu.memref_slice %arg22[%add3A_466, %dma_wait3A_483] : memref<10240x96xf32, #tpu.memory_space<vmem_shared>> -> memref<128x96xf32, #tpu.memory_space<vmem_shared>>
      tpu.wait_dma2 semaphore(%run_scoped3A : memref<!tpu.dma_semaphore, #tpu.memory_space<semaphore_mem>>) src(%dma_wait3A_484 : memref<128x96xf32, #tpu.memory_space<vmem_shared>>) dst(%arg17 : memref<128x96xf32, #tpu.memory_space<vmem>>)
      tpu.yield
    }) : () -> ()
    %mul3A_467 = arith.constant 10240 : i32
    %mul3A_468 = arith.muli %arg0, %mul3A_467 : i32
    %add3A_469 = arith.addi %mul3A_468, %add3A_466 : i32
    "tpu.region"() ({
      %run_scoped3A = tpu.sem_alloc : memref<!tpu.dma_semaphore, #tpu.memory_space<semaphore_mem>>
      %dma_start3A_477 = arith.constant 0 : i32
      %dma_start3A_478 = tpu.memref_slice %arg6[%add3A_469, %dma_start3A_477] : memref<20480x96xf32, #tpu.memory_space<hbm>> -> memref<128x96xf32, #tpu.memory_space<hbm>>
      %dma_start3A_479 = arith.constant 0 : i32
      %dma_start3A_480 = tpu.memref_slice %arg6[%add3A_469, %dma_start3A_479] : memref<20480x96xf32, #tpu.memory_space<hbm>> -> memref<128x96xf32, #tpu.memory_space<hbm>>
      tpu.enqueue_dma source(%arg17 : memref<128x96xf32, #tpu.memory_space<vmem>>) target(%dma_start3A_480 : memref<128x96xf32, #tpu.memory_space<hbm>>) target_semaphore(%run_scoped3A : memref<!tpu.dma_semaphore, #tpu.memory_space<semaphore_mem>>)
      %dma_wait3A_481 = arith.constant 0 : i32
      %dma_wait3A_482 = tpu.memref_slice %arg6[%add3A_469, %dma_wait3A_481] : memref<20480x96xf32, #tpu.memory_space<hbm>> -> memref<128x96xf32, #tpu.memory_space<hbm>>
      %dma_wait3A_483 = arith.constant 0 : i32
      %dma_wait3A_484 = tpu.memref_slice %arg6[%add3A_469, %dma_wait3A_483] : memref<20480x96xf32, #tpu.memory_space<hbm>> -> memref<128x96xf32, #tpu.memory_space<hbm>>
      tpu.wait_dma2 semaphore(%run_scoped3A : memref<!tpu.dma_semaphore, #tpu.memory_space<semaphore_mem>>) src(%arg17 : memref<128x96xf32, #tpu.memory_space<vmem>>) dst(%dma_wait3A_484 : memref<128x96xf32, #tpu.memory_space<hbm>>)
      tpu.yield
    }) : () -> ()
    %mul3A_470 = arith.constant 640 : i32
    %mul3A_471 = arith.muli %arg1, %mul3A_470 : i32
    %add3A_472 = arith.constant 512 : i32
    %add3A_473 = arith.addi %mul3A_471, %add3A_472 : i32
    "tpu.region"() ({
      %run_scoped3A = tpu.sem_alloc : memref<!tpu.dma_semaphore, #tpu.memory_space<semaphore_mem>>
      %dma_start3A_477 = arith.constant 0 : i32
      %dma_start3A_478 = tpu.memref_slice %arg22[%add3A_473, %dma_start3A_477] : memref<10240x96xf32, #tpu.memory_space<vmem_shared>> -> memref<128x96xf32, #tpu.memory_space<vmem_shared>>
      %dma_start3A_479 = arith.constant 0 : i32
      %dma_start3A_480 = tpu.memref_slice %arg22[%add3A_473, %dma_start3A_479] : memref<10240x96xf32, #tpu.memory_space<vmem_shared>> -> memref<128x96xf32, #tpu.memory_space<vmem_shared>>
      tpu.enqueue_dma source(%dma_start3A_480 : memref<128x96xf32, #tpu.memory_space<vmem_shared>>) target(%arg17 : memref<128x96xf32, #tpu.memory_space<vmem>>) target_semaphore(%run_scoped3A : memref<!tpu.dma_semaphore, #tpu.memory_space<semaphore_mem>>)
      %dma_wait3A_481 = arith.constant 0 : i32
      %dma_wait3A_482 = tpu.memref_slice %arg22[%add3A_473, %dma_wait3A_481] : memref<10240x96xf32, #tpu.memory_space<vmem_shared>> -> memref<128x96xf32, #tpu.memory_space<vmem_shared>>
      %dma_wait3A_483 = arith.constant 0 : i32
      %dma_wait3A_484 = tpu.memref_slice %arg22[%add3A_473, %dma_wait3A_483] : memref<10240x96xf32, #tpu.memory_space<vmem_shared>> -> memref<128x96xf32, #tpu.memory_space<vmem_shared>>
      tpu.wait_dma2 semaphore(%run_scoped3A : memref<!tpu.dma_semaphore, #tpu.memory_space<semaphore_mem>>) src(%dma_wait3A_484 : memref<128x96xf32, #tpu.memory_space<vmem_shared>>) dst(%arg17 : memref<128x96xf32, #tpu.memory_space<vmem>>)
      tpu.yield
    }) : () -> ()
    %mul3A_474 = arith.constant 10240 : i32
    %mul3A_475 = arith.muli %arg0, %mul3A_474 : i32
    %add3A_476 = arith.addi %mul3A_475, %add3A_473 : i32
    "tpu.region"() ({
      %run_scoped3A = tpu.sem_alloc : memref<!tpu.dma_semaphore, #tpu.memory_space<semaphore_mem>>
      %dma_start3A_477 = arith.constant 0 : i32
      %dma_start3A_478 = tpu.memref_slice %arg6[%add3A_476, %dma_start3A_477] : memref<20480x96xf32, #tpu.memory_space<hbm>> -> memref<128x96xf32, #tpu.memory_space<hbm>>
      %dma_start3A_479 = arith.constant 0 : i32
      %dma_start3A_480 = tpu.memref_slice %arg6[%add3A_476, %dma_start3A_479] : memref<20480x96xf32, #tpu.memory_space<hbm>> -> memref<128x96xf32, #tpu.memory_space<hbm>>
      tpu.enqueue_dma source(%arg17 : memref<128x96xf32, #tpu.memory_space<vmem>>) target(%dma_start3A_480 : memref<128x96xf32, #tpu.memory_space<hbm>>) target_semaphore(%run_scoped3A : memref<!tpu.dma_semaphore, #tpu.memory_space<semaphore_mem>>)
      %dma_wait3A_481 = arith.constant 0 : i32
      %dma_wait3A_482 = tpu.memref_slice %arg6[%add3A_476, %dma_wait3A_481] : memref<20480x96xf32, #tpu.memory_space<hbm>> -> memref<128x96xf32, #tpu.memory_space<hbm>>
      %dma_wait3A_483 = arith.constant 0 : i32
      %dma_wait3A_484 = tpu.memref_slice %arg6[%add3A_476, %dma_wait3A_483] : memref<20480x96xf32, #tpu.memory_space<hbm>> -> memref<128x96xf32, #tpu.memory_space<hbm>>
      tpu.wait_dma2 semaphore(%run_scoped3A : memref<!tpu.dma_semaphore, #tpu.memory_space<semaphore_mem>>) src(%arg17 : memref<128x96xf32, #tpu.memory_space<vmem>>) dst(%dma_wait3A_484 : memref<128x96xf32, #tpu.memory_space<hbm>>)
      tpu.yield
    }) : () -> ()
    return
  }
}

#map = affine_map<(d0, d1) -> (0)>
#map1 = affine_map<(d0, d1) -> (0, 0)>
module attributes {stable_mosaic.version = 14 : i64} {
  func.func @cnt_kernel(%arg0: i32, %arg1: i32, %arg2: memref<327680xi32, #tpu.memory_space<hbm>>, %arg3: memref<128x16xf32, #tpu.memory_space<hbm>>, %arg4: memref<128x16xf32, #tpu.memory_space<hbm>>, %arg5: memref<20480x16xf32, #tpu.memory_space<hbm>>, %arg6: memref<128xi32, #tpu.memory_space<vmem>>, %arg7: memref<128x16xf32, #tpu.memory_space<vmem>>, %arg8: memref<128x16xf32, #tpu.memory_space<vmem>>, %arg9: memref<10240x16xf32, #tpu.memory_space<vmem_shared>>) attributes {dimension_semantics = [#tpu.dimension_semantics<core_parallel>, #tpu.dimension_semantics<subcore_parallel>], iteration_bounds = array<i64: 2, 16>, scalar_prefetch = 0 : i64, scratch_operands = 4 : i64, tpu.core_type = #tpu.core_type<sc_vector_subcore>, window_params = [{transform_indices = #map}, {transform_indices = #map1}, {transform_indices = #map1}, {transform_indices = #map1}]} {
    %mul3A = arith.constant 16 : i32
    %mul3A_0 = arith.muli %arg0, %mul3A : i32
    %add3A = arith.addi %mul3A_0, %arg1 : i32
    "tpu.region"() ({
      %run_scoped3A = tpu.sem_alloc : memref<!tpu.dma_semaphore, #tpu.memory_space<semaphore_mem>>
      tpu.enqueue_dma source(%arg4 : memref<128x16xf32, #tpu.memory_space<hbm>>) target(%arg8 : memref<128x16xf32, #tpu.memory_space<vmem>>) target_semaphore(%run_scoped3A : memref<!tpu.dma_semaphore, #tpu.memory_space<semaphore_mem>>)
      tpu.wait_dma2 semaphore(%run_scoped3A : memref<!tpu.dma_semaphore, #tpu.memory_space<semaphore_mem>>) src(%arg4 : memref<128x16xf32, #tpu.memory_space<hbm>>) dst(%arg8 : memref<128x16xf32, #tpu.memory_space<vmem>>)
      tpu.yield
    }) : () -> ()
    %mul3A_1 = arith.constant 640 : i32
    %mul3A_2 = arith.muli %arg1, %mul3A_1 : i32
    %add3A_3 = arith.constant 0 : i32
    %add3A_4 = arith.addi %mul3A_2, %add3A_3 : i32
    "tpu.region"() ({
      %run_scoped3A = tpu.sem_alloc : memref<!tpu.dma_semaphore, #tpu.memory_space<semaphore_mem>>
      %dma_start3A = arith.constant 0 : i32
      %dma_start3A_62 = tpu.memref_slice %arg9[%add3A_4, %dma_start3A] : memref<10240x16xf32, #tpu.memory_space<vmem_shared>> -> memref<128x16xf32, #tpu.memory_space<vmem_shared>>
      %dma_start3A_63 = arith.constant 0 : i32
      %dma_start3A_64 = tpu.memref_slice %arg9[%add3A_4, %dma_start3A_63] : memref<10240x16xf32, #tpu.memory_space<vmem_shared>> -> memref<128x16xf32, #tpu.memory_space<vmem_shared>>
      tpu.enqueue_dma source(%arg8 : memref<128x16xf32, #tpu.memory_space<vmem>>) target(%dma_start3A_64 : memref<128x16xf32, #tpu.memory_space<vmem_shared>>) target_semaphore(%run_scoped3A : memref<!tpu.dma_semaphore, #tpu.memory_space<semaphore_mem>>)
      %dma_wait3A = arith.constant 0 : i32
      %dma_wait3A_65 = tpu.memref_slice %arg9[%add3A_4, %dma_wait3A] : memref<10240x16xf32, #tpu.memory_space<vmem_shared>> -> memref<128x16xf32, #tpu.memory_space<vmem_shared>>
      %dma_wait3A_66 = arith.constant 0 : i32
      %dma_wait3A_67 = tpu.memref_slice %arg9[%add3A_4, %dma_wait3A_66] : memref<10240x16xf32, #tpu.memory_space<vmem_shared>> -> memref<128x16xf32, #tpu.memory_space<vmem_shared>>
      tpu.wait_dma2 semaphore(%run_scoped3A : memref<!tpu.dma_semaphore, #tpu.memory_space<semaphore_mem>>) src(%arg8 : memref<128x16xf32, #tpu.memory_space<vmem>>) dst(%dma_wait3A_67 : memref<128x16xf32, #tpu.memory_space<vmem_shared>>)
      tpu.yield
    }) : () -> ()
    %mul3A_5 = arith.constant 640 : i32
    %mul3A_6 = arith.muli %arg1, %mul3A_5 : i32
    %add3A_7 = arith.constant 128 : i32
    %add3A_8 = arith.addi %mul3A_6, %add3A_7 : i32
    "tpu.region"() ({
      %run_scoped3A = tpu.sem_alloc : memref<!tpu.dma_semaphore, #tpu.memory_space<semaphore_mem>>
      %dma_start3A = arith.constant 0 : i32
      %dma_start3A_62 = tpu.memref_slice %arg9[%add3A_8, %dma_start3A] : memref<10240x16xf32, #tpu.memory_space<vmem_shared>> -> memref<128x16xf32, #tpu.memory_space<vmem_shared>>
      %dma_start3A_63 = arith.constant 0 : i32
      %dma_start3A_64 = tpu.memref_slice %arg9[%add3A_8, %dma_start3A_63] : memref<10240x16xf32, #tpu.memory_space<vmem_shared>> -> memref<128x16xf32, #tpu.memory_space<vmem_shared>>
      tpu.enqueue_dma source(%arg8 : memref<128x16xf32, #tpu.memory_space<vmem>>) target(%dma_start3A_64 : memref<128x16xf32, #tpu.memory_space<vmem_shared>>) target_semaphore(%run_scoped3A : memref<!tpu.dma_semaphore, #tpu.memory_space<semaphore_mem>>)
      %dma_wait3A = arith.constant 0 : i32
      %dma_wait3A_65 = tpu.memref_slice %arg9[%add3A_8, %dma_wait3A] : memref<10240x16xf32, #tpu.memory_space<vmem_shared>> -> memref<128x16xf32, #tpu.memory_space<vmem_shared>>
      %dma_wait3A_66 = arith.constant 0 : i32
      %dma_wait3A_67 = tpu.memref_slice %arg9[%add3A_8, %dma_wait3A_66] : memref<10240x16xf32, #tpu.memory_space<vmem_shared>> -> memref<128x16xf32, #tpu.memory_space<vmem_shared>>
      tpu.wait_dma2 semaphore(%run_scoped3A : memref<!tpu.dma_semaphore, #tpu.memory_space<semaphore_mem>>) src(%arg8 : memref<128x16xf32, #tpu.memory_space<vmem>>) dst(%dma_wait3A_67 : memref<128x16xf32, #tpu.memory_space<vmem_shared>>)
      tpu.yield
    }) : () -> ()
    %mul3A_9 = arith.constant 640 : i32
    %mul3A_10 = arith.muli %arg1, %mul3A_9 : i32
    %add3A_11 = arith.constant 256 : i32
    %add3A_12 = arith.addi %mul3A_10, %add3A_11 : i32
    "tpu.region"() ({
      %run_scoped3A = tpu.sem_alloc : memref<!tpu.dma_semaphore, #tpu.memory_space<semaphore_mem>>
      %dma_start3A = arith.constant 0 : i32
      %dma_start3A_62 = tpu.memref_slice %arg9[%add3A_12, %dma_start3A] : memref<10240x16xf32, #tpu.memory_space<vmem_shared>> -> memref<128x16xf32, #tpu.memory_space<vmem_shared>>
      %dma_start3A_63 = arith.constant 0 : i32
      %dma_start3A_64 = tpu.memref_slice %arg9[%add3A_12, %dma_start3A_63] : memref<10240x16xf32, #tpu.memory_space<vmem_shared>> -> memref<128x16xf32, #tpu.memory_space<vmem_shared>>
      tpu.enqueue_dma source(%arg8 : memref<128x16xf32, #tpu.memory_space<vmem>>) target(%dma_start3A_64 : memref<128x16xf32, #tpu.memory_space<vmem_shared>>) target_semaphore(%run_scoped3A : memref<!tpu.dma_semaphore, #tpu.memory_space<semaphore_mem>>)
      %dma_wait3A = arith.constant 0 : i32
      %dma_wait3A_65 = tpu.memref_slice %arg9[%add3A_12, %dma_wait3A] : memref<10240x16xf32, #tpu.memory_space<vmem_shared>> -> memref<128x16xf32, #tpu.memory_space<vmem_shared>>
      %dma_wait3A_66 = arith.constant 0 : i32
      %dma_wait3A_67 = tpu.memref_slice %arg9[%add3A_12, %dma_wait3A_66] : memref<10240x16xf32, #tpu.memory_space<vmem_shared>> -> memref<128x16xf32, #tpu.memory_space<vmem_shared>>
      tpu.wait_dma2 semaphore(%run_scoped3A : memref<!tpu.dma_semaphore, #tpu.memory_space<semaphore_mem>>) src(%arg8 : memref<128x16xf32, #tpu.memory_space<vmem>>) dst(%dma_wait3A_67 : memref<128x16xf32, #tpu.memory_space<vmem_shared>>)
      tpu.yield
    }) : () -> ()
    %mul3A_13 = arith.constant 640 : i32
    %mul3A_14 = arith.muli %arg1, %mul3A_13 : i32
    %add3A_15 = arith.constant 384 : i32
    %add3A_16 = arith.addi %mul3A_14, %add3A_15 : i32
    "tpu.region"() ({
      %run_scoped3A = tpu.sem_alloc : memref<!tpu.dma_semaphore, #tpu.memory_space<semaphore_mem>>
      %dma_start3A = arith.constant 0 : i32
      %dma_start3A_62 = tpu.memref_slice %arg9[%add3A_16, %dma_start3A] : memref<10240x16xf32, #tpu.memory_space<vmem_shared>> -> memref<128x16xf32, #tpu.memory_space<vmem_shared>>
      %dma_start3A_63 = arith.constant 0 : i32
      %dma_start3A_64 = tpu.memref_slice %arg9[%add3A_16, %dma_start3A_63] : memref<10240x16xf32, #tpu.memory_space<vmem_shared>> -> memref<128x16xf32, #tpu.memory_space<vmem_shared>>
      tpu.enqueue_dma source(%arg8 : memref<128x16xf32, #tpu.memory_space<vmem>>) target(%dma_start3A_64 : memref<128x16xf32, #tpu.memory_space<vmem_shared>>) target_semaphore(%run_scoped3A : memref<!tpu.dma_semaphore, #tpu.memory_space<semaphore_mem>>)
      %dma_wait3A = arith.constant 0 : i32
      %dma_wait3A_65 = tpu.memref_slice %arg9[%add3A_16, %dma_wait3A] : memref<10240x16xf32, #tpu.memory_space<vmem_shared>> -> memref<128x16xf32, #tpu.memory_space<vmem_shared>>
      %dma_wait3A_66 = arith.constant 0 : i32
      %dma_wait3A_67 = tpu.memref_slice %arg9[%add3A_16, %dma_wait3A_66] : memref<10240x16xf32, #tpu.memory_space<vmem_shared>> -> memref<128x16xf32, #tpu.memory_space<vmem_shared>>
      tpu.wait_dma2 semaphore(%run_scoped3A : memref<!tpu.dma_semaphore, #tpu.memory_space<semaphore_mem>>) src(%arg8 : memref<128x16xf32, #tpu.memory_space<vmem>>) dst(%dma_wait3A_67 : memref<128x16xf32, #tpu.memory_space<vmem_shared>>)
      tpu.yield
    }) : () -> ()
    %mul3A_17 = arith.constant 640 : i32
    %mul3A_18 = arith.muli %arg1, %mul3A_17 : i32
    %add3A_19 = arith.constant 512 : i32
    %add3A_20 = arith.addi %mul3A_18, %add3A_19 : i32
    "tpu.region"() ({
      %run_scoped3A = tpu.sem_alloc : memref<!tpu.dma_semaphore, #tpu.memory_space<semaphore_mem>>
      %dma_start3A = arith.constant 0 : i32
      %dma_start3A_62 = tpu.memref_slice %arg9[%add3A_20, %dma_start3A] : memref<10240x16xf32, #tpu.memory_space<vmem_shared>> -> memref<128x16xf32, #tpu.memory_space<vmem_shared>>
      %dma_start3A_63 = arith.constant 0 : i32
      %dma_start3A_64 = tpu.memref_slice %arg9[%add3A_20, %dma_start3A_63] : memref<10240x16xf32, #tpu.memory_space<vmem_shared>> -> memref<128x16xf32, #tpu.memory_space<vmem_shared>>
      tpu.enqueue_dma source(%arg8 : memref<128x16xf32, #tpu.memory_space<vmem>>) target(%dma_start3A_64 : memref<128x16xf32, #tpu.memory_space<vmem_shared>>) target_semaphore(%run_scoped3A : memref<!tpu.dma_semaphore, #tpu.memory_space<semaphore_mem>>)
      %dma_wait3A = arith.constant 0 : i32
      %dma_wait3A_65 = tpu.memref_slice %arg9[%add3A_20, %dma_wait3A] : memref<10240x16xf32, #tpu.memory_space<vmem_shared>> -> memref<128x16xf32, #tpu.memory_space<vmem_shared>>
      %dma_wait3A_66 = arith.constant 0 : i32
      %dma_wait3A_67 = tpu.memref_slice %arg9[%add3A_20, %dma_wait3A_66] : memref<10240x16xf32, #tpu.memory_space<vmem_shared>> -> memref<128x16xf32, #tpu.memory_space<vmem_shared>>
      tpu.wait_dma2 semaphore(%run_scoped3A : memref<!tpu.dma_semaphore, #tpu.memory_space<semaphore_mem>>) src(%arg8 : memref<128x16xf32, #tpu.memory_space<vmem>>) dst(%dma_wait3A_67 : memref<128x16xf32, #tpu.memory_space<vmem_shared>>)
      tpu.yield
    }) : () -> ()
    "tpu.region"() ({
      %run_scoped3A = tpu.sem_alloc : memref<!tpu.dma_semaphore, #tpu.memory_space<semaphore_mem>>
      tpu.enqueue_dma source(%arg3 : memref<128x16xf32, #tpu.memory_space<hbm>>) target(%arg7 : memref<128x16xf32, #tpu.memory_space<vmem>>) target_semaphore(%run_scoped3A : memref<!tpu.dma_semaphore, #tpu.memory_space<semaphore_mem>>)
      tpu.wait_dma2 semaphore(%run_scoped3A : memref<!tpu.dma_semaphore, #tpu.memory_space<semaphore_mem>>) src(%arg3 : memref<128x16xf32, #tpu.memory_space<hbm>>) dst(%arg7 : memref<128x16xf32, #tpu.memory_space<vmem>>)
      tpu.yield
    }) : () -> ()
    %barrier3A = arith.constant 0 : index
    tpu.barrier barrier_id(%barrier3A)
    %scan3A = arith.constant 0 : i32
    %scan3A_21 = arith.constant 0 : i32
    %scan3A_22 = arith.constant 80 : i32
    %scan3A_23 = arith.addi %scan3A_21, %scan3A_22 : i32
    %scan3A_24 = arith.constant 1 : i32
    scf.for %scan3A_62 = %scan3A_21 to %scan3A_23 step %scan3A_24  : i32 {
      %mul3A_63 = arith.constant 10240 : i32
      %mul3A_64 = arith.muli %add3A, %mul3A_63 : i32
      %mul3A_65 = arith.constant 128 : i32
      %mul3A_66 = arith.muli %scan3A_62, %mul3A_65 : i32
      %add3A_67 = arith.addi %mul3A_64, %mul3A_66 : i32
      "tpu.region"() ({
        %run_scoped3A = tpu.sem_alloc : memref<!tpu.dma_semaphore, #tpu.memory_space<semaphore_mem>>
        %dma_start3A = tpu.memref_slice %arg2[%add3A_67] : memref<327680xi32, #tpu.memory_space<hbm>> -> memref<128xi32, #tpu.memory_space<hbm>>
        %dma_start3A_68 = tpu.memref_slice %arg2[%add3A_67] : memref<327680xi32, #tpu.memory_space<hbm>> -> memref<128xi32, #tpu.memory_space<hbm>>
        tpu.enqueue_dma source(%dma_start3A_68 : memref<128xi32, #tpu.memory_space<hbm>>) target(%arg6 : memref<128xi32, #tpu.memory_space<vmem>>) target_semaphore(%run_scoped3A : memref<!tpu.dma_semaphore, #tpu.memory_space<semaphore_mem>>)
        %dma_wait3A = tpu.memref_slice %arg2[%add3A_67] : memref<327680xi32, #tpu.memory_space<hbm>> -> memref<128xi32, #tpu.memory_space<hbm>>
        %dma_wait3A_69 = tpu.memref_slice %arg2[%add3A_67] : memref<327680xi32, #tpu.memory_space<hbm>> -> memref<128xi32, #tpu.memory_space<hbm>>
        tpu.wait_dma2 semaphore(%run_scoped3A : memref<!tpu.dma_semaphore, #tpu.memory_space<semaphore_mem>>) src(%dma_wait3A_69 : memref<128xi32, #tpu.memory_space<hbm>>) dst(%arg6 : memref<128xi32, #tpu.memory_space<vmem>>)
        tpu.yield
      }) : () -> ()
      "tpu.region"() ({
        %run_scoped3A = tpu.sem_alloc : memref<!tpu.dma_semaphore, #tpu.memory_space<semaphore_mem>>
        %dma_start3A = arith.constant 0 : i32
        %dma_start3A_68 = arith.constant 0 : i32
        %dma_start3A_69 = tpu.memref_slice %arg9[%dma_start3A, %dma_start3A_68] : memref<10240x16xf32, #tpu.memory_space<vmem_shared>> -> memref<10240x16xf32, #tpu.memory_space<vmem_shared>>
        tpu.enqueue_indirect_dma source(%arg7 : memref<128x16xf32, #tpu.memory_space<vmem>>) target(%dma_start3A_69 : memref<10240x16xf32, #tpu.memory_space<vmem_shared>>) offsets(%arg6 : memref<128xi32, #tpu.memory_space<vmem>>) semaphore(%run_scoped3A : memref<!tpu.dma_semaphore, #tpu.memory_space<semaphore_mem>>) {add = true}
        %dma_wait3A = arith.constant 0 : i32
        %dma_wait3A_70 = arith.constant 0 : i32
        %dma_wait3A_71 = tpu.memref_slice %arg9[%dma_wait3A, %dma_wait3A_70] : memref<10240x16xf32, #tpu.memory_space<vmem_shared>> -> memref<10240x16xf32, #tpu.memory_space<vmem_shared>>
        tpu.wait_indirect_dma semaphore(%run_scoped3A : memref<!tpu.dma_semaphore, #tpu.memory_space<semaphore_mem>>) src(%arg7 : memref<128x16xf32, #tpu.memory_space<vmem>>) dst(%dma_wait3A_71 : memref<10240x16xf32, #tpu.memory_space<vmem_shared>>)
        tpu.yield
      }) : () -> ()
    }
    %scan3A_25 = arith.constant 80 : i32
    %barrier3A_26 = arith.constant 0 : index
    tpu.barrier barrier_id(%barrier3A_26)
    %mul3A_27 = arith.constant 640 : i32
    %mul3A_28 = arith.muli %arg1, %mul3A_27 : i32
    %add3A_29 = arith.constant 0 : i32
    %add3A_30 = arith.addi %mul3A_28, %add3A_29 : i32
    "tpu.region"() ({
      %run_scoped3A = tpu.sem_alloc : memref<!tpu.dma_semaphore, #tpu.memory_space<semaphore_mem>>
      %dma_start3A = arith.constant 0 : i32
      %dma_start3A_62 = tpu.memref_slice %arg9[%add3A_30, %dma_start3A] : memref<10240x16xf32, #tpu.memory_space<vmem_shared>> -> memref<128x16xf32, #tpu.memory_space<vmem_shared>>
      %dma_start3A_63 = arith.constant 0 : i32
      %dma_start3A_64 = tpu.memref_slice %arg9[%add3A_30, %dma_start3A_63] : memref<10240x16xf32, #tpu.memory_space<vmem_shared>> -> memref<128x16xf32, #tpu.memory_space<vmem_shared>>
      tpu.enqueue_dma source(%dma_start3A_64 : memref<128x16xf32, #tpu.memory_space<vmem_shared>>) target(%arg8 : memref<128x16xf32, #tpu.memory_space<vmem>>) target_semaphore(%run_scoped3A : memref<!tpu.dma_semaphore, #tpu.memory_space<semaphore_mem>>)
      %dma_wait3A = arith.constant 0 : i32
      %dma_wait3A_65 = tpu.memref_slice %arg9[%add3A_30, %dma_wait3A] : memref<10240x16xf32, #tpu.memory_space<vmem_shared>> -> memref<128x16xf32, #tpu.memory_space<vmem_shared>>
      %dma_wait3A_66 = arith.constant 0 : i32
      %dma_wait3A_67 = tpu.memref_slice %arg9[%add3A_30, %dma_wait3A_66] : memref<10240x16xf32, #tpu.memory_space<vmem_shared>> -> memref<128x16xf32, #tpu.memory_space<vmem_shared>>
      tpu.wait_dma2 semaphore(%run_scoped3A : memref<!tpu.dma_semaphore, #tpu.memory_space<semaphore_mem>>) src(%dma_wait3A_67 : memref<128x16xf32, #tpu.memory_space<vmem_shared>>) dst(%arg8 : memref<128x16xf32, #tpu.memory_space<vmem>>)
      tpu.yield
    }) : () -> ()
    %mul3A_31 = arith.constant 10240 : i32
    %mul3A_32 = arith.muli %arg0, %mul3A_31 : i32
    %add3A_33 = arith.addi %mul3A_32, %add3A_30 : i32
    "tpu.region"() ({
      %run_scoped3A = tpu.sem_alloc : memref<!tpu.dma_semaphore, #tpu.memory_space<semaphore_mem>>
      %dma_start3A = arith.constant 0 : i32
      %dma_start3A_62 = tpu.memref_slice %arg5[%add3A_33, %dma_start3A] : memref<20480x16xf32, #tpu.memory_space<hbm>> -> memref<128x16xf32, #tpu.memory_space<hbm>>
      %dma_start3A_63 = arith.constant 0 : i32
      %dma_start3A_64 = tpu.memref_slice %arg5[%add3A_33, %dma_start3A_63] : memref<20480x16xf32, #tpu.memory_space<hbm>> -> memref<128x16xf32, #tpu.memory_space<hbm>>
      tpu.enqueue_dma source(%arg8 : memref<128x16xf32, #tpu.memory_space<vmem>>) target(%dma_start3A_64 : memref<128x16xf32, #tpu.memory_space<hbm>>) target_semaphore(%run_scoped3A : memref<!tpu.dma_semaphore, #tpu.memory_space<semaphore_mem>>)
      %dma_wait3A = arith.constant 0 : i32
      %dma_wait3A_65 = tpu.memref_slice %arg5[%add3A_33, %dma_wait3A] : memref<20480x16xf32, #tpu.memory_space<hbm>> -> memref<128x16xf32, #tpu.memory_space<hbm>>
      %dma_wait3A_66 = arith.constant 0 : i32
      %dma_wait3A_67 = tpu.memref_slice %arg5[%add3A_33, %dma_wait3A_66] : memref<20480x16xf32, #tpu.memory_space<hbm>> -> memref<128x16xf32, #tpu.memory_space<hbm>>
      tpu.wait_dma2 semaphore(%run_scoped3A : memref<!tpu.dma_semaphore, #tpu.memory_space<semaphore_mem>>) src(%arg8 : memref<128x16xf32, #tpu.memory_space<vmem>>) dst(%dma_wait3A_67 : memref<128x16xf32, #tpu.memory_space<hbm>>)
      tpu.yield
    }) : () -> ()
    %mul3A_34 = arith.constant 640 : i32
    %mul3A_35 = arith.muli %arg1, %mul3A_34 : i32
    %add3A_36 = arith.constant 128 : i32
    %add3A_37 = arith.addi %mul3A_35, %add3A_36 : i32
    "tpu.region"() ({
      %run_scoped3A = tpu.sem_alloc : memref<!tpu.dma_semaphore, #tpu.memory_space<semaphore_mem>>
      %dma_start3A = arith.constant 0 : i32
      %dma_start3A_62 = tpu.memref_slice %arg9[%add3A_37, %dma_start3A] : memref<10240x16xf32, #tpu.memory_space<vmem_shared>> -> memref<128x16xf32, #tpu.memory_space<vmem_shared>>
      %dma_start3A_63 = arith.constant 0 : i32
      %dma_start3A_64 = tpu.memref_slice %arg9[%add3A_37, %dma_start3A_63] : memref<10240x16xf32, #tpu.memory_space<vmem_shared>> -> memref<128x16xf32, #tpu.memory_space<vmem_shared>>
      tpu.enqueue_dma source(%dma_start3A_64 : memref<128x16xf32, #tpu.memory_space<vmem_shared>>) target(%arg8 : memref<128x16xf32, #tpu.memory_space<vmem>>) target_semaphore(%run_scoped3A : memref<!tpu.dma_semaphore, #tpu.memory_space<semaphore_mem>>)
      %dma_wait3A = arith.constant 0 : i32
      %dma_wait3A_65 = tpu.memref_slice %arg9[%add3A_37, %dma_wait3A] : memref<10240x16xf32, #tpu.memory_space<vmem_shared>> -> memref<128x16xf32, #tpu.memory_space<vmem_shared>>
      %dma_wait3A_66 = arith.constant 0 : i32
      %dma_wait3A_67 = tpu.memref_slice %arg9[%add3A_37, %dma_wait3A_66] : memref<10240x16xf32, #tpu.memory_space<vmem_shared>> -> memref<128x16xf32, #tpu.memory_space<vmem_shared>>
      tpu.wait_dma2 semaphore(%run_scoped3A : memref<!tpu.dma_semaphore, #tpu.memory_space<semaphore_mem>>) src(%dma_wait3A_67 : memref<128x16xf32, #tpu.memory_space<vmem_shared>>) dst(%arg8 : memref<128x16xf32, #tpu.memory_space<vmem>>)
      tpu.yield
    }) : () -> ()
    %mul3A_38 = arith.constant 10240 : i32
    %mul3A_39 = arith.muli %arg0, %mul3A_38 : i32
    %add3A_40 = arith.addi %mul3A_39, %add3A_37 : i32
    "tpu.region"() ({
      %run_scoped3A = tpu.sem_alloc : memref<!tpu.dma_semaphore, #tpu.memory_space<semaphore_mem>>
      %dma_start3A = arith.constant 0 : i32
      %dma_start3A_62 = tpu.memref_slice %arg5[%add3A_40, %dma_start3A] : memref<20480x16xf32, #tpu.memory_space<hbm>> -> memref<128x16xf32, #tpu.memory_space<hbm>>
      %dma_start3A_63 = arith.constant 0 : i32
      %dma_start3A_64 = tpu.memref_slice %arg5[%add3A_40, %dma_start3A_63] : memref<20480x16xf32, #tpu.memory_space<hbm>> -> memref<128x16xf32, #tpu.memory_space<hbm>>
      tpu.enqueue_dma source(%arg8 : memref<128x16xf32, #tpu.memory_space<vmem>>) target(%dma_start3A_64 : memref<128x16xf32, #tpu.memory_space<hbm>>) target_semaphore(%run_scoped3A : memref<!tpu.dma_semaphore, #tpu.memory_space<semaphore_mem>>)
      %dma_wait3A = arith.constant 0 : i32
      %dma_wait3A_65 = tpu.memref_slice %arg5[%add3A_40, %dma_wait3A] : memref<20480x16xf32, #tpu.memory_space<hbm>> -> memref<128x16xf32, #tpu.memory_space<hbm>>
      %dma_wait3A_66 = arith.constant 0 : i32
      %dma_wait3A_67 = tpu.memref_slice %arg5[%add3A_40, %dma_wait3A_66] : memref<20480x16xf32, #tpu.memory_space<hbm>> -> memref<128x16xf32, #tpu.memory_space<hbm>>
      tpu.wait_dma2 semaphore(%run_scoped3A : memref<!tpu.dma_semaphore, #tpu.memory_space<semaphore_mem>>) src(%arg8 : memref<128x16xf32, #tpu.memory_space<vmem>>) dst(%dma_wait3A_67 : memref<128x16xf32, #tpu.memory_space<hbm>>)
      tpu.yield
    }) : () -> ()
    %mul3A_41 = arith.constant 640 : i32
    %mul3A_42 = arith.muli %arg1, %mul3A_41 : i32
    %add3A_43 = arith.constant 256 : i32
    %add3A_44 = arith.addi %mul3A_42, %add3A_43 : i32
    "tpu.region"() ({
      %run_scoped3A = tpu.sem_alloc : memref<!tpu.dma_semaphore, #tpu.memory_space<semaphore_mem>>
      %dma_start3A = arith.constant 0 : i32
      %dma_start3A_62 = tpu.memref_slice %arg9[%add3A_44, %dma_start3A] : memref<10240x16xf32, #tpu.memory_space<vmem_shared>> -> memref<128x16xf32, #tpu.memory_space<vmem_shared>>
      %dma_start3A_63 = arith.constant 0 : i32
      %dma_start3A_64 = tpu.memref_slice %arg9[%add3A_44, %dma_start3A_63] : memref<10240x16xf32, #tpu.memory_space<vmem_shared>> -> memref<128x16xf32, #tpu.memory_space<vmem_shared>>
      tpu.enqueue_dma source(%dma_start3A_64 : memref<128x16xf32, #tpu.memory_space<vmem_shared>>) target(%arg8 : memref<128x16xf32, #tpu.memory_space<vmem>>) target_semaphore(%run_scoped3A : memref<!tpu.dma_semaphore, #tpu.memory_space<semaphore_mem>>)
      %dma_wait3A = arith.constant 0 : i32
      %dma_wait3A_65 = tpu.memref_slice %arg9[%add3A_44, %dma_wait3A] : memref<10240x16xf32, #tpu.memory_space<vmem_shared>> -> memref<128x16xf32, #tpu.memory_space<vmem_shared>>
      %dma_wait3A_66 = arith.constant 0 : i32
      %dma_wait3A_67 = tpu.memref_slice %arg9[%add3A_44, %dma_wait3A_66] : memref<10240x16xf32, #tpu.memory_space<vmem_shared>> -> memref<128x16xf32, #tpu.memory_space<vmem_shared>>
      tpu.wait_dma2 semaphore(%run_scoped3A : memref<!tpu.dma_semaphore, #tpu.memory_space<semaphore_mem>>) src(%dma_wait3A_67 : memref<128x16xf32, #tpu.memory_space<vmem_shared>>) dst(%arg8 : memref<128x16xf32, #tpu.memory_space<vmem>>)
      tpu.yield
    }) : () -> ()
    %mul3A_45 = arith.constant 10240 : i32
    %mul3A_46 = arith.muli %arg0, %mul3A_45 : i32
    %add3A_47 = arith.addi %mul3A_46, %add3A_44 : i32
    "tpu.region"() ({
      %run_scoped3A = tpu.sem_alloc : memref<!tpu.dma_semaphore, #tpu.memory_space<semaphore_mem>>
      %dma_start3A = arith.constant 0 : i32
      %dma_start3A_62 = tpu.memref_slice %arg5[%add3A_47, %dma_start3A] : memref<20480x16xf32, #tpu.memory_space<hbm>> -> memref<128x16xf32, #tpu.memory_space<hbm>>
      %dma_start3A_63 = arith.constant 0 : i32
      %dma_start3A_64 = tpu.memref_slice %arg5[%add3A_47, %dma_start3A_63] : memref<20480x16xf32, #tpu.memory_space<hbm>> -> memref<128x16xf32, #tpu.memory_space<hbm>>
      tpu.enqueue_dma source(%arg8 : memref<128x16xf32, #tpu.memory_space<vmem>>) target(%dma_start3A_64 : memref<128x16xf32, #tpu.memory_space<hbm>>) target_semaphore(%run_scoped3A : memref<!tpu.dma_semaphore, #tpu.memory_space<semaphore_mem>>)
      %dma_wait3A = arith.constant 0 : i32
      %dma_wait3A_65 = tpu.memref_slice %arg5[%add3A_47, %dma_wait3A] : memref<20480x16xf32, #tpu.memory_space<hbm>> -> memref<128x16xf32, #tpu.memory_space<hbm>>
      %dma_wait3A_66 = arith.constant 0 : i32
      %dma_wait3A_67 = tpu.memref_slice %arg5[%add3A_47, %dma_wait3A_66] : memref<20480x16xf32, #tpu.memory_space<hbm>> -> memref<128x16xf32, #tpu.memory_space<hbm>>
      tpu.wait_dma2 semaphore(%run_scoped3A : memref<!tpu.dma_semaphore, #tpu.memory_space<semaphore_mem>>) src(%arg8 : memref<128x16xf32, #tpu.memory_space<vmem>>) dst(%dma_wait3A_67 : memref<128x16xf32, #tpu.memory_space<hbm>>)
      tpu.yield
    }) : () -> ()
    %mul3A_48 = arith.constant 640 : i32
    %mul3A_49 = arith.muli %arg1, %mul3A_48 : i32
    %add3A_50 = arith.constant 384 : i32
    %add3A_51 = arith.addi %mul3A_49, %add3A_50 : i32
    "tpu.region"() ({
      %run_scoped3A = tpu.sem_alloc : memref<!tpu.dma_semaphore, #tpu.memory_space<semaphore_mem>>
      %dma_start3A = arith.constant 0 : i32
      %dma_start3A_62 = tpu.memref_slice %arg9[%add3A_51, %dma_start3A] : memref<10240x16xf32, #tpu.memory_space<vmem_shared>> -> memref<128x16xf32, #tpu.memory_space<vmem_shared>>
      %dma_start3A_63 = arith.constant 0 : i32
      %dma_start3A_64 = tpu.memref_slice %arg9[%add3A_51, %dma_start3A_63] : memref<10240x16xf32, #tpu.memory_space<vmem_shared>> -> memref<128x16xf32, #tpu.memory_space<vmem_shared>>
      tpu.enqueue_dma source(%dma_start3A_64 : memref<128x16xf32, #tpu.memory_space<vmem_shared>>) target(%arg8 : memref<128x16xf32, #tpu.memory_space<vmem>>) target_semaphore(%run_scoped3A : memref<!tpu.dma_semaphore, #tpu.memory_space<semaphore_mem>>)
      %dma_wait3A = arith.constant 0 : i32
      %dma_wait3A_65 = tpu.memref_slice %arg9[%add3A_51, %dma_wait3A] : memref<10240x16xf32, #tpu.memory_space<vmem_shared>> -> memref<128x16xf32, #tpu.memory_space<vmem_shared>>
      %dma_wait3A_66 = arith.constant 0 : i32
      %dma_wait3A_67 = tpu.memref_slice %arg9[%add3A_51, %dma_wait3A_66] : memref<10240x16xf32, #tpu.memory_space<vmem_shared>> -> memref<128x16xf32, #tpu.memory_space<vmem_shared>>
      tpu.wait_dma2 semaphore(%run_scoped3A : memref<!tpu.dma_semaphore, #tpu.memory_space<semaphore_mem>>) src(%dma_wait3A_67 : memref<128x16xf32, #tpu.memory_space<vmem_shared>>) dst(%arg8 : memref<128x16xf32, #tpu.memory_space<vmem>>)
      tpu.yield
    }) : () -> ()
    %mul3A_52 = arith.constant 10240 : i32
    %mul3A_53 = arith.muli %arg0, %mul3A_52 : i32
    %add3A_54 = arith.addi %mul3A_53, %add3A_51 : i32
    "tpu.region"() ({
      %run_scoped3A = tpu.sem_alloc : memref<!tpu.dma_semaphore, #tpu.memory_space<semaphore_mem>>
      %dma_start3A = arith.constant 0 : i32
      %dma_start3A_62 = tpu.memref_slice %arg5[%add3A_54, %dma_start3A] : memref<20480x16xf32, #tpu.memory_space<hbm>> -> memref<128x16xf32, #tpu.memory_space<hbm>>
      %dma_start3A_63 = arith.constant 0 : i32
      %dma_start3A_64 = tpu.memref_slice %arg5[%add3A_54, %dma_start3A_63] : memref<20480x16xf32, #tpu.memory_space<hbm>> -> memref<128x16xf32, #tpu.memory_space<hbm>>
      tpu.enqueue_dma source(%arg8 : memref<128x16xf32, #tpu.memory_space<vmem>>) target(%dma_start3A_64 : memref<128x16xf32, #tpu.memory_space<hbm>>) target_semaphore(%run_scoped3A : memref<!tpu.dma_semaphore, #tpu.memory_space<semaphore_mem>>)
      %dma_wait3A = arith.constant 0 : i32
      %dma_wait3A_65 = tpu.memref_slice %arg5[%add3A_54, %dma_wait3A] : memref<20480x16xf32, #tpu.memory_space<hbm>> -> memref<128x16xf32, #tpu.memory_space<hbm>>
      %dma_wait3A_66 = arith.constant 0 : i32
      %dma_wait3A_67 = tpu.memref_slice %arg5[%add3A_54, %dma_wait3A_66] : memref<20480x16xf32, #tpu.memory_space<hbm>> -> memref<128x16xf32, #tpu.memory_space<hbm>>
      tpu.wait_dma2 semaphore(%run_scoped3A : memref<!tpu.dma_semaphore, #tpu.memory_space<semaphore_mem>>) src(%arg8 : memref<128x16xf32, #tpu.memory_space<vmem>>) dst(%dma_wait3A_67 : memref<128x16xf32, #tpu.memory_space<hbm>>)
      tpu.yield
    }) : () -> ()
    %mul3A_55 = arith.constant 640 : i32
    %mul3A_56 = arith.muli %arg1, %mul3A_55 : i32
    %add3A_57 = arith.constant 512 : i32
    %add3A_58 = arith.addi %mul3A_56, %add3A_57 : i32
    "tpu.region"() ({
      %run_scoped3A = tpu.sem_alloc : memref<!tpu.dma_semaphore, #tpu.memory_space<semaphore_mem>>
      %dma_start3A = arith.constant 0 : i32
      %dma_start3A_62 = tpu.memref_slice %arg9[%add3A_58, %dma_start3A] : memref<10240x16xf32, #tpu.memory_space<vmem_shared>> -> memref<128x16xf32, #tpu.memory_space<vmem_shared>>
      %dma_start3A_63 = arith.constant 0 : i32
      %dma_start3A_64 = tpu.memref_slice %arg9[%add3A_58, %dma_start3A_63] : memref<10240x16xf32, #tpu.memory_space<vmem_shared>> -> memref<128x16xf32, #tpu.memory_space<vmem_shared>>
      tpu.enqueue_dma source(%dma_start3A_64 : memref<128x16xf32, #tpu.memory_space<vmem_shared>>) target(%arg8 : memref<128x16xf32, #tpu.memory_space<vmem>>) target_semaphore(%run_scoped3A : memref<!tpu.dma_semaphore, #tpu.memory_space<semaphore_mem>>)
      %dma_wait3A = arith.constant 0 : i32
      %dma_wait3A_65 = tpu.memref_slice %arg9[%add3A_58, %dma_wait3A] : memref<10240x16xf32, #tpu.memory_space<vmem_shared>> -> memref<128x16xf32, #tpu.memory_space<vmem_shared>>
      %dma_wait3A_66 = arith.constant 0 : i32
      %dma_wait3A_67 = tpu.memref_slice %arg9[%add3A_58, %dma_wait3A_66] : memref<10240x16xf32, #tpu.memory_space<vmem_shared>> -> memref<128x16xf32, #tpu.memory_space<vmem_shared>>
      tpu.wait_dma2 semaphore(%run_scoped3A : memref<!tpu.dma_semaphore, #tpu.memory_space<semaphore_mem>>) src(%dma_wait3A_67 : memref<128x16xf32, #tpu.memory_space<vmem_shared>>) dst(%arg8 : memref<128x16xf32, #tpu.memory_space<vmem>>)
      tpu.yield
    }) : () -> ()
    %mul3A_59 = arith.constant 10240 : i32
    %mul3A_60 = arith.muli %arg0, %mul3A_59 : i32
    %add3A_61 = arith.addi %mul3A_60, %add3A_58 : i32
    "tpu.region"() ({
      %run_scoped3A = tpu.sem_alloc : memref<!tpu.dma_semaphore, #tpu.memory_space<semaphore_mem>>
      %dma_start3A = arith.constant 0 : i32
      %dma_start3A_62 = tpu.memref_slice %arg5[%add3A_61, %dma_start3A] : memref<20480x16xf32, #tpu.memory_space<hbm>> -> memref<128x16xf32, #tpu.memory_space<hbm>>
      %dma_start3A_63 = arith.constant 0 : i32
      %dma_start3A_64 = tpu.memref_slice %arg5[%add3A_61, %dma_start3A_63] : memref<20480x16xf32, #tpu.memory_space<hbm>> -> memref<128x16xf32, #tpu.memory_space<hbm>>
      tpu.enqueue_dma source(%arg8 : memref<128x16xf32, #tpu.memory_space<vmem>>) target(%dma_start3A_64 : memref<128x16xf32, #tpu.memory_space<hbm>>) target_semaphore(%run_scoped3A : memref<!tpu.dma_semaphore, #tpu.memory_space<semaphore_mem>>)
      %dma_wait3A = arith.constant 0 : i32
      %dma_wait3A_65 = tpu.memref_slice %arg5[%add3A_61, %dma_wait3A] : memref<20480x16xf32, #tpu.memory_space<hbm>> -> memref<128x16xf32, #tpu.memory_space<hbm>>
      %dma_wait3A_66 = arith.constant 0 : i32
      %dma_wait3A_67 = tpu.memref_slice %arg5[%add3A_61, %dma_wait3A_66] : memref<20480x16xf32, #tpu.memory_space<hbm>> -> memref<128x16xf32, #tpu.memory_space<hbm>>
      tpu.wait_dma2 semaphore(%run_scoped3A : memref<!tpu.dma_semaphore, #tpu.memory_space<semaphore_mem>>) src(%arg8 : memref<128x16xf32, #tpu.memory_space<vmem>>) dst(%dma_wait3A_67 : memref<128x16xf32, #tpu.memory_space<hbm>>)
      tpu.yield
    }) : () -> ()
    return
  }
}

module attributes {stable_mosaic.version = 14 : i64} {
  func.func @_combine_body(%arg0: i32, %arg1: memref<1000x192xf32, #tpu.memory_space<vmem>>, %arg2: memref<1x1000x96xf32, #tpu.memory_space<vmem>>, %arg3: memref<1x1000x96xf32, #tpu.memory_space<vmem>>, %arg4: memref<2x1000x16xf32, #tpu.memory_space<vmem>>, %arg5: memref<192x192xf32, #tpu.memory_space<vmem>>, %arg6: memref<192x192xf32, #tpu.memory_space<vmem>>, %arg7: memref<1x192xf32, #tpu.memory_space<vmem>>, %arg8: memref<1000x192xf32, #tpu.memory_space<vmem>>) attributes {dimension_semantics = [#tpu.dimension_semantics<arbitrary>], iteration_bounds = array<i64: 10>, scalar_prefetch = 0 : i64, scratch_operands = 0 : i64, tpu.core_type = #tpu.core_type<tc>, window_params = [{transform_indices = @transform_0, window_bounds = array<i64: 1000, 192>}, {transform_indices = @transform_1, window_bounds = array<i64: 1, 1000, 96>}, {transform_indices = @transform_2, window_bounds = array<i64: 1, 1000, 96>}, {transform_indices = @transform_3, window_bounds = array<i64: 2, 1000, 16>}, {pipeline_mode = #tpu.pipeline_mode<synchronous>, transform_indices = @transform_4, window_bounds = array<i64: 192, 192>}, {pipeline_mode = #tpu.pipeline_mode<synchronous>, transform_indices = @transform_5, window_bounds = array<i64: 192, 192>}, {pipeline_mode = #tpu.pipeline_mode<synchronous>, transform_indices = @transform_6, window_bounds = array<i64: 1, 192>}, {transform_indices = @transform_7, window_bounds = array<i64: 1000, 192>}]} {
    %get3A = arith.constant 0 : index
    %get3A_0 = arith.constant 0 : index
    %get3A_1 = arith.constant 0 : index
    %get3A_2 = vector.load %arg2[%get3A, %get3A_0, %get3A_1] : memref<1x1000x96xf32, #tpu.memory_space<vmem>>, vector<1x1000x96xf32>
    %get3A_3 = vector.shape_cast %get3A_2 : vector<1x1000x96xf32> to vector<1000x96xf32>
    %get3A_4 = arith.constant 0 : index
    %get3A_5 = arith.constant 0 : index
    %get3A_6 = arith.constant 0 : index
    %get3A_7 = vector.load %arg3[%get3A_4, %get3A_5, %get3A_6] : memref<1x1000x96xf32, #tpu.memory_space<vmem>>, vector<1x1000x96xf32>
    %get3A_8 = vector.shape_cast %get3A_7 : vector<1x1000x96xf32> to vector<1000x96xf32>
    %concatenate3A = tpu.concatenate %get3A_3, %get3A_8 in 1 : vector<1000x96xf32>, vector<1000x96xf32> -> vector<1000x192xf32>
    %get3A_9 = arith.constant 0 : index
    %get3A_10 = arith.constant 0 : index
    %get3A_11 = arith.constant 0 : index
    %get3A_12 = vector.load %arg4[%get3A_9, %get3A_10, %get3A_11] : memref<2x1000x16xf32, #tpu.memory_space<vmem>>, vector<1x1000x1xf32>
    %get3A_13 = vector.shape_cast %get3A_12 : vector<1x1000x1xf32> to vector<1000x1xf32>
    %get3A_14 = arith.constant 1 : index
    %get3A_15 = arith.constant 0 : index
    %get3A_16 = arith.constant 0 : index
    %get3A_17 = vector.load %arg4[%get3A_14, %get3A_15, %get3A_16] : memref<2x1000x16xf32, #tpu.memory_space<vmem>>, vector<1x1000x1xf32>
    %get3A_18 = vector.shape_cast %get3A_17 : vector<1x1000x1xf32> to vector<1000x1xf32>
    %add3A = arith.addf %get3A_13, %get3A_18 : vector<1000x1xf32>
    %max3A = arith.constant 1.000000e+00 : f32
    %max3A_19 = vector.broadcast %max3A : f32 to vector<1000x1xf32>
    %max3A_20 = arith.maximumf %add3A, %max3A_19 : vector<1000x1xf32>
    %div3A = vector.broadcast %max3A_20 : vector<1000x1xf32> to vector<1000x192xf32>
    %div3A_21 = arith.divf %concatenate3A, %div3A : vector<1000x192xf32>
    %get3A_22 = arith.constant 0 : index
    %get3A_23 = arith.constant 0 : index
    %get3A_24 = vector.load %arg1[%get3A_22, %get3A_23] : memref<1000x192xf32, #tpu.memory_space<vmem>>, vector<1000x192xf32>
    %get3A_25 = arith.constant 0 : index
    %get3A_26 = arith.constant 0 : index
    %get3A_27 = vector.load %arg5[%get3A_25, %get3A_26] : memref<192x192xf32, #tpu.memory_space<vmem>>, vector<192x192xf32>
    %convert_element_type3A = arith.truncf %get3A_24 : vector<1000x192xf32> to vector<1000x192xbf16>
    %convert_element_type3A_28 = arith.truncf %get3A_27 : vector<192x192xf32> to vector<192x192xbf16>
    %dot_general3A = arith.constant dense<0.000000e+00> : vector<1000x192xf32>
    %dot_general3A_29 = tpu.matmul %convert_element_type3A, %convert_element_type3A_28, %dot_general3A {dimension_numbers = #tpu.dot_dimension_numbers<[1], [0], [0], [1], [0, 0, 1, 1], [], []>, transpose_lhs_hint = false} : vector<1000x192xbf16>, vector<192x192xbf16>, vector<1000x192xf32> -> vector<1000x192xf32>
    %get3A_30 = arith.constant 0 : index
    %get3A_31 = arith.constant 0 : index
    %get3A_32 = vector.load %arg6[%get3A_30, %get3A_31] : memref<192x192xf32, #tpu.memory_space<vmem>>, vector<192x192xf32>
    %convert_element_type3A_33 = arith.truncf %div3A_21 : vector<1000x192xf32> to vector<1000x192xbf16>
    %convert_element_type3A_34 = arith.truncf %get3A_32 : vector<192x192xf32> to vector<192x192xbf16>
    %dot_general3A_35 = arith.constant dense<0.000000e+00> : vector<1000x192xf32>
    %dot_general3A_36 = tpu.matmul %convert_element_type3A_33, %convert_element_type3A_34, %dot_general3A_35 {dimension_numbers = #tpu.dot_dimension_numbers<[1], [0], [0], [1], [0, 0, 1, 1], [], []>, transpose_lhs_hint = false} : vector<1000x192xbf16>, vector<192x192xbf16>, vector<1000x192xf32> -> vector<1000x192xf32>
    %add3A_37 = arith.addf %dot_general3A_29, %dot_general3A_36 : vector<1000x192xf32>
    %get3A_38 = arith.constant 0 : index
    %get3A_39 = arith.constant 0 : index
    %get3A_40 = vector.load %arg7[%get3A_38, %get3A_39] : memref<1x192xf32, #tpu.memory_space<vmem>>, vector<1x192xf32>
    %add3A_41 = vector.broadcast %get3A_40 : vector<1x192xf32> to vector<1000x192xf32>
    %add3A_42 = arith.addf %add3A_37, %add3A_41 : vector<1000x192xf32>
    %swap3A = arith.constant 0 : index
    %swap3A_43 = arith.constant 0 : index
    %swap3A_44 = vector.load %arg8[%swap3A, %swap3A_43] : memref<1000x192xf32, #tpu.memory_space<vmem>>, vector<1000x192xf32>
    tpu.vector_store %arg8[%swap3A, %swap3A_43], %add3A_42 {strides = array<i32>} : memref<1000x192xf32, #tpu.memory_space<vmem>>, vector<1000x192xf32>,
    return
  }
  func.func @transform_0(%arg0: i32) -> (i32, i32) {
    %c0_i32 = arith.constant 0 : i32
    %c0_i32_0 = arith.constant 0 : i32
    return %arg0, %c0_i32 : i32, i32
  }
  func.func @transform_1(%arg0: i32) -> (i32, i32, i32) {
    %c0_i32 = arith.constant 0 : i32
    %c0_i32_0 = arith.constant 0 : i32
    %c0_i32_1 = arith.constant 0 : i32
    return %c0_i32, %arg0, %c0_i32_0 : i32, i32, i32
  }
  func.func @transform_2(%arg0: i32) -> (i32, i32, i32) {
    %c1_i32 = arith.constant 1 : i32
    %c0_i32 = arith.constant 0 : i32
    %c0_i32_0 = arith.constant 0 : i32
    return %c1_i32, %arg0, %c0_i32 : i32, i32, i32
  }
  func.func @transform_3(%arg0: i32) -> (i32, i32, i32) {
    %c0_i32 = arith.constant 0 : i32
    %c0_i32_0 = arith.constant 0 : i32
    %c0_i32_1 = arith.constant 0 : i32
    return %c0_i32, %arg0, %c0_i32_0 : i32, i32, i32
  }
  func.func @transform_4(%arg0: i32) -> (i32, i32) {
    %c0_i32 = arith.constant 0 : i32
    %c0_i32_0 = arith.constant 0 : i32
    %c0_i32_1 = arith.constant 0 : i32
    return %c0_i32, %c0_i32_0 : i32, i32
  }
  func.func @transform_5(%arg0: i32) -> (i32, i32) {
    %c0_i32 = arith.constant 0 : i32
    %c0_i32_0 = arith.constant 0 : i32
    %c0_i32_1 = arith.constant 0 : i32
    return %c0_i32, %c0_i32_0 : i32, i32
  }
  func.func @transform_6(%arg0: i32) -> (i32, i32) {
    %c0_i32 = arith.constant 0 : i32
    %c0_i32_0 = arith.constant 0 : i32
    %c0_i32_1 = arith.constant 0 : i32
    return %c0_i32, %c0_i32_0 : i32, i32
  }
  func.func @transform_7(%arg0: i32) -> (i32, i32) {
    %c0_i32 = arith.constant 0 : i32
    %c0_i32_0 = arith.constant 0 : i32
    return %arg0, %c0_i32 : i32, i32
  }
}

module attributes {stable_mosaic.version = 14 : i64} {
  func.func @_rvq_body(%arg0: i32, %arg1: memref<1000x192xf32, #tpu.memory_space<vmem>>, %arg2: memref<1024x192xf32, #tpu.memory_space<vmem>>, %arg3: memref<1000x192xf32, #tpu.memory_space<vmem>>) attributes {dimension_semantics = [#tpu.dimension_semantics<arbitrary>], iteration_bounds = array<i64: 10>, scalar_prefetch = 0 : i64, scratch_operands = 0 : i64, tpu.core_type = #tpu.core_type<tc>, window_params = [{transform_indices = @transform_0, window_bounds = array<i64: 1000, 192>}, {pipeline_mode = #tpu.pipeline_mode<synchronous>, transform_indices = @transform_1, window_bounds = array<i64: 1024, 192>}, {transform_indices = @transform_2, window_bounds = array<i64: 1000, 192>}]} {
    %get3A = arith.constant 0 : index
    %get3A_0 = arith.constant 0 : index
    %get3A_1 = vector.load %arg2[%get3A, %get3A_0] : memref<1024x192xf32, #tpu.memory_space<vmem>>, vector<1024x192xf32>
    %mul3A = arith.mulf %get3A_1, %get3A_1 : vector<1024x192xf32>
    %reduce_sum3A = arith.constant dense<0.000000e+00> : vector<1024xf32>
    %reduce_sum3A_2 = vector.multi_reduction <add>, %mul3A, %reduce_sum3A [1] : vector<1024x192xf32> to vector<1024xf32>
    %get3A_3 = arith.constant 0 : index
    %get3A_4 = arith.constant 0 : index
    %get3A_5 = vector.load %arg1[%get3A_3, %get3A_4] : memref<1000x192xf32, #tpu.memory_space<vmem>>, vector<1000x192xf32>
    %broadcast_in_dim3A = arith.constant 0.000000e+00 : f32
    %broadcast_in_dim3A_6 = vector.broadcast %broadcast_in_dim3A : f32 to vector<1000x192xf32>
    %convert_element_type3A = arith.truncf %get3A_5 : vector<1000x192xf32> to vector<1000x192xbf16>
    %convert_element_type3A_7 = arith.truncf %get3A_1 : vector<1024x192xf32> to vector<1024x192xbf16>
    %dot_general3A = arith.constant dense<0.000000e+00> : vector<1000x1024xf32>
    %dot_general3A_8 = tpu.matmul %convert_element_type3A, %convert_element_type3A_7, %dot_general3A {dimension_numbers = #tpu.dot_dimension_numbers<[1], [1], [0], [0], [0, 0, 1, 0], [], []>, transpose_lhs_hint = false} : vector<1000x192xbf16>, vector<1024x192xbf16>, vector<1000x1024xf32> -> vector<1000x1024xf32>
    %mul3A_9 = arith.mulf %get3A_5, %get3A_5 : vector<1000x192xf32>
    %reduce_sum3A_10 = arith.constant dense<0.000000e+00> : vector<1000xf32>
    %reduce_sum3A_11 = vector.multi_reduction <add>, %mul3A_9, %reduce_sum3A_10 [1] : vector<1000x192xf32> to vector<1000xf32>
    %broadcast_in_dim3A_12 = vector.shape_cast %reduce_sum3A_11 : vector<1000xf32> to vector<1000x1xf32>
    %mul3A_13 = arith.constant 2.000000e+00 : f32
    %mul3A_14 = vector.broadcast %mul3A_13 : f32 to vector<1000x1024xf32>
    %mul3A_15 = arith.mulf %mul3A_14, %dot_general3A_8 : vector<1000x1024xf32>
    %sub3A = vector.broadcast %broadcast_in_dim3A_12 : vector<1000x1xf32> to vector<1000x1024xf32>
    %sub3A_16 = arith.subf %sub3A, %mul3A_15 : vector<1000x1024xf32>
    %broadcast_in_dim3A_17 = vector.shape_cast %reduce_sum3A_2 : vector<1024xf32> to vector<1x1024xf32>
    %add3A = vector.broadcast %broadcast_in_dim3A_17 : vector<1x1024xf32> to vector<1000x1024xf32>
    %add3A_18 = arith.addf %sub3A_16, %add3A : vector<1000x1024xf32>
    %argmin3A = tpu.reduce_index %add3A_18 {axis = 1 : i32, kind = #tpu.reduction_kind<arg_min>} : vector<1000x1024xf32> -> vector<1000xi32>
    %broadcast_in_dim3A_19 = vector.shape_cast %argmin3A : vector<1000xi32> to vector<1000x1xi32>
    %iota3A = tpu.iota {dimensions = array<i32: 1>} : vector<1000x1024xi32>
    %eq3A = vector.broadcast %broadcast_in_dim3A_19 : vector<1000x1xi32> to vector<1000x1024xi32>
    %eq3A_20 = arith.cmpi eq, %eq3A, %iota3A : vector<1000x1024xi32>
    %convert_element_type3A_21 = arith.extui %eq3A_20 : vector<1000x1024xi1> to vector<1000x1024xi32>
    %convert_element_type3A_22 = arith.sitofp %convert_element_type3A_21 : vector<1000x1024xi32> to vector<1000x1024xf32>
    %dot_general3A_23 = arith.constant dense<0.000000e+00> : vector<1000x192xf32>
    %dot_general3A_24 = tpu.matmul %convert_element_type3A_22, %get3A_1, %dot_general3A_23 {dimension_numbers = #tpu.dot_dimension_numbers<[1], [0], [0], [1], [0, 0, 1, 1], [], []>, precision = #tpu.contract_precision<fp32>, transpose_lhs_hint = false} : vector<1000x1024xf32>, vector<1024x192xf32>, vector<1000x192xf32> -> vector<1000x192xf32>
    %add3A_25 = arith.addf %broadcast_in_dim3A_6, %dot_general3A_24 : vector<1000x192xf32>
    %sub3A_26 = arith.subf %get3A_5, %dot_general3A_24 : vector<1000x192xf32>
    %convert_element_type3A_27 = arith.truncf %sub3A_26 : vector<1000x192xf32> to vector<1000x192xbf16>
    %convert_element_type3A_28 = arith.truncf %get3A_1 : vector<1024x192xf32> to vector<1024x192xbf16>
    %dot_general3A_29 = arith.constant dense<0.000000e+00> : vector<1000x1024xf32>
    %dot_general3A_30 = tpu.matmul %convert_element_type3A_27, %convert_element_type3A_28, %dot_general3A_29 {dimension_numbers = #tpu.dot_dimension_numbers<[1], [1], [0], [0], [0, 0, 1, 0], [], []>, transpose_lhs_hint = false} : vector<1000x192xbf16>, vector<1024x192xbf16>, vector<1000x1024xf32> -> vector<1000x1024xf32>
    %mul3A_31 = arith.mulf %sub3A_26, %sub3A_26 : vector<1000x192xf32>
    %reduce_sum3A_32 = arith.constant dense<0.000000e+00> : vector<1000xf32>
    %reduce_sum3A_33 = vector.multi_reduction <add>, %mul3A_31, %reduce_sum3A_32 [1] : vector<1000x192xf32> to vector<1000xf32>
    %broadcast_in_dim3A_34 = vector.shape_cast %reduce_sum3A_33 : vector<1000xf32> to vector<1000x1xf32>
    %mul3A_35 = arith.constant 2.000000e+00 : f32
    %mul3A_36 = vector.broadcast %mul3A_35 : f32 to vector<1000x1024xf32>
    %mul3A_37 = arith.mulf %mul3A_36, %dot_general3A_30 : vector<1000x1024xf32>
    %sub3A_38 = vector.broadcast %broadcast_in_dim3A_34 : vector<1000x1xf32> to vector<1000x1024xf32>
    %sub3A_39 = arith.subf %sub3A_38, %mul3A_37 : vector<1000x1024xf32>
    %broadcast_in_dim3A_40 = vector.shape_cast %reduce_sum3A_2 : vector<1024xf32> to vector<1x1024xf32>
    %add3A_41 = vector.broadcast %broadcast_in_dim3A_40 : vector<1x1024xf32> to vector<1000x1024xf32>
    %add3A_42 = arith.addf %sub3A_39, %add3A_41 : vector<1000x1024xf32>
    %argmin3A_43 = tpu.reduce_index %add3A_42 {axis = 1 : i32, kind = #tpu.reduction_kind<arg_min>} : vector<1000x1024xf32> -> vector<1000xi32>
    %broadcast_in_dim3A_44 = vector.shape_cast %argmin3A_43 : vector<1000xi32> to vector<1000x1xi32>
    %iota3A_45 = tpu.iota {dimensions = array<i32: 1>} : vector<1000x1024xi32>
    %eq3A_46 = vector.broadcast %broadcast_in_dim3A_44 : vector<1000x1xi32> to vector<1000x1024xi32>
    %eq3A_47 = arith.cmpi eq, %eq3A_46, %iota3A_45 : vector<1000x1024xi32>
    %convert_element_type3A_48 = arith.extui %eq3A_47 : vector<1000x1024xi1> to vector<1000x1024xi32>
    %convert_element_type3A_49 = arith.sitofp %convert_element_type3A_48 : vector<1000x1024xi32> to vector<1000x1024xf32>
    %dot_general3A_50 = arith.constant dense<0.000000e+00> : vector<1000x192xf32>
    %dot_general3A_51 = tpu.matmul %convert_element_type3A_49, %get3A_1, %dot_general3A_50 {dimension_numbers = #tpu.dot_dimension_numbers<[1], [0], [0], [1], [0, 0, 1, 1], [], []>, precision = #tpu.contract_precision<fp32>, transpose_lhs_hint = false} : vector<1000x1024xf32>, vector<1024x192xf32>, vector<1000x192xf32> -> vector<1000x192xf32>
    %add3A_52 = arith.addf %add3A_25, %dot_general3A_51 : vector<1000x192xf32>
    %sub3A_53 = arith.subf %add3A_52, %get3A_5 : vector<1000x192xf32>
    %add3A_54 = arith.addf %get3A_5, %sub3A_53 : vector<1000x192xf32>
    %swap3A = arith.constant 0 : index
    %swap3A_55 = arith.constant 0 : index
    %swap3A_56 = vector.load %arg3[%swap3A, %swap3A_55] : memref<1000x192xf32, #tpu.memory_space<vmem>>, vector<1000x192xf32>
    tpu.vector_store %arg3[%swap3A, %swap3A_55], %add3A_54 {strides = array<i32>} : memref<1000x192xf32, #tpu.memory_space<vmem>>, vector<1000x192xf32>,
    return
  }
  func.func @transform_0(%arg0: i32) -> (i32, i32) {
    %c0_i32 = arith.constant 0 : i32
    %c0_i32_0 = arith.constant 0 : i32
    return %arg0, %c0_i32 : i32, i32
  }
  func.func @transform_1(%arg0: i32) -> (i32, i32) {
    %c0_i32 = arith.constant 0 : i32
    %c0_i32_0 = arith.constant 0 : i32
    %c0_i32_1 = arith.constant 0 : i32
    return %c0_i32, %c0_i32_0 : i32, i32
  }
  func.func @transform_2(%arg0: i32) -> (i32, i32) {
    %c0_i32 = arith.constant 0 : i32
    %c0_i32_0 = arith.constant 0 : i32
    return %arg0, %c0_i32 : i32, i32
  }
}

</mosaic_0001>

<sc_bundles>
// kernel: kernel.11.cloned.1.call-start
scs
__scs_entry_jumppad:
0x0: {  	(pc) =	sbr.rel $0x88, $3  }
0x1: {  	(tag) =	ssettag $0x0;
	lr =	simm.s32 $0x1  }
0x2: {  	[smem:$0x3F98] =	sst lr;
	_ =	strace $0xD0000000  }
0x3: {  	_ = 	snop  }
0x4: {  	_ = 	snop  }
0x5: {  	_ = 	snop  }
0x6: {  	_ = 	snop  }
0x7: {  	_ = 	snop  }
__scs_overlays_trampoline_lowered:
0x8: {  	[smem:$0x3FA7] =	sst s0  }
0x9: {  	[smem:$0x3FA8] =	sst s1  }
0xa: {  	[smem:$0x3FA9] =	sst s2  }
0xb: {  	[smem:$0x3FAA] =	sst s3  }
0xc: {  	[smem:$0x3FAB] =	sst s4  }
0xd: {  	[smem:$0x3FAC] =	sst s5  }
0xe: {  	[smem:$0x3FAD] =	sst s6  }
0xf: {  	[smem:$0x3FAE] =	sst s7  }
0x10: {  	[smem:$0x3FAF] =	sst s8  }
0x11: {  	[smem:$0x3FB0] =	sst s9;
	s0 =	simm.s32 @!p0 $0x0  }
0x12: {  	s1 =	sld [smem:$0x3F96];
	s0 =	simm.s32 @p0 $0x1  }
0x13: {  	[smem:$0x3FB1] =	sst s0;
	s0 =	simm.s32 @!p1 $0x0  }
0x14: {  	s2 =	sld [smem:$0x3F95];
	s0 =	simm.s32 @p1 $0x1  }
0x15: {  	[smem:$0x3FB2] =	sst s0;
	s0 =	simm.s32 @!p2 $0x0  }
0x16: {  	s3 =	sld [smem:$0x3FDB];
	s0 =	simm.s32 @p2 $0x1  }
0x17: {  	s4 =	simm.s32 $0x1BF5;
	[smem:$0x3FB4] =	sst s0  }
0x18: {  	s0 =	sld [smem:$0x3F97];
	_ =	swait.ge [sflag:s4], $0x0  }
0x19: {  	s7 =	sld [smem:$0x3F98]  }
0x1a: {  	s8 =	sadd.s32 $0xFFFFE003, lr  }
0x1b: {  	s9 =	sadd.s32 $0xFFFFFEF7, lr;
	s5 =	simm.s32 $0xFFFFFFFF;
	p2 =	slt.u32 s8, $0xFFFFF086  }
0x1c: {  	p1 =	slt.u32 s9, $0xF7A;
	s5 =	simm.s32 @!p2 $0x0  }
0x1d: {  	s5 =	simm.s32 @p1 $0x1;
	p0 =	seq.s32 s7, s2  }
0x1e: {  	s7 =	smul.u32 @!p0 $0xF7A, s2;
	p2 =	seq.s32 @!p0 s5, $0x0  }
0x1f: {  	s9 =	smul.u32 $0xF7A, s1;
	s8 =	simm.s32 @!p0 $0x1BF5;
	p2 =	por !p2, p0  }
0x20: {  	[sflag:s8] =	ssyncset.s32 @!p0 $0xFFFFF086;
	s6 =	sadd.s32 @!p0 s3, s7;
	s7 =	simm.s32 @!p0 $0x108  }
0x21: {  	s3 =	sadd.s32 s3, s9;
	s6 =	sadd.s32 @!p0 $0x88, s6;
	s7 =	simm.s32 @p2 $0x1082  }
0x22: {  	[simem:s7], [sflag:s8] =	dma.local @!p0 [hbm:s6], $0xF7A  }
0x23: {  	s9 =	sor.u32 $0xD0000000, s2;
	s6 =	simm.s32 $0x108;
	_ =	swait.ge @!p0 [sflag:s8], $0x0  }
0x24: {  	s3 =	sadd.s32 $0x88, s3;
	s6 =	simm.s32 @!p1 $0x1082;
	[sflag:s4] =	ssyncset.s32 $0xFFFFF086  }
0x25: {  	[simem:s6], [sflag:s4] =	dma.local [hbm:s3], $0xF7A  }
0x26: {  	[smem:$0x3F98] =	sst s1;
	(tag) =	ssettag s2;
	_ =	strace s9  }
0x27: {  	s1 =	sld [smem:$0x3FA8]  }
0x28: {  	s2 =	sld [smem:$0x3FA9]  }
0x29: {  	s4 =	sld [smem:$0x3FAB]  }
0x2a: {  	p0 =	seq.s32 s5, $0x0;
	s5 =	sld [smem:$0x3FAC]  }
0x2b: {  	s6 =	sld [smem:$0x3FAD]  }
0x2c: {  	s7 =	sld [smem:$0x3FAE]  }
0x2d: {  	s3 =	simm.s32 $0x108;
	s8 =	sld [smem:$0x3FAF]  }
0x2e: {  	s3 =	simm.s32 @!p0 $0x1082;
	s9 =	sld [smem:$0x3FB0]  }
0x2f: {  	lr =	sadd.s32 s0, s3;
	s0 =	sld [smem:$0x3FA7]  }
0x30: {  	s3 =	sld [smem:$0x3FAA]  }
0x31: {  	[smem:$0x3FB3] =	sst s10  }
0x32: {  	s10 =	sld [smem:$0x3FB1];
	_ =	sdelay $0x3  }
0x33: {  	p0 =	seq.s32 s10, $0x1;
	s10 =	sld [smem:$0x3FB3];
	_ =	sdelay $0x3  }
0x34: {  	[smem:$0x3FB3] =	sst s10  }
0x35: {  	s10 =	sld [smem:$0x3FB2];
	_ =	sdelay $0x3  }
0x36: {  	p1 =	seq.s32 s10, $0x1;
	s10 =	sld [smem:$0x3FB3];
	_ =	sdelay $0x3  }
0x37: {  	[smem:$0x3FB3] =	sst s10  }
0x38: {  	s10 =	sld [smem:$0x3FB4]  }
0x39: {  	_ = 	snop;
	(pc) =	sbr.ind lr, $3  }
0x3a: {  	_ = 	snop  }
0x3b: {  	_ = 	snop  }
0x3c: {  	p2 =	seq.s32 s10, $0x1;
	s10 =	sld [smem:$0x3FB3]  }
0x3d: {  	_ =	shalt  }
0x3e: {  	_ =	shalt  }
0x3f: {  	_ =	shalt  }
0x40: {  	_ =	shalt  }
0x41: {  	_ =	shalt  }
0x42: {  	_ =	shalt  }
0x43: {  	_ =	shalt  }
0x44: {  	_ =	shalt  }
0x45: {  	_ =	shalt  }
0x46: {  	_ =	shalt  }
0x47: {  	_ =	shalt  }
0x48: {  	_ =	shalt  }
0x49: {  	_ =	shalt  }
0x4a: {  	_ =	shalt  }
0x4b: {  	_ =	shalt  }
0x4c: {  	_ =	shalt  }
0x4d: {  	_ =	shalt  }
0x4e: {  	_ =	shalt  }
0x4f: {  	_ =	shalt  }
0x50: {  	_ =	shalt  }
0x51: {  	_ =	shalt  }
0x52: {  	_ =	shalt  }
0x53: {  	_ =	shalt  }
0x54: {  	_ =	shalt  }
0x55: {  	_ =	shalt  }
0x56: {  	_ =	shalt  }
0x57: {  	_ =	shalt  }
0x58: {  	_ =	shalt  }
0x59: {  	_ =	shalt  }
0x5a: {  	_ =	shalt  }
0x5b: {  	_ =	shalt  }
0x5c: {  	_ =	shalt  }
0x5d: {  	_ =	shalt  }
0x5e: {  	_ =	shalt  }
0x5f: {  	_ =	shalt  }
0x60: {  	_ =	shalt  }
0x61: {  	_ =	shalt  }
0x62: {  	_ =	shalt  }
0x63: {  	_ =	shalt  }
0x64: {  	_ =	shalt  }
0x65: {  	_ =	shalt  }
0x66: {  	_ =	shalt  }
0x67: {  	_ =	shalt  }
0x68: {  	_ =	shalt  }
0x69: {  	_ =	shalt  }
0x6a: {  	_ =	shalt  }
0x6b: {  	_ =	shalt  }
0x6c: {  	_ =	shalt  }
0x6d: {  	_ =	shalt  }
0x6e: {  	_ =	shalt  }
0x6f: {  	_ =	shalt  }
0x70: {  	_ =	shalt  }
0x71: {  	_ =	shalt  }
0x72: {  	_ =	shalt  }
0x73: {  	_ =	shalt  }
0x74: {  	_ =	shalt  }
0x75: {  	_ =	shalt  }
0x76: {  	_ =	shalt  }
0x77: {  	_ =	shalt  }
0x78: {  	_ =	shalt  }
0x79: {  	_ =	shalt  }
0x7a: {  	_ =	shalt  }
0x7b: {  	_ =	shalt  }
0x7c: {  	_ =	shalt  }
0x7d: {  	_ =	shalt  }
0x7e: {  	_ =	shalt  }
0x7f: {  	_ =	shalt  }
0x80: {  	_ =	shalt  }
0x81: {  	_ =	shalt  }
0x82: {  	_ =	shalt  }
0x83: {  	_ =	shalt  }
0x84: {  	_ =	shalt  }
0x85: {  	_ =	shalt  }
0x86: {  	_ =	shalt  }
0x87: {  	_ =	shalt  }
.Lfunc_end0:
.L_simem_size_0:
called_computation.1_lowered:
.L_overlay_start_0:
0x88: {  	s2 =	sld [smem:$0x3FD9]  }
0x89: {  	s3 =	sld [smem:$0x3FFE];
	_ =	sdelay $0x1  }
0x8a: {  	s1 =	srdreg.scid  }
0x8b: {  	s0 =	sand.u32 $0x1, s1  }
0x8c: {  	s17 =	sshll.u32 s0, $0xA;
	s2 =	sadd.s32 s3, s2  }
0x8d: {  	s2 =	sadd.s32 s2, s17  }
0x8e: {  	[smem:$0x3FBF] =	sst s2  }
0x8f: {  	_ = 	snop  }
0x90: {  	s2 =	sld [smem:$0x3FD0];
	(tm) =	ssettm $0x1  }
0x91: {  	s18 =	sld [smem:$0x3FFB];
	_ =	sdelay $0x3  }
0x92: {  	_ =	strace s18  }
0x93: {  	s3 =	sld [smem:$0x3FFC];
	_ =	sdelay $0x3  }
0x94: {  	_ =	strace s3  }
0x95: {  	s3 =	sld [smem:$0x3FFD];
	_ =	sdelay $0x3  }
0x96: {  	_ =	strace s3  }
0x97: {  	_ =	strace $0x8FFFFFFF  }
0x98: {  	s19 =	sld [smem:$0x3FDB];
	_ =	sdelay $0x1  }
0x99: {  	s4 =	simm.s32 $_scs_section_size  }
0x9a: {  	s5 =	simm.s32 $_size__tile_overlayer_lowered;
	s6 =	simm.s32 $_tile_overlayer_lowered  }
0x9b: {  	s22 =	simm.s32 $0x1BFF;
	s21 =	sshll.u32 s6, $0x1;
	s3 =	sadd.s32 s4, s19  }
0x9c: {  	s7 =	simm.s32 $0x0;
	s20 =	sshll.u32 s5, $0x1;
	s5 =	sadd.s32 s21, s3  }
0x9d: {  	[timem:s7], [sflag:s22] =	dma.local [hbm:s5], s20  }
0x9e: {  	_ =	swait.ge [sflag:s22], s20  }
0x9f: {  	s4 =	ssub.s32 $0x0, s20;
	[sflag:s22] =	ssyncset.done $0x0  }
0xa0: {  	[sflag:s22] =	ssyncadd.s32 s4;
	_ =	sdelay $0x1  }
0xa1: {  	s23 =	simm.s32 $0x1B8B  }
0xa2: {  	_ =	swait.ge [sflag:s23], $0x1  }
0xa3: {  	[sflag:s23] =	ssyncset.done $0x0  }
0xa4: {  	s25 =	simm.s32 $0x1B8E;
	s24 =	sld [smem:$0x3FFE];
	[sflag:s23] =	ssyncadd.s32 $0xFFFFFFFF  }
0xa5: {  	s26 =	simm.s32 $execute0_lowered;
	[smem:$0x3FD2] =	sst s25  }
0xa6: {  	s5 =	sshll.u32 s26, $0x1;
	_ =	strace $0x80000046;
	[dreg:$0x1] =	wrdreg $0xFFFFFFFF  }
0xa7: {  	s28 =	simm.s32 $_size_execute0_lowered;
	s3 =	sadd.s32 s3, s5;
	[dreg:$0x0] =	wrdreg $0x0  }
0xa8: {  	s5 =	sshll.u32 s28, $0x1;
	[dreg:$0x2] =	wrdreg s3  }
0xa9: {  	[dreg:$0x3] =	wrdreg s5  }
0xaa: {  	[dreg:$0x4] =	wrdreg $0xC0  }
0xab: {  	_ =	task [dreg:s7], $0x5FFFF  }
0xac: {  	[dreg:$0x1] =	wrdreg $0xFFFFFFFF  }
0xad: {  	[dreg:$0x0] =	wrdreg $0x60  }
0xae: {  	[dreg:$0x2] =	wrdreg s2  }
0xaf: {  	[dreg:$0x3] =	wrdreg s24  }
0xb0: {  	[dreg:$0x4] =	wrdreg $0xF5000  }
0xb1: {  	[dreg:$0x5] =	wrdreg $0xA  }
0xb2: {  	_ =	task.clear_ibuf [dreg:s7], $0x6FFFF;
	_ =	strace $0x90000046  }
0xb3: {  	s29 =	simm.s32 $0xA;
	_ =	strace $0x80000048  }
0xb4: {  	_ =	swait.ge [sflag:s29], $0x1  }
0xb5: {  	[sflag:s29] =	ssyncadd.s32 $0xFFFFFFFF  }
0xb6: {  	_ =	strace $0x90000048  }
0xb7: {  	_ =	sfence  }
0xb8: {  	s30 =	sld [smem:$0x0];
	_ =	sdelay $0x2  }
0xb9: {  	s31 =	sshll.u32 s1, $0xD;
	s1 =	sshrl.u32 s1, $0x2  }
0xba: {  	s3 =	sand.u32 $0x4000, s31;
	s1 =	sadd.s32 s1, s30  }
0xbb: {  	s0 =	sor.u32 s3, s0;
	s1 =	sshll.u32 s1, $0x11  }
0xbc: {  	s0 =	sor.u32 s1, s0  }
0xbd: {  	s0 =	sadd.s32 $0x8F2B, s0  }
0xbe: {  	[sflag:s0] =	ssyncadd.remote.s32 $0x1  }
0xbf: {  	_ =	sfence.sel $0xFFFF  }
0xc0: {  	[dreg:$0x0] =	wrdreg $0xFFFFFFFF;
	(pc) =	sbr.abs _section_cstart, $3  }
0xc1: {  	[dreg:$0x1] =	wrdreg $0xFFFFFFFF  }
0xc2: {  	_ =	task.clear_ibuf [dreg:s7], $0x2FFFF;
	_ =	strace $0x9FFFFFFF  }
0xc3: {  	(tm) =	ssettm $0x7FFFFFFF  }
tec
execute0_lowered:
.L_overlay_start_1:
0x0: {  	(tag) =	ssettag $0x1  }
0x1: {  	s1 =	rddreg [dreg:$0x0]  }
0x2: {  	s2 =	rddreg [dreg:$0x1]  }
0x3: {  	s3 =	rddreg [dreg:$0x2];
	s15 =	stileid.u32  }
0x4: {  	s4 =	simm.s32 $0x0;
	s6 =	srdreg.scid;
	s5 =	smul.u32 $0x280, s15  }
0x5: {  	[smem:$0x7FF] =	sst s4;
	s0 =	sadd.s32 $0xB800, s2;
	s7 =	smul.u32 $0x3C000, s15  }
0x6: {  	s9 =	sadd.s32 $0x1F800, s2;
	s6 =	sand.u32 $0x1, s6;
	s11 =	sadd.s32 $0x1A00, s2  }
0x7: {  	s2 =	sadd.s32 $0x29800, s2;
	_ =	strace $0x80000047;
	s18 =	smul.u32 $0x50000, s6  }
0x8: {  	[dreg:$0xa] =	wrdreg s11;
	s14 =	ssub.s32 $0x2, s6;
	s6 =	smul.u32 $0x2800, s6  }
0x9: {  	s8 =	sadd.s32 $0x80, s5;
	s12 =	sshrl.u32 s14, $0x1;
	s13 =	sshrl.u32 s7, $0x2  }
0xa: {  	s17 =	sadd.s32 $0x24000, s7;
	s10 =	smul.u32 $0x180, s8;
	s11 =	ssub.s32 s14, s12  }
0xb: {  	s29 =	sadd.s32 s13, s3;
	s14 =	smul.u32 $0x5000, s15;
	s5 =	sadd.s32 s5, s6  }
0xc: {  	s12 =	sshrl.u32 s17, $0x2;
	s6 =	sadd.s32 s6, s8;
	s5 =	smul.u32 $0xC, s5  }
0xd: {  	s6 =	smul.u32 $0xC, s6;
	s11 =	smax.u32 s11, $0x1;
	[dreg:$0xb] =	wrdreg s29  }
0xe: {  	s25 =	sadd.s32 s12, s3;
	s20 =	sshrl.u32 s14, $0x3;
	[dreg:$0x1e] =	wrdreg s11  }
0xf: {  	[dreg:$0xe] =	wrdreg s25;
	s8 =	sadd.s32 s2, s5;
	s2 =	sadd.s32 s2, s6  }
0x10: {  	s16 =	sadd.s32 $0x18000, s7;
	s12 =	sadd.s32 s9, s20;
	[dreg:$0x18] =	wrdreg s2  }
0x11: {  	s7 =	sadd.s32 $0x30000, s7;
	s10 =	sshrl.u32 s10, $0x2;
	[dreg:$0x11] =	wrdreg s12  }
0x12: {  	s7 =	sshrl.u32 s7, $0x2;
	s30 =	sadd.s32 s10, s3;
	[dreg:$0x17] =	wrdreg s8  }
0x13: {  	s10 =	sshrl.u32 s16, $0x2;
	s16 =	sadd.s32 s7, s3;
	[dreg:$0xc] =	wrdreg s30  }
0x14: {  	s31 =	smul.u32 $0xA00, s15;
	s21 =	sadd.s32 $0x10, s12;
	[dreg:$0xf] =	wrdreg s16  }
0x15: {  	s23 =	sadd.s32 s10, s3;
	s24 =	sadd.s32 $0x20, s12;
	[dreg:$0x13] =	wrdreg s21  }
0x16: {  	s10 =	sadd.s32 s14, s18;
	s14 =	sadd.s32 s31, s9;
	[dreg:$0x15] =	wrdreg s24  }
0x17: {  	s19 =	sshrl.u32 s10, $0x3;
	s15 =	sor.u32 $0x500, s10;
	[dreg:$0x4] =	wrdreg s14  }
0x18: {  	[dreg:$0xd] =	wrdreg s23;
	s17 =	sshrl.u32 s15, $0x3;
	s15 =	sadd.s32 $0x60, s12  }
0x19: {  	s13 =	sadd.s32 s0, s19;
	[smem:$0x7F4] =	sst s15  }
0x1a: {  	s7 =	sadd.s32 $0x10, s13;
	[dreg:$0x10] =	wrdreg s13  }
0x1b: {  	s6 =	sor.u32 $0x580, s10;
	s22 =	sadd.s32 $0x20, s13;
	[dreg:$0x12] =	wrdreg s7  }
0x1c: {  	s2 =	sshrl.u32 s6, $0x3;
	s26 =	sadd.s32 $0x30, s13;
	[dreg:$0x14] =	wrdreg s22  }
0x1d: {  	s2 =	sadd.s32 s2, s0;
	[dreg:$0x16] =	wrdreg s26  }
0x1e: {  	s21 =	sor.u32 $0x400, s10;
	s18 =	sadd.s32 s17, s0;
	[dreg:$0x5] =	wrdreg s2  }
0x1f: {  	s5 =	sshrl.u32 s21, $0x3;
	s31 =	sadd.s32 $0x40, s13;
	[dreg:$0x6] =	wrdreg s18  }
0x20: {  	s24 =	sadd.s32 s5, s0;
	[dreg:$0x1a] =	wrdreg s31  }
0x21: {  	s9 =	sadd.s32 $0x50, s13;
	[dreg:$0x8] =	wrdreg s24  }
0x22: {  	s28 =	simm.s32 $0x2;
	s14 =	sadd.s32 $0x60, s13;
	[dreg:$0x1c] =	wrdreg s9  }
0x23: {  	s19 =	sor.u32 $0x480, s10;
	s17 =	sadd.s32 $0x9D0, s13;
	[dreg:$0x1f] =	wrdreg s14  }
0x24: {  	s20 =	sshrl.u32 s19, $0x3;
	s19 =	sadd.s32 $0x9E0, s13;
	[smem:$0x7F5] =	sst s17  }
0x25: {  	s11 =	simm.s32 $0xC;
	s21 =	sadd.s32 $0x9F0, s13;
	[smem:$0x7F7] =	sst s19  }
0x26: {  	s22 =	sadd.s32 $0x30, s12;
	s2 =	sadd.s32 s20, s0;
	[smem:$0x7F9] =	sst s21  }
0x27: {  	s26 =	sor.u32 $0x380, s10;
	s7 =	sadd.s32 $0x40, s12;
	[dreg:$0x19] =	wrdreg s22  }
0x28: {  	s10 =	sadd.s32 $0x50, s12;
	s18 =	sadd.s32 $0x9D0, s12;
	[dreg:$0x7] =	wrdreg s2  }
0x29: {  	s20 =	sadd.s32 $0x9E0, s12;
	s24 =	sadd.s32 $0xC00, s8;
	[dreg:$0x1b] =	wrdreg s7  }
0x2a: {  	s31 =	sadd.s32 $0x1800, s8;
	s14 =	simm.s32 $0x4;
	[dreg:$0x1d] =	wrdreg s10  }
0x2b: {  	s9 =	simm.s32 $0x9;
	s17 =	simm.s32 $0xA;
	[smem:$0x7F6] =	sst s18  }
0x2c: {  	s19 =	simm.s32 $0xF;
	s6 =	sshrl.u32 s26, $0x3;
	[smem:$0x7F8] =	sst s20  }
0x2d: {  	s22 =	sadd.s32 $0x9F0, s12;
	[smem:$0x7FB] =	sst s24;
	s26 =	sadd.s32 $0x1200, s8  }
0x2e: {  	[smem:$0x7FD] =	sst s31;
	s20 =	simm.s32 $0x80;
	s24 =	simm.s32 $0x1  }
0x2f: {  	s18 =	simm.s32 $0x7;
	s12 =	simm.s32 $0x5;
	s7 =	simm.s32 $0x8  }
0x30: {  	s8 =	simm.s32 $0xD;
	s10 =	simm.s32 $0xE;
	[smem:$0x7FA] =	sst s22  }
0x31: {  	s2 =	simm.s32 $0x0;
	s0 =	sadd.s32 s6, s0;
	[smem:$0x7FC] =	sst s26  }
0x32: {  	s26 =	simm.s32 $0x10;
	[dreg:$0x9] =	wrdreg s0;
	s0 =	simm.s32 $0x3  }
.LBB2_1:
0x33: {  	[smem:$0x7F3] =	sst s2  }
0x34: {  	s5 =	rddreg [dreg:$0xa];
	s6 =	simm.s32 $0x500  }
0x35: {  	[tilespmem:s6], [sflag:$0x10] =	stream.linear.gather [hbm4b:s5+s4], $0x3000, $0x38;
	[tilespmem:$0x1E500] =	vst v63  }
0x36: {  	_ =	swait.ge [sflag:s26], $0x3000  }
0x37: {  	[sflag:s26] =	ssyncset.done $0x0  }
0x38: {  	[sflag:s26] =	ssyncadd.s32 $0xFFFFD000  }
0x39: {  	[spmem:s29] =	stream.linear.scatter [tilespmem:s6], [sflag:$0x10], $0x3000, $0x38;
	[tilespmem:$0x1E500] =	vst v63  }
0x3a: {  	_ =	swait.ge [sflag:s26], $0x3000  }
0x3b: {  	[sflag:s26] =	ssyncset.done $0x0  }
0x3c: {  	[sflag:s26] =	ssyncadd.s32 $0xFFFFD000  }
0x3d: {  	[spmem:s30] =	stream.linear.scatter [tilespmem:s6], [sflag:$0x10], $0x3000, $0x38;
	[tilespmem:$0x1E500] =	vst v63  }
0x3e: {  	_ =	swait.ge [sflag:s26], $0x3000  }
0x3f: {  	[sflag:s26] =	ssyncset.done $0x0  }
0x40: {  	[sflag:s26] =	ssyncadd.s32 $0xFFFFD000  }
0x41: {  	[spmem:s23] =	stream.linear.scatter [tilespmem:s6], [sflag:$0x10], $0x3000, $0x38;
	[tilespmem:$0x1E500] =	vst v63  }
0x42: {  	_ =	swait.ge [sflag:s26], $0x3000  }
0x43: {  	[sflag:s26] =	ssyncset.done $0x0  }
0x44: {  	[sflag:s26] =	ssyncadd.s32 $0xFFFFD000  }
0x45: {  	[spmem:s25] =	stream.linear.scatter [tilespmem:s6], [sflag:$0x10], $0x3000, $0x38;
	[tilespmem:$0x1E500] =	vst v63  }
0x46: {  	_ =	swait.ge [sflag:s26], $0x3000  }
0x47: {  	[sflag:s26] =	ssyncset.done $0x0  }
0x48: {  	s21 =	smov.u32 s16;
	[sflag:s26] =	ssyncadd.s32 $0xFFFFD000  }
0x49: {  	[spmem:s21] =	stream.linear.scatter [tilespmem:s6], [sflag:$0x10], $0x3000, $0x38;
	[tilespmem:$0x1E500] =	vst v63  }
0x4a: {  	_ =	swait.ge [sflag:s26], $0x3000  }
0x4b: {  	[sflag:s26] =	ssyncset.done $0x0  }
0x4c: {  	[sflag:s26] =	ssyncadd.s32 $0xFFFFD000  }
0x4d: {  	[bflag:$0x0] =	sbarrier.arrive $0xFFFF  }
0x4e: {  	s15 =	rddreg [dreg:$0x10]  }
0x4f: {  	[tilespmem:s4], [sflag:$0x1] =	stream.linear.gather [hbm4b:s15+s4], $0x80, $0x38;
	[tilespmem:$0x1E500] =	vst v63  }
0x50: {  	s22 =	simm.s32 $0x280;
	s21 =	rddreg [dreg:$0x11]  }
0x51: {  	[tilespmem:s22], [sflag:$0x1] =	stream.linear.gather [hbm4b:s21+s4], $0x80, $0x38;
	[tilespmem:$0x1E500] =	vst v63  }
0x52: {  	s23 =	rddreg [dreg:$0x12]  }
0x53: {  	[tilespmem:s20], [sflag:$0x2] =	stream.linear.gather [hbm4b:s23+s4], $0x80, $0x38;
	[tilespmem:$0x1E500] =	vst v63  }
0x54: {  	s25 =	rddreg [dreg:$0x13];
	s23 =	simm.s32 $0x300  }
0x55: {  	[tilespmem:s23], [sflag:$0x2] =	stream.linear.gather [hbm4b:s25+s4], $0x80, $0x38;
	[tilespmem:$0x1E500] =	vst v63  }
0x56: {  	s26 =	rddreg [dreg:$0x14];
	s25 =	simm.s32 $0x100  }
0x57: {  	[tilespmem:s25], [sflag:$0x3] =	stream.linear.gather [hbm4b:s26+s4], $0x80, $0x38;
	[tilespmem:$0x1E500] =	vst v63  }
0x58: {  	s29 =	rddreg [dreg:$0x15];
	s26 =	simm.s32 $0x380  }
0x59: {  	[tilespmem:s26], [sflag:$0x3] =	stream.linear.gather [hbm4b:s29+s4], $0x80, $0x38;
	[tilespmem:$0x1E500] =	vst v63  }
0x5a: {  	_ =	swait.ge [sflag:s24], $0x80  }
0x5b: {  	[sflag:s24] =	ssyncset.done $0x0  }
0x5c: {  	[sflag:s24] =	ssyncadd.s32 $0xFFFFFF80  }
0x5d: {  	_ =	swait.ge [sflag:s24], $0x80  }
0x5e: {  	[sflag:s24] =	ssyncset.done $0x0  }
0x5f: {  	s13 =	simm.s32 $0x500;
	[sflag:s24] =	ssyncadd.s32 $0xFFFFFF80  }
0x60: {  	[tilespmem:s13], [sflag:$0x6] =	stream.indirect.gather [hbm4b:s1+s20], $0x60, s4, s20, $0xb8;
	[tilespmem:$0x1E500] =	vst v63  }
0x61: {  	s29 =	simm.s32 $0x180;
	s30 =	rddreg [dreg:$0x16]  }
0x62: {  	[tilespmem:s29], [sflag:$0x4] =	stream.linear.gather [hbm4b:s30+s4], $0x80, $0x38;
	[tilespmem:$0x1E500] =	vst v63  }
0x63: {  	s31 =	rddreg [dreg:$0x19];
	s30 =	simm.s32 $0x400  }
0x64: {  	[tilespmem:s30], [sflag:$0x4] =	stream.linear.gather [hbm4b:s31+s4], $0x80, $0x38;
	[tilespmem:$0x1E500] =	vst v63  }
0x65: {  	_ =	swait.ge [sflag:s28], $0x80  }
0x66: {  	[sflag:s28] =	ssyncset.done $0x0  }
0x67: {  	[sflag:s28] =	ssyncadd.s32 $0xFFFFFF80  }
0x68: {  	_ =	swait.ge [sflag:s28], $0x80  }
0x69: {  	[sflag:s28] =	ssyncset.done $0x0  }
0x6a: {  	s31 =	simm.s32 $0x3500;
	[sflag:s28] =	ssyncadd.s32 $0xFFFFFF80  }
0x6b: {  	[tilespmem:s31], [sflag:$0x7] =	stream.indirect.gather [hbm4b:s1+s20], $0x60, s20, s20, $0xb8;
	[tilespmem:$0x1E500] =	vst v63  }
0x6c: {  	s5 =	simm.s32 $0x200;
	s2 =	rddreg [dreg:$0x1a]  }
0x6d: {  	[tilespmem:s5], [sflag:$0x5] =	stream.linear.gather [hbm4b:s2+s4], $0x80, $0x38;
	[tilespmem:$0x1E500] =	vst v63  }
0x6e: {  	s6 =	rddreg [dreg:$0x1b];
	s5 =	simm.s32 $0x480  }
0x6f: {  	[tilespmem:s5], [sflag:$0x5] =	stream.linear.gather [hbm4b:s6+s4], $0x80, $0x38;
	[tilespmem:$0x1E500] =	vst v63  }
0x70: {  	_ =	swait.ge [sflag:s0], $0x80  }
0x71: {  	[sflag:s0] =	ssyncset.done $0x0  }
0x72: {  	[sflag:s0] =	ssyncadd.s32 $0xFFFFFF80  }
0x73: {  	_ =	swait.ge [sflag:s0], $0x80  }
0x74: {  	[sflag:s0] =	ssyncset.done $0x0  }
0x75: {  	s15 =	simm.s32 $0x6;
	s6 =	simm.s32 $0x6500;
	[sflag:s0] =	ssyncadd.s32 $0xFFFFFF80  }
0x76: {  	[tilespmem:s6], [sflag:$0x8] =	stream.indirect.gather [hbm4b:s1+s20], $0x60, s25, s20, $0xb8;
	[tilespmem:$0x1E500] =	vst v63  }
0x77: {  	_ =	swait.ge [sflag:s15], $0x3000  }
0x78: {  	[sflag:s15] =	ssyncset.done $0x0  }
0x79: {  	s13 =	simm.s32 $0x500;
	s2 =	simm.s32 $0xB;
	[sflag:s15] =	ssyncadd.s32 $0xFFFFD000  }
0x7a: {  	[spmem:s3] =	stream.indirect.scatter.add.f32 [tilespmem:s13], [sflag:$0xB], $0x60, s22, s20, $0xb8;
	[tilespmem:$0x1E500] =	vst v63  }
0x7b: {  	_ =	swait.ge [sflag:s2], $0x3000  }
0x7c: {  	[sflag:s2] =	ssyncset.done $0x0  }
0x7d: {  	s13 =	rddreg [dreg:$0x1c];
	[sflag:s2] =	ssyncadd.s32 $0xFFFFD000  }
0x7e: {  	[tilespmem:s4], [sflag:$0x1] =	stream.linear.gather [hbm4b:s13+s4], $0x80, $0x38;
	[tilespmem:$0x1E500] =	vst v63  }
0x7f: {  	s13 =	rddreg [dreg:$0x1d]  }
0x80: {  	[tilespmem:s22], [sflag:$0x1] =	stream.linear.gather [hbm4b:s13+s4], $0x80, $0x38;
	[tilespmem:$0x1E500] =	vst v63  }
0x81: {  	_ =	swait.ge [sflag:s14], $0x80  }
0x82: {  	[sflag:s14] =	ssyncset.done $0x0  }
0x83: {  	[sflag:s14] =	ssyncadd.s32 $0xFFFFFF80  }
0x84: {  	_ =	swait.ge [sflag:s14], $0x80  }
0x85: {  	[sflag:s14] =	ssyncset.done $0x0  }
0x86: {  	s13 =	simm.s32 $0x9500;
	[sflag:s14] =	ssyncadd.s32 $0xFFFFFF80  }
0x87: {  	[tilespmem:s13], [sflag:$0x9] =	stream.indirect.gather [hbm4b:s1+s20], $0x60, s29, s20, $0xb8;
	[tilespmem:$0x1E500] =	vst v63  }
0x88: {  	_ =	swait.ge [sflag:s18], $0x3000  }
0x89: {  	[sflag:s18] =	ssyncset.done $0x0  }
0x8a: {  	[sflag:s18] =	ssyncadd.s32 $0xFFFFD000  }
0x8b: {  	[spmem:s3] =	stream.indirect.scatter.add.f32 [tilespmem:s31], [sflag:$0xC], $0x60, s23, s20, $0xb8;
	[tilespmem:$0x1E500] =	vst v63  }
0x8c: {  	_ =	swait.ge [sflag:s11], $0x3000  }
0x8d: {  	[sflag:s11] =	ssyncset.done $0x0  }
0x8e: {  	s16 =	rddreg [dreg:$0x1f];
	[sflag:s11] =	ssyncadd.s32 $0xFFFFD000  }
0x8f: {  	[tilespmem:s20], [sflag:$0x2] =	stream.linear.gather [hbm4b:s16+s4], $0x80, $0x38;
	[tilespmem:$0x1E500] =	vst v63  }
0x90: {  	s16 =	sld [smem:$0x7F4];
	_ =	sdelay $0x2  }
0x91: {  	[tilespmem:s23], [sflag:$0x2] =	stream.linear.gather [hbm4b:s16+s4], $0x80, $0x38;
	[tilespmem:$0x1E500] =	vst v63  }
0x92: {  	_ =	swait.ge [sflag:s12], $0x80  }
0x93: {  	[sflag:s12] =	ssyncset.done $0x0  }
0x94: {  	[sflag:s12] =	ssyncadd.s32 $0xFFFFFF80  }
0x95: {  	_ =	swait.ge [sflag:s12], $0x80  }
0x96: {  	[sflag:s12] =	ssyncset.done $0x0  }
0x97: {  	s21 =	simm.s32 $0x200;
	s16 =	simm.s32 $0xC500;
	[sflag:s12] =	ssyncadd.s32 $0xFFFFFF80  }
0x98: {  	[tilespmem:s16], [sflag:$0xA] =	stream.indirect.gather [hbm4b:s1+s20], $0x60, s21, s20, $0xb8;
	[tilespmem:$0x1E500] =	vst v63  }
0x99: {  	_ =	swait.ge [sflag:s7], $0x3000  }
0x9a: {  	[sflag:s7] =	ssyncset.done $0x0  }
0x9b: {  	[sflag:s7] =	ssyncadd.s32 $0xFFFFD000  }
0x9c: {  	[spmem:s3] =	stream.indirect.scatter.add.f32 [tilespmem:s6], [sflag:$0xD], $0x60, s26, s20, $0xb8;
	[tilespmem:$0x1E500] =	vst v63  }
0x9d: {  	_ =	swait.ge [sflag:s8], $0x3000  }
0x9e: {  	s16 =	rddreg [dreg:$0x9];
	[sflag:s8] =	ssyncset.done $0x0  }
0x9f: {  	s21 =	rddreg [dreg:$0x4];
	[sflag:s8] =	ssyncadd.s32 $0xFFFFD000;
	s16 =	sadd.s32 $0x0, s16  }
0xa0: {  	[tilespmem:s25], [sflag:$0x3] =	stream.linear.gather [hbm4b:s16+s4], $0x80, $0x38;
	[tilespmem:$0x1E500] =	vst v63  }
0xa1: {  	s16 =	sadd.s32 $0x0, s21  }
0xa2: {  	s21 =	sadd.s32 $0x70, s16  }
0xa3: {  	[tilespmem:s26], [sflag:$0x3] =	stream.linear.gather [hbm4b:s21+s4], $0x80, $0x38;
	[tilespmem:$0x1E500] =	vst v63  }
0xa4: {  	_ =	swait.ge [sflag:s24], $0x80  }
0xa5: {  	[sflag:s24] =	ssyncset.done $0x0  }
0xa6: {  	[sflag:s24] =	ssyncadd.s32 $0xFFFFFF80  }
0xa7: {  	_ =	swait.ge [sflag:s24], $0x80  }
0xa8: {  	[sflag:s24] =	ssyncset.done $0x0  }
0xa9: {  	s26 =	simm.s32 $0x500;
	[sflag:s24] =	ssyncadd.s32 $0xFFFFFF80  }
0xaa: {  	[tilespmem:s26], [sflag:$0x6] =	stream.indirect.gather [hbm4b:s1+s20], $0x60, s4, s20, $0xb8;
	[tilespmem:$0x1E500] =	vst v63  }
0xab: {  	_ =	swait.ge [sflag:s9], $0x3000  }
0xac: {  	[sflag:s9] =	ssyncset.done $0x0  }
0xad: {  	[sflag:s9] =	ssyncadd.s32 $0xFFFFD000  }
0xae: {  	[spmem:s3] =	stream.indirect.scatter.add.f32 [tilespmem:s13], [sflag:$0xE], $0x60, s30, s20, $0xb8;
	[tilespmem:$0x1E500] =	vst v63  }
0xaf: {  	_ =	swait.ge [sflag:s10], $0x3000  }
0xb0: {  	s21 =	rddreg [dreg:$0x8];
	[sflag:s10] =	ssyncset.done $0x0  }
0xb1: {  	[sflag:s10] =	ssyncadd.s32 $0xFFFFD000;
	s21 =	sadd.s32 $0x0, s21  }
0xb2: {  	[tilespmem:s29], [sflag:$0x4] =	stream.linear.gather [hbm4b:s21+s4], $0x80, $0x38;
	[tilespmem:$0x1E500] =	vst v63  }
0xb3: {  	s21 =	sadd.s32 $0x80, s16  }
0xb4: {  	[tilespmem:s30], [sflag:$0x4] =	stream.linear.gather [hbm4b:s21+s4], $0x80, $0x38;
	[tilespmem:$0x1E500] =	vst v63  }
0xb5: {  	_ =	swait.ge [sflag:s28], $0x80  }
0xb6: {  	[sflag:s28] =	ssyncset.done $0x0  }
0xb7: {  	[sflag:s28] =	ssyncadd.s32 $0xFFFFFF80  }
0xb8: {  	_ =	swait.ge [sflag:s28], $0x80  }
0xb9: {  	[sflag:s28] =	ssyncset.done $0x0  }
0xba: {  	[sflag:s28] =	ssyncadd.s32 $0xFFFFFF80  }
0xbb: {  	[tilespmem:s31], [sflag:$0x7] =	stream.indirect.gather [hbm4b:s1+s20], $0x60, s20, s20, $0xb8;
	[tilespmem:$0x1E500] =	vst v63  }
0xbc: {  	_ =	swait.ge [sflag:s17], $0x3000  }
0xbd: {  	[sflag:s17] =	ssyncset.done $0x0  }
0xbe: {  	s30 =	simm.s32 $0xC500;
	[sflag:s17] =	ssyncadd.s32 $0xFFFFD000  }
0xbf: {  	[spmem:s3] =	stream.indirect.scatter.add.f32 [tilespmem:s30], [sflag:$0xF], $0x60, s5, s20, $0xb8;
	[tilespmem:$0x1E500] =	vst v63  }
0xc0: {  	_ =	swait.ge [sflag:s19], $0x3000  }
0xc1: {  	s30 =	rddreg [dreg:$0x7];
	[sflag:s19] =	ssyncset.done $0x0  }
0xc2: {  	[sflag:s19] =	ssyncadd.s32 $0xFFFFD000;
	s21 =	sadd.s32 $0x0, s30;
	s30 =	simm.s32 $0x200  }
0xc3: {  	[tilespmem:s30], [sflag:$0x5] =	stream.linear.gather [hbm4b:s21+s4], $0x80, $0x38;
	[tilespmem:$0x1E500] =	vst v63  }
0xc4: {  	s21 =	sadd.s32 $0x90, s16  }
0xc5: {  	[tilespmem:s5], [sflag:$0x5] =	stream.linear.gather [hbm4b:s21+s4], $0x80, $0x38;
	[tilespmem:$0x1E500] =	vst v63  }
0xc6: {  	_ =	swait.ge [sflag:s0], $0x80  }
0xc7: {  	[sflag:s0] =	ssyncset.done $0x0  }
0xc8: {  	[sflag:s0] =	ssyncadd.s32 $0xFFFFFF80  }
0xc9: {  	_ =	swait.ge [sflag:s0], $0x80  }
0xca: {  	[sflag:s0] =	ssyncset.done $0x0  }
0xcb: {  	[sflag:s0] =	ssyncadd.s32 $0xFFFFFF80  }
0xcc: {  	[tilespmem:s6], [sflag:$0x8] =	stream.indirect.gather [hbm4b:s1+s20], $0x60, s25, s20, $0xb8;
	[tilespmem:$0x1E500] =	vst v63  }
0xcd: {  	_ =	swait.ge [sflag:s15], $0x3000  }
0xce: {  	[sflag:s15] =	ssyncset.done $0x0  }
0xcf: {  	s26 =	simm.s32 $0x500;
	[sflag:s15] =	ssyncadd.s32 $0xFFFFD000  }
0xd0: {  	[spmem:s3] =	stream.indirect.scatter.add.f32 [tilespmem:s26], [sflag:$0xB], $0x60, s22, s20, $0xb8;
	[tilespmem:$0x1E500] =	vst v63  }
0xd1: {  	_ =	swait.ge [sflag:s2], $0x3000  }
0xd2: {  	s25 =	rddreg [dreg:$0x6];
	[sflag:s2] =	ssyncset.done $0x0  }
0xd3: {  	[sflag:s2] =	ssyncadd.s32 $0xFFFFD000;
	s21 =	sadd.s32 $0x0, s25  }
0xd4: {  	[tilespmem:s4], [sflag:$0x1] =	stream.linear.gather [hbm4b:s21+s4], $0x80, $0x38;
	[tilespmem:$0x1E500] =	vst v63  }
0xd5: {  	s26 =	sadd.s32 $0xA0, s16  }
0xd6: {  	[tilespmem:s22], [sflag:$0x1] =	stream.linear.gather [hbm4b:s26+s4], $0x80, $0x38;
	[tilespmem:$0x1E500] =	vst v63  }
0xd7: {  	_ =	swait.ge [sflag:s14], $0x80  }
0xd8: {  	[sflag:s14] =	ssyncset.done $0x0  }
0xd9: {  	[sflag:s14] =	ssyncadd.s32 $0xFFFFFF80  }
0xda: {  	_ =	swait.ge [sflag:s14], $0x80  }
0xdb: {  	[sflag:s14] =	ssyncset.done $0x0  }
0xdc: {  	[sflag:s14] =	ssyncadd.s32 $0xFFFFFF80  }
0xdd: {  	[tilespmem:s13], [sflag:$0x9] =	stream.indirect.gather [hbm4b:s1+s20], $0x60, s29, s20, $0xb8;
	[tilespmem:$0x1E500] =	vst v63  }
0xde: {  	_ =	swait.ge [sflag:s18], $0x3000  }
0xdf: {  	[sflag:s18] =	ssyncset.done $0x0  }
0xe0: {  	[sflag:s18] =	ssyncadd.s32 $0xFFFFD000  }
0xe1: {  	[spmem:s3] =	stream.indirect.scatter.add.f32 [tilespmem:s31], [sflag:$0xC], $0x60, s23, s20, $0xb8;
	[tilespmem:$0x1E500] =	vst v63  }
0xe2: {  	_ =	swait.ge [sflag:s11], $0x3000  }
0xe3: {  	s29 =	rddreg [dreg:$0x5];
	[sflag:s11] =	ssyncset.done $0x0  }
0xe4: {  	[sflag:s11] =	ssyncadd.s32 $0xFFFFD000;
	s21 =	sadd.s32 $0x0, s29  }
0xe5: {  	[tilespmem:s20], [sflag:$0x2] =	stream.linear.gather [hbm4b:s21+s4], $0x80, $0x38;
	[tilespmem:$0x1E500] =	vst v63  }
0xe6: {  	s16 =	sadd.s32 $0xB0, s16  }
0xe7: {  	[tilespmem:s23], [sflag:$0x2] =	stream.linear.gather [hbm4b:s16+s4], $0x80, $0x38;
	[tilespmem:$0x1E500] =	vst v63  }
0xe8: {  	_ =	swait.ge [sflag:s12], $0x80  }
0xe9: {  	[sflag:s12] =	ssyncset.done $0x0  }
0xea: {  	[sflag:s12] =	ssyncadd.s32 $0xFFFFFF80  }
0xeb: {  	_ =	swait.ge [sflag:s12], $0x80  }
0xec: {  	[sflag:s12] =	ssyncset.done $0x0  }
0xed: {  	s30 =	simm.s32 $0x200;
	s31 =	simm.s32 $0xC500;
	[sflag:s12] =	ssyncadd.s32 $0xFFFFFF80  }
0xee: {  	[tilespmem:s31], [sflag:$0xA] =	stream.indirect.gather [hbm4b:s1+s20], $0x60, s30, s20, $0xb8;
	[tilespmem:$0x1E500] =	vst v63  }
0xef: {  	_ =	swait.ge [sflag:s7], $0x3000  }
0xf0: {  	s21 =	simm.s32 $0x50;
	[sflag:s7] =	ssyncset.done $0x0  }
.LBB2_2:
0xf1: {  	[sflag:s7] =	ssyncadd.s32 $0xFFFFD000;
	s25 =	simm.s32 $0x380;
	s6 =	simm.s32 $0x6500  }
0xf2: {  	[spmem:s3] =	stream.indirect.scatter.add.f32 [tilespmem:s6], [sflag:$0xD], $0x60, s25, s20, $0xb8;
	[tilespmem:$0x1E500] =	vst v63  }
0xf3: {  	s16 =	smov.u32 s21;
	_ =	swait.ge [sflag:s8], $0x3000  }
0xf4: {  	s29 =	simm.s32 $0x100;
	s22 =	rddreg [dreg:$0x9];
	[sflag:s8] =	ssyncset.done $0x0  }
0xf5: {  	s23 =	rddreg [dreg:$0x4];
	[sflag:s8] =	ssyncadd.s32 $0xFFFFD000;
	s22 =	sadd.s32 s16, s22  }
0xf6: {  	[tilespmem:s29], [sflag:$0x3] =	stream.linear.gather [hbm4b:s22+s4], $0x80, $0x38;
	[tilespmem:$0x1E500] =	vst v63  }
0xf7: {  	s22 =	sadd.s32 s16, s23  }
0xf8: {  	s23 =	sadd.s32 $0x70, s22  }
0xf9: {  	[tilespmem:s25], [sflag:$0x3] =	stream.linear.gather [hbm4b:s23+s4], $0x80, $0x38;
	[tilespmem:$0x1E500] =	vst v63  }
0xfa: {  	_ =	swait.ge [sflag:s24], $0x80  }
0xfb: {  	[sflag:s24] =	ssyncset.done $0x0  }
0xfc: {  	[sflag:s24] =	ssyncadd.s32 $0xFFFFFF80  }
0xfd: {  	_ =	swait.ge [sflag:s24], $0x80  }
0xfe: {  	[sflag:s24] =	ssyncset.done $0x0  }
0xff: {  	s26 =	simm.s32 $0x500;
	[sflag:s24] =	ssyncadd.s32 $0xFFFFFF80  }
0x100: {  	[tilespmem:s26], [sflag:$0x6] =	stream.indirect.gather [hbm4b:s1+s20], $0x60, s4, s20, $0xb8;
	[tilespmem:$0x1E500] =	vst v63  }
0x101: {  	_ =	swait.ge [sflag:s9], $0x3000  }
0x102: {  	[sflag:s9] =	ssyncset.done $0x0  }
0x103: {  	s31 =	simm.s32 $0x400;
	s5 =	simm.s32 $0x9500;
	[sflag:s9] =	ssyncadd.s32 $0xFFFFD000  }
0x104: {  	[spmem:s3] =	stream.indirect.scatter.add.f32 [tilespmem:s5], [sflag:$0xE], $0x60, s31, s20, $0xb8;
	[tilespmem:$0x1E500] =	vst v63  }
0x105: {  	_ =	swait.ge [sflag:s10], $0x3000  }
0x106: {  	s13 =	rddreg [dreg:$0x8];
	[sflag:s10] =	ssyncset.done $0x0  }
0x107: {  	s30 =	simm.s32 $0x180;
	[sflag:s10] =	ssyncadd.s32 $0xFFFFD000;
	s23 =	sadd.s32 s16, s13  }
0x108: {  	[tilespmem:s30], [sflag:$0x4] =	stream.linear.gather [hbm4b:s23+s4], $0x80, $0x38;
	[tilespmem:$0x1E500] =	vst v63  }
0x109: {  	s15 =	sadd.s32 $0x80, s22  }
0x10a: {  	[tilespmem:s31], [sflag:$0x4] =	stream.linear.gather [hbm4b:s15+s4], $0x80, $0x38;
	[tilespmem:$0x1E500] =	vst v63  }
0x10b: {  	_ =	swait.ge [sflag:s28], $0x80  }
0x10c: {  	[sflag:s28] =	ssyncset.done $0x0  }
0x10d: {  	[sflag:s28] =	ssyncadd.s32 $0xFFFFFF80  }
0x10e: {  	_ =	swait.ge [sflag:s28], $0x80  }
0x10f: {  	[sflag:s28] =	ssyncset.done $0x0  }
0x110: {  	s31 =	simm.s32 $0x3500;
	[sflag:s28] =	ssyncadd.s32 $0xFFFFFF80  }
0x111: {  	[tilespmem:s31], [sflag:$0x7] =	stream.indirect.gather [hbm4b:s1+s20], $0x60, s20, s20, $0xb8;
	[tilespmem:$0x1E500] =	vst v63  }
0x112: {  	_ =	swait.ge [sflag:s17], $0x3000  }
0x113: {  	[sflag:s17] =	ssyncset.done $0x0  }
0x114: {  	s13 =	simm.s32 $0xC500;
	s15 =	simm.s32 $0x480;
	[sflag:s17] =	ssyncadd.s32 $0xFFFFD000  }
0x115: {  	[spmem:s3] =	stream.indirect.scatter.add.f32 [tilespmem:s13], [sflag:$0xF], $0x60, s15, s20, $0xb8;
	[tilespmem:$0x1E500] =	vst v63  }
0x116: {  	_ =	swait.ge [sflag:s19], $0x3000  }
0x117: {  	s2 =	rddreg [dreg:$0x7];
	[sflag:s19] =	ssyncset.done $0x0  }
0x118: {  	[sflag:s19] =	ssyncadd.s32 $0xFFFFD000;
	s23 =	sadd.s32 s16, s2;
	s2 =	simm.s32 $0x200  }
0x119: {  	[tilespmem:s2], [sflag:$0x5] =	stream.linear.gather [hbm4b:s23+s4], $0x80, $0x38;
	[tilespmem:$0x1E500] =	vst v63  }
0x11a: {  	s25 =	sadd.s32 $0x90, s22  }
0x11b: {  	[tilespmem:s15], [sflag:$0x5] =	stream.linear.gather [hbm4b:s25+s4], $0x80, $0x38;
	[tilespmem:$0x1E500] =	vst v63  }
0x11c: {  	_ =	swait.ge [sflag:s0], $0x80  }
0x11d: {  	[sflag:s0] =	ssyncset.done $0x0  }
0x11e: {  	[sflag:s0] =	ssyncadd.s32 $0xFFFFFF80  }
0x11f: {  	_ =	swait.ge [sflag:s0], $0x80  }
0x120: {  	[sflag:s0] =	ssyncset.done $0x0  }
0x121: {  	s23 =	simm.s32 $0x6;
	[sflag:s0] =	ssyncadd.s32 $0xFFFFFF80  }
0x122: {  	[tilespmem:s6], [sflag:$0x8] =	stream.indirect.gather [hbm4b:s1+s20], $0x60, s29, s20, $0xb8;
	[tilespmem:$0x1E500] =	vst v63  }
0x123: {  	_ =	swait.ge [sflag:s23], $0x3000  }
0x124: {  	[sflag:s23] =	ssyncset.done $0x0  }
0x125: {  	s25 =	simm.s32 $0xB;
	s29 =	simm.s32 $0x280;
	[sflag:s23] =	ssyncadd.s32 $0xFFFFD000  }
0x126: {  	[spmem:s3] =	stream.indirect.scatter.add.f32 [tilespmem:s26], [sflag:$0xB], $0x60, s29, s20, $0xb8;
	[tilespmem:$0x1E500] =	vst v63  }
0x127: {  	_ =	swait.ge [sflag:s25], $0x3000  }
0x128: {  	s26 =	rddreg [dreg:$0x6];
	[sflag:s25] =	ssyncset.done $0x0  }
0x129: {  	[sflag:s25] =	ssyncadd.s32 $0xFFFFD000;
	s23 =	sadd.s32 s16, s26  }
0x12a: {  	[tilespmem:s4], [sflag:$0x1] =	stream.linear.gather [hbm4b:s23+s4], $0x80, $0x38;
	[tilespmem:$0x1E500] =	vst v63  }
0x12b: {  	s15 =	sadd.s32 $0xA0, s22  }
0x12c: {  	[tilespmem:s29], [sflag:$0x1] =	stream.linear.gather [hbm4b:s15+s4], $0x80, $0x38;
	[tilespmem:$0x1E500] =	vst v63  }
0x12d: {  	_ =	swait.ge [sflag:s14], $0x80  }
0x12e: {  	[sflag:s14] =	ssyncset.done $0x0  }
0x12f: {  	[sflag:s14] =	ssyncadd.s32 $0xFFFFFF80  }
0x130: {  	_ =	swait.ge [sflag:s14], $0x80  }
0x131: {  	[sflag:s14] =	ssyncset.done $0x0  }
0x132: {  	[sflag:s14] =	ssyncadd.s32 $0xFFFFFF80  }
0x133: {  	[tilespmem:s5], [sflag:$0x9] =	stream.indirect.gather [hbm4b:s1+s20], $0x60, s30, s20, $0xb8;
	[tilespmem:$0x1E500] =	vst v63  }
0x134: {  	_ =	swait.ge [sflag:s18], $0x3000  }
0x135: {  	[sflag:s18] =	ssyncset.done $0x0  }
0x136: {  	s30 =	simm.s32 $0x300;
	[sflag:s18] =	ssyncadd.s32 $0xFFFFD000  }
0x137: {  	[spmem:s3] =	stream.indirect.scatter.add.f32 [tilespmem:s31], [sflag:$0xC], $0x60, s30, s20, $0xb8;
	[tilespmem:$0x1E500] =	vst v63  }
0x138: {  	_ =	swait.ge [sflag:s11], $0x3000  }
0x139: {  	s31 =	rddreg [dreg:$0x5];
	[sflag:s11] =	ssyncset.done $0x0  }
0x13a: {  	[sflag:s11] =	ssyncadd.s32 $0xFFFFD000;
	s16 =	sadd.s32 s16, s31  }
0x13b: {  	[tilespmem:s20], [sflag:$0x2] =	stream.linear.gather [hbm4b:s16+s4], $0x80, $0x38;
	[tilespmem:$0x1E500] =	vst v63  }
0x13c: {  	s22 =	sadd.s32 $0xB0, s22  }
0x13d: {  	[tilespmem:s30], [sflag:$0x2] =	stream.linear.gather [hbm4b:s22+s4], $0x80, $0x38;
	[tilespmem:$0x1E500] =	vst v63  }
0x13e: {  	_ =	swait.ge [sflag:s12], $0x80  }
0x13f: {  	[sflag:s12] =	ssyncset.done $0x0  }
0x140: {  	[sflag:s12] =	ssyncadd.s32 $0xFFFFFF80  }
0x141: {  	p0 =	sne.s32 s21, $0x910;
	_ =	swait.ge [sflag:s12], $0x80  }
.Ltmp0:
0x142: {  	[sflag:s12] =	ssyncset.done $0x0;
	(pc) =	sbr.rel @p0 .LBB2_2-.Ltmp0, $4  }
0x143: {  	[sflag:s12] =	ssyncadd.s32 $0xFFFFFF80  }
0x144: {  	[tilespmem:s13], [sflag:$0xA] =	stream.indirect.gather [hbm4b:s1+s20], $0x60, s2, s20, $0xb8;
	[tilespmem:$0x1E500] =	vst v63  }
0x145: {  	s21 =	sadd.s32 $0x50, s21;
	_ =	swait.ge [sflag:s7], $0x3000  }
0x146: {  	s26 =	simm.s32 $0x280;
	s23 =	simm.s32 $0x300;
	[sflag:s7] =	ssyncset.done $0x0  }
0x147: {  	[sflag:s7] =	ssyncadd.s32 $0xFFFFD000;
	s25 =	simm.s32 $0x380;
	s6 =	simm.s32 $0x6500  }
0x148: {  	[spmem:s3] =	stream.indirect.scatter.add.f32 [tilespmem:s6], [sflag:$0xD], $0x60, s25, s20, $0xb8;
	[tilespmem:$0x1E500] =	vst v63  }
0x149: {  	_ =	swait.ge [sflag:s8], $0x3000  }
0x14a: {  	s16 =	sld [smem:$0x7F5]  }
0x14b: {  	[sflag:s8] =	ssyncset.done $0x0  }
0x14c: {  	s21 =	simm.s32 $0x100;
	s5 =	sld [smem:$0x7F6];
	[sflag:s8] =	ssyncadd.s32 $0xFFFFD000  }
0x14d: {  	[tilespmem:s21], [sflag:$0x3] =	stream.linear.gather [hbm4b:s16+s4], $0x80, $0x38;
	[tilespmem:$0x1E500] =	vst v63  }
0x14e: {  	_ = 	snop  }
0x14f: {  	[tilespmem:s25], [sflag:$0x3] =	stream.linear.gather [hbm4b:s5+s4], $0x80, $0x38;
	[tilespmem:$0x1E500] =	vst v63  }
0x150: {  	_ =	swait.ge [sflag:s24], $0x80  }
0x151: {  	[sflag:s24] =	ssyncset.done $0x0  }
0x152: {  	[sflag:s24] =	ssyncadd.s32 $0xFFFFFF80  }
0x153: {  	_ =	swait.ge [sflag:s24], $0x80  }
0x154: {  	[sflag:s24] =	ssyncset.done $0x0  }
0x155: {  	s22 =	simm.s32 $0x500;
	[sflag:s24] =	ssyncadd.s32 $0xFFFFFF80  }
0x156: {  	[tilespmem:s22], [sflag:$0x6] =	stream.indirect.gather [hbm4b:s1+s20], $0x60, s4, s20, $0xb8;
	[tilespmem:$0x1E500] =	vst v63  }
0x157: {  	_ =	swait.ge [sflag:s9], $0x3000  }
0x158: {  	[sflag:s9] =	ssyncset.done $0x0  }
0x159: {  	s30 =	simm.s32 $0x400;
	s5 =	simm.s32 $0x9500;
	[sflag:s9] =	ssyncadd.s32 $0xFFFFD000  }
0x15a: {  	[spmem:s3] =	stream.indirect.scatter.add.f32 [tilespmem:s5], [sflag:$0xE], $0x60, s30, s20, $0xb8;
	[tilespmem:$0x1E500] =	vst v63  }
0x15b: {  	_ =	swait.ge [sflag:s10], $0x3000  }
0x15c: {  	s13 =	sld [smem:$0x7F7]  }
0x15d: {  	[sflag:s10] =	ssyncset.done $0x0  }
0x15e: {  	s29 =	simm.s32 $0x180;
	s15 =	sld [smem:$0x7F8];
	[sflag:s10] =	ssyncadd.s32 $0xFFFFD000  }
0x15f: {  	[tilespmem:s29], [sflag:$0x4] =	stream.linear.gather [hbm4b:s13+s4], $0x80, $0x38;
	[tilespmem:$0x1E500] =	vst v63  }
0x160: {  	_ = 	snop  }
0x161: {  	[tilespmem:s30], [sflag:$0x4] =	stream.linear.gather [hbm4b:s15+s4], $0x80, $0x38;
	[tilespmem:$0x1E500] =	vst v63  }
0x162: {  	_ =	swait.ge [sflag:s28], $0x80  }
0x163: {  	[sflag:s28] =	ssyncset.done $0x0  }
0x164: {  	[sflag:s28] =	ssyncadd.s32 $0xFFFFFF80  }
0x165: {  	_ =	swait.ge [sflag:s28], $0x80  }
0x166: {  	[sflag:s28] =	ssyncset.done $0x0  }
0x167: {  	s31 =	simm.s32 $0x3500;
	[sflag:s28] =	ssyncadd.s32 $0xFFFFFF80  }
0x168: {  	[tilespmem:s31], [sflag:$0x7] =	stream.indirect.gather [hbm4b:s1+s20], $0x60, s20, s20, $0xb8;
	[tilespmem:$0x1E500] =	vst v63  }
0x169: {  	_ =	swait.ge [sflag:s17], $0x3000  }
0x16a: {  	[sflag:s17] =	ssyncset.done $0x0  }
0x16b: {  	s13 =	simm.s32 $0xC500;
	s15 =	simm.s32 $0x480;
	[sflag:s17] =	ssyncadd.s32 $0xFFFFD000  }
0x16c: {  	[spmem:s3] =	stream.indirect.scatter.add.f32 [tilespmem:s13], [sflag:$0xF], $0x60, s15, s20, $0xb8;
	[tilespmem:$0x1E500] =	vst v63  }
0x16d: {  	_ =	swait.ge [sflag:s19], $0x3000  }
0x16e: {  	s16 =	sld [smem:$0x7F9]  }
0x16f: {  	[sflag:s19] =	ssyncset.done $0x0  }
0x170: {  	s2 =	simm.s32 $0x200;
	[sflag:s19] =	ssyncadd.s32 $0xFFFFD000  }
0x171: {  	[tilespmem:s2], [sflag:$0x5] =	stream.linear.gather [hbm4b:s16+s4], $0x80, $0x38;
	[tilespmem:$0x1E500] =	vst v63  }
0x172: {  	s16 =	sld [smem:$0x7FA];
	_ =	sdelay $0x2  }
0x173: {  	[tilespmem:s15], [sflag:$0x5] =	stream.linear.gather [hbm4b:s16+s4], $0x80, $0x38;
	[tilespmem:$0x1E500] =	vst v63  }
0x174: {  	_ =	swait.ge [sflag:s0], $0x80  }
0x175: {  	[sflag:s0] =	ssyncset.done $0x0  }
0x176: {  	[sflag:s0] =	ssyncadd.s32 $0xFFFFFF80  }
0x177: {  	_ =	swait.ge [sflag:s0], $0x80  }
0x178: {  	[sflag:s0] =	ssyncset.done $0x0  }
0x179: {  	[sflag:s0] =	ssyncadd.s32 $0xFFFFFF80  }
0x17a: {  	[tilespmem:s6], [sflag:$0x8] =	stream.indirect.gather [hbm4b:s1+s20], $0x60, s21, s20, $0xb8;
	[tilespmem:$0x1E500] =	vst v63  }
0x17b: {  	s21 =	simm.s32 $0x6  }
0x17c: {  	_ =	swait.ge [sflag:s21], $0x3000  }
0x17d: {  	[sflag:s21] =	ssyncset.done $0x0  }
0x17e: {  	[sflag:s21] =	ssyncadd.s32 $0xFFFFD000  }
0x17f: {  	[spmem:s3] =	stream.indirect.scatter.add.f32 [tilespmem:s22], [sflag:$0xB], $0x60, s26, s20, $0xb8;
	[tilespmem:$0x1E500] =	vst v63  }
0x180: {  	s26 =	simm.s32 $0xB  }
0x181: {  	_ =	swait.ge [sflag:s26], $0x3000  }
0x182: {  	[sflag:s26] =	ssyncset.done $0x0  }
0x183: {  	[sflag:s26] =	ssyncadd.s32 $0xFFFFD000  }
0x184: {  	_ =	swait.ge [sflag:s14], $0x80  }
0x185: {  	[sflag:s14] =	ssyncset.done $0x0  }
0x186: {  	[sflag:s14] =	ssyncadd.s32 $0xFFFFFF80  }
0x187: {  	_ =	swait.ge [sflag:s14], $0x80  }
0x188: {  	[sflag:s14] =	ssyncset.done $0x0  }
0x189: {  	[sflag:s14] =	ssyncadd.s32 $0xFFFFFF80  }
0x18a: {  	[tilespmem:s5], [sflag:$0x9] =	stream.indirect.gather [hbm4b:s1+s20], $0x60, s29, s20, $0xb8;
	[tilespmem:$0x1E500] =	vst v63  }
0x18b: {  	_ =	swait.ge [sflag:s18], $0x3000  }
0x18c: {  	[sflag:s18] =	ssyncset.done $0x0  }
0x18d: {  	[sflag:s18] =	ssyncadd.s32 $0xFFFFD000  }
0x18e: {  	[spmem:s3] =	stream.indirect.scatter.add.f32 [tilespmem:s31], [sflag:$0xC], $0x60, s23, s20, $0xb8;
	[tilespmem:$0x1E500] =	vst v63  }
0x18f: {  	_ =	swait.ge [sflag:s11], $0x3000  }
0x190: {  	[sflag:s11] =	ssyncset.done $0x0  }
0x191: {  	[sflag:s11] =	ssyncadd.s32 $0xFFFFD000  }
0x192: {  	_ =	swait.ge [sflag:s12], $0x80  }
0x193: {  	[sflag:s12] =	ssyncset.done $0x0  }
0x194: {  	[sflag:s12] =	ssyncadd.s32 $0xFFFFFF80  }
0x195: {  	_ =	swait.ge [sflag:s12], $0x80  }
0x196: {  	[sflag:s12] =	ssyncset.done $0x0  }
0x197: {  	[sflag:s12] =	ssyncadd.s32 $0xFFFFFF80  }
0x198: {  	[tilespmem:s13], [sflag:$0xA] =	stream.indirect.gather [hbm4b:s1+s20], $0x60, s2, s20, $0xb8;
	[tilespmem:$0x1E500] =	vst v63  }
0x199: {  	_ =	swait.ge [sflag:s7], $0x3000  }
0x19a: {  	[sflag:s7] =	ssyncset.done $0x0  }
0x19b: {  	[sflag:s7] =	ssyncadd.s32 $0xFFFFD000  }
0x19c: {  	[spmem:s3] =	stream.indirect.scatter.add.f32 [tilespmem:s6], [sflag:$0xD], $0x60, s25, s20, $0xb8;
	[tilespmem:$0x1E500] =	vst v63  }
0x19d: {  	_ =	swait.ge [sflag:s8], $0x3000  }
0x19e: {  	[sflag:s8] =	ssyncset.done $0x0  }
0x19f: {  	[sflag:s8] =	ssyncadd.s32 $0xFFFFD000  }
0x1a0: {  	_ =	swait.ge [sflag:s9], $0x3000  }
0x1a1: {  	[sflag:s9] =	ssyncset.done $0x0  }
0x1a2: {  	[sflag:s9] =	ssyncadd.s32 $0xFFFFD000  }
0x1a3: {  	[spmem:s3] =	stream.indirect.scatter.add.f32 [tilespmem:s5], [sflag:$0xE], $0x60, s30, s20, $0xb8;
	[tilespmem:$0x1E500] =	vst v63  }
0x1a4: {  	_ =	swait.ge [sflag:s10], $0x3000  }
0x1a5: {  	[sflag:s10] =	ssyncset.done $0x0  }
0x1a6: {  	[sflag:s10] =	ssyncadd.s32 $0xFFFFD000  }
0x1a7: {  	_ =	swait.ge [sflag:s17], $0x3000  }
0x1a8: {  	[sflag:s17] =	ssyncset.done $0x0  }
0x1a9: {  	[sflag:s17] =	ssyncadd.s32 $0xFFFFD000  }
0x1aa: {  	[spmem:s3] =	stream.indirect.scatter.add.f32 [tilespmem:s13], [sflag:$0xF], $0x60, s15, s20, $0xb8;
	[tilespmem:$0x1E500] =	vst v63  }
0x1ab: {  	_ =	swait.ge [sflag:s19], $0x3000  }
0x1ac: {  	[sflag:s19] =	ssyncset.done $0x0  }
0x1ad: {  	[sflag:s19] =	ssyncadd.s32 $0xFFFFD000  }
0x1ae: {  	[bflag:$0x0] =	sbarrier.arrive $0xFFFF  }
0x1af: {  	s26 =	simm.s32 $0x10;
	s29 =	rddreg [dreg:$0xb]  }
0x1b0: {  	[tilespmem:s22], [sflag:$0x10] =	stream.linear.gather [spmem:s29], $0x3000, $0x38;
	[tilespmem:$0x1E500] =	vst v63  }
0x1b1: {  	_ =	swait.ge [sflag:s26], $0x3000  }
0x1b2: {  	[sflag:s26] =	ssyncset.done $0x0  }
0x1b3: {  	s2 =	rddreg [dreg:$0x17];
	[sflag:s26] =	ssyncadd.s32 $0xFFFFD000  }
0x1b4: {  	[hbm4b:s2+s4] =	stream.linear.scatter [tilespmem:s22], [sflag:$0x10], $0x3000, $0x38;
	[tilespmem:$0x1E500] =	vst v63  }
0x1b5: {  	_ =	swait.ge [sflag:s26], $0x3000  }
0x1b6: {  	[sflag:s26] =	ssyncset.done $0x0  }
0x1b7: {  	s30 =	rddreg [dreg:$0xc];
	[sflag:s26] =	ssyncadd.s32 $0xFFFFD000  }
0x1b8: {  	[tilespmem:s22], [sflag:$0x10] =	stream.linear.gather [spmem:s30], $0x3000, $0x38;
	[tilespmem:$0x1E500] =	vst v63  }
0x1b9: {  	_ =	swait.ge [sflag:s26], $0x3000  }
0x1ba: {  	[sflag:s26] =	ssyncset.done $0x0  }
0x1bb: {  	s5 =	rddreg [dreg:$0x18];
	[sflag:s26] =	ssyncadd.s32 $0xFFFFD000  }
0x1bc: {  	[hbm4b:s5+s4] =	stream.linear.scatter [tilespmem:s22], [sflag:$0x10], $0x3000, $0x38;
	[tilespmem:$0x1E500] =	vst v63  }
0x1bd: {  	_ =	swait.ge [sflag:s26], $0x3000  }
0x1be: {  	[sflag:s26] =	ssyncset.done $0x0  }
0x1bf: {  	s23 =	rddreg [dreg:$0xd];
	[sflag:s26] =	ssyncadd.s32 $0xFFFFD000  }
0x1c0: {  	[tilespmem:s22], [sflag:$0x10] =	stream.linear.gather [spmem:s23], $0x3000, $0x38;
	[tilespmem:$0x1E500] =	vst v63  }
0x1c1: {  	_ =	swait.ge [sflag:s26], $0x3000  }
0x1c2: {  	s6 =	sld [smem:$0x7FB]  }
0x1c3: {  	[sflag:s26] =	ssyncset.done $0x0  }
0x1c4: {  	[sflag:s26] =	ssyncadd.s32 $0xFFFFD000  }
0x1c5: {  	[hbm4b:s6+s4] =	stream.linear.scatter [tilespmem:s22], [sflag:$0x10], $0x3000, $0x38;
	[tilespmem:$0x1E500] =	vst v63  }
0x1c6: {  	_ =	swait.ge [sflag:s26], $0x3000  }
0x1c7: {  	[sflag:s26] =	ssyncset.done $0x0  }
0x1c8: {  	s25 =	rddreg [dreg:$0xe];
	[sflag:s26] =	ssyncadd.s32 $0xFFFFD000  }
0x1c9: {  	[tilespmem:s22], [sflag:$0x10] =	stream.linear.gather [spmem:s25], $0x3000, $0x38;
	[tilespmem:$0x1E500] =	vst v63  }
0x1ca: {  	_ =	swait.ge [sflag:s26], $0x3000  }
0x1cb: {  	s13 =	sld [smem:$0x7FC]  }
0x1cc: {  	[sflag:s26] =	ssyncset.done $0x0  }
0x1cd: {  	[sflag:s26] =	ssyncadd.s32 $0xFFFFD000  }
0x1ce: {  	[hbm4b:s13+s4] =	stream.linear.scatter [tilespmem:s22], [sflag:$0x10], $0x3000, $0x38;
	[tilespmem:$0x1E500] =	vst v63  }
0x1cf: {  	_ =	swait.ge [sflag:s26], $0x3000  }
0x1d0: {  	[sflag:s26] =	ssyncset.done $0x0  }
0x1d1: {  	s16 =	rddreg [dreg:$0xf];
	[sflag:s26] =	ssyncadd.s32 $0xFFFFD000  }
0x1d2: {  	[tilespmem:s22], [sflag:$0x10] =	stream.linear.gather [spmem:s16], $0x3000, $0x38;
	[tilespmem:$0x1E500] =	vst v63  }
0x1d3: {  	_ =	swait.ge [sflag:s26], $0x3000  }
0x1d4: {  	s15 =	sld [smem:$0x7FD]  }
0x1d5: {  	[sflag:s26] =	ssyncset.done $0x0  }
0x1d6: {  	[sflag:s26] =	ssyncadd.s32 $0xFFFFD000  }
0x1d7: {  	[hbm4b:s15+s4] =	stream.linear.scatter [tilespmem:s22], [sflag:$0x10], $0x3000, $0x38;
	[tilespmem:$0x1E500] =	vst v63  }
0x1d8: {  	_ =	swait.ge [sflag:s26], $0x3000  }
0x1d9: {  	s22 =	sld [smem:$0x7F3];
	_ =	sdelay $0x2  }
0x1da: {  	s31 =	rddreg [dreg:$0x1e];
	s2 =	sadd.s32 $0x1, s22  }
0x1db: {  	p0 =	sne.s32 s2, s31  }
.Ltmp1:
0x1dc: {  	_ = 	snop;
	(pc) =	sbr.rel @p0 .LBB2_1-.Ltmp1, $3  }
0x1dd: {  	_ =	sdelay $0x1  }
0x1de: {  	[sflag:s26] =	ssyncset.done $0x0  }
0x1df: {  	[sflag:s26] =	ssyncadd.s32 $0xFFFFD000  }
0x1e0: {  	_ =	sfence.sel $0x180000  }
0x1e1: {  	[bflag:$0x0] =	sbarrier.arrive $0xFFFF  }
0x1e2: {  	_ =	strace $0x90000047  }
0x1e3: {  	s0 =	stileid.u32;
	[bflag:$0x2] =	sbarrier.arrive $0xFFFF  }
0x1e4: {  	p0 =	sne.s32 s0, $0x0;
	s0 =	rddreg [dreg:$0x3]  }
0x1e5: {  	s0 =	sadd.s32 @!p0 $0x100000, s0  }
0x1e6: {  	[sflag:s0] =	ssyncadd.tile.s32 @!p0 $0x1;
	_ =	shalt  }
.Lfunc_end2:
_tile_overlayer_lowered:
.L_overlay_start_2:
0x1e7: {  	(tag) =	ssettag $0x2  }
0x1e8: {  	s0 =	rddreg [dreg:$0x0];
	s2 =	stileid.u32  }
0x1e9: {  	s1 =	rddreg [dreg:$0x1];
	p0 =	sne.s32 s2, $0x0  }
0x1ea: {  	s3 =	rddreg [dreg:$0x2];
	[bflag:$0x3] =	sbarrier.arrive $0xFFFF;
	s2 =	simm.s32 @!p0 $0x1C10  }
0x1eb: {  	[timem:s3], [sflag:s2] =	dma.local @!p0 [hbm:s0], s1  }
0x1ec: {  	s0 =	simm.s32 @!p0 $0x10  }
0x1ed: {  	_ =	swait.ge @!p0 [sflag:s0], s1  }
0x1ee: {  	s1 =	ssub.s32 @!p0 $0x0, s1;
	[sflag:s0] =	ssyncset.done @!p0 $0x0  }
0x1ef: {  	[sflag:s0] =	ssyncadd.s32 @!p0 s1  }
0x1f0: {  	[bflag:$0x3] =	sbarrier.arrive $0xFFFF  }
0x1f1: {  	_ =	shalt  }

// kernel: kernel.14.cloned.1.call-start
scs
__scs_entry_jumppad:
0x0: {  	(pc) =	sbr.rel $0x88, $3  }
0x1: {  	(tag) =	ssettag $0x0;
	lr =	simm.s32 $0x1  }
0x2: {  	[smem:$0x3F98] =	sst lr;
	_ =	strace $0xD0000000  }
0x3: {  	_ = 	snop  }
0x4: {  	_ = 	snop  }
0x5: {  	_ = 	snop  }
0x6: {  	_ = 	snop  }
0x7: {  	_ = 	snop  }
__scs_overlays_trampoline_lowered:
0x8: {  	[smem:$0x3FA7] =	sst s0  }
0x9: {  	[smem:$0x3FA8] =	sst s1  }
0xa: {  	[smem:$0x3FA9] =	sst s2  }
0xb: {  	[smem:$0x3FAA] =	sst s3  }
0xc: {  	[smem:$0x3FAB] =	sst s4  }
0xd: {  	[smem:$0x3FAC] =	sst s5  }
0xe: {  	[smem:$0x3FAD] =	sst s6  }
0xf: {  	[smem:$0x3FAE] =	sst s7  }
0x10: {  	[smem:$0x3FAF] =	sst s8  }
0x11: {  	[smem:$0x3FB0] =	sst s9;
	s0 =	simm.s32 @!p0 $0x0  }
0x12: {  	s1 =	sld [smem:$0x3F96];
	s0 =	simm.s32 @p0 $0x1  }
0x13: {  	[smem:$0x3FB1] =	sst s0;
	s0 =	simm.s32 @!p1 $0x0  }
0x14: {  	s2 =	sld [smem:$0x3F95];
	s0 =	simm.s32 @p1 $0x1  }
0x15: {  	[smem:$0x3FB2] =	sst s0;
	s0 =	simm.s32 @!p2 $0x0  }
0x16: {  	s3 =	sld [smem:$0x3FDB];
	s0 =	simm.s32 @p2 $0x1  }
0x17: {  	s4 =	simm.s32 $0x1BF5;
	[smem:$0x3FB4] =	sst s0  }
0x18: {  	s0 =	sld [smem:$0x3F97];
	_ =	swait.ge [sflag:s4], $0x0  }
0x19: {  	s7 =	sld [smem:$0x3F98]  }
0x1a: {  	s8 =	sadd.s32 $0xFFFFE003, lr  }
0x1b: {  	s9 =	sadd.s32 $0xFFFFFEF7, lr;
	s5 =	simm.s32 $0xFFFFFFFF;
	p2 =	slt.u32 s8, $0xFFFFF086  }
0x1c: {  	p1 =	slt.u32 s9, $0xF7A;
	s5 =	simm.s32 @!p2 $0x0  }
0x1d: {  	s5 =	simm.s32 @p1 $0x1;
	p0 =	seq.s32 s7, s2  }
0x1e: {  	s7 =	smul.u32 @!p0 $0xF7A, s2;
	p2 =	seq.s32 @!p0 s5, $0x0  }
0x1f: {  	s9 =	smul.u32 $0xF7A, s1;
	s8 =	simm.s32 @!p0 $0x1BF5;
	p2 =	por !p2, p0  }
0x20: {  	[sflag:s8] =	ssyncset.s32 @!p0 $0xFFFFF086;
	s6 =	sadd.s32 @!p0 s3, s7;
	s7 =	simm.s32 @!p0 $0x108  }
0x21: {  	s3 =	sadd.s32 s3, s9;
	s6 =	sadd.s32 @!p0 $0x88, s6;
	s7 =	simm.s32 @p2 $0x1082  }
0x22: {  	[simem:s7], [sflag:s8] =	dma.local @!p0 [hbm:s6], $0xF7A  }
0x23: {  	s9 =	sor.u32 $0xD0000000, s2;
	s6 =	simm.s32 $0x108;
	_ =	swait.ge @!p0 [sflag:s8], $0x0  }
0x24: {  	s3 =	sadd.s32 $0x88, s3;
	s6 =	simm.s32 @!p1 $0x1082;
	[sflag:s4] =	ssyncset.s32 $0xFFFFF086  }
0x25: {  	[simem:s6], [sflag:s4] =	dma.local [hbm:s3], $0xF7A  }
0x26: {  	[smem:$0x3F98] =	sst s1;
	(tag) =	ssettag s2;
	_ =	strace s9  }
0x27: {  	s1 =	sld [smem:$0x3FA8]  }
0x28: {  	s2 =	sld [smem:$0x3FA9]  }
0x29: {  	s4 =	sld [smem:$0x3FAB]  }
0x2a: {  	p0 =	seq.s32 s5, $0x0;
	s5 =	sld [smem:$0x3FAC]  }
0x2b: {  	s6 =	sld [smem:$0x3FAD]  }
0x2c: {  	s7 =	sld [smem:$0x3FAE]  }
0x2d: {  	s3 =	simm.s32 $0x108;
	s8 =	sld [smem:$0x3FAF]  }
0x2e: {  	s3 =	simm.s32 @!p0 $0x1082;
	s9 =	sld [smem:$0x3FB0]  }
0x2f: {  	lr =	sadd.s32 s0, s3;
	s0 =	sld [smem:$0x3FA7]  }
0x30: {  	s3 =	sld [smem:$0x3FAA]  }
0x31: {  	[smem:$0x3FB3] =	sst s10  }
0x32: {  	s10 =	sld [smem:$0x3FB1];
	_ =	sdelay $0x3  }
0x33: {  	p0 =	seq.s32 s10, $0x1;
	s10 =	sld [smem:$0x3FB3];
	_ =	sdelay $0x3  }
0x34: {  	[smem:$0x3FB3] =	sst s10  }
0x35: {  	s10 =	sld [smem:$0x3FB2];
	_ =	sdelay $0x3  }
0x36: {  	p1 =	seq.s32 s10, $0x1;
	s10 =	sld [smem:$0x3FB3];
	_ =	sdelay $0x3  }
0x37: {  	[smem:$0x3FB3] =	sst s10  }
0x38: {  	s10 =	sld [smem:$0x3FB4]  }
0x39: {  	_ = 	snop;
	(pc) =	sbr.ind lr, $3  }
0x3a: {  	_ = 	snop  }
0x3b: {  	_ = 	snop  }
0x3c: {  	p2 =	seq.s32 s10, $0x1;
	s10 =	sld [smem:$0x3FB3]  }
0x3d: {  	_ =	shalt  }
0x3e: {  	_ =	shalt  }
0x3f: {  	_ =	shalt  }
0x40: {  	_ =	shalt  }
0x41: {  	_ =	shalt  }
0x42: {  	_ =	shalt  }
0x43: {  	_ =	shalt  }
0x44: {  	_ =	shalt  }
0x45: {  	_ =	shalt  }
0x46: {  	_ =	shalt  }
0x47: {  	_ =	shalt  }
0x48: {  	_ =	shalt  }
0x49: {  	_ =	shalt  }
0x4a: {  	_ =	shalt  }
0x4b: {  	_ =	shalt  }
0x4c: {  	_ =	shalt  }
0x4d: {  	_ =	shalt  }
0x4e: {  	_ =	shalt  }
0x4f: {  	_ =	shalt  }
0x50: {  	_ =	shalt  }
0x51: {  	_ =	shalt  }
0x52: {  	_ =	shalt  }
0x53: {  	_ =	shalt  }
0x54: {  	_ =	shalt  }
0x55: {  	_ =	shalt  }
0x56: {  	_ =	shalt  }
0x57: {  	_ =	shalt  }
0x58: {  	_ =	shalt  }
0x59: {  	_ =	shalt  }
0x5a: {  	_ =	shalt  }
0x5b: {  	_ =	shalt  }
0x5c: {  	_ =	shalt  }
0x5d: {  	_ =	shalt  }
0x5e: {  	_ =	shalt  }
0x5f: {  	_ =	shalt  }
0x60: {  	_ =	shalt  }
0x61: {  	_ =	shalt  }
0x62: {  	_ =	shalt  }
0x63: {  	_ =	shalt  }
0x64: {  	_ =	shalt  }
0x65: {  	_ =	shalt  }
0x66: {  	_ =	shalt  }
0x67: {  	_ =	shalt  }
0x68: {  	_ =	shalt  }
0x69: {  	_ =	shalt  }
0x6a: {  	_ =	shalt  }
0x6b: {  	_ =	shalt  }
0x6c: {  	_ =	shalt  }
0x6d: {  	_ =	shalt  }
0x6e: {  	_ =	shalt  }
0x6f: {  	_ =	shalt  }
0x70: {  	_ =	shalt  }
0x71: {  	_ =	shalt  }
0x72: {  	_ =	shalt  }
0x73: {  	_ =	shalt  }
0x74: {  	_ =	shalt  }
0x75: {  	_ =	shalt  }
0x76: {  	_ =	shalt  }
0x77: {  	_ =	shalt  }
0x78: {  	_ =	shalt  }
0x79: {  	_ =	shalt  }
0x7a: {  	_ =	shalt  }
0x7b: {  	_ =	shalt  }
0x7c: {  	_ =	shalt  }
0x7d: {  	_ =	shalt  }
0x7e: {  	_ =	shalt  }
0x7f: {  	_ =	shalt  }
0x80: {  	_ =	shalt  }
0x81: {  	_ =	shalt  }
0x82: {  	_ =	shalt  }
0x83: {  	_ =	shalt  }
0x84: {  	_ =	shalt  }
0x85: {  	_ =	shalt  }
0x86: {  	_ =	shalt  }
0x87: {  	_ =	shalt  }
.Lfunc_end0:
.L_simem_size_0:
called_computation.2_lowered:
.L_overlay_start_0:
0x88: {  	s2 =	sld [smem:$0x3FD9]  }
0x89: {  	s3 =	sld [smem:$0x3FFE];
	_ =	sdelay $0x1  }
0x8a: {  	s1 =	srdreg.scid  }
0x8b: {  	s0 =	sand.u32 $0x1, s1  }
0x8c: {  	s17 =	sshll.u32 s0, $0xA;
	s2 =	sadd.s32 s3, s2  }
0x8d: {  	s2 =	sadd.s32 s2, s17  }
0x8e: {  	[smem:$0x3FBF] =	sst s2  }
0x8f: {  	_ = 	snop  }
0x90: {  	s2 =	sld [smem:$0x3FD0];
	(tm) =	ssettm $0x1  }
0x91: {  	s18 =	sld [smem:$0x3FFB];
	_ =	sdelay $0x3  }
0x92: {  	_ =	strace s18  }
0x93: {  	s3 =	sld [smem:$0x3FFC];
	_ =	sdelay $0x3  }
0x94: {  	_ =	strace s3  }
0x95: {  	s3 =	sld [smem:$0x3FFD];
	_ =	sdelay $0x3  }
0x96: {  	_ =	strace s3  }
0x97: {  	_ =	strace $0x8FFFFFFF  }
0x98: {  	s19 =	sld [smem:$0x3FDB];
	_ =	sdelay $0x1  }
0x99: {  	s4 =	simm.s32 $_scs_section_size  }
0x9a: {  	s5 =	simm.s32 $_size__tile_overlayer_lowered;
	s6 =	simm.s32 $_tile_overlayer_lowered  }
0x9b: {  	s22 =	simm.s32 $0x1BFF;
	s21 =	sshll.u32 s6, $0x1;
	s3 =	sadd.s32 s4, s19  }
0x9c: {  	s7 =	simm.s32 $0x0;
	s20 =	sshll.u32 s5, $0x1;
	s5 =	sadd.s32 s21, s3  }
0x9d: {  	[timem:s7], [sflag:s22] =	dma.local [hbm:s5], s20  }
0x9e: {  	_ =	swait.ge [sflag:s22], s20  }
0x9f: {  	s4 =	ssub.s32 $0x0, s20;
	[sflag:s22] =	ssyncset.done $0x0  }
0xa0: {  	[sflag:s22] =	ssyncadd.s32 s4;
	_ =	sdelay $0x1  }
0xa1: {  	s23 =	simm.s32 $0x1B8B  }
0xa2: {  	_ =	swait.ge [sflag:s23], $0x1  }
0xa3: {  	[sflag:s23] =	ssyncset.done $0x0  }
0xa4: {  	s25 =	simm.s32 $0x1B8E;
	s24 =	sld [smem:$0x3FFE];
	[sflag:s23] =	ssyncadd.s32 $0xFFFFFFFF  }
0xa5: {  	s26 =	simm.s32 $execute0_lowered;
	[smem:$0x3FD2] =	sst s25  }
0xa6: {  	s5 =	sshll.u32 s26, $0x1;
	_ =	strace $0x8000004C;
	[dreg:$0x1] =	wrdreg $0xFFFFFFFF  }
0xa7: {  	s28 =	simm.s32 $_size_execute0_lowered;
	s3 =	sadd.s32 s3, s5;
	[dreg:$0x0] =	wrdreg $0x0  }
0xa8: {  	s5 =	sshll.u32 s28, $0x1;
	[dreg:$0x2] =	wrdreg s3  }
0xa9: {  	[dreg:$0x3] =	wrdreg s5  }
0xaa: {  	[dreg:$0x4] =	wrdreg $0xC0  }
0xab: {  	_ =	task [dreg:s7], $0x5FFFF  }
0xac: {  	[dreg:$0x1] =	wrdreg $0xFFFFFFFF  }
0xad: {  	[dreg:$0x0] =	wrdreg $0x60  }
0xae: {  	[dreg:$0x2] =	wrdreg s2  }
0xaf: {  	[dreg:$0x3] =	wrdreg s24  }
0xb0: {  	[dreg:$0x4] =	wrdreg $0xF5000  }
0xb1: {  	[dreg:$0x5] =	wrdreg $0x9  }
0xb2: {  	_ =	task.clear_ibuf [dreg:s7], $0x6FFFF;
	_ =	strace $0x9000004C  }
0xb3: {  	s29 =	simm.s32 $0x9;
	_ =	strace $0x8000004E  }
0xb4: {  	_ =	swait.ge [sflag:s29], $0x1  }
0xb5: {  	[sflag:s29] =	ssyncadd.s32 $0xFFFFFFFF  }
0xb6: {  	_ =	strace $0x9000004E  }
0xb7: {  	_ =	sfence  }
0xb8: {  	s30 =	sld [smem:$0x0];
	_ =	sdelay $0x2  }
0xb9: {  	s31 =	sshll.u32 s1, $0xD;
	s1 =	sshrl.u32 s1, $0x2  }
0xba: {  	s3 =	sand.u32 $0x4000, s31;
	s1 =	sadd.s32 s1, s30  }
0xbb: {  	s0 =	sor.u32 s3, s0;
	s1 =	sshll.u32 s1, $0x11  }
0xbc: {  	s0 =	sor.u32 s1, s0  }
0xbd: {  	s0 =	sadd.s32 $0x8F2B, s0  }
0xbe: {  	[sflag:s0] =	ssyncadd.remote.s32 $0x1  }
0xbf: {  	_ =	sfence.sel $0xFFFF  }
0xc0: {  	[dreg:$0x0] =	wrdreg $0xFFFFFFFF;
	(pc) =	sbr.abs _section_cstart, $3  }
0xc1: {  	[dreg:$0x1] =	wrdreg $0xFFFFFFFF  }
0xc2: {  	_ =	task.clear_ibuf [dreg:s7], $0x2FFFF;
	_ =	strace $0x9FFFFFFF  }
0xc3: {  	(tm) =	ssettm $0x7FFFFFFF  }
tec
execute0_lowered:
.L_overlay_start_1:
0x0: {  	(tag) =	ssettag $0x1  }
0x1: {  	s1 =	rddreg [dreg:$0x0]  }
0x2: {  	s2 =	rddreg [dreg:$0x1]  }
0x3: {  	s3 =	rddreg [dreg:$0x2];
	s15 =	stileid.u32  }
0x4: {  	s4 =	simm.s32 $0x0;
	s6 =	srdreg.scid;
	s5 =	smul.u32 $0x280, s15  }
0x5: {  	[smem:$0x7FF] =	sst s4;
	s0 =	sadd.s32 $0xB800, s2;
	s7 =	smul.u32 $0x3C000, s15  }
0x6: {  	s9 =	sadd.s32 $0x1F800, s2;
	s6 =	sand.u32 $0x1, s6;
	s11 =	sadd.s32 $0x1A00, s2  }
0x7: {  	s2 =	sadd.s32 $0x29800, s2;
	_ =	strace $0x8000004D;
	s18 =	smul.u32 $0x50000, s6  }
0x8: {  	[dreg:$0xa] =	wrdreg s11;
	s14 =	ssub.s32 $0x2, s6;
	s6 =	smul.u32 $0x2800, s6  }
0x9: {  	s8 =	sadd.s32 $0x80, s5;
	s12 =	sshrl.u32 s14, $0x1;
	s13 =	sshrl.u32 s7, $0x2  }
0xa: {  	s17 =	sadd.s32 $0x24000, s7;
	s10 =	smul.u32 $0x180, s8;
	s11 =	ssub.s32 s14, s12  }
0xb: {  	s29 =	sadd.s32 s13, s3;
	s14 =	smul.u32 $0x5000, s15;
	s5 =	sadd.s32 s5, s6  }
0xc: {  	s12 =	sshrl.u32 s17, $0x2;
	s6 =	sadd.s32 s6, s8;
	s5 =	smul.u32 $0xC, s5  }
0xd: {  	s6 =	smul.u32 $0xC, s6;
	s11 =	smax.u32 s11, $0x1;
	[dreg:$0xb] =	wrdreg s29  }
0xe: {  	s25 =	sadd.s32 s12, s3;
	s20 =	sshrl.u32 s14, $0x3;
	[dreg:$0x1e] =	wrdreg s11  }
0xf: {  	[dreg:$0xe] =	wrdreg s25;
	s8 =	sadd.s32 s2, s5;
	s2 =	sadd.s32 s2, s6  }
0x10: {  	s16 =	sadd.s32 $0x18000, s7;
	s12 =	sadd.s32 s9, s20;
	[dreg:$0x18] =	wrdreg s2  }
0x11: {  	s7 =	sadd.s32 $0x30000, s7;
	s10 =	sshrl.u32 s10, $0x2;
	[dreg:$0x11] =	wrdreg s12  }
0x12: {  	s7 =	sshrl.u32 s7, $0x2;
	s30 =	sadd.s32 s10, s3;
	[dreg:$0x17] =	wrdreg s8  }
0x13: {  	s10 =	sshrl.u32 s16, $0x2;
	s16 =	sadd.s32 s7, s3;
	[dreg:$0xc] =	wrdreg s30  }
0x14: {  	s31 =	smul.u32 $0xA00, s15;
	s21 =	sadd.s32 $0x10, s12;
	[dreg:$0xf] =	wrdreg s16  }
0x15: {  	s23 =	sadd.s32 s10, s3;
	s24 =	sadd.s32 $0x20, s12;
	[dreg:$0x13] =	wrdreg s21  }
0x16: {  	s10 =	sadd.s32 s14, s18;
	s14 =	sadd.s32 s31, s9;
	[dreg:$0x15] =	wrdreg s24  }
0x17: {  	s19 =	sshrl.u32 s10, $0x3;
	s15 =	sor.u32 $0x500, s10;
	[dreg:$0x4] =	wrdreg s14  }
0x18: {  	[dreg:$0xd] =	wrdreg s23;
	s17 =	sshrl.u32 s15, $0x3;
	s15 =	sadd.s32 $0x60, s12  }
0x19: {  	s13 =	sadd.s32 s0, s19;
	[smem:$0x7F4] =	sst s15  }
0x1a: {  	s7 =	sadd.s32 $0x10, s13;
	[dreg:$0x10] =	wrdreg s13  }
0x1b: {  	s6 =	sor.u32 $0x580, s10;
	s22 =	sadd.s32 $0x20, s13;
	[dreg:$0x12] =	wrdreg s7  }
0x1c: {  	s2 =	sshrl.u32 s6, $0x3;
	s26 =	sadd.s32 $0x30, s13;
	[dreg:$0x14] =	wrdreg s22  }
0x1d: {  	s2 =	sadd.s32 s2, s0;
	[dreg:$0x16] =	wrdreg s26  }
0x1e: {  	s21 =	sor.u32 $0x400, s10;
	s18 =	sadd.s32 s17, s0;
	[dreg:$0x5] =	wrdreg s2  }
0x1f: {  	s5 =	sshrl.u32 s21, $0x3;
	s31 =	sadd.s32 $0x40, s13;
	[dreg:$0x6] =	wrdreg s18  }
0x20: {  	s24 =	sadd.s32 s5, s0;
	[dreg:$0x1a] =	wrdreg s31  }
0x21: {  	s9 =	sadd.s32 $0x50, s13;
	[dreg:$0x8] =	wrdreg s24  }
0x22: {  	s28 =	simm.s32 $0x2;
	s14 =	sadd.s32 $0x60, s13;
	[dreg:$0x1c] =	wrdreg s9  }
0x23: {  	s19 =	sor.u32 $0x480, s10;
	s17 =	sadd.s32 $0x9D0, s13;
	[dreg:$0x1f] =	wrdreg s14  }
0x24: {  	s20 =	sshrl.u32 s19, $0x3;
	s19 =	sadd.s32 $0x9E0, s13;
	[smem:$0x7F5] =	sst s17  }
0x25: {  	s11 =	simm.s32 $0xC;
	s21 =	sadd.s32 $0x9F0, s13;
	[smem:$0x7F7] =	sst s19  }
0x26: {  	s22 =	sadd.s32 $0x30, s12;
	s2 =	sadd.s32 s20, s0;
	[smem:$0x7F9] =	sst s21  }
0x27: {  	s26 =	sor.u32 $0x380, s10;
	s7 =	sadd.s32 $0x40, s12;
	[dreg:$0x19] =	wrdreg s22  }
0x28: {  	s10 =	sadd.s32 $0x50, s12;
	s18 =	sadd.s32 $0x9D0, s12;
	[dreg:$0x7] =	wrdreg s2  }
0x29: {  	s20 =	sadd.s32 $0x9E0, s12;
	s24 =	sadd.s32 $0xC00, s8;
	[dreg:$0x1b] =	wrdreg s7  }
0x2a: {  	s31 =	sadd.s32 $0x1800, s8;
	s14 =	simm.s32 $0x4;
	[dreg:$0x1d] =	wrdreg s10  }
0x2b: {  	s9 =	simm.s32 $0x9;
	s17 =	simm.s32 $0xA;
	[smem:$0x7F6] =	sst s18  }
0x2c: {  	s19 =	simm.s32 $0xF;
	s6 =	sshrl.u32 s26, $0x3;
	[smem:$0x7F8] =	sst s20  }
0x2d: {  	s22 =	sadd.s32 $0x9F0, s12;
	[smem:$0x7FB] =	sst s24;
	s26 =	sadd.s32 $0x1200, s8  }
0x2e: {  	[smem:$0x7FD] =	sst s31;
	s20 =	simm.s32 $0x80;
	s24 =	simm.s32 $0x1  }
0x2f: {  	s18 =	simm.s32 $0x7;
	s12 =	simm.s32 $0x5;
	s7 =	simm.s32 $0x8  }
0x30: {  	s8 =	simm.s32 $0xD;
	s10 =	simm.s32 $0xE;
	[smem:$0x7FA] =	sst s22  }
0x31: {  	s2 =	simm.s32 $0x0;
	s0 =	sadd.s32 s6, s0;
	[smem:$0x7FC] =	sst s26  }
0x32: {  	s26 =	simm.s32 $0x10;
	[dreg:$0x9] =	wrdreg s0;
	s0 =	simm.s32 $0x3  }
.LBB2_1:
0x33: {  	[smem:$0x7F3] =	sst s2  }
0x34: {  	s5 =	rddreg [dreg:$0xa];
	s6 =	simm.s32 $0x500  }
0x35: {  	[tilespmem:s6], [sflag:$0x10] =	stream.linear.gather [hbm4b:s5+s4], $0x3000, $0x38;
	[tilespmem:$0x1E500] =	vst v63  }
0x36: {  	_ =	swait.ge [sflag:s26], $0x3000  }
0x37: {  	[sflag:s26] =	ssyncset.done $0x0  }
0x38: {  	[sflag:s26] =	ssyncadd.s32 $0xFFFFD000  }
0x39: {  	[spmem:s29] =	stream.linear.scatter [tilespmem:s6], [sflag:$0x10], $0x3000, $0x38;
	[tilespmem:$0x1E500] =	vst v63  }
0x3a: {  	_ =	swait.ge [sflag:s26], $0x3000  }
0x3b: {  	[sflag:s26] =	ssyncset.done $0x0  }
0x3c: {  	[sflag:s26] =	ssyncadd.s32 $0xFFFFD000  }
0x3d: {  	[spmem:s30] =	stream.linear.scatter [tilespmem:s6], [sflag:$0x10], $0x3000, $0x38;
	[tilespmem:$0x1E500] =	vst v63  }
0x3e: {  	_ =	swait.ge [sflag:s26], $0x3000  }
0x3f: {  	[sflag:s26] =	ssyncset.done $0x0  }
0x40: {  	[sflag:s26] =	ssyncadd.s32 $0xFFFFD000  }
0x41: {  	[spmem:s23] =	stream.linear.scatter [tilespmem:s6], [sflag:$0x10], $0x3000, $0x38;
	[tilespmem:$0x1E500] =	vst v63  }
0x42: {  	_ =	swait.ge [sflag:s26], $0x3000  }
0x43: {  	[sflag:s26] =	ssyncset.done $0x0  }
0x44: {  	[sflag:s26] =	ssyncadd.s32 $0xFFFFD000  }
0x45: {  	[spmem:s25] =	stream.linear.scatter [tilespmem:s6], [sflag:$0x10], $0x3000, $0x38;
	[tilespmem:$0x1E500] =	vst v63  }
0x46: {  	_ =	swait.ge [sflag:s26], $0x3000  }
0x47: {  	[sflag:s26] =	ssyncset.done $0x0  }
0x48: {  	s21 =	smov.u32 s16;
	[sflag:s26] =	ssyncadd.s32 $0xFFFFD000  }
0x49: {  	[spmem:s21] =	stream.linear.scatter [tilespmem:s6], [sflag:$0x10], $0x3000, $0x38;
	[tilespmem:$0x1E500] =	vst v63  }
0x4a: {  	_ =	swait.ge [sflag:s26], $0x3000  }
0x4b: {  	[sflag:s26] =	ssyncset.done $0x0  }
0x4c: {  	[sflag:s26] =	ssyncadd.s32 $0xFFFFD000  }
0x4d: {  	[bflag:$0x0] =	sbarrier.arrive $0xFFFF  }
0x4e: {  	s15 =	rddreg [dreg:$0x10]  }
0x4f: {  	[tilespmem:s4], [sflag:$0x1] =	stream.linear.gather [hbm4b:s15+s4], $0x80, $0x38;
	[tilespmem:$0x1E500] =	vst v63  }
0x50: {  	s22 =	simm.s32 $0x280;
	s21 =	rddreg [dreg:$0x11]  }
0x51: {  	[tilespmem:s22], [sflag:$0x1] =	stream.linear.gather [hbm4b:s21+s4], $0x80, $0x38;
	[tilespmem:$0x1E500] =	vst v63  }
0x52: {  	s23 =	rddreg [dreg:$0x12]  }
0x53: {  	[tilespmem:s20], [sflag:$0x2] =	stream.linear.gather [hbm4b:s23+s4], $0x80, $0x38;
	[tilespmem:$0x1E500] =	vst v63  }
0x54: {  	s25 =	rddreg [dreg:$0x13];
	s23 =	simm.s32 $0x300  }
0x55: {  	[tilespmem:s23], [sflag:$0x2] =	stream.linear.gather [hbm4b:s25+s4], $0x80, $0x38;
	[tilespmem:$0x1E500] =	vst v63  }
0x56: {  	s26 =	rddreg [dreg:$0x14];
	s25 =	simm.s32 $0x100  }
0x57: {  	[tilespmem:s25], [sflag:$0x3] =	stream.linear.gather [hbm4b:s26+s4], $0x80, $0x38;
	[tilespmem:$0x1E500] =	vst v63  }
0x58: {  	s29 =	rddreg [dreg:$0x15];
	s26 =	simm.s32 $0x380  }
0x59: {  	[tilespmem:s26], [sflag:$0x3] =	stream.linear.gather [hbm4b:s29+s4], $0x80, $0x38;
	[tilespmem:$0x1E500] =	vst v63  }
0x5a: {  	_ =	swait.ge [sflag:s24], $0x80  }
0x5b: {  	[sflag:s24] =	ssyncset.done $0x0  }
0x5c: {  	[sflag:s24] =	ssyncadd.s32 $0xFFFFFF80  }
0x5d: {  	_ =	swait.ge [sflag:s24], $0x80  }
0x5e: {  	[sflag:s24] =	ssyncset.done $0x0  }
0x5f: {  	s13 =	simm.s32 $0x500;
	[sflag:s24] =	ssyncadd.s32 $0xFFFFFF80  }
0x60: {  	[tilespmem:s13], [sflag:$0x6] =	stream.indirect.gather [hbm4b:s1+s20], $0x60, s4, s20, $0xb8;
	[tilespmem:$0x1E500] =	vst v63  }
0x61: {  	s29 =	simm.s32 $0x180;
	s30 =	rddreg [dreg:$0x16]  }
0x62: {  	[tilespmem:s29], [sflag:$0x4] =	stream.linear.gather [hbm4b:s30+s4], $0x80, $0x38;
	[tilespmem:$0x1E500] =	vst v63  }
0x63: {  	s31 =	rddreg [dreg:$0x19];
	s30 =	simm.s32 $0x400  }
0x64: {  	[tilespmem:s30], [sflag:$0x4] =	stream.linear.gather [hbm4b:s31+s4], $0x80, $0x38;
	[tilespmem:$0x1E500] =	vst v63  }
0x65: {  	_ =	swait.ge [sflag:s28], $0x80  }
0x66: {  	[sflag:s28] =	ssyncset.done $0x0  }
0x67: {  	[sflag:s28] =	ssyncadd.s32 $0xFFFFFF80  }
0x68: {  	_ =	swait.ge [sflag:s28], $0x80  }
0x69: {  	[sflag:s28] =	ssyncset.done $0x0  }
0x6a: {  	s31 =	simm.s32 $0x3500;
	[sflag:s28] =	ssyncadd.s32 $0xFFFFFF80  }
0x6b: {  	[tilespmem:s31], [sflag:$0x7] =	stream.indirect.gather [hbm4b:s1+s20], $0x60, s20, s20, $0xb8;
	[tilespmem:$0x1E500] =	vst v63  }
0x6c: {  	s5 =	simm.s32 $0x200;
	s2 =	rddreg [dreg:$0x1a]  }
0x6d: {  	[tilespmem:s5], [sflag:$0x5] =	stream.linear.gather [hbm4b:s2+s4], $0x80, $0x38;
	[tilespmem:$0x1E500] =	vst v63  }
0x6e: {  	s6 =	rddreg [dreg:$0x1b];
	s5 =	simm.s32 $0x480  }
0x6f: {  	[tilespmem:s5], [sflag:$0x5] =	stream.linear.gather [hbm4b:s6+s4], $0x80, $0x38;
	[tilespmem:$0x1E500] =	vst v63  }
0x70: {  	_ =	swait.ge [sflag:s0], $0x80  }
0x71: {  	[sflag:s0] =	ssyncset.done $0x0  }
0x72: {  	[sflag:s0] =	ssyncadd.s32 $0xFFFFFF80  }
0x73: {  	_ =	swait.ge [sflag:s0], $0x80  }
0x74: {  	[sflag:s0] =	ssyncset.done $0x0  }
0x75: {  	s15 =	simm.s32 $0x6;
	s6 =	simm.s32 $0x6500;
	[sflag:s0] =	ssyncadd.s32 $0xFFFFFF80  }
0x76: {  	[tilespmem:s6], [sflag:$0x8] =	stream.indirect.gather [hbm4b:s1+s20], $0x60, s25, s20, $0xb8;
	[tilespmem:$0x1E500] =	vst v63  }
0x77: {  	_ =	swait.ge [sflag:s15], $0x3000  }
0x78: {  	[sflag:s15] =	ssyncset.done $0x0  }
0x79: {  	s13 =	simm.s32 $0x500;
	s2 =	simm.s32 $0xB;
	[sflag:s15] =	ssyncadd.s32 $0xFFFFD000  }
0x7a: {  	[spmem:s3] =	stream.indirect.scatter.add.f32 [tilespmem:s13], [sflag:$0xB], $0x60, s22, s20, $0xb8;
	[tilespmem:$0x1E500] =	vst v63  }
0x7b: {  	_ =	swait.ge [sflag:s2], $0x3000  }
0x7c: {  	[sflag:s2] =	ssyncset.done $0x0  }
0x7d: {  	s13 =	rddreg [dreg:$0x1c];
	[sflag:s2] =	ssyncadd.s32 $0xFFFFD000  }
0x7e: {  	[tilespmem:s4], [sflag:$0x1] =	stream.linear.gather [hbm4b:s13+s4], $0x80, $0x38;
	[tilespmem:$0x1E500] =	vst v63  }
0x7f: {  	s13 =	rddreg [dreg:$0x1d]  }
0x80: {  	[tilespmem:s22], [sflag:$0x1] =	stream.linear.gather [hbm4b:s13+s4], $0x80, $0x38;
	[tilespmem:$0x1E500] =	vst v63  }
0x81: {  	_ =	swait.ge [sflag:s14], $0x80  }
0x82: {  	[sflag:s14] =	ssyncset.done $0x0  }
0x83: {  	[sflag:s14] =	ssyncadd.s32 $0xFFFFFF80  }
0x84: {  	_ =	swait.ge [sflag:s14], $0x80  }
0x85: {  	[sflag:s14] =	ssyncset.done $0x0  }
0x86: {  	s13 =	simm.s32 $0x9500;
	[sflag:s14] =	ssyncadd.s32 $0xFFFFFF80  }
0x87: {  	[tilespmem:s13], [sflag:$0x9] =	stream.indirect.gather [hbm4b:s1+s20], $0x60, s29, s20, $0xb8;
	[tilespmem:$0x1E500] =	vst v63  }
0x88: {  	_ =	swait.ge [sflag:s18], $0x3000  }
0x89: {  	[sflag:s18] =	ssyncset.done $0x0  }
0x8a: {  	[sflag:s18] =	ssyncadd.s32 $0xFFFFD000  }
0x8b: {  	[spmem:s3] =	stream.indirect.scatter.add.f32 [tilespmem:s31], [sflag:$0xC], $0x60, s23, s20, $0xb8;
	[tilespmem:$0x1E500] =	vst v63  }
0x8c: {  	_ =	swait.ge [sflag:s11], $0x3000  }
0x8d: {  	[sflag:s11] =	ssyncset.done $0x0  }
0x8e: {  	s16 =	rddreg [dreg:$0x1f];
	[sflag:s11] =	ssyncadd.s32 $0xFFFFD000  }
0x8f: {  	[tilespmem:s20], [sflag:$0x2] =	stream.linear.gather [hbm4b:s16+s4], $0x80, $0x38;
	[tilespmem:$0x1E500] =	vst v63  }
0x90: {  	s16 =	sld [smem:$0x7F4];
	_ =	sdelay $0x2  }
0x91: {  	[tilespmem:s23], [sflag:$0x2] =	stream.linear.gather [hbm4b:s16+s4], $0x80, $0x38;
	[tilespmem:$0x1E500] =	vst v63  }
0x92: {  	_ =	swait.ge [sflag:s12], $0x80  }
0x93: {  	[sflag:s12] =	ssyncset.done $0x0  }
0x94: {  	[sflag:s12] =	ssyncadd.s32 $0xFFFFFF80  }
0x95: {  	_ =	swait.ge [sflag:s12], $0x80  }
0x96: {  	[sflag:s12] =	ssyncset.done $0x0  }
0x97: {  	s21 =	simm.s32 $0x200;
	s16 =	simm.s32 $0xC500;
	[sflag:s12] =	ssyncadd.s32 $0xFFFFFF80  }
0x98: {  	[tilespmem:s16], [sflag:$0xA] =	stream.indirect.gather [hbm4b:s1+s20], $0x60, s21, s20, $0xb8;
	[tilespmem:$0x1E500] =	vst v63  }
0x99: {  	_ =	swait.ge [sflag:s7], $0x3000  }
0x9a: {  	[sflag:s7] =	ssyncset.done $0x0  }
0x9b: {  	[sflag:s7] =	ssyncadd.s32 $0xFFFFD000  }
0x9c: {  	[spmem:s3] =	stream.indirect.scatter.add.f32 [tilespmem:s6], [sflag:$0xD], $0x60, s26, s20, $0xb8;
	[tilespmem:$0x1E500] =	vst v63  }
0x9d: {  	_ =	swait.ge [sflag:s8], $0x3000  }
0x9e: {  	s16 =	rddreg [dreg:$0x9];
	[sflag:s8] =	ssyncset.done $0x0  }
0x9f: {  	s21 =	rddreg [dreg:$0x4];
	[sflag:s8] =	ssyncadd.s32 $0xFFFFD000;
	s16 =	sadd.s32 $0x0, s16  }
0xa0: {  	[tilespmem:s25], [sflag:$0x3] =	stream.linear.gather [hbm4b:s16+s4], $0x80, $0x38;
	[tilespmem:$0x1E500] =	vst v63  }
0xa1: {  	s16 =	sadd.s32 $0x0, s21  }
0xa2: {  	s21 =	sadd.s32 $0x70, s16  }
0xa3: {  	[tilespmem:s26], [sflag:$0x3] =	stream.linear.gather [hbm4b:s21+s4], $0x80, $0x38;
	[tilespmem:$0x1E500] =	vst v63  }
0xa4: {  	_ =	swait.ge [sflag:s24], $0x80  }
0xa5: {  	[sflag:s24] =	ssyncset.done $0x0  }
0xa6: {  	[sflag:s24] =	ssyncadd.s32 $0xFFFFFF80  }
0xa7: {  	_ =	swait.ge [sflag:s24], $0x80  }
0xa8: {  	[sflag:s24] =	ssyncset.done $0x0  }
0xa9: {  	s26 =	simm.s32 $0x500;
	[sflag:s24] =	ssyncadd.s32 $0xFFFFFF80  }
0xaa: {  	[tilespmem:s26], [sflag:$0x6] =	stream.indirect.gather [hbm4b:s1+s20], $0x60, s4, s20, $0xb8;
	[tilespmem:$0x1E500] =	vst v63  }
0xab: {  	_ =	swait.ge [sflag:s9], $0x3000  }
0xac: {  	[sflag:s9] =	ssyncset.done $0x0  }
0xad: {  	[sflag:s9] =	ssyncadd.s32 $0xFFFFD000  }
0xae: {  	[spmem:s3] =	stream.indirect.scatter.add.f32 [tilespmem:s13], [sflag:$0xE], $0x60, s30, s20, $0xb8;
	[tilespmem:$0x1E500] =	vst v63  }
0xaf: {  	_ =	swait.ge [sflag:s10], $0x3000  }
0xb0: {  	s21 =	rddreg [dreg:$0x8];
	[sflag:s10] =	ssyncset.done $0x0  }
0xb1: {  	[sflag:s10] =	ssyncadd.s32 $0xFFFFD000;
	s21 =	sadd.s32 $0x0, s21  }
0xb2: {  	[tilespmem:s29], [sflag:$0x4] =	stream.linear.gather [hbm4b:s21+s4], $0x80, $0x38;
	[tilespmem:$0x1E500] =	vst v63  }
0xb3: {  	s21 =	sadd.s32 $0x80, s16  }
0xb4: {  	[tilespmem:s30], [sflag:$0x4] =	stream.linear.gather [hbm4b:s21+s4], $0x80, $0x38;
	[tilespmem:$0x1E500] =	vst v63  }
0xb5: {  	_ =	swait.ge [sflag:s28], $0x80  }
0xb6: {  	[sflag:s28] =	ssyncset.done $0x0  }
0xb7: {  	[sflag:s28] =	ssyncadd.s32 $0xFFFFFF80  }
0xb8: {  	_ =	swait.ge [sflag:s28], $0x80  }
0xb9: {  	[sflag:s28] =	ssyncset.done $0x0  }
0xba: {  	[sflag:s28] =	ssyncadd.s32 $0xFFFFFF80  }
0xbb: {  	[tilespmem:s31], [sflag:$0x7] =	stream.indirect.gather [hbm4b:s1+s20], $0x60, s20, s20, $0xb8;
	[tilespmem:$0x1E500] =	vst v63  }
0xbc: {  	_ =	swait.ge [sflag:s17], $0x3000  }
0xbd: {  	[sflag:s17] =	ssyncset.done $0x0  }
0xbe: {  	s30 =	simm.s32 $0xC500;
	[sflag:s17] =	ssyncadd.s32 $0xFFFFD000  }
0xbf: {  	[spmem:s3] =	stream.indirect.scatter.add.f32 [tilespmem:s30], [sflag:$0xF], $0x60, s5, s20, $0xb8;
	[tilespmem:$0x1E500] =	vst v63  }
0xc0: {  	_ =	swait.ge [sflag:s19], $0x3000  }
0xc1: {  	s30 =	rddreg [dreg:$0x7];
	[sflag:s19] =	ssyncset.done $0x0  }
0xc2: {  	[sflag:s19] =	ssyncadd.s32 $0xFFFFD000;
	s21 =	sadd.s32 $0x0, s30;
	s30 =	simm.s32 $0x200  }
0xc3: {  	[tilespmem:s30], [sflag:$0x5] =	stream.linear.gather [hbm4b:s21+s4], $0x80, $0x38;
	[tilespmem:$0x1E500] =	vst v63  }
0xc4: {  	s21 =	sadd.s32 $0x90, s16  }
0xc5: {  	[tilespmem:s5], [sflag:$0x5] =	stream.linear.gather [hbm4b:s21+s4], $0x80, $0x38;
	[tilespmem:$0x1E500] =	vst v63  }
0xc6: {  	_ =	swait.ge [sflag:s0], $0x80  }
0xc7: {  	[sflag:s0] =	ssyncset.done $0x0  }
0xc8: {  	[sflag:s0] =	ssyncadd.s32 $0xFFFFFF80  }
0xc9: {  	_ =	swait.ge [sflag:s0], $0x80  }
0xca: {  	[sflag:s0] =	ssyncset.done $0x0  }
0xcb: {  	[sflag:s0] =	ssyncadd.s32 $0xFFFFFF80  }
0xcc: {  	[tilespmem:s6], [sflag:$0x8] =	stream.indirect.gather [hbm4b:s1+s20], $0x60, s25, s20, $0xb8;
	[tilespmem:$0x1E500] =	vst v63  }
0xcd: {  	_ =	swait.ge [sflag:s15], $0x3000  }
0xce: {  	[sflag:s15] =	ssyncset.done $0x0  }
0xcf: {  	s26 =	simm.s32 $0x500;
	[sflag:s15] =	ssyncadd.s32 $0xFFFFD000  }
0xd0: {  	[spmem:s3] =	stream.indirect.scatter.add.f32 [tilespmem:s26], [sflag:$0xB], $0x60, s22, s20, $0xb8;
	[tilespmem:$0x1E500] =	vst v63  }
0xd1: {  	_ =	swait.ge [sflag:s2], $0x3000  }
0xd2: {  	s25 =	rddreg [dreg:$0x6];
	[sflag:s2] =	ssyncset.done $0x0  }
0xd3: {  	[sflag:s2] =	ssyncadd.s32 $0xFFFFD000;
	s21 =	sadd.s32 $0x0, s25  }
0xd4: {  	[tilespmem:s4], [sflag:$0x1] =	stream.linear.gather [hbm4b:s21+s4], $0x80, $0x38;
	[tilespmem:$0x1E500] =	vst v63  }
0xd5: {  	s26 =	sadd.s32 $0xA0, s16  }
0xd6: {  	[tilespmem:s22], [sflag:$0x1] =	stream.linear.gather [hbm4b:s26+s4], $0x80, $0x38;
	[tilespmem:$0x1E500] =	vst v63  }
0xd7: {  	_ =	swait.ge [sflag:s14], $0x80  }
0xd8: {  	[sflag:s14] =	ssyncset.done $0x0  }
0xd9: {  	[sflag:s14] =	ssyncadd.s32 $0xFFFFFF80  }
0xda: {  	_ =	swait.ge [sflag:s14], $0x80  }
0xdb: {  	[sflag:s14] =	ssyncset.done $0x0  }
0xdc: {  	[sflag:s14] =	ssyncadd.s32 $0xFFFFFF80  }
0xdd: {  	[tilespmem:s13], [sflag:$0x9] =	stream.indirect.gather [hbm4b:s1+s20], $0x60, s29, s20, $0xb8;
	[tilespmem:$0x1E500] =	vst v63  }
0xde: {  	_ =	swait.ge [sflag:s18], $0x3000  }
0xdf: {  	[sflag:s18] =	ssyncset.done $0x0  }
0xe0: {  	[sflag:s18] =	ssyncadd.s32 $0xFFFFD000  }
0xe1: {  	[spmem:s3] =	stream.indirect.scatter.add.f32 [tilespmem:s31], [sflag:$0xC], $0x60, s23, s20, $0xb8;
	[tilespmem:$0x1E500] =	vst v63  }
0xe2: {  	_ =	swait.ge [sflag:s11], $0x3000  }
0xe3: {  	s29 =	rddreg [dreg:$0x5];
	[sflag:s11] =	ssyncset.done $0x0  }
0xe4: {  	[sflag:s11] =	ssyncadd.s32 $0xFFFFD000;
	s21 =	sadd.s32 $0x0, s29  }
0xe5: {  	[tilespmem:s20], [sflag:$0x2] =	stream.linear.gather [hbm4b:s21+s4], $0x80, $0x38;
	[tilespmem:$0x1E500] =	vst v63  }
0xe6: {  	s16 =	sadd.s32 $0xB0, s16  }
0xe7: {  	[tilespmem:s23], [sflag:$0x2] =	stream.linear.gather [hbm4b:s16+s4], $0x80, $0x38;
	[tilespmem:$0x1E500] =	vst v63  }
0xe8: {  	_ =	swait.ge [sflag:s12], $0x80  }
0xe9: {  	[sflag:s12] =	ssyncset.done $0x0  }
0xea: {  	[sflag:s12] =	ssyncadd.s32 $0xFFFFFF80  }
0xeb: {  	_ =	swait.ge [sflag:s12], $0x80  }
0xec: {  	[sflag:s12] =	ssyncset.done $0x0  }
0xed: {  	s30 =	simm.s32 $0x200;
	s31 =	simm.s32 $0xC500;
	[sflag:s12] =	ssyncadd.s32 $0xFFFFFF80  }
0xee: {  	[tilespmem:s31], [sflag:$0xA] =	stream.indirect.gather [hbm4b:s1+s20], $0x60, s30, s20, $0xb8;
	[tilespmem:$0x1E500] =	vst v63  }
0xef: {  	_ =	swait.ge [sflag:s7], $0x3000  }
0xf0: {  	s21 =	simm.s32 $0x50;
	[sflag:s7] =	ssyncset.done $0x0  }
.LBB2_2:
0xf1: {  	[sflag:s7] =	ssyncadd.s32 $0xFFFFD000;
	s25 =	simm.s32 $0x380;
	s6 =	simm.s32 $0x6500  }
0xf2: {  	[spmem:s3] =	stream.indirect.scatter.add.f32 [tilespmem:s6], [sflag:$0xD], $0x60, s25, s20, $0xb8;
	[tilespmem:$0x1E500] =	vst v63  }
0xf3: {  	s16 =	smov.u32 s21;
	_ =	swait.ge [sflag:s8], $0x3000  }
0xf4: {  	s29 =	simm.s32 $0x100;
	s22 =	rddreg [dreg:$0x9];
	[sflag:s8] =	ssyncset.done $0x0  }
0xf5: {  	s23 =	rddreg [dreg:$0x4];
	[sflag:s8] =	ssyncadd.s32 $0xFFFFD000;
	s22 =	sadd.s32 s16, s22  }
0xf6: {  	[tilespmem:s29], [sflag:$0x3] =	stream.linear.gather [hbm4b:s22+s4], $0x80, $0x38;
	[tilespmem:$0x1E500] =	vst v63  }
0xf7: {  	s22 =	sadd.s32 s16, s23  }
0xf8: {  	s23 =	sadd.s32 $0x70, s22  }
0xf9: {  	[tilespmem:s25], [sflag:$0x3] =	stream.linear.gather [hbm4b:s23+s4], $0x80, $0x38;
	[tilespmem:$0x1E500] =	vst v63  }
0xfa: {  	_ =	swait.ge [sflag:s24], $0x80  }
0xfb: {  	[sflag:s24] =	ssyncset.done $0x0  }
0xfc: {  	[sflag:s24] =	ssyncadd.s32 $0xFFFFFF80  }
0xfd: {  	_ =	swait.ge [sflag:s24], $0x80  }
0xfe: {  	[sflag:s24] =	ssyncset.done $0x0  }
0xff: {  	s26 =	simm.s32 $0x500;
	[sflag:s24] =	ssyncadd.s32 $0xFFFFFF80  }
0x100: {  	[tilespmem:s26], [sflag:$0x6] =	stream.indirect.gather [hbm4b:s1+s20], $0x60, s4, s20, $0xb8;
	[tilespmem:$0x1E500] =	vst v63  }
0x101: {  	_ =	swait.ge [sflag:s9], $0x3000  }
0x102: {  	[sflag:s9] =	ssyncset.done $0x0  }
0x103: {  	s31 =	simm.s32 $0x400;
	s5 =	simm.s32 $0x9500;
	[sflag:s9] =	ssyncadd.s32 $0xFFFFD000  }
0x104: {  	[spmem:s3] =	stream.indirect.scatter.add.f32 [tilespmem:s5], [sflag:$0xE], $0x60, s31, s20, $0xb8;
	[tilespmem:$0x1E500] =	vst v63  }
0x105: {  	_ =	swait.ge [sflag:s10], $0x3000  }
0x106: {  	s13 =	rddreg [dreg:$0x8];
	[sflag:s10] =	ssyncset.done $0x0  }
0x107: {  	s30 =	simm.s32 $0x180;
	[sflag:s10] =	ssyncadd.s32 $0xFFFFD000;
	s23 =	sadd.s32 s16, s13  }
0x108: {  	[tilespmem:s30], [sflag:$0x4] =	stream.linear.gather [hbm4b:s23+s4], $0x80, $0x38;
	[tilespmem:$0x1E500] =	vst v63  }
0x109: {  	s15 =	sadd.s32 $0x80, s22  }
0x10a: {  	[tilespmem:s31], [sflag:$0x4] =	stream.linear.gather [hbm4b:s15+s4], $0x80, $0x38;
	[tilespmem:$0x1E500] =	vst v63  }
0x10b: {  	_ =	swait.ge [sflag:s28], $0x80  }
0x10c: {  	[sflag:s28] =	ssyncset.done $0x0  }
0x10d: {  	[sflag:s28] =	ssyncadd.s32 $0xFFFFFF80  }
0x10e: {  	_ =	swait.ge [sflag:s28], $0x80  }
0x10f: {  	[sflag:s28] =	ssyncset.done $0x0  }
0x110: {  	s31 =	simm.s32 $0x3500;
	[sflag:s28] =	ssyncadd.s32 $0xFFFFFF80  }
0x111: {  	[tilespmem:s31], [sflag:$0x7] =	stream.indirect.gather [hbm4b:s1+s20], $0x60, s20, s20, $0xb8;
	[tilespmem:$0x1E500] =	vst v63  }
0x112: {  	_ =	swait.ge [sflag:s17], $0x3000  }
0x113: {  	[sflag:s17] =	ssyncset.done $0x0  }
0x114: {  	s13 =	simm.s32 $0xC500;
	s15 =	simm.s32 $0x480;
	[sflag:s17] =	ssyncadd.s32 $0xFFFFD000  }
0x115: {  	[spmem:s3] =	stream.indirect.scatter.add.f32 [tilespmem:s13], [sflag:$0xF], $0x60, s15, s20, $0xb8;
	[tilespmem:$0x1E500] =	vst v63  }
0x116: {  	_ =	swait.ge [sflag:s19], $0x3000  }
0x117: {  	s2 =	rddreg [dreg:$0x7];
	[sflag:s19] =	ssyncset.done $0x0  }
0x118: {  	[sflag:s19] =	ssyncadd.s32 $0xFFFFD000;
	s23 =	sadd.s32 s16, s2;
	s2 =	simm.s32 $0x200  }
0x119: {  	[tilespmem:s2], [sflag:$0x5] =	stream.linear.gather [hbm4b:s23+s4], $0x80, $0x38;
	[tilespmem:$0x1E500] =	vst v63  }
0x11a: {  	s25 =	sadd.s32 $0x90, s22  }
0x11b: {  	[tilespmem:s15], [sflag:$0x5] =	stream.linear.gather [hbm4b:s25+s4], $0x80, $0x38;
	[tilespmem:$0x1E500] =	vst v63  }
0x11c: {  	_ =	swait.ge [sflag:s0], $0x80  }
0x11d: {  	[sflag:s0] =	ssyncset.done $0x0  }
0x11e: {  	[sflag:s0] =	ssyncadd.s32 $0xFFFFFF80  }
0x11f: {  	_ =	swait.ge [sflag:s0], $0x80  }
0x120: {  	[sflag:s0] =	ssyncset.done $0x0  }
0x121: {  	s23 =	simm.s32 $0x6;
	[sflag:s0] =	ssyncadd.s32 $0xFFFFFF80  }
0x122: {  	[tilespmem:s6], [sflag:$0x8] =	stream.indirect.gather [hbm4b:s1+s20], $0x60, s29, s20, $0xb8;
	[tilespmem:$0x1E500] =	vst v63  }
0x123: {  	_ =	swait.ge [sflag:s23], $0x3000  }
0x124: {  	[sflag:s23] =	ssyncset.done $0x0  }
0x125: {  	s25 =	simm.s32 $0xB;
	s29 =	simm.s32 $0x280;
	[sflag:s23] =	ssyncadd.s32 $0xFFFFD000  }
0x126: {  	[spmem:s3] =	stream.indirect.scatter.add.f32 [tilespmem:s26], [sflag:$0xB], $0x60, s29, s20, $0xb8;
	[tilespmem:$0x1E500] =	vst v63  }
0x127: {  	_ =	swait.ge [sflag:s25], $0x3000  }
0x128: {  	s26 =	rddreg [dreg:$0x6];
	[sflag:s25] =	ssyncset.done $0x0  }
0x129: {  	[sflag:s25] =	ssyncadd.s32 $0xFFFFD000;
	s23 =	sadd.s32 s16, s26  }
0x12a: {  	[tilespmem:s4], [sflag:$0x1] =	stream.linear.gather [hbm4b:s23+s4], $0x80, $0x38;
	[tilespmem:$0x1E500] =	vst v63  }
0x12b: {  	s15 =	sadd.s32 $0xA0, s22  }
0x12c: {  	[tilespmem:s29], [sflag:$0x1] =	stream.linear.gather [hbm4b:s15+s4], $0x80, $0x38;
	[tilespmem:$0x1E500] =	vst v63  }
0x12d: {  	_ =	swait.ge [sflag:s14], $0x80  }
0x12e: {  	[sflag:s14] =	ssyncset.done $0x0  }
0x12f: {  	[sflag:s14] =	ssyncadd.s32 $0xFFFFFF80  }
0x130: {  	_ =	swait.ge [sflag:s14], $0x80  }
0x131: {  	[sflag:s14] =	ssyncset.done $0x0  }
0x132: {  	[sflag:s14] =	ssyncadd.s32 $0xFFFFFF80  }
0x133: {  	[tilespmem:s5], [sflag:$0x9] =	stream.indirect.gather [hbm4b:s1+s20], $0x60, s30, s20, $0xb8;
	[tilespmem:$0x1E500] =	vst v63  }
0x134: {  	_ =	swait.ge [sflag:s18], $0x3000  }
0x135: {  	[sflag:s18] =	ssyncset.done $0x0  }
0x136: {  	s30 =	simm.s32 $0x300;
	[sflag:s18] =	ssyncadd.s32 $0xFFFFD000  }
0x137: {  	[spmem:s3] =	stream.indirect.scatter.add.f32 [tilespmem:s31], [sflag:$0xC], $0x60, s30, s20, $0xb8;
	[tilespmem:$0x1E500] =	vst v63  }
0x138: {  	_ =	swait.ge [sflag:s11], $0x3000  }
0x139: {  	s31 =	rddreg [dreg:$0x5];
	[sflag:s11] =	ssyncset.done $0x0  }
0x13a: {  	[sflag:s11] =	ssyncadd.s32 $0xFFFFD000;
	s16 =	sadd.s32 s16, s31  }
0x13b: {  	[tilespmem:s20], [sflag:$0x2] =	stream.linear.gather [hbm4b:s16+s4], $0x80, $0x38;
	[tilespmem:$0x1E500] =	vst v63  }
0x13c: {  	s22 =	sadd.s32 $0xB0, s22  }
0x13d: {  	[tilespmem:s30], [sflag:$0x2] =	stream.linear.gather [hbm4b:s22+s4], $0x80, $0x38;
	[tilespmem:$0x1E500] =	vst v63  }
0x13e: {  	_ =	swait.ge [sflag:s12], $0x80  }
0x13f: {  	[sflag:s12] =	ssyncset.done $0x0  }
0x140: {  	[sflag:s12] =	ssyncadd.s32 $0xFFFFFF80  }
0x141: {  	p0 =	sne.s32 s21, $0x910;
	_ =	swait.ge [sflag:s12], $0x80  }
.Ltmp0:
0x142: {  	[sflag:s12] =	ssyncset.done $0x0;
	(pc) =	sbr.rel @p0 .LBB2_2-.Ltmp0, $4  }
0x143: {  	[sflag:s12] =	ssyncadd.s32 $0xFFFFFF80  }
0x144: {  	[tilespmem:s13], [sflag:$0xA] =	stream.indirect.gather [hbm4b:s1+s20], $0x60, s2, s20, $0xb8;
	[tilespmem:$0x1E500] =	vst v63  }
0x145: {  	s21 =	sadd.s32 $0x50, s21;
	_ =	swait.ge [sflag:s7], $0x3000  }
0x146: {  	s26 =	simm.s32 $0x280;
	s23 =	simm.s32 $0x300;
	[sflag:s7] =	ssyncset.done $0x0  }
0x147: {  	[sflag:s7] =	ssyncadd.s32 $0xFFFFD000;
	s25 =	simm.s32 $0x380;
	s6 =	simm.s32 $0x6500  }
0x148: {  	[spmem:s3] =	stream.indirect.scatter.add.f32 [tilespmem:s6], [sflag:$0xD], $0x60, s25, s20, $0xb8;
	[tilespmem:$0x1E500] =	vst v63  }
0x149: {  	_ =	swait.ge [sflag:s8], $0x3000  }
0x14a: {  	s16 =	sld [smem:$0x7F5]  }
0x14b: {  	[sflag:s8] =	ssyncset.done $0x0  }
0x14c: {  	s21 =	simm.s32 $0x100;
	s5 =	sld [smem:$0x7F6];
	[sflag:s8] =	ssyncadd.s32 $0xFFFFD000  }
0x14d: {  	[tilespmem:s21], [sflag:$0x3] =	stream.linear.gather [hbm4b:s16+s4], $0x80, $0x38;
	[tilespmem:$0x1E500] =	vst v63  }
0x14e: {  	_ = 	snop  }
0x14f: {  	[tilespmem:s25], [sflag:$0x3] =	stream.linear.gather [hbm4b:s5+s4], $0x80, $0x38;
	[tilespmem:$0x1E500] =	vst v63  }
0x150: {  	_ =	swait.ge [sflag:s24], $0x80  }
0x151: {  	[sflag:s24] =	ssyncset.done $0x0  }
0x152: {  	[sflag:s24] =	ssyncadd.s32 $0xFFFFFF80  }
0x153: {  	_ =	swait.ge [sflag:s24], $0x80  }
0x154: {  	[sflag:s24] =	ssyncset.done $0x0  }
0x155: {  	s22 =	simm.s32 $0x500;
	[sflag:s24] =	ssyncadd.s32 $0xFFFFFF80  }
0x156: {  	[tilespmem:s22], [sflag:$0x6] =	stream.indirect.gather [hbm4b:s1+s20], $0x60, s4, s20, $0xb8;
	[tilespmem:$0x1E500] =	vst v63  }
0x157: {  	_ =	swait.ge [sflag:s9], $0x3000  }
0x158: {  	[sflag:s9] =	ssyncset.done $0x0  }
0x159: {  	s30 =	simm.s32 $0x400;
	s5 =	simm.s32 $0x9500;
	[sflag:s9] =	ssyncadd.s32 $0xFFFFD000  }
0x15a: {  	[spmem:s3] =	stream.indirect.scatter.add.f32 [tilespmem:s5], [sflag:$0xE], $0x60, s30, s20, $0xb8;
	[tilespmem:$0x1E500] =	vst v63  }
0x15b: {  	_ =	swait.ge [sflag:s10], $0x3000  }
0x15c: {  	s13 =	sld [smem:$0x7F7]  }
0x15d: {  	[sflag:s10] =	ssyncset.done $0x0  }
0x15e: {  	s29 =	simm.s32 $0x180;
	s15 =	sld [smem:$0x7F8];
	[sflag:s10] =	ssyncadd.s32 $0xFFFFD000  }
0x15f: {  	[tilespmem:s29], [sflag:$0x4] =	stream.linear.gather [hbm4b:s13+s4], $0x80, $0x38;
	[tilespmem:$0x1E500] =	vst v63  }
0x160: {  	_ = 	snop  }
0x161: {  	[tilespmem:s30], [sflag:$0x4] =	stream.linear.gather [hbm4b:s15+s4], $0x80, $0x38;
	[tilespmem:$0x1E500] =	vst v63  }
0x162: {  	_ =	swait.ge [sflag:s28], $0x80  }
0x163: {  	[sflag:s28] =	ssyncset.done $0x0  }
0x164: {  	[sflag:s28] =	ssyncadd.s32 $0xFFFFFF80  }
0x165: {  	_ =	swait.ge [sflag:s28], $0x80  }
0x166: {  	[sflag:s28] =	ssyncset.done $0x0  }
0x167: {  	s31 =	simm.s32 $0x3500;
	[sflag:s28] =	ssyncadd.s32 $0xFFFFFF80  }
0x168: {  	[tilespmem:s31], [sflag:$0x7] =	stream.indirect.gather [hbm4b:s1+s20], $0x60, s20, s20, $0xb8;
	[tilespmem:$0x1E500] =	vst v63  }
0x169: {  	_ =	swait.ge [sflag:s17], $0x3000  }
0x16a: {  	[sflag:s17] =	ssyncset.done $0x0  }
0x16b: {  	s13 =	simm.s32 $0xC500;
	s15 =	simm.s32 $0x480;
	[sflag:s17] =	ssyncadd.s32 $0xFFFFD000  }
0x16c: {  	[spmem:s3] =	stream.indirect.scatter.add.f32 [tilespmem:s13], [sflag:$0xF], $0x60, s15, s20, $0xb8;
	[tilespmem:$0x1E500] =	vst v63  }
0x16d: {  	_ =	swait.ge [sflag:s19], $0x3000  }
0x16e: {  	s16 =	sld [smem:$0x7F9]  }
0x16f: {  	[sflag:s19] =	ssyncset.done $0x0  }
0x170: {  	s2 =	simm.s32 $0x200;
	[sflag:s19] =	ssyncadd.s32 $0xFFFFD000  }
0x171: {  	[tilespmem:s2], [sflag:$0x5] =	stream.linear.gather [hbm4b:s16+s4], $0x80, $0x38;
	[tilespmem:$0x1E500] =	vst v63  }
0x172: {  	s16 =	sld [smem:$0x7FA];
	_ =	sdelay $0x2  }
0x173: {  	[tilespmem:s15], [sflag:$0x5] =	stream.linear.gather [hbm4b:s16+s4], $0x80, $0x38;
	[tilespmem:$0x1E500] =	vst v63  }
0x174: {  	_ =	swait.ge [sflag:s0], $0x80  }
0x175: {  	[sflag:s0] =	ssyncset.done $0x0  }
0x176: {  	[sflag:s0] =	ssyncadd.s32 $0xFFFFFF80  }
0x177: {  	_ =	swait.ge [sflag:s0], $0x80  }
0x178: {  	[sflag:s0] =	ssyncset.done $0x0  }
0x179: {  	[sflag:s0] =	ssyncadd.s32 $0xFFFFFF80  }
0x17a: {  	[tilespmem:s6], [sflag:$0x8] =	stream.indirect.gather [hbm4b:s1+s20], $0x60, s21, s20, $0xb8;
	[tilespmem:$0x1E500] =	vst v63  }
0x17b: {  	s21 =	simm.s32 $0x6  }
0x17c: {  	_ =	swait.ge [sflag:s21], $0x3000  }
0x17d: {  	[sflag:s21] =	ssyncset.done $0x0  }
0x17e: {  	[sflag:s21] =	ssyncadd.s32 $0xFFFFD000  }
0x17f: {  	[spmem:s3] =	stream.indirect.scatter.add.f32 [tilespmem:s22], [sflag:$0xB], $0x60, s26, s20, $0xb8;
	[tilespmem:$0x1E500] =	vst v63  }
0x180: {  	s26 =	simm.s32 $0xB  }
0x181: {  	_ =	swait.ge [sflag:s26], $0x3000  }
0x182: {  	[sflag:s26] =	ssyncset.done $0x0  }
0x183: {  	[sflag:s26] =	ssyncadd.s32 $0xFFFFD000  }
0x184: {  	_ =	swait.ge [sflag:s14], $0x80  }
0x185: {  	[sflag:s14] =	ssyncset.done $0x0  }
0x186: {  	[sflag:s14] =	ssyncadd.s32 $0xFFFFFF80  }
0x187: {  	_ =	swait.ge [sflag:s14], $0x80  }
0x188: {  	[sflag:s14] =	ssyncset.done $0x0  }
0x189: {  	[sflag:s14] =	ssyncadd.s32 $0xFFFFFF80  }
0x18a: {  	[tilespmem:s5], [sflag:$0x9] =	stream.indirect.gather [hbm4b:s1+s20], $0x60, s29, s20, $0xb8;
	[tilespmem:$0x1E500] =	vst v63  }
0x18b: {  	_ =	swait.ge [sflag:s18], $0x3000  }
0x18c: {  	[sflag:s18] =	ssyncset.done $0x0  }
0x18d: {  	[sflag:s18] =	ssyncadd.s32 $0xFFFFD000  }
0x18e: {  	[spmem:s3] =	stream.indirect.scatter.add.f32 [tilespmem:s31], [sflag:$0xC], $0x60, s23, s20, $0xb8;
	[tilespmem:$0x1E500] =	vst v63  }
0x18f: {  	_ =	swait.ge [sflag:s11], $0x3000  }
0x190: {  	[sflag:s11] =	ssyncset.done $0x0  }
0x191: {  	[sflag:s11] =	ssyncadd.s32 $0xFFFFD000  }
0x192: {  	_ =	swait.ge [sflag:s12], $0x80  }
0x193: {  	[sflag:s12] =	ssyncset.done $0x0  }
0x194: {  	[sflag:s12] =	ssyncadd.s32 $0xFFFFFF80  }
0x195: {  	_ =	swait.ge [sflag:s12], $0x80  }
0x196: {  	[sflag:s12] =	ssyncset.done $0x0  }
0x197: {  	[sflag:s12] =	ssyncadd.s32 $0xFFFFFF80  }
0x198: {  	[tilespmem:s13], [sflag:$0xA] =	stream.indirect.gather [hbm4b:s1+s20], $0x60, s2, s20, $0xb8;
	[tilespmem:$0x1E500] =	vst v63  }
0x199: {  	_ =	swait.ge [sflag:s7], $0x3000  }
0x19a: {  	[sflag:s7] =	ssyncset.done $0x0  }
0x19b: {  	[sflag:s7] =	ssyncadd.s32 $0xFFFFD000  }
0x19c: {  	[spmem:s3] =	stream.indirect.scatter.add.f32 [tilespmem:s6], [sflag:$0xD], $0x60, s25, s20, $0xb8;
	[tilespmem:$0x1E500] =	vst v63  }
0x19d: {  	_ =	swait.ge [sflag:s8], $0x3000  }
0x19e: {  	[sflag:s8] =	ssyncset.done $0x0  }
0x19f: {  	[sflag:s8] =	ssyncadd.s32 $0xFFFFD000  }
0x1a0: {  	_ =	swait.ge [sflag:s9], $0x3000  }
0x1a1: {  	[sflag:s9] =	ssyncset.done $0x0  }
0x1a2: {  	[sflag:s9] =	ssyncadd.s32 $0xFFFFD000  }
0x1a3: {  	[spmem:s3] =	stream.indirect.scatter.add.f32 [tilespmem:s5], [sflag:$0xE], $0x60, s30, s20, $0xb8;
	[tilespmem:$0x1E500] =	vst v63  }
0x1a4: {  	_ =	swait.ge [sflag:s10], $0x3000  }
0x1a5: {  	[sflag:s10] =	ssyncset.done $0x0  }
0x1a6: {  	[sflag:s10] =	ssyncadd.s32 $0xFFFFD000  }
0x1a7: {  	_ =	swait.ge [sflag:s17], $0x3000  }
0x1a8: {  	[sflag:s17] =	ssyncset.done $0x0  }
0x1a9: {  	[sflag:s17] =	ssyncadd.s32 $0xFFFFD000  }
0x1aa: {  	[spmem:s3] =	stream.indirect.scatter.add.f32 [tilespmem:s13], [sflag:$0xF], $0x60, s15, s20, $0xb8;
	[tilespmem:$0x1E500] =	vst v63  }
0x1ab: {  	_ =	swait.ge [sflag:s19], $0x3000  }
0x1ac: {  	[sflag:s19] =	ssyncset.done $0x0  }
0x1ad: {  	[sflag:s19] =	ssyncadd.s32 $0xFFFFD000  }
0x1ae: {  	[bflag:$0x0] =	sbarrier.arrive $0xFFFF  }
0x1af: {  	s26 =	simm.s32 $0x10;
	s29 =	rddreg [dreg:$0xb]  }
0x1b0: {  	[tilespmem:s22], [sflag:$0x10] =	stream.linear.gather [spmem:s29], $0x3000, $0x38;
	[tilespmem:$0x1E500] =	vst v63  }
0x1b1: {  	_ =	swait.ge [sflag:s26], $0x3000  }
0x1b2: {  	[sflag:s26] =	ssyncset.done $0x0  }
0x1b3: {  	s2 =	rddreg [dreg:$0x17];
	[sflag:s26] =	ssyncadd.s32 $0xFFFFD000  }
0x1b4: {  	[hbm4b:s2+s4] =	stream.linear.scatter [tilespmem:s22], [sflag:$0x10], $0x3000, $0x38;
	[tilespmem:$0x1E500] =	vst v63  }
0x1b5: {  	_ =	swait.ge [sflag:s26], $0x3000  }
0x1b6: {  	[sflag:s26] =	ssyncset.done $0x0  }
0x1b7: {  	s30 =	rddreg [dreg:$0xc];
	[sflag:s26] =	ssyncadd.s32 $0xFFFFD000  }
0x1b8: {  	[tilespmem:s22], [sflag:$0x10] =	stream.linear.gather [spmem:s30], $0x3000, $0x38;
	[tilespmem:$0x1E500] =	vst v63  }
0x1b9: {  	_ =	swait.ge [sflag:s26], $0x3000  }
0x1ba: {  	[sflag:s26] =	ssyncset.done $0x0  }
0x1bb: {  	s5 =	rddreg [dreg:$0x18];
	[sflag:s26] =	ssyncadd.s32 $0xFFFFD000  }
0x1bc: {  	[hbm4b:s5+s4] =	stream.linear.scatter [tilespmem:s22], [sflag:$0x10], $0x3000, $0x38;
	[tilespmem:$0x1E500] =	vst v63  }
0x1bd: {  	_ =	swait.ge [sflag:s26], $0x3000  }
0x1be: {  	[sflag:s26] =	ssyncset.done $0x0  }
0x1bf: {  	s23 =	rddreg [dreg:$0xd];
	[sflag:s26] =	ssyncadd.s32 $0xFFFFD000  }
0x1c0: {  	[tilespmem:s22], [sflag:$0x10] =	stream.linear.gather [spmem:s23], $0x3000, $0x38;
	[tilespmem:$0x1E500] =	vst v63  }
0x1c1: {  	_ =	swait.ge [sflag:s26], $0x3000  }
0x1c2: {  	s6 =	sld [smem:$0x7FB]  }
0x1c3: {  	[sflag:s26] =	ssyncset.done $0x0  }
0x1c4: {  	[sflag:s26] =	ssyncadd.s32 $0xFFFFD000  }
0x1c5: {  	[hbm4b:s6+s4] =	stream.linear.scatter [tilespmem:s22], [sflag:$0x10], $0x3000, $0x38;
	[tilespmem:$0x1E500] =	vst v63  }
0x1c6: {  	_ =	swait.ge [sflag:s26], $0x3000  }
0x1c7: {  	[sflag:s26] =	ssyncset.done $0x0  }
0x1c8: {  	s25 =	rddreg [dreg:$0xe];
	[sflag:s26] =	ssyncadd.s32 $0xFFFFD000  }
0x1c9: {  	[tilespmem:s22], [sflag:$0x10] =	stream.linear.gather [spmem:s25], $0x3000, $0x38;
	[tilespmem:$0x1E500] =	vst v63  }
0x1ca: {  	_ =	swait.ge [sflag:s26], $0x3000  }
0x1cb: {  	s13 =	sld [smem:$0x7FC]  }
0x1cc: {  	[sflag:s26] =	ssyncset.done $0x0  }
0x1cd: {  	[sflag:s26] =	ssyncadd.s32 $0xFFFFD000  }
0x1ce: {  	[hbm4b:s13+s4] =	stream.linear.scatter [tilespmem:s22], [sflag:$0x10], $0x3000, $0x38;
	[tilespmem:$0x1E500] =	vst v63  }
0x1cf: {  	_ =	swait.ge [sflag:s26], $0x3000  }
0x1d0: {  	[sflag:s26] =	ssyncset.done $0x0  }
0x1d1: {  	s16 =	rddreg [dreg:$0xf];
	[sflag:s26] =	ssyncadd.s32 $0xFFFFD000  }
0x1d2: {  	[tilespmem:s22], [sflag:$0x10] =	stream.linear.gather [spmem:s16], $0x3000, $0x38;
	[tilespmem:$0x1E500] =	vst v63  }
0x1d3: {  	_ =	swait.ge [sflag:s26], $0x3000  }
0x1d4: {  	s15 =	sld [smem:$0x7FD]  }
0x1d5: {  	[sflag:s26] =	ssyncset.done $0x0  }
0x1d6: {  	[sflag:s26] =	ssyncadd.s32 $0xFFFFD000  }
0x1d7: {  	[hbm4b:s15+s4] =	stream.linear.scatter [tilespmem:s22], [sflag:$0x10], $0x3000, $0x38;
	[tilespmem:$0x1E500] =	vst v63  }
0x1d8: {  	_ =	swait.ge [sflag:s26], $0x3000  }
0x1d9: {  	s22 =	sld [smem:$0x7F3];
	_ =	sdelay $0x2  }
0x1da: {  	s31 =	rddreg [dreg:$0x1e];
	s2 =	sadd.s32 $0x1, s22  }
0x1db: {  	p0 =	sne.s32 s2, s31  }
.Ltmp1:
0x1dc: {  	_ = 	snop;
	(pc) =	sbr.rel @p0 .LBB2_1-.Ltmp1, $3  }
0x1dd: {  	_ =	sdelay $0x1  }
0x1de: {  	[sflag:s26] =	ssyncset.done $0x0  }
0x1df: {  	[sflag:s26] =	ssyncadd.s32 $0xFFFFD000  }
0x1e0: {  	_ =	sfence.sel $0x180000  }
0x1e1: {  	[bflag:$0x0] =	sbarrier.arrive $0xFFFF  }
0x1e2: {  	_ =	strace $0x9000004D  }
0x1e3: {  	s0 =	stileid.u32;
	[bflag:$0x2] =	sbarrier.arrive $0xFFFF  }
0x1e4: {  	p0 =	sne.s32 s0, $0x0;
	s0 =	rddreg [dreg:$0x3]  }
0x1e5: {  	s0 =	sadd.s32 @!p0 $0x100000, s0  }
0x1e6: {  	[sflag:s0] =	ssyncadd.tile.s32 @!p0 $0x1;
	_ =	shalt  }
.Lfunc_end2:
_tile_overlayer_lowered:
.L_overlay_start_2:
0x1e7: {  	(tag) =	ssettag $0x2  }
0x1e8: {  	s0 =	rddreg [dreg:$0x0];
	s2 =	stileid.u32  }
0x1e9: {  	s1 =	rddreg [dreg:$0x1];
	p0 =	sne.s32 s2, $0x0  }
0x1ea: {  	s3 =	rddreg [dreg:$0x2];
	[bflag:$0x3] =	sbarrier.arrive $0xFFFF;
	s2 =	simm.s32 @!p0 $0x1C10  }
0x1eb: {  	[timem:s3], [sflag:s2] =	dma.local @!p0 [hbm:s0], s1  }
0x1ec: {  	s0 =	simm.s32 @!p0 $0x10  }
0x1ed: {  	_ =	swait.ge @!p0 [sflag:s0], s1  }
0x1ee: {  	s1 =	ssub.s32 @!p0 $0x0, s1;
	[sflag:s0] =	ssyncset.done @!p0 $0x0  }
0x1ef: {  	[sflag:s0] =	ssyncadd.s32 @!p0 s1  }
0x1f0: {  	[bflag:$0x3] =	sbarrier.arrive $0xFFFF  }
0x1f1: {  	_ =	shalt  }

// kernel: kernel.8.cloned.1.call-start
scs
__scs_entry_jumppad:
0x0: {  	(pc) =	sbr.rel $0x88, $3  }
0x1: {  	(tag) =	ssettag $0x0;
	lr =	simm.s32 $0x1  }
0x2: {  	[smem:$0x3F98] =	sst lr;
	_ =	strace $0xD0000000  }
0x3: {  	_ = 	snop  }
0x4: {  	_ = 	snop  }
0x5: {  	_ = 	snop  }
0x6: {  	_ = 	snop  }
0x7: {  	_ = 	snop  }
__scs_overlays_trampoline_lowered:
0x8: {  	[smem:$0x3FA7] =	sst s0  }
0x9: {  	[smem:$0x3FA8] =	sst s1  }
0xa: {  	[smem:$0x3FA9] =	sst s2  }
0xb: {  	[smem:$0x3FAA] =	sst s3  }
0xc: {  	[smem:$0x3FAB] =	sst s4  }
0xd: {  	[smem:$0x3FAC] =	sst s5  }
0xe: {  	[smem:$0x3FAD] =	sst s6  }
0xf: {  	[smem:$0x3FAE] =	sst s7  }
0x10: {  	[smem:$0x3FAF] =	sst s8  }
0x11: {  	[smem:$0x3FB0] =	sst s9;
	s0 =	simm.s32 @!p0 $0x0  }
0x12: {  	s1 =	sld [smem:$0x3F96];
	s0 =	simm.s32 @p0 $0x1  }
0x13: {  	[smem:$0x3FB1] =	sst s0;
	s0 =	simm.s32 @!p1 $0x0  }
0x14: {  	s2 =	sld [smem:$0x3F95];
	s0 =	simm.s32 @p1 $0x1  }
0x15: {  	[smem:$0x3FB2] =	sst s0;
	s0 =	simm.s32 @!p2 $0x0  }
0x16: {  	s3 =	sld [smem:$0x3FDB];
	s0 =	simm.s32 @p2 $0x1  }
0x17: {  	s4 =	simm.s32 $0x1BF5;
	[smem:$0x3FB4] =	sst s0  }
0x18: {  	s0 =	sld [smem:$0x3F97];
	_ =	swait.ge [sflag:s4], $0x0  }
0x19: {  	s7 =	sld [smem:$0x3F98]  }
0x1a: {  	s8 =	sadd.s32 $0xFFFFE003, lr  }
0x1b: {  	s9 =	sadd.s32 $0xFFFFFEF7, lr;
	s5 =	simm.s32 $0xFFFFFFFF;
	p2 =	slt.u32 s8, $0xFFFFF086  }
0x1c: {  	p1 =	slt.u32 s9, $0xF7A;
	s5 =	simm.s32 @!p2 $0x0  }
0x1d: {  	s5 =	simm.s32 @p1 $0x1;
	p0 =	seq.s32 s7, s2  }
0x1e: {  	s7 =	smul.u32 @!p0 $0xF7A, s2;
	p2 =	seq.s32 @!p0 s5, $0x0  }
0x1f: {  	s9 =	smul.u32 $0xF7A, s1;
	s8 =	simm.s32 @!p0 $0x1BF5;
	p2 =	por !p2, p0  }
0x20: {  	[sflag:s8] =	ssyncset.s32 @!p0 $0xFFFFF086;
	s6 =	sadd.s32 @!p0 s3, s7;
	s7 =	simm.s32 @!p0 $0x108  }
0x21: {  	s3 =	sadd.s32 s3, s9;
	s6 =	sadd.s32 @!p0 $0x88, s6;
	s7 =	simm.s32 @p2 $0x1082  }
0x22: {  	[simem:s7], [sflag:s8] =	dma.local @!p0 [hbm:s6], $0xF7A  }
0x23: {  	s9 =	sor.u32 $0xD0000000, s2;
	s6 =	simm.s32 $0x108;
	_ =	swait.ge @!p0 [sflag:s8], $0x0  }
0x24: {  	s3 =	sadd.s32 $0x88, s3;
	s6 =	simm.s32 @!p1 $0x1082;
	[sflag:s4] =	ssyncset.s32 $0xFFFFF086  }
0x25: {  	[simem:s6], [sflag:s4] =	dma.local [hbm:s3], $0xF7A  }
0x26: {  	[smem:$0x3F98] =	sst s1;
	(tag) =	ssettag s2;
	_ =	strace s9  }
0x27: {  	s1 =	sld [smem:$0x3FA8]  }
0x28: {  	s2 =	sld [smem:$0x3FA9]  }
0x29: {  	s4 =	sld [smem:$0x3FAB]  }
0x2a: {  	p0 =	seq.s32 s5, $0x0;
	s5 =	sld [smem:$0x3FAC]  }
0x2b: {  	s6 =	sld [smem:$0x3FAD]  }
0x2c: {  	s7 =	sld [smem:$0x3FAE]  }
0x2d: {  	s3 =	simm.s32 $0x108;
	s8 =	sld [smem:$0x3FAF]  }
0x2e: {  	s3 =	simm.s32 @!p0 $0x1082;
	s9 =	sld [smem:$0x3FB0]  }
0x2f: {  	lr =	sadd.s32 s0, s3;
	s0 =	sld [smem:$0x3FA7]  }
0x30: {  	s3 =	sld [smem:$0x3FAA]  }
0x31: {  	[smem:$0x3FB3] =	sst s10  }
0x32: {  	s10 =	sld [smem:$0x3FB1];
	_ =	sdelay $0x3  }
0x33: {  	p0 =	seq.s32 s10, $0x1;
	s10 =	sld [smem:$0x3FB3];
	_ =	sdelay $0x3  }
0x34: {  	[smem:$0x3FB3] =	sst s10  }
0x35: {  	s10 =	sld [smem:$0x3FB2];
	_ =	sdelay $0x3  }
0x36: {  	p1 =	seq.s32 s10, $0x1;
	s10 =	sld [smem:$0x3FB3];
	_ =	sdelay $0x3  }
0x37: {  	[smem:$0x3FB3] =	sst s10  }
0x38: {  	s10 =	sld [smem:$0x3FB4]  }
0x39: {  	_ = 	snop;
	(pc) =	sbr.ind lr, $3  }
0x3a: {  	_ = 	snop  }
0x3b: {  	_ = 	snop  }
0x3c: {  	p2 =	seq.s32 s10, $0x1;
	s10 =	sld [smem:$0x3FB3]  }
0x3d: {  	_ =	shalt  }
0x3e: {  	_ =	shalt  }
0x3f: {  	_ =	shalt  }
0x40: {  	_ =	shalt  }
0x41: {  	_ =	shalt  }
0x42: {  	_ =	shalt  }
0x43: {  	_ =	shalt  }
0x44: {  	_ =	shalt  }
0x45: {  	_ =	shalt  }
0x46: {  	_ =	shalt  }
0x47: {  	_ =	shalt  }
0x48: {  	_ =	shalt  }
0x49: {  	_ =	shalt  }
0x4a: {  	_ =	shalt  }
0x4b: {  	_ =	shalt  }
0x4c: {  	_ =	shalt  }
0x4d: {  	_ =	shalt  }
0x4e: {  	_ =	shalt  }
0x4f: {  	_ =	shalt  }
0x50: {  	_ =	shalt  }
0x51: {  	_ =	shalt  }
0x52: {  	_ =	shalt  }
0x53: {  	_ =	shalt  }
0x54: {  	_ =	shalt  }
0x55: {  	_ =	shalt  }
0x56: {  	_ =	shalt  }
0x57: {  	_ =	shalt  }
0x58: {  	_ =	shalt  }
0x59: {  	_ =	shalt  }
0x5a: {  	_ =	shalt  }
0x5b: {  	_ =	shalt  }
0x5c: {  	_ =	shalt  }
0x5d: {  	_ =	shalt  }
0x5e: {  	_ =	shalt  }
0x5f: {  	_ =	shalt  }
0x60: {  	_ =	shalt  }
0x61: {  	_ =	shalt  }
0x62: {  	_ =	shalt  }
0x63: {  	_ =	shalt  }
0x64: {  	_ =	shalt  }
0x65: {  	_ =	shalt  }
0x66: {  	_ =	shalt  }
0x67: {  	_ =	shalt  }
0x68: {  	_ =	shalt  }
0x69: {  	_ =	shalt  }
0x6a: {  	_ =	shalt  }
0x6b: {  	_ =	shalt  }
0x6c: {  	_ =	shalt  }
0x6d: {  	_ =	shalt  }
0x6e: {  	_ =	shalt  }
0x6f: {  	_ =	shalt  }
0x70: {  	_ =	shalt  }
0x71: {  	_ =	shalt  }
0x72: {  	_ =	shalt  }
0x73: {  	_ =	shalt  }
0x74: {  	_ =	shalt  }
0x75: {  	_ =	shalt  }
0x76: {  	_ =	shalt  }
0x77: {  	_ =	shalt  }
0x78: {  	_ =	shalt  }
0x79: {  	_ =	shalt  }
0x7a: {  	_ =	shalt  }
0x7b: {  	_ =	shalt  }
0x7c: {  	_ =	shalt  }
0x7d: {  	_ =	shalt  }
0x7e: {  	_ =	shalt  }
0x7f: {  	_ =	shalt  }
0x80: {  	_ =	shalt  }
0x81: {  	_ =	shalt  }
0x82: {  	_ =	shalt  }
0x83: {  	_ =	shalt  }
0x84: {  	_ =	shalt  }
0x85: {  	_ =	shalt  }
0x86: {  	_ =	shalt  }
0x87: {  	_ =	shalt  }
.Lfunc_end0:
.L_simem_size_0:
called_computation_lowered:
.L_overlay_start_0:
0x88: {  	s2 =	sld [smem:$0x3FD9]  }
0x89: {  	s3 =	sld [smem:$0x3FFE];
	_ =	sdelay $0x1  }
0x8a: {  	s1 =	srdreg.scid  }
0x8b: {  	s0 =	sand.u32 $0x1, s1  }
0x8c: {  	s17 =	sshll.u32 s0, $0xA;
	s2 =	sadd.s32 s3, s2  }
0x8d: {  	s2 =	sadd.s32 s2, s17  }
0x8e: {  	[smem:$0x3FBF] =	sst s2  }
0x8f: {  	_ = 	snop  }
0x90: {  	(tm) =	ssettm $0x1  }
0x91: {  	s18 =	sld [smem:$0x3FFB];
	_ =	sdelay $0x3  }
0x92: {  	_ =	strace s18  }
0x93: {  	s2 =	sld [smem:$0x3FFC];
	_ =	sdelay $0x3  }
0x94: {  	_ =	strace s2  }
0x95: {  	s2 =	sld [smem:$0x3FFD];
	_ =	sdelay $0x3  }
0x96: {  	_ =	strace s2  }
0x97: {  	_ =	strace $0x8FFFFFFF  }
0x98: {  	s19 =	sld [smem:$0x3FDB];
	_ =	sdelay $0x1  }
0x99: {  	s20 =	simm.s32 $_scs_section_size  }
0x9a: {  	s4 =	simm.s32 $_size__tile_overlayer_lowered;
	s5 =	simm.s32 $_tile_overlayer_lowered  }
0x9b: {  	s6 =	simm.s32 $0x1BFF;
	s21 =	sshll.u32 s5, $0x1;
	s3 =	sadd.s32 s20, s19  }
0x9c: {  	s22 =	simm.s32 $0x0;
	s4 =	sshll.u32 s4, $0x1;
	s5 =	sadd.s32 s21, s3  }
0x9d: {  	[timem:s22], [sflag:s6] =	dma.local [hbm:s5], s4  }
0x9e: {  	_ =	swait.ge [sflag:s6], s4  }
0x9f: {  	s4 =	ssub.s32 $0x0, s4;
	[sflag:s6] =	ssyncset.done $0x0  }
0xa0: {  	[sflag:s6] =	ssyncadd.s32 s4;
	_ =	sdelay $0x1  }
0xa1: {  	s23 =	simm.s32 $0x1B8B  }
0xa2: {  	_ =	swait.ge [sflag:s23], $0x1  }
0xa3: {  	[sflag:s23] =	ssyncset.done $0x0  }
0xa4: {  	[sflag:s23] =	ssyncadd.s32 $0xFFFFFFFF  }
0xa5: {  	s4 =	sld [smem:$0x0]  }
0xa6: {  	s5 =	sand.u32 $0xFFFFFFFE, s1  }
0xa7: {  	p0 =	sne.s32 s1, s5  }
0xa8: {  	s5 =	sshll.u32 @p0 s5, $0xE  }
0xa9: {  	s5 =	sadd.s32 @p0 $0x11B8D, s5;
	s6 =	sshll.u32 @p0 s4, $0x11  }
0xaa: {  	s5 =	sor.u32 @p0 s6, s5  }
0xab: {  	[sflag:s5] =	ssyncadd.remote.s32 @p0 $0x1;
	_ =	sdelay $0x1  }
0xac: {  	s5 =	simm.s32 @p0 $0x1B8D  }
0xad: {  	_ =	swait.eq @p0 [sflag:s5], $0x1  }
0xae: {  	[sflag:s5] =	ssyncadd.s32 @p0 $0xFFFFFFFF  }
0xaf: {  	s6 =	sshll.u32 @!p0 s1, $0xE  }
0xb0: {  	s6 =	sor.u32 @!p0 $0x4000, s6;
	s5 =	simm.s32 @!p0 $0x1B8D  }
0xb1: {  	s4 =	sshll.u32 @!p0 s4, $0x11;
	s6 =	sadd.s32 @!p0 $0x11B8D, s6;
	_ =	swait.eq @!p0 [sflag:s5], $0x1  }
0xb2: {  	s4 =	sor.u32 @!p0 s4, s6;
	[sflag:s5] =	ssyncadd.s32 @!p0 $0xFFFFFFFF  }
0xb3: {  	s25 =	simm.s32 $0x1B8E;
	s24 =	sld [smem:$0x3FFE];
	[sflag:s4] =	ssyncadd.remote.s32 @!p0 $0x1  }
0xb4: {  	s26 =	simm.s32 $execute0_lowered;
	[smem:$0x3FD2] =	sst s25  }
0xb5: {  	s5 =	sshll.u32 s26, $0x1;
	_ =	strace $0x80000049;
	[dreg:$0x1] =	wrdreg $0xFFFFFFFF  }
0xb6: {  	s28 =	simm.s32 $_size_execute0_lowered;
	s3 =	sadd.s32 s3, s5;
	[dreg:$0x0] =	wrdreg $0x0  }
0xb7: {  	s5 =	sshll.u32 s28, $0x1;
	[dreg:$0x2] =	wrdreg s3  }
0xb8: {  	[dreg:$0x3] =	wrdreg s5  }
0xb9: {  	[dreg:$0x4] =	wrdreg $0xC0  }
0xba: {  	_ =	task [dreg:s22], $0x5FFFF  }
0xbb: {  	[dreg:$0x1] =	wrdreg $0xFFFFFFFF  }
0xbc: {  	[dreg:$0x0] =	wrdreg $0x60  }
0xbd: {  	[dreg:$0x2] =	wrdreg s24  }
0xbe: {  	[dreg:$0x3] =	wrdreg $0x10800  }
0xbf: {  	[dreg:$0x4] =	wrdreg $0x9  }
0xc0: {  	_ =	task.clear_ibuf [dreg:s22], $0x5FFFF;
	_ =	strace $0x90000049  }
0xc1: {  	s29 =	simm.s32 $0x9;
	_ =	strace $0x8000004B  }
0xc2: {  	_ =	swait.ge [sflag:s29], $0x1  }
0xc3: {  	[sflag:s29] =	ssyncadd.s32 $0xFFFFFFFF  }
0xc4: {  	_ =	strace $0x9000004B  }
0xc5: {  	_ =	sfence  }
0xc6: {  	s30 =	sld [smem:$0x0];
	_ =	sdelay $0x2  }
0xc7: {  	s31 =	sshll.u32 s1, $0xD;
	s1 =	sshrl.u32 s1, $0x2  }
0xc8: {  	s4 =	sand.u32 $0x4000, s31;
	s1 =	sadd.s32 s1, s30  }
0xc9: {  	s0 =	sor.u32 s4, s0;
	s1 =	sshll.u32 s1, $0x11  }
0xca: {  	s0 =	sor.u32 s1, s0  }
0xcb: {  	s0 =	sadd.s32 $0x8F2B, s0  }
0xcc: {  	[sflag:s0] =	ssyncadd.remote.s32 $0x1  }
0xcd: {  	_ =	sfence.sel $0xFFFF  }
0xce: {  	[dreg:$0x0] =	wrdreg $0xFFFFFFFF;
	(pc) =	sbr.abs _section_cstart, $3  }
0xcf: {  	[dreg:$0x1] =	wrdreg $0xFFFFFFFF  }
0xd0: {  	_ =	task.clear_ibuf [dreg:s22], $0x2FFFF;
	_ =	strace $0x9FFFFFFF  }
0xd1: {  	(tm) =	ssettm $0x7FFFFFFF  }
tec
execute0_lowered:
.L_overlay_start_1:
0x0: {  	(tag) =	ssettag $0x1  }
0x1: {  	s0 =	srdreg.scid  }
0x2: {  	s6 =	rddreg [dreg:$0x0];
	s7 =	sand.u32 $0x1, s0  }
0x3: {  	s0 =	stileid.u32;
	s4 =	smul.u32 $0x28000, s7  }
0x4: {  	s2 =	rddreg [dreg:$0x1];
	s5 =	smul.u32 $0x2800, s0  }
0x5: {  	s1 =	rddreg [dreg:$0x2];
	s3 =	simm.s32 $0x0;
	s8 =	smul.u32 $0xA000, s0  }
0x6: {  	[smem:$0x7FF] =	sst s3;
	s15 =	sadd.s32 $0x65800, s6;
	s10 =	smul.u32 $0x280, s0  }
0x7: {  	_ =	strace $0x8000004A;
	s9 =	ssub.s32 $0x2, s7;
	s18 =	smul.u32 $0x2800, s7  }
0x8: {  	s28 =	sshrl.u32 s9, $0x1;
	s4 =	sadd.s32 s5, s4;
	s5 =	sadd.s32 $0x2000, s6  }
0x9: {  	s8 =	sshrl.u32 s8, $0x2;
	s16 =	ssub.s32 s9, s28;
	s11 =	sadd.s32 $0x80, s10  }
0xa: {  	s13 =	sadd.s32 $0x100, s10;
	s14 =	sadd.s32 $0x180, s10;
	s19 =	sadd.s32 $0x200, s10  }
0xb: {  	s10 =	sadd.s32 s10, s18;
	s4 =	sshrl.u32 s4, $0x3;
	s29 =	sshll.u32 s11, $0x4  }
0xc: {  	s30 =	sshll.u32 s13, $0x4;
	s12 =	sshll.u32 s14, $0x4;
	s11 =	sadd.s32 s18, s11  }
0xd: {  	s31 =	sshll.u32 s19, $0x4;
	s20 =	sshll.u32 s10, $0x1;
	s13 =	sadd.s32 s18, s13  }
0xe: {  	s14 =	sadd.s32 s18, s14;
	s18 =	sadd.s32 s18, s19;
	s16 =	smax.u32 s16, $0x1  }
0xf: {  	s19 =	simm.s32 $0x1;
	s17 =	sadd.s32 s4, s6;
	s4 =	sadd.s32 $0x2200, s6  }
0x10: {  	s6 =	sadd.s32 s8, s2;
	s7 =	sadd.s32 s29, s2;
	s8 =	sadd.s32 s30, s2  }
0x11: {  	s9 =	sadd.s32 s12, s2;
	s21 =	sshll.u32 s11, $0x1;
	s10 =	sadd.s32 s31, s2  }
0x12: {  	s11 =	sadd.s32 s15, s20;
	s13 =	sshll.u32 s13, $0x1;
	s14 =	sshll.u32 s14, $0x1  }
0x13: {  	s18 =	sshll.u32 s18, $0x1;
	s20 =	simm.s32 $0x80;
	s12 =	sadd.s32 s15, s21  }
0x14: {  	s13 =	sadd.s32 s15, s13;
	s14 =	sadd.s32 s15, s14;
	s15 =	sadd.s32 s15, s18  }
0x15: {  	s17 =	sadd.s32 $0x1F800, s17;
	s18 =	simm.s32 $0x880;
	s21 =	simm.s32 $0x0  }
.LBB2_1:
0x16: {  	[tilespmem:s18], [sflag:$0x1] =	stream.linear.gather [hbm4b:s5+s3], $0x800, $0x38;
	[tilespmem:$0x3880] =	vst v63  }
0x17: {  	_ =	swait.ge [sflag:s19], $0x800  }
0x18: {  	[sflag:s19] =	ssyncset.done $0x0  }
0x19: {  	[sflag:s19] =	ssyncadd.s32 $0xFFFFF800  }
0x1a: {  	[spmem:s6] =	stream.linear.scatter [tilespmem:s18], [sflag:$0x1], $0x800, $0x38;
	[tilespmem:$0x3880] =	vst v63  }
0x1b: {  	_ =	swait.ge [sflag:s19], $0x800  }
0x1c: {  	[sflag:s19] =	ssyncset.done $0x0  }
0x1d: {  	[sflag:s19] =	ssyncadd.s32 $0xFFFFF800  }
0x1e: {  	[spmem:s7] =	stream.linear.scatter [tilespmem:s18], [sflag:$0x1], $0x800, $0x38;
	[tilespmem:$0x3880] =	vst v63  }
0x1f: {  	_ =	swait.ge [sflag:s19], $0x800  }
0x20: {  	[sflag:s19] =	ssyncset.done $0x0  }
0x21: {  	[sflag:s19] =	ssyncadd.s32 $0xFFFFF800  }
0x22: {  	[spmem:s8] =	stream.linear.scatter [tilespmem:s18], [sflag:$0x1], $0x800, $0x38;
	[tilespmem:$0x3880] =	vst v63  }
0x23: {  	_ =	swait.ge [sflag:s19], $0x800  }
0x24: {  	[sflag:s19] =	ssyncset.done $0x0  }
0x25: {  	[sflag:s19] =	ssyncadd.s32 $0xFFFFF800  }
0x26: {  	[spmem:s9] =	stream.linear.scatter [tilespmem:s18], [sflag:$0x1], $0x800, $0x38;
	[tilespmem:$0x3880] =	vst v63  }
0x27: {  	_ =	swait.ge [sflag:s19], $0x800  }
0x28: {  	[sflag:s19] =	ssyncset.done $0x0  }
0x29: {  	[sflag:s19] =	ssyncadd.s32 $0xFFFFF800  }
0x2a: {  	[spmem:s10] =	stream.linear.scatter [tilespmem:s18], [sflag:$0x1], $0x800, $0x38;
	[tilespmem:$0x3880] =	vst v63  }
0x2b: {  	_ =	swait.ge [sflag:s19], $0x800  }
0x2c: {  	[sflag:s19] =	ssyncset.done $0x0  }
0x2d: {  	[sflag:s19] =	ssyncadd.s32 $0xFFFFF800  }
0x2e: {  	[tilespmem:s20], [sflag:$0x1] =	stream.linear.gather [hbm4b:s4+s3], $0x800, $0x38;
	[tilespmem:$0x3880] =	vst v63  }
0x2f: {  	_ =	swait.ge [sflag:s19], $0x800  }
0x30: {  	[sflag:s19] =	ssyncset.done $0x0  }
0x31: {  	[sflag:s19] =	ssyncadd.s32 $0xFFFFF800  }
0x32: {  	s22 =	sadd.s32 $0x0, s17;
	[bflag:$0x0] =	sbarrier.arrive $0xFFFF  }
0x33: {  	[tilespmem:s3], [sflag:$0x1] =	stream.linear.gather [hbm4b:s22+s3], $0x80, $0x38;
	[tilespmem:$0x3880] =	vst v63  }
0x34: {  	_ =	swait.ge [sflag:s19], $0x80  }
0x35: {  	[sflag:s19] =	ssyncset.done $0x0  }
0x36: {  	[sflag:s19] =	ssyncadd.s32 $0xFFFFFF80  }
0x37: {  	[spmem:s2] =	stream.indirect.scatter.add.f32 [tilespmem:s20], [sflag:$0x1], $0x10, s3, s20, $0xb8;
	[tilespmem:$0x3880] =	vst v63  }
0x38: {  	_ =	swait.ge [sflag:s19], $0x800  }
0x39: {  	s23 =	simm.s32 $0x20;
	s22 =	simm.s32 $0x10;
	[sflag:s19] =	ssyncset.done $0x0  }
.LBB2_2:
0x3a: {  	s24 =	sadd.s32 s22, s17  }
0x3b: {  	[sflag:s19] =	ssyncadd.s32 $0xFFFFF800;
	s22 =	smov.u32 s23;
	s25 =	sadd.s32 $0x10, s23  }
0x3c: {  	[tilespmem:s3], [sflag:$0x1] =	stream.linear.gather [hbm4b:s24+s3], $0x80, $0x38;
	[tilespmem:$0x3880] =	vst v63  }
0x3d: {  	p0 =	sne.s32 s23, $0x4F0;
	_ =	swait.ge [sflag:s19], $0x80  }
.Ltmp0:
0x3e: {  	[sflag:s19] =	ssyncset.done $0x0;
	(pc) =	sbr.rel @p0 .LBB2_2-.Ltmp0, $4  }
0x3f: {  	[sflag:s19] =	ssyncadd.s32 $0xFFFFFF80  }
0x40: {  	[spmem:s2] =	stream.indirect.scatter.add.f32 [tilespmem:s20], [sflag:$0x1], $0x10, s3, s20, $0xb8;
	[tilespmem:$0x3880] =	vst v63  }
0x41: {  	_ =	swait.ge [sflag:s19], $0x800  }
0x42: {  	s23 =	smov.u32 s25;
	[sflag:s19] =	ssyncset.done $0x0  }
0x43: {  	s22 =	sadd.s32 s22, s17;
	[sflag:s19] =	ssyncadd.s32 $0xFFFFF800  }
0x44: {  	[tilespmem:s3], [sflag:$0x1] =	stream.linear.gather [hbm4b:s22+s3], $0x80, $0x38;
	[tilespmem:$0x3880] =	vst v63  }
0x45: {  	_ =	swait.ge [sflag:s19], $0x80  }
0x46: {  	[sflag:s19] =	ssyncset.done $0x0  }
0x47: {  	[sflag:s19] =	ssyncadd.s32 $0xFFFFFF80  }
0x48: {  	[spmem:s2] =	stream.indirect.scatter.add.f32 [tilespmem:s20], [sflag:$0x1], $0x10, s3, s20, $0xb8;
	[tilespmem:$0x3880] =	vst v63  }
0x49: {  	_ =	swait.ge [sflag:s19], $0x800  }
0x4a: {  	[sflag:s19] =	ssyncset.done $0x0  }
0x4b: {  	[sflag:s19] =	ssyncadd.s32 $0xFFFFF800  }
0x4c: {  	[bflag:$0x0] =	sbarrier.arrive $0xFFFF  }
0x4d: {  	[tilespmem:s18], [sflag:$0x1] =	stream.linear.gather [spmem:s6], $0x800, $0x38;
	[tilespmem:$0x3880] =	vst v63  }
0x4e: {  	_ =	swait.ge [sflag:s19], $0x800  }
0x4f: {  	[sflag:s19] =	ssyncset.done $0x0  }
0x50: {  	[sflag:s19] =	ssyncadd.s32 $0xFFFFF800  }
0x51: {  	[hbm4b:s11+s3] =	stream.linear.scatter [tilespmem:s18], [sflag:$0x1], $0x800, $0x38;
	[tilespmem:$0x3880] =	vst v63  }
0x52: {  	_ =	swait.ge [sflag:s19], $0x800  }
0x53: {  	[sflag:s19] =	ssyncset.done $0x0  }
0x54: {  	[sflag:s19] =	ssyncadd.s32 $0xFFFFF800  }
0x55: {  	[tilespmem:s18], [sflag:$0x1] =	stream.linear.gather [spmem:s7], $0x800, $0x38;
	[tilespmem:$0x3880] =	vst v63  }
0x56: {  	_ =	swait.ge [sflag:s19], $0x800  }
0x57: {  	[sflag:s19] =	ssyncset.done $0x0  }
0x58: {  	[sflag:s19] =	ssyncadd.s32 $0xFFFFF800  }
0x59: {  	[hbm4b:s12+s3] =	stream.linear.scatter [tilespmem:s18], [sflag:$0x1], $0x800, $0x38;
	[tilespmem:$0x3880] =	vst v63  }
0x5a: {  	_ =	swait.ge [sflag:s19], $0x800  }
0x5b: {  	[sflag:s19] =	ssyncset.done $0x0  }
0x5c: {  	[sflag:s19] =	ssyncadd.s32 $0xFFFFF800  }
0x5d: {  	[tilespmem:s18], [sflag:$0x1] =	stream.linear.gather [spmem:s8], $0x800, $0x38;
	[tilespmem:$0x3880] =	vst v63  }
0x5e: {  	_ =	swait.ge [sflag:s19], $0x800  }
0x5f: {  	[sflag:s19] =	ssyncset.done $0x0  }
0x60: {  	[sflag:s19] =	ssyncadd.s32 $0xFFFFF800  }
0x61: {  	[hbm4b:s13+s3] =	stream.linear.scatter [tilespmem:s18], [sflag:$0x1], $0x800, $0x38;
	[tilespmem:$0x3880] =	vst v63  }
0x62: {  	_ =	swait.ge [sflag:s19], $0x800  }
0x63: {  	[sflag:s19] =	ssyncset.done $0x0  }
0x64: {  	[sflag:s19] =	ssyncadd.s32 $0xFFFFF800  }
0x65: {  	[tilespmem:s18], [sflag:$0x1] =	stream.linear.gather [spmem:s9], $0x800, $0x38;
	[tilespmem:$0x3880] =	vst v63  }
0x66: {  	_ =	swait.ge [sflag:s19], $0x800  }
0x67: {  	[sflag:s19] =	ssyncset.done $0x0  }
0x68: {  	[sflag:s19] =	ssyncadd.s32 $0xFFFFF800  }
0x69: {  	[hbm4b:s14+s3] =	stream.linear.scatter [tilespmem:s18], [sflag:$0x1], $0x800, $0x38;
	[tilespmem:$0x3880] =	vst v63  }
0x6a: {  	_ =	swait.ge [sflag:s19], $0x800  }
0x6b: {  	[sflag:s19] =	ssyncset.done $0x0  }
0x6c: {  	[sflag:s19] =	ssyncadd.s32 $0xFFFFF800  }
0x6d: {  	[tilespmem:s18], [sflag:$0x1] =	stream.linear.gather [spmem:s10], $0x800, $0x38;
	[tilespmem:$0x3880] =	vst v63  }
0x6e: {  	s21 =	sadd.s32 $0x1, s21;
	_ =	swait.ge [sflag:s19], $0x800  }
0x6f: {  	p0 =	sne.s32 s21, s16;
	[sflag:s19] =	ssyncset.done $0x0  }
.Ltmp1:
0x70: {  	[sflag:s19] =	ssyncadd.s32 $0xFFFFF800;
	(pc) =	sbr.rel @p0 .LBB2_1-.Ltmp1, $4  }
0x71: {  	[hbm4b:s15+s3] =	stream.linear.scatter [tilespmem:s18], [sflag:$0x1], $0x800, $0x38;
	[tilespmem:$0x3880] =	vst v63  }
0x72: {  	_ =	swait.ge [sflag:s19], $0x800  }
0x73: {  	[sflag:s19] =	ssyncset.done $0x0  }
0x74: {  	[sflag:s19] =	ssyncadd.s32 $0xFFFFF800  }
0x75: {  	_ =	sfence.sel $0x180000  }
0x76: {  	[bflag:$0x0] =	sbarrier.arrive $0xFFFF  }
0x77: {  	p0 =	sne.s32 s0, $0x0;
	_ =	strace $0x9000004A  }
0x78: {  	s0 =	sadd.s32 @!p0 $0x100000, s1;
	[bflag:$0x2] =	sbarrier.arrive $0xFFFF  }
0x79: {  	[sflag:s0] =	ssyncadd.tile.s32 @!p0 $0x1;
	_ =	shalt  }
.Lfunc_end2:
_tile_overlayer_lowered:
.L_overlay_start_2:
0x7a: {  	(tag) =	ssettag $0x2  }
0x7b: {  	s0 =	rddreg [dreg:$0x0];
	s2 =	stileid.u32  }
0x7c: {  	s1 =	rddreg [dreg:$0x1];
	p0 =	sne.s32 s2, $0x0  }
0x7d: {  	s3 =	rddreg [dreg:$0x2];
	[bflag:$0x3] =	sbarrier.arrive $0xFFFF;
	s2 =	simm.s32 @!p0 $0x1C01  }
0x7e: {  	[timem:s3], [sflag:s2] =	dma.local @!p0 [hbm:s0], s1  }
0x7f: {  	s0 =	simm.s32 @!p0 $0x1  }
0x80: {  	_ =	swait.ge @!p0 [sflag:s0], s1  }
0x81: {  	s1 =	ssub.s32 @!p0 $0x0, s1;
	[sflag:s0] =	ssyncset.done @!p0 $0x0  }
0x82: {  	[sflag:s0] =	ssyncadd.s32 @!p0 s1  }
0x83: {  	[bflag:$0x3] =	sbarrier.arrive $0xFFFF  }
0x84: {  	_ =	shalt  }

</sc_bundles>
